<compile_context>
chip_gen: v7x
topology: tpu7x:2x2x1
jax: 0.10.2.dev20260603
libtpu: 0.0.44.dev20260713+nightly
codegen_flags: <defaults>
</compile_context>

<pallas_src>
import functools

import jax
import jax.numpy as jnp
from jax import lax
from jax.experimental import pallas as pl
from jax.experimental.pallas import tpu as pltpu
from jax.experimental.pallas import tpu_sc as plsc

_N = 10000
_E = 320000
_D = 128
_G = 128
_NC = 2
_NS = 16
_NW = _NC * _NS
_K = 80
_EPT = 10000
_NCH = _EPT // _K
_NB = 3
_ZR = 632
_ZL = _N - 15 * _ZR


def _seg_sum_sc(h, src, dst):
    mesh = plsc.VectorSubcoreMesh(
        core_axis_name="c", subcore_axis_name="s",
        num_cores=_NC, num_subcores=_NS)

    @functools.partial(
        pl.kernel, mesh=mesh,
        out_type=jax.ShapeDtypeStruct((_NC, _N, _D), jnp.float32),
        scratch_types=[
            pltpu.VMEM((_EPT,), jnp.int32),
            pltpu.VMEM((_EPT,), jnp.int32),
            pltpu.VMEM((_K,), jnp.int32),
            [pltpu.VMEM((_K, _D), jnp.float32) for _ in range(_NB)],
            pltpu.VMEM_SHARED((_N, _D), jnp.float32),
            pltpu.SemaphoreType.DMA,
            pltpu.SemaphoreType.DMA,
        ],
    )
    def k(h_hbm, src_hbm, dst_hbm, out_hbm, src_v, dst_v, ibuf, rows,
          acc_sh, sem_g, sem_s):
        cid = lax.axis_index("c")
        sid = lax.axis_index("s")
        wid = sid * _NC + cid
        base = pl.multiple_of(sid * _ZR, 8)

        def zrow(i, _):
            def zcol(j, _):
                rows[0][i, pl.ds(j * 16, 16)] = jnp.zeros((16,), jnp.float32)
                return 0
            return lax.fori_loop(0, _D // 16, zcol, 0)
        lax.fori_loop(0, _K, zrow, 0)

        def zacc(nz, r):
            for i in range(nz):
                pltpu.async_copy(
                    rows[0], acc_sh.at[pl.ds(base + i * _K, _K)], sem_s)
            pltpu.async_copy(rows[0].at[pl.ds(0, r)],
                             acc_sh.at[pl.ds(base + nz * _K, r)], sem_s)
            for i in range(nz):
                pltpu.make_async_copy(
                    rows[0], acc_sh.at[pl.ds(0, _K)], sem_s).wait()
            pltpu.make_async_copy(rows[0].at[pl.ds(0, r)],
                                  acc_sh.at[pl.ds(0, r)], sem_s).wait()

        @pl.when(sid < _NS - 1)
        def _():
            zacc(_ZR // _K, _ZR - (_ZR // _K) * _K)

        @pl.when(sid == _NS - 1)
        def _():
            zacc(_ZL // _K, _ZL - (_ZL // _K) * _K)

        pltpu.sync_copy(src_hbm.at[wid], src_v)
        pltpu.sync_copy(dst_hbm.at[wid], dst_v)
        plsc.subcore_barrier()

        def chunk(j):
            return pl.ds(pl.multiple_of(jnp.minimum(j, _NCH - 1) * _K, _K),
                         _K)

        def g_issue(j, b):
            pltpu.async_copy(h_hbm.at[src_v.at[chunk(j)]], rows[b], sem_g)

        def g_wait(b):
            pltpu.make_async_copy(
                h_hbm.at[src_v.at[pl.ds(0, _K)]], rows[b], sem_g).wait()

        def s_issue(b):
            pltpu.async_copy(rows[b], acc_sh.at[ibuf], sem_s, add=True)

        def s_wait(b):
            pltpu.make_async_copy(rows[b], acc_sh.at[ibuf], sem_s).wait()

        def step(j, b):
            off = pl.multiple_of(j * _K, _K)
            for t in range(_K // 16):
                ibuf[pl.ds(t * 16, 16)] = dst_v[pl.ds(off + t * 16, 16)]
            g_wait(b)
            s_issue(b)
            s_wait(b)
            g_issue(j + _NB, b)

        for b in range(_NB):
            g_issue(b, b)

        def body(i, _):
            for b in range(_NB):
                step(i * _NB + b, b)
            return 0
        lax.fori_loop(0, _NCH // _NB, body, 0)

        for j in range(_NCH - _NCH % _NB, _NCH):
            step(j, j % _NB)
        for b in range(_NB):
            g_wait(b)
        plsc.subcore_barrier()

        @pl.when(sid < _NS - 1)
        def _():
            pltpu.sync_copy(acc_sh.at[pl.ds(base, _ZR)],
                            out_hbm.at[cid, pl.ds(base, _ZR)])

        @pl.when(sid == _NS - 1)
        def _():
            pltpu.sync_copy(acc_sh.at[pl.ds(base, _ZL)],
                            out_hbm.at[cid, pl.ds(base, _ZL)])

    return k(h, src, dst)


def _layer_tc(h, agg2, w1, b1, w2, b2, g, be):
    def body(h_ref, a_ref, w1_ref, b1_ref, w2_ref, b2_ref, g_ref, be_ref,
             o_ref):
        h2 = h_ref[...] + a_ref[0] + a_ref[1]
        z = jnp.dot(h2, w1_ref[...], preferred_element_type=jnp.float32)
        z = jnp.maximum(z + b1_ref[...], 0.0)
        z = jnp.dot(z, w2_ref[...], preferred_element_type=jnp.float32)
        z = jnp.maximum(z + b2_ref[...], 0.0)
        m = jnp.mean(z, axis=0, keepdims=True)
        c = z - m
        v = jnp.mean(c * c, axis=0, keepdims=True)
        o_ref[...] = c * lax.rsqrt(v + 1e-5) * g_ref[...] + be_ref[...]

    return pl.pallas_call(
        body, out_shape=jax.ShapeDtypeStruct((_N, _D), jnp.float32),
    )(h, agg2, w1, b1.reshape(1, _D), w2, b2.reshape(1, _D),
      g.reshape(1, _D), be.reshape(1, _D))


def _head_tc(h1, h2, h3, b_row, wp1, bp1, wp2, bp2):
    def body(h1_ref, h2_ref, h3_ref, b_ref, wp1_ref, bp1_ref, wp2_ref,
             bp2_ref, y_ref, xc_ref):
        gid = lax.broadcasted_iota(jnp.int32, (_G, _N), 0)
        oht = (b_ref[...] == gid).astype(jnp.float32)
        p1 = jnp.dot(oht, h1_ref[...], preferred_element_type=jnp.float32)
        p2 = jnp.dot(oht, h2_ref[...], preferred_element_type=jnp.float32)
        p3 = jnp.dot(oht, h3_ref[...], preferred_element_type=jnp.float32)
        xc = jnp.concatenate([p1, p2, p3], axis=1)
        y = jnp.dot(xc, wp1_ref[...], preferred_element_type=jnp.float32)
        y = jnp.maximum(y + bp1_ref[...], 0.0)
        y = jnp.dot(y, wp2_ref[...], preferred_element_type=jnp.float32)
        y = y + bp2_ref[...]
        yn = jnp.sqrt(jnp.sum(y * y, axis=1, keepdims=True))
        y_ref[...] = y / jnp.maximum(yn, 1e-12)
        xn = jnp.sqrt(jnp.sum(xc * xc, axis=1, keepdims=True))
        xc_ref[...] = xc / jnp.maximum(xn, 1e-12)

    return pl.pallas_call(
        body,
        out_shape=(jax.ShapeDtypeStruct((_G, 3 * _D), jnp.float32),
                   jax.ShapeDtypeStruct((_G, 3 * _D), jnp.float32)),
    )(h1, h2, h3, b_row, wp1, bp1.reshape(1, 3 * _D), wp2,
      bp2.reshape(1, 3 * _D))


def kernel(x, edge_index, batch,
           W1_0, b1_0, W2_0, b2_0, g_0, be_0,
           W1_1, b1_1, W2_1, b2_1, g_1, be_1,
           W1_2, b1_2, W2_2, b2_2, g_2, be_2,
           Wp1, bp1, Wp2, bp2):
    npad = _EPT - _E // _NW
    src = edge_index[0].astype(jnp.int32).reshape(_NW, _E // _NW)
    dst = edge_index[1].astype(jnp.int32).reshape(_NW, _E // _NW)
    if npad:
        trash = _N + jnp.arange(_NW, dtype=jnp.int32)
        src = jnp.concatenate(
            [src, jnp.zeros((_NW, npad), jnp.int32)], axis=1)
        dst = jnp.concatenate(
            [dst, jnp.broadcast_to(trash[:, None], (_NW, npad))], axis=1)
    b_row = batch.astype(jnp.int32).reshape(1, _N)

    params = [
        (W1_0, b1_0, W2_0, b2_0, g_0, be_0),
        (W1_1, b1_1, W2_1, b2_1, g_1, be_1),
        (W1_2, b1_2, W2_2, b2_2, g_2, be_2),
    ]
    h = x
    hs = []
    for (w1, b1, w2, b2, g, be) in params:
        agg2 = _seg_sum_sc(h, src, dst)
        h = _layer_tc(h, agg2, w1, b1, w2, b2, g, be)
        hs.append(h)
    return _head_tc(hs[0], hs[1], hs[2], b_row, Wp1, bp1, Wp2, bp2)

# --- scband reference (transcript-rebuilt; emitter-appended) ---
"""Pipeline reference for scband-encoder-core-78563541778978 (READ-ONLY COPY).

The authoritative reference and input builder live on the scoring server;
editing this copy changes nothing except your own understanding.
"""

import jax, jax.numpy as jnp
import numpy as np

N = 10000
E = 320000
F_IN = 128
DIM = 128
L = 3
G = 128
H = L * DIM


def setup_inputs(seed: int = 0) -> dict:
    key = jax.random.key(seed)
    ks = jax.random.split(key, 40)
    inp = {}
    inp["x"] = jax.random.normal(ks[0], (N, F_IN), dtype=jnp.float32)
    inp["edge_index"] = jax.random.randint(ks[1], (2, E), 0, N)
    inp["batch"] = jnp.sort(jax.random.randint(ks[2], (N,), 0, G))
    s = 3
    for i in range(L):
        fi = F_IN if i == 0 else DIM
        inp[f"W1_{i}"] = jax.random.normal(ks[s], (fi, DIM), dtype=jnp.float32) * 0.05; s += 1
        inp[f"b1_{i}"] = jnp.zeros((DIM,), jnp.float32)
        inp[f"W2_{i}"] = jax.random.normal(ks[s], (DIM, DIM), dtype=jnp.float32) * 0.05; s += 1
        inp[f"b2_{i}"] = jnp.zeros((DIM,), jnp.float32)
        inp[f"g_{i}"] = jnp.ones((DIM,), jnp.float32)
        inp[f"be_{i}"] = jnp.zeros((DIM,), jnp.float32)
    inp["Wp1"] = jax.random.normal(ks[s], (H, H), dtype=jnp.float32) * 0.02; s += 1
    inp["bp1"] = jnp.zeros((H,), jnp.float32)
    inp["Wp2"] = jax.random.normal(ks[s], (H, H), dtype=jnp.float32) * 0.02
    inp["bp2"] = jnp.zeros((H,), jnp.float32)
    return inp


def _bn(h, g, b):
    m = h.mean(axis=0)
    v = h.var(axis=0)
    return (h - m) / jnp.sqrt(v + 1e-5) * g + b


def _l2norm(a):
    n = jnp.linalg.norm(a, axis=1, keepdims=True)
    return a / jnp.maximum(n, 1e-12)


def reference(x, edge_index, batch,
              W1_0, b1_0, W2_0, b2_0, g_0, be_0,
              W1_1, b1_1, W2_1, b2_1, g_1, be_1,
              W1_2, b1_2, W2_2, b2_2, g_2, be_2,
              Wp1, bp1, Wp2, bp2):
    params = [
        (W1_0, b1_0, W2_0, b2_0, g_0, be_0),
        (W1_1, b1_1, W2_1, b2_1, g_1, be_1),
        (W1_2, b1_2, W2_2, b2_2, g_2, be_2),
    ]
    src = edge_index[0]
    dst = edge_index[1]
    h = x
    xs = []
    for (W1, b1, W2, b2, g, be) in params:
        # GINConv with eps=0: MLP(x + sum_{j->i} x_j)
        agg = jax.ops.segment_sum(h[src], dst, num_segments=N)
        h2 = h + agg
        h2 = jnp.maximum(h2 @ W1 + b1, 0.0) @ W2 + b2
        # F.relu then BatchNorm1d (training-mode batch stats)
        h = _bn(jnp.maximum(h2, 0.0), g, be)
        xs.append(h)
    pooled = [jax.ops.segment_sum(t, batch, num_segments=G) for t in xs]
    xc = jnp.concatenate(pooled, axis=1)
    y = jnp.maximum(xc @ Wp1 + bp1, 0.0) @ Wp2 + bp2
    return (_l2norm(y), _l2norm(xc))

if __name__ == "__main__":
    import jax
    _d = setup_inputs()
    print(jax.jit(kernel)(*tuple(_d.values())))

</pallas_src>

<mosaic_0001>
#map = affine_map<(d0, d1) -> (0, 0)>
#map1 = affine_map<(d0, d1) -> (0, 0, 0)>
module attributes {stable_mosaic.version = 14 : i64} {
  func.func @k(%arg0: i32, %arg1: i32, %arg2: memref<10000x128xf32, #tpu.memory_space<hbm>>, %arg3: memref<32x10000xi32, #tpu.memory_space<hbm>>, %arg4: memref<32x10000xi32, #tpu.memory_space<hbm>>, %arg5: memref<2x10000x128xf32, #tpu.memory_space<hbm>>, %arg6: memref<10000xi32, #tpu.memory_space<vmem>>, %arg7: memref<10000xi32, #tpu.memory_space<vmem>>, %arg8: memref<80xi32, #tpu.memory_space<vmem>>, %arg9: memref<80x128xf32, #tpu.memory_space<vmem>>, %arg10: memref<80x128xf32, #tpu.memory_space<vmem>>, %arg11: memref<80x128xf32, #tpu.memory_space<vmem>>, %arg12: memref<10000x128xf32, #tpu.memory_space<vmem_shared>>, %arg13: memref<!tpu.dma_semaphore, #tpu.memory_space<semaphore_mem>>, %arg14: memref<!tpu.dma_semaphore, #tpu.memory_space<semaphore_mem>>) attributes {dimension_semantics = [#tpu.dimension_semantics<core_parallel>, #tpu.dimension_semantics<subcore_parallel>], iteration_bounds = array<i64: 2, 16>, scalar_prefetch = 0 : i64, scratch_operands = 9 : i64, tpu.core_type = #tpu.core_type<sc_vector_subcore>, window_params = [{transform_indices = #map}, {transform_indices = #map}, {transform_indices = #map}, {transform_indices = #map1}]} {
    %mul3A = arith.constant 2 : i32
    %mul3A_0 = arith.muli %arg1, %mul3A : i32
    %add3A = arith.addi %mul3A_0, %arg0 : i32
    %mul3A_1 = arith.constant 632 : i32
    %mul3A_2 = arith.muli %arg1, %mul3A_1 : i32
    %multiple_of3A = tpu.assume_multiple %mul3A_2, 8 : i32
    %scan3A = arith.constant 0 : i32
    %scan3A_3 = arith.constant 0 : i32
    %scan3A_4 = arith.constant 80 : i32
    %scan3A_5 = arith.addi %scan3A_3, %scan3A_4 : i32
    %scan3A_6 = arith.constant 1 : i32
    %scan3A_7 = scf.for %scan3A_209 = %scan3A_3 to %scan3A_5 step %scan3A_6 iter_args(%scan3A_210 = %scan3A) -> (i32)  : i32 {
      %scan3A_211 = arith.constant 0 : i32
      %scan3A_212 = arith.constant 0 : i32
      %scan3A_213 = arith.constant 8 : i32
      %scan3A_214 = arith.addi %scan3A_212, %scan3A_213 : i32
      %scan3A_215 = arith.constant 1 : i32
      %scan3A_216 = scf.for %scan3A_218 = %scan3A_212 to %scan3A_214 step %scan3A_215 iter_args(%scan3A_219 = %scan3A_211) -> (i32)  : i32 {
        %broadcast_in_dim3A = arith.constant 0.000000e+00 : f32
        %broadcast_in_dim3A_220 = vector.broadcast %broadcast_in_dim3A : f32 to vector<16xf32>
        %mul3A_221 = arith.constant 16 : i32
        %mul3A_222 = arith.muli %scan3A_218, %mul3A_221 : i32
        %swap3A_223 = arith.index_cast %scan3A_209 : i32 to index
        %swap3A_224 = arith.index_cast %mul3A_222 : i32 to index
        %swap3A_225 = tpu.vector_load %arg9[%swap3A_223, %swap3A_224] {strides = array<i32>} : memref<80x128xf32, #tpu.memory_space<vmem>>, vector<1x16xf32>,
        %swap3A_226 = vector.shape_cast %swap3A_225 : vector<1x16xf32> to vector<16xf32>
        %swap3A_227 = vector.shape_cast %broadcast_in_dim3A_220 : vector<16xf32> to vector<1x16xf32>
        tpu.vector_store %arg9[%swap3A_223, %swap3A_224], %swap3A_227 {strides = array<i32>} : memref<80x128xf32, #tpu.memory_space<vmem>>, vector<1x16xf32>,
        %scan3A_228 = arith.constant 0 : i32
        scf.yield %scan3A_228 : i32
      }
      %scan3A_217 = arith.constant 8 : i32
      scf.yield %scan3A_216 : i32
    }
    %scan3A_8 = arith.constant 80 : i32
    %lt3A = arith.constant 15 : i32
    %lt3A_9 = arith.cmpi slt, %arg1, %lt3A : i32
    %convert_element_type3A = arith.extui %lt3A_9 : i1 to i32
    %cond3A = arith.constant 0 : i32
    %cond3A_10 = arith.cmpi ne, %convert_element_type3A, %cond3A : i32
    scf.if %cond3A_10 {
      %add3A_209 = arith.constant 0 : i32
      %add3A_210 = arith.addi %multiple_of3A, %add3A_209 : i32
      %dma_start3A_211 = arith.constant 0 : i32
      %dma_start3A_212 = tpu.memref_slice %arg12[%add3A_210, %dma_start3A_211] : memref<10000x128xf32, #tpu.memory_space<vmem_shared>> -> memref<80x128xf32, #tpu.memory_space<vmem_shared>>
      %dma_start3A_213 = arith.constant 0 : i32
      %dma_start3A_214 = tpu.memref_slice %arg12[%add3A_210, %dma_start3A_213] : memref<10000x128xf32, #tpu.memory_space<vmem_shared>> -> memref<80x128xf32, #tpu.memory_space<vmem_shared>>
      tpu.enqueue_dma source(%arg9 : memref<80x128xf32, #tpu.memory_space<vmem>>) target(%dma_start3A_214 : memref<80x128xf32, #tpu.memory_space<vmem_shared>>) target_semaphore(%arg14 : memref<!tpu.dma_semaphore, #tpu.memory_space<semaphore_mem>>)
      %add3A_215 = arith.constant 80 : i32
      %add3A_216 = arith.addi %multiple_of3A, %add3A_215 : i32
      %dma_start3A_217 = arith.constant 0 : i32
      %dma_start3A_218 = tpu.memref_slice %arg12[%add3A_216, %dma_start3A_217] : memref<10000x128xf32, #tpu.memory_space<vmem_shared>> -> memref<80x128xf32, #tpu.memory_space<vmem_shared>>
      %dma_start3A_219 = arith.constant 0 : i32
      %dma_start3A_220 = tpu.memref_slice %arg12[%add3A_216, %dma_start3A_219] : memref<10000x128xf32, #tpu.memory_space<vmem_shared>> -> memref<80x128xf32, #tpu.memory_space<vmem_shared>>
      tpu.enqueue_dma source(%arg9 : memref<80x128xf32, #tpu.memory_space<vmem>>) target(%dma_start3A_220 : memref<80x128xf32, #tpu.memory_space<vmem_shared>>) target_semaphore(%arg14 : memref<!tpu.dma_semaphore, #tpu.memory_space<semaphore_mem>>)
      %add3A_221 = arith.constant 160 : i32
      %add3A_222 = arith.addi %multiple_of3A, %add3A_221 : i32
      %dma_start3A_223 = arith.constant 0 : i32
      %dma_start3A_224 = tpu.memref_slice %arg12[%add3A_222, %dma_start3A_223] : memref<10000x128xf32, #tpu.memory_space<vmem_shared>> -> memref<80x128xf32, #tpu.memory_space<vmem_shared>>
      %dma_start3A_225 = arith.constant 0 : i32
      %dma_start3A_226 = tpu.memref_slice %arg12[%add3A_222, %dma_start3A_225] : memref<10000x128xf32, #tpu.memory_space<vmem_shared>> -> memref<80x128xf32, #tpu.memory_space<vmem_shared>>
      tpu.enqueue_dma source(%arg9 : memref<80x128xf32, #tpu.memory_space<vmem>>) target(%dma_start3A_226 : memref<80x128xf32, #tpu.memory_space<vmem_shared>>) target_semaphore(%arg14 : memref<!tpu.dma_semaphore, #tpu.memory_space<semaphore_mem>>)
      %add3A_227 = arith.constant 240 : i32
      %add3A_228 = arith.addi %multiple_of3A, %add3A_227 : i32
      %dma_start3A_229 = arith.constant 0 : i32
      %dma_start3A_230 = tpu.memref_slice %arg12[%add3A_228, %dma_start3A_229] : memref<10000x128xf32, #tpu.memory_space<vmem_shared>> -> memref<80x128xf32, #tpu.memory_space<vmem_shared>>
      %dma_start3A_231 = arith.constant 0 : i32
      %dma_start3A_232 = tpu.memref_slice %arg12[%add3A_228, %dma_start3A_231] : memref<10000x128xf32, #tpu.memory_space<vmem_shared>> -> memref<80x128xf32, #tpu.memory_space<vmem_shared>>
      tpu.enqueue_dma source(%arg9 : memref<80x128xf32, #tpu.memory_space<vmem>>) target(%dma_start3A_232 : memref<80x128xf32, #tpu.memory_space<vmem_shared>>) target_semaphore(%arg14 : memref<!tpu.dma_semaphore, #tpu.memory_space<semaphore_mem>>)
      %add3A_233 = arith.constant 320 : i32
      %add3A_234 = arith.addi %multiple_of3A, %add3A_233 : i32
      %dma_start3A_235 = arith.constant 0 : i32
      %dma_start3A_236 = tpu.memref_slice %arg12[%add3A_234, %dma_start3A_235] : memref<10000x128xf32, #tpu.memory_space<vmem_shared>> -> memref<80x128xf32, #tpu.memory_space<vmem_shared>>
      %dma_start3A_237 = arith.constant 0 : i32
      %dma_start3A_238 = tpu.memref_slice %arg12[%add3A_234, %dma_start3A_237] : memref<10000x128xf32, #tpu.memory_space<vmem_shared>> -> memref<80x128xf32, #tpu.memory_space<vmem_shared>>
      tpu.enqueue_dma source(%arg9 : memref<80x128xf32, #tpu.memory_space<vmem>>) target(%dma_start3A_238 : memref<80x128xf32, #tpu.memory_space<vmem_shared>>) target_semaphore(%arg14 : memref<!tpu.dma_semaphore, #tpu.memory_space<semaphore_mem>>)
      %add3A_239 = arith.constant 400 : i32
      %add3A_240 = arith.addi %multiple_of3A, %add3A_239 : i32
      %dma_start3A_241 = arith.constant 0 : i32
      %dma_start3A_242 = tpu.memref_slice %arg12[%add3A_240, %dma_start3A_241] : memref<10000x128xf32, #tpu.memory_space<vmem_shared>> -> memref<80x128xf32, #tpu.memory_space<vmem_shared>>
      %dma_start3A_243 = arith.constant 0 : i32
      %dma_start3A_244 = tpu.memref_slice %arg12[%add3A_240, %dma_start3A_243] : memref<10000x128xf32, #tpu.memory_space<vmem_shared>> -> memref<80x128xf32, #tpu.memory_space<vmem_shared>>
      tpu.enqueue_dma source(%arg9 : memref<80x128xf32, #tpu.memory_space<vmem>>) target(%dma_start3A_244 : memref<80x128xf32, #tpu.memory_space<vmem_shared>>) target_semaphore(%arg14 : memref<!tpu.dma_semaphore, #tpu.memory_space<semaphore_mem>>)
      %add3A_245 = arith.constant 480 : i32
      %add3A_246 = arith.addi %multiple_of3A, %add3A_245 : i32
      %dma_start3A_247 = arith.constant 0 : i32
      %dma_start3A_248 = tpu.memref_slice %arg12[%add3A_246, %dma_start3A_247] : memref<10000x128xf32, #tpu.memory_space<vmem_shared>> -> memref<80x128xf32, #tpu.memory_space<vmem_shared>>
      %dma_start3A_249 = arith.constant 0 : i32
      %dma_start3A_250 = tpu.memref_slice %arg12[%add3A_246, %dma_start3A_249] : memref<10000x128xf32, #tpu.memory_space<vmem_shared>> -> memref<80x128xf32, #tpu.memory_space<vmem_shared>>
      tpu.enqueue_dma source(%arg9 : memref<80x128xf32, #tpu.memory_space<vmem>>) target(%dma_start3A_250 : memref<80x128xf32, #tpu.memory_space<vmem_shared>>) target_semaphore(%arg14 : memref<!tpu.dma_semaphore, #tpu.memory_space<semaphore_mem>>)
      %add3A_251 = arith.constant 560 : i32
      %add3A_252 = arith.addi %multiple_of3A, %add3A_251 : i32
      %dma_start3A_253 = arith.constant 0 : i32
      %dma_start3A_254 = arith.constant 0 : i32
      %dma_start3A_255 = tpu.memref_slice %arg9[%dma_start3A_253, %dma_start3A_254] : memref<80x128xf32, #tpu.memory_space<vmem>> -> memref<72x128xf32, #tpu.memory_space<vmem>>
      %dma_start3A_256 = arith.constant 0 : i32
      %dma_start3A_257 = tpu.memref_slice %arg12[%add3A_252, %dma_start3A_256] : memref<10000x128xf32, #tpu.memory_space<vmem_shared>> -> memref<72x128xf32, #tpu.memory_space<vmem_shared>>
      %dma_start3A_258 = arith.constant 0 : i32
      %dma_start3A_259 = tpu.memref_slice %arg12[%add3A_252, %dma_start3A_258] : memref<10000x128xf32, #tpu.memory_space<vmem_shared>> -> memref<72x128xf32, #tpu.memory_space<vmem_shared>>
      %dma_start3A_260 = arith.constant 0 : i32
      %dma_start3A_261 = arith.constant 0 : i32
      %dma_start3A_262 = tpu.memref_slice %arg9[%dma_start3A_260, %dma_start3A_261] : memref<80x128xf32, #tpu.memory_space<vmem>> -> memref<72x128xf32, #tpu.memory_space<vmem>>
      tpu.enqueue_dma source(%dma_start3A_262 : memref<72x128xf32, #tpu.memory_space<vmem>>) target(%dma_start3A_259 : memref<72x128xf32, #tpu.memory_space<vmem_shared>>) target_semaphore(%arg14 : memref<!tpu.dma_semaphore, #tpu.memory_space<semaphore_mem>>)
      %dma_wait3A_263 = arith.constant 0 : i32
      %dma_wait3A_264 = arith.constant 0 : i32
      %dma_wait3A_265 = tpu.memref_slice %arg12[%dma_wait3A_263, %dma_wait3A_264] : memref<10000x128xf32, #tpu.memory_space<vmem_shared>> -> memref<80x128xf32, #tpu.memory_space<vmem_shared>>
      %dma_wait3A_266 = arith.constant 0 : i32
      %dma_wait3A_267 = arith.constant 0 : i32
      %dma_wait3A_268 = tpu.memref_slice %arg12[%dma_wait3A_266, %dma_wait3A_267] : memref<10000x128xf32, #tpu.memory_space<vmem_shared>> -> memref<80x128xf32, #tpu.memory_space<vmem_shared>>
      tpu.wait_dma2 semaphore(%arg14 : memref<!tpu.dma_semaphore, #tpu.memory_space<semaphore_mem>>) src(%arg9 : memref<80x128xf32, #tpu.memory_space<vmem>>) dst(%dma_wait3A_268 : memref<80x128xf32, #tpu.memory_space<vmem_shared>>)
      %dma_wait3A_269 = arith.constant 0 : i32
      %dma_wait3A_270 = arith.constant 0 : i32
      %dma_wait3A_271 = tpu.memref_slice %arg12[%dma_wait3A_269, %dma_wait3A_270] : memref<10000x128xf32, #tpu.memory_space<vmem_shared>> -> memref<80x128xf32, #tpu.memory_space<vmem_shared>>
      %dma_wait3A_272 = arith.constant 0 : i32
      %dma_wait3A_273 = arith.constant 0 : i32
      %dma_wait3A_274 = tpu.memref_slice %arg12[%dma_wait3A_272, %dma_wait3A_273] : memref<10000x128xf32, #tpu.memory_space<vmem_shared>> -> memref<80x128xf32, #tpu.memory_space<vmem_shared>>
      tpu.wait_dma2 semaphore(%arg14 : memref<!tpu.dma_semaphore, #tpu.memory_space<semaphore_mem>>) src(%arg9 : memref<80x128xf32, #tpu.memory_space<vmem>>) dst(%dma_wait3A_274 : memref<80x128xf32, #tpu.memory_space<vmem_shared>>)
      %dma_wait3A_275 = arith.constant 0 : i32
      %dma_wait3A_276 = arith.constant 0 : i32
      %dma_wait3A_277 = tpu.memref_slice %arg12[%dma_wait3A_275, %dma_wait3A_276] : memref<10000x128xf32, #tpu.memory_space<vmem_shared>> -> memref<80x128xf32, #tpu.memory_space<vmem_shared>>
      %dma_wait3A_278 = arith.constant 0 : i32
      %dma_wait3A_279 = arith.constant 0 : i32
      %dma_wait3A_280 = tpu.memref_slice %arg12[%dma_wait3A_278, %dma_wait3A_279] : memref<10000x128xf32, #tpu.memory_space<vmem_shared>> -> memref<80x128xf32, #tpu.memory_space<vmem_shared>>
      tpu.wait_dma2 semaphore(%arg14 : memref<!tpu.dma_semaphore, #tpu.memory_space<semaphore_mem>>) src(%arg9 : memref<80x128xf32, #tpu.memory_space<vmem>>) dst(%dma_wait3A_280 : memref<80x128xf32, #tpu.memory_space<vmem_shared>>)
      %dma_wait3A_281 = arith.constant 0 : i32
      %dma_wait3A_282 = arith.constant 0 : i32
      %dma_wait3A_283 = tpu.memref_slice %arg12[%dma_wait3A_281, %dma_wait3A_282] : memref<10000x128xf32, #tpu.memory_space<vmem_shared>> -> memref<80x128xf32, #tpu.memory_space<vmem_shared>>
      %dma_wait3A_284 = arith.constant 0 : i32
      %dma_wait3A_285 = arith.constant 0 : i32
      %dma_wait3A_286 = tpu.memref_slice %arg12[%dma_wait3A_284, %dma_wait3A_285] : memref<10000x128xf32, #tpu.memory_space<vmem_shared>> -> memref<80x128xf32, #tpu.memory_space<vmem_shared>>
      tpu.wait_dma2 semaphore(%arg14 : memref<!tpu.dma_semaphore, #tpu.memory_space<semaphore_mem>>) src(%arg9 : memref<80x128xf32, #tpu.memory_space<vmem>>) dst(%dma_wait3A_286 : memref<80x128xf32, #tpu.memory_space<vmem_shared>>)
      %dma_wait3A_287 = arith.constant 0 : i32
      %dma_wait3A_288 = arith.constant 0 : i32
      %dma_wait3A_289 = tpu.memref_slice %arg12[%dma_wait3A_287, %dma_wait3A_288] : memref<10000x128xf32, #tpu.memory_space<vmem_shared>> -> memref<80x128xf32, #tpu.memory_space<vmem_shared>>
      %dma_wait3A_290 = arith.constant 0 : i32
      %dma_wait3A_291 = arith.constant 0 : i32
      %dma_wait3A_292 = tpu.memref_slice %arg12[%dma_wait3A_290, %dma_wait3A_291] : memref<10000x128xf32, #tpu.memory_space<vmem_shared>> -> memref<80x128xf32, #tpu.memory_space<vmem_shared>>
      tpu.wait_dma2 semaphore(%arg14 : memref<!tpu.dma_semaphore, #tpu.memory_space<semaphore_mem>>) src(%arg9 : memref<80x128xf32, #tpu.memory_space<vmem>>) dst(%dma_wait3A_292 : memref<80x128xf32, #tpu.memory_space<vmem_shared>>)
      %dma_wait3A_293 = arith.constant 0 : i32
      %dma_wait3A_294 = arith.constant 0 : i32
      %dma_wait3A_295 = tpu.memref_slice %arg12[%dma_wait3A_293, %dma_wait3A_294] : memref<10000x128xf32, #tpu.memory_space<vmem_shared>> -> memref<80x128xf32, #tpu.memory_space<vmem_shared>>
      %dma_wait3A_296 = arith.constant 0 : i32
      %dma_wait3A_297 = arith.constant 0 : i32
      %dma_wait3A_298 = tpu.memref_slice %arg12[%dma_wait3A_296, %dma_wait3A_297] : memref<10000x128xf32, #tpu.memory_space<vmem_shared>> -> memref<80x128xf32, #tpu.memory_space<vmem_shared>>
      tpu.wait_dma2 semaphore(%arg14 : memref<!tpu.dma_semaphore, #tpu.memory_space<semaphore_mem>>) src(%arg9 : memref<80x128xf32, #tpu.memory_space<vmem>>) dst(%dma_wait3A_298 : memref<80x128xf32, #tpu.memory_space<vmem_shared>>)
      %dma_wait3A_299 = arith.constant 0 : i32
      %dma_wait3A_300 = arith.constant 0 : i32
      %dma_wait3A_301 = tpu.memref_slice %arg12[%dma_wait3A_299, %dma_wait3A_300] : memref<10000x128xf32, #tpu.memory_space<vmem_shared>> -> memref<80x128xf32, #tpu.memory_space<vmem_shared>>
      %dma_wait3A_302 = arith.constant 0 : i32
      %dma_wait3A_303 = arith.constant 0 : i32
      %dma_wait3A_304 = tpu.memref_slice %arg12[%dma_wait3A_302, %dma_wait3A_303] : memref<10000x128xf32, #tpu.memory_space<vmem_shared>> -> memref<80x128xf32, #tpu.memory_space<vmem_shared>>
      tpu.wait_dma2 semaphore(%arg14 : memref<!tpu.dma_semaphore, #tpu.memory_space<semaphore_mem>>) src(%arg9 : memref<80x128xf32, #tpu.memory_space<vmem>>) dst(%dma_wait3A_304 : memref<80x128xf32, #tpu.memory_space<vmem_shared>>)
      %dma_wait3A_305 = arith.constant 0 : i32
      %dma_wait3A_306 = arith.constant 0 : i32
      %dma_wait3A_307 = tpu.memref_slice %arg9[%dma_wait3A_305, %dma_wait3A_306] : memref<80x128xf32, #tpu.memory_space<vmem>> -> memref<72x128xf32, #tpu.memory_space<vmem>>
      %dma_wait3A_308 = arith.constant 0 : i32
      %dma_wait3A_309 = arith.constant 0 : i32
      %dma_wait3A_310 = tpu.memref_slice %arg12[%dma_wait3A_308, %dma_wait3A_309] : memref<10000x128xf32, #tpu.memory_space<vmem_shared>> -> memref<72x128xf32, #tpu.memory_space<vmem_shared>>
      %dma_wait3A_311 = arith.constant 0 : i32
      %dma_wait3A_312 = arith.constant 0 : i32
      %dma_wait3A_313 = tpu.memref_slice %arg12[%dma_wait3A_311, %dma_wait3A_312] : memref<10000x128xf32, #tpu.memory_space<vmem_shared>> -> memref<72x128xf32, #tpu.memory_space<vmem_shared>>
      %dma_wait3A_314 = arith.constant 0 : i32
      %dma_wait3A_315 = arith.constant 0 : i32
      %dma_wait3A_316 = tpu.memref_slice %arg9[%dma_wait3A_314, %dma_wait3A_315] : memref<80x128xf32, #tpu.memory_space<vmem>> -> memref<72x128xf32, #tpu.memory_space<vmem>>
      tpu.wait_dma2 semaphore(%arg14 : memref<!tpu.dma_semaphore, #tpu.memory_space<semaphore_mem>>) src(%dma_wait3A_316 : memref<72x128xf32, #tpu.memory_space<vmem>>) dst(%dma_wait3A_313 : memref<72x128xf32, #tpu.memory_space<vmem_shared>>)
    } else {
    }
    %eq3A = arith.constant 15 : i32
    %eq3A_11 = arith.cmpi eq, %arg1, %eq3A : i32
    %convert_element_type3A_12 = arith.extui %eq3A_11 : i1 to i32
    %cond3A_13 = arith.constant 0 : i32
    %cond3A_14 = arith.cmpi ne, %convert_element_type3A_12, %cond3A_13 : i32
    scf.if %cond3A_14 {
      %add3A_209 = arith.constant 0 : i32
      %add3A_210 = arith.addi %multiple_of3A, %add3A_209 : i32
      %dma_start3A_211 = arith.constant 0 : i32
      %dma_start3A_212 = tpu.memref_slice %arg12[%add3A_210, %dma_start3A_211] : memref<10000x128xf32, #tpu.memory_space<vmem_shared>> -> memref<80x128xf32, #tpu.memory_space<vmem_shared>>
      %dma_start3A_213 = arith.constant 0 : i32
      %dma_start3A_214 = tpu.memref_slice %arg12[%add3A_210, %dma_start3A_213] : memref<10000x128xf32, #tpu.memory_space<vmem_shared>> -> memref<80x128xf32, #tpu.memory_space<vmem_shared>>
      tpu.enqueue_dma source(%arg9 : memref<80x128xf32, #tpu.memory_space<vmem>>) target(%dma_start3A_214 : memref<80x128xf32, #tpu.memory_space<vmem_shared>>) target_semaphore(%arg14 : memref<!tpu.dma_semaphore, #tpu.memory_space<semaphore_mem>>)
      %add3A_215 = arith.constant 80 : i32
      %add3A_216 = arith.addi %multiple_of3A, %add3A_215 : i32
      %dma_start3A_217 = arith.constant 0 : i32
      %dma_start3A_218 = tpu.memref_slice %arg12[%add3A_216, %dma_start3A_217] : memref<10000x128xf32, #tpu.memory_space<vmem_shared>> -> memref<80x128xf32, #tpu.memory_space<vmem_shared>>
      %dma_start3A_219 = arith.constant 0 : i32
      %dma_start3A_220 = tpu.memref_slice %arg12[%add3A_216, %dma_start3A_219] : memref<10000x128xf32, #tpu.memory_space<vmem_shared>> -> memref<80x128xf32, #tpu.memory_space<vmem_shared>>
      tpu.enqueue_dma source(%arg9 : memref<80x128xf32, #tpu.memory_space<vmem>>) target(%dma_start3A_220 : memref<80x128xf32, #tpu.memory_space<vmem_shared>>) target_semaphore(%arg14 : memref<!tpu.dma_semaphore, #tpu.memory_space<semaphore_mem>>)
      %add3A_221 = arith.constant 160 : i32
      %add3A_222 = arith.addi %multiple_of3A, %add3A_221 : i32
      %dma_start3A_223 = arith.constant 0 : i32
      %dma_start3A_224 = tpu.memref_slice %arg12[%add3A_222, %dma_start3A_223] : memref<10000x128xf32, #tpu.memory_space<vmem_shared>> -> memref<80x128xf32, #tpu.memory_space<vmem_shared>>
      %dma_start3A_225 = arith.constant 0 : i32
      %dma_start3A_226 = tpu.memref_slice %arg12[%add3A_222, %dma_start3A_225] : memref<10000x128xf32, #tpu.memory_space<vmem_shared>> -> memref<80x128xf32, #tpu.memory_space<vmem_shared>>
      tpu.enqueue_dma source(%arg9 : memref<80x128xf32, #tpu.memory_space<vmem>>) target(%dma_start3A_226 : memref<80x128xf32, #tpu.memory_space<vmem_shared>>) target_semaphore(%arg14 : memref<!tpu.dma_semaphore, #tpu.memory_space<semaphore_mem>>)
      %add3A_227 = arith.constant 240 : i32
      %add3A_228 = arith.addi %multiple_of3A, %add3A_227 : i32
      %dma_start3A_229 = arith.constant 0 : i32
      %dma_start3A_230 = tpu.memref_slice %arg12[%add3A_228, %dma_start3A_229] : memref<10000x128xf32, #tpu.memory_space<vmem_shared>> -> memref<80x128xf32, #tpu.memory_space<vmem_shared>>
      %dma_start3A_231 = arith.constant 0 : i32
      %dma_start3A_232 = tpu.memref_slice %arg12[%add3A_228, %dma_start3A_231] : memref<10000x128xf32, #tpu.memory_space<vmem_shared>> -> memref<80x128xf32, #tpu.memory_space<vmem_shared>>
      tpu.enqueue_dma source(%arg9 : memref<80x128xf32, #tpu.memory_space<vmem>>) target(%dma_start3A_232 : memref<80x128xf32, #tpu.memory_space<vmem_shared>>) target_semaphore(%arg14 : memref<!tpu.dma_semaphore, #tpu.memory_space<semaphore_mem>>)
      %add3A_233 = arith.constant 320 : i32
      %add3A_234 = arith.addi %multiple_of3A, %add3A_233 : i32
      %dma_start3A_235 = arith.constant 0 : i32
      %dma_start3A_236 = tpu.memref_slice %arg12[%add3A_234, %dma_start3A_235] : memref<10000x128xf32, #tpu.memory_space<vmem_shared>> -> memref<80x128xf32, #tpu.memory_space<vmem_shared>>
      %dma_start3A_237 = arith.constant 0 : i32
      %dma_start3A_238 = tpu.memref_slice %arg12[%add3A_234, %dma_start3A_237] : memref<10000x128xf32, #tpu.memory_space<vmem_shared>> -> memref<80x128xf32, #tpu.memory_space<vmem_shared>>
      tpu.enqueue_dma source(%arg9 : memref<80x128xf32, #tpu.memory_space<vmem>>) target(%dma_start3A_238 : memref<80x128xf32, #tpu.memory_space<vmem_shared>>) target_semaphore(%arg14 : memref<!tpu.dma_semaphore, #tpu.memory_space<semaphore_mem>>)
      %add3A_239 = arith.constant 400 : i32
      %add3A_240 = arith.addi %multiple_of3A, %add3A_239 : i32
      %dma_start3A_241 = arith.constant 0 : i32
      %dma_start3A_242 = tpu.memref_slice %arg12[%add3A_240, %dma_start3A_241] : memref<10000x128xf32, #tpu.memory_space<vmem_shared>> -> memref<80x128xf32, #tpu.memory_space<vmem_shared>>
      %dma_start3A_243 = arith.constant 0 : i32
      %dma_start3A_244 = tpu.memref_slice %arg12[%add3A_240, %dma_start3A_243] : memref<10000x128xf32, #tpu.memory_space<vmem_shared>> -> memref<80x128xf32, #tpu.memory_space<vmem_shared>>
      tpu.enqueue_dma source(%arg9 : memref<80x128xf32, #tpu.memory_space<vmem>>) target(%dma_start3A_244 : memref<80x128xf32, #tpu.memory_space<vmem_shared>>) target_semaphore(%arg14 : memref<!tpu.dma_semaphore, #tpu.memory_space<semaphore_mem>>)
      %add3A_245 = arith.constant 480 : i32
      %add3A_246 = arith.addi %multiple_of3A, %add3A_245 : i32
      %dma_start3A_247 = arith.constant 0 : i32
      %dma_start3A_248 = arith.constant 0 : i32
      %dma_start3A_249 = tpu.memref_slice %arg9[%dma_start3A_247, %dma_start3A_248] : memref<80x128xf32, #tpu.memory_space<vmem>> -> memref<40x128xf32, #tpu.memory_space<vmem>>
      %dma_start3A_250 = arith.constant 0 : i32
      %dma_start3A_251 = tpu.memref_slice %arg12[%add3A_246, %dma_start3A_250] : memref<10000x128xf32, #tpu.memory_space<vmem_shared>> -> memref<40x128xf32, #tpu.memory_space<vmem_shared>>
      %dma_start3A_252 = arith.constant 0 : i32
      %dma_start3A_253 = tpu.memref_slice %arg12[%add3A_246, %dma_start3A_252] : memref<10000x128xf32, #tpu.memory_space<vmem_shared>> -> memref<40x128xf32, #tpu.memory_space<vmem_shared>>
      %dma_start3A_254 = arith.constant 0 : i32
      %dma_start3A_255 = arith.constant 0 : i32
      %dma_start3A_256 = tpu.memref_slice %arg9[%dma_start3A_254, %dma_start3A_255] : memref<80x128xf32, #tpu.memory_space<vmem>> -> memref<40x128xf32, #tpu.memory_space<vmem>>
      tpu.enqueue_dma source(%dma_start3A_256 : memref<40x128xf32, #tpu.memory_space<vmem>>) target(%dma_start3A_253 : memref<40x128xf32, #tpu.memory_space<vmem_shared>>) target_semaphore(%arg14 : memref<!tpu.dma_semaphore, #tpu.memory_space<semaphore_mem>>)
      %dma_wait3A_257 = arith.constant 0 : i32
      %dma_wait3A_258 = arith.constant 0 : i32
      %dma_wait3A_259 = tpu.memref_slice %arg12[%dma_wait3A_257, %dma_wait3A_258] : memref<10000x128xf32, #tpu.memory_space<vmem_shared>> -> memref<80x128xf32, #tpu.memory_space<vmem_shared>>
      %dma_wait3A_260 = arith.constant 0 : i32
      %dma_wait3A_261 = arith.constant 0 : i32
      %dma_wait3A_262 = tpu.memref_slice %arg12[%dma_wait3A_260, %dma_wait3A_261] : memref<10000x128xf32, #tpu.memory_space<vmem_shared>> -> memref<80x128xf32, #tpu.memory_space<vmem_shared>>
      tpu.wait_dma2 semaphore(%arg14 : memref<!tpu.dma_semaphore, #tpu.memory_space<semaphore_mem>>) src(%arg9 : memref<80x128xf32, #tpu.memory_space<vmem>>) dst(%dma_wait3A_262 : memref<80x128xf32, #tpu.memory_space<vmem_shared>>)
      %dma_wait3A_263 = arith.constant 0 : i32
      %dma_wait3A_264 = arith.constant 0 : i32
      %dma_wait3A_265 = tpu.memref_slice %arg12[%dma_wait3A_263, %dma_wait3A_264] : memref<10000x128xf32, #tpu.memory_space<vmem_shared>> -> memref<80x128xf32, #tpu.memory_space<vmem_shared>>
      %dma_wait3A_266 = arith.constant 0 : i32
      %dma_wait3A_267 = arith.constant 0 : i32
      %dma_wait3A_268 = tpu.memref_slice %arg12[%dma_wait3A_266, %dma_wait3A_267] : memref<10000x128xf32, #tpu.memory_space<vmem_shared>> -> memref<80x128xf32, #tpu.memory_space<vmem_shared>>
      tpu.wait_dma2 semaphore(%arg14 : memref<!tpu.dma_semaphore, #tpu.memory_space<semaphore_mem>>) src(%arg9 : memref<80x128xf32, #tpu.memory_space<vmem>>) dst(%dma_wait3A_268 : memref<80x128xf32, #tpu.memory_space<vmem_shared>>)
      %dma_wait3A_269 = arith.constant 0 : i32
      %dma_wait3A_270 = arith.constant 0 : i32
      %dma_wait3A_271 = tpu.memref_slice %arg12[%dma_wait3A_269, %dma_wait3A_270] : memref<10000x128xf32, #tpu.memory_space<vmem_shared>> -> memref<80x128xf32, #tpu.memory_space<vmem_shared>>
      %dma_wait3A_272 = arith.constant 0 : i32
      %dma_wait3A_273 = arith.constant 0 : i32
      %dma_wait3A_274 = tpu.memref_slice %arg12[%dma_wait3A_272, %dma_wait3A_273] : memref<10000x128xf32, #tpu.memory_space<vmem_shared>> -> memref<80x128xf32, #tpu.memory_space<vmem_shared>>
      tpu.wait_dma2 semaphore(%arg14 : memref<!tpu.dma_semaphore, #tpu.memory_space<semaphore_mem>>) src(%arg9 : memref<80x128xf32, #tpu.memory_space<vmem>>) dst(%dma_wait3A_274 : memref<80x128xf32, #tpu.memory_space<vmem_shared>>)
      %dma_wait3A_275 = arith.constant 0 : i32
      %dma_wait3A_276 = arith.constant 0 : i32
      %dma_wait3A_277 = tpu.memref_slice %arg12[%dma_wait3A_275, %dma_wait3A_276] : memref<10000x128xf32, #tpu.memory_space<vmem_shared>> -> memref<80x128xf32, #tpu.memory_space<vmem_shared>>
      %dma_wait3A_278 = arith.constant 0 : i32
      %dma_wait3A_279 = arith.constant 0 : i32
      %dma_wait3A_280 = tpu.memref_slice %arg12[%dma_wait3A_278, %dma_wait3A_279] : memref<10000x128xf32, #tpu.memory_space<vmem_shared>> -> memref<80x128xf32, #tpu.memory_space<vmem_shared>>
      tpu.wait_dma2 semaphore(%arg14 : memref<!tpu.dma_semaphore, #tpu.memory_space<semaphore_mem>>) src(%arg9 : memref<80x128xf32, #tpu.memory_space<vmem>>) dst(%dma_wait3A_280 : memref<80x128xf32, #tpu.memory_space<vmem_shared>>)
      %dma_wait3A_281 = arith.constant 0 : i32
      %dma_wait3A_282 = arith.constant 0 : i32
      %dma_wait3A_283 = tpu.memref_slice %arg12[%dma_wait3A_281, %dma_wait3A_282] : memref<10000x128xf32, #tpu.memory_space<vmem_shared>> -> memref<80x128xf32, #tpu.memory_space<vmem_shared>>
      %dma_wait3A_284 = arith.constant 0 : i32
      %dma_wait3A_285 = arith.constant 0 : i32
      %dma_wait3A_286 = tpu.memref_slice %arg12[%dma_wait3A_284, %dma_wait3A_285] : memref<10000x128xf32, #tpu.memory_space<vmem_shared>> -> memref<80x128xf32, #tpu.memory_space<vmem_shared>>
      tpu.wait_dma2 semaphore(%arg14 : memref<!tpu.dma_semaphore, #tpu.memory_space<semaphore_mem>>) src(%arg9 : memref<80x128xf32, #tpu.memory_space<vmem>>) dst(%dma_wait3A_286 : memref<80x128xf32, #tpu.memory_space<vmem_shared>>)
      %dma_wait3A_287 = arith.constant 0 : i32
      %dma_wait3A_288 = arith.constant 0 : i32
      %dma_wait3A_289 = tpu.memref_slice %arg12[%dma_wait3A_287, %dma_wait3A_288] : memref<10000x128xf32, #tpu.memory_space<vmem_shared>> -> memref<80x128xf32, #tpu.memory_space<vmem_shared>>
      %dma_wait3A_290 = arith.constant 0 : i32
      %dma_wait3A_291 = arith.constant 0 : i32
      %dma_wait3A_292 = tpu.memref_slice %arg12[%dma_wait3A_290, %dma_wait3A_291] : memref<10000x128xf32, #tpu.memory_space<vmem_shared>> -> memref<80x128xf32, #tpu.memory_space<vmem_shared>>
      tpu.wait_dma2 semaphore(%arg14 : memref<!tpu.dma_semaphore, #tpu.memory_space<semaphore_mem>>) src(%arg9 : memref<80x128xf32, #tpu.memory_space<vmem>>) dst(%dma_wait3A_292 : memref<80x128xf32, #tpu.memory_space<vmem_shared>>)
      %dma_wait3A_293 = arith.constant 0 : i32
      %dma_wait3A_294 = arith.constant 0 : i32
      %dma_wait3A_295 = tpu.memref_slice %arg9[%dma_wait3A_293, %dma_wait3A_294] : memref<80x128xf32, #tpu.memory_space<vmem>> -> memref<40x128xf32, #tpu.memory_space<vmem>>
      %dma_wait3A_296 = arith.constant 0 : i32
      %dma_wait3A_297 = arith.constant 0 : i32
      %dma_wait3A_298 = tpu.memref_slice %arg12[%dma_wait3A_296, %dma_wait3A_297] : memref<10000x128xf32, #tpu.memory_space<vmem_shared>> -> memref<40x128xf32, #tpu.memory_space<vmem_shared>>
      %dma_wait3A_299 = arith.constant 0 : i32
      %dma_wait3A_300 = arith.constant 0 : i32
      %dma_wait3A_301 = tpu.memref_slice %arg12[%dma_wait3A_299, %dma_wait3A_300] : memref<10000x128xf32, #tpu.memory_space<vmem_shared>> -> memref<40x128xf32, #tpu.memory_space<vmem_shared>>
      %dma_wait3A_302 = arith.constant 0 : i32
      %dma_wait3A_303 = arith.constant 0 : i32
      %dma_wait3A_304 = tpu.memref_slice %arg9[%dma_wait3A_302, %dma_wait3A_303] : memref<80x128xf32, #tpu.memory_space<vmem>> -> memref<40x128xf32, #tpu.memory_space<vmem>>
      tpu.wait_dma2 semaphore(%arg14 : memref<!tpu.dma_semaphore, #tpu.memory_space<semaphore_mem>>) src(%dma_wait3A_304 : memref<40x128xf32, #tpu.memory_space<vmem>>) dst(%dma_wait3A_301 : memref<40x128xf32, #tpu.memory_space<vmem_shared>>)
    } else {
    }
    "tpu.region"() ({
      %run_scoped3A = tpu.sem_alloc : memref<!tpu.dma_semaphore, #tpu.memory_space<semaphore_mem>>
      %dma_start3A_209 = arith.constant 0 : i32
      %dma_start3A_210 = tpu.memref_slice %arg3[%add3A, %dma_start3A_209] : memref<32x10000xi32, #tpu.memory_space<hbm>> -> memref<1x10000xi32, #tpu.memory_space<hbm>>
      %dma_start3A_211 = tpu.memref_squeeze %dma_start3A_210 : memref<1x10000xi32, #tpu.memory_space<hbm>> -> memref<10000xi32, #tpu.memory_space<hbm>>
      %dma_start3A_212 = arith.constant 0 : i32
      %dma_start3A_213 = tpu.memref_slice %arg3[%add3A, %dma_start3A_212] : memref<32x10000xi32, #tpu.memory_space<hbm>> -> memref<1x10000xi32, #tpu.memory_space<hbm>>
      %dma_start3A_214 = tpu.memref_squeeze %dma_start3A_213 : memref<1x10000xi32, #tpu.memory_space<hbm>> -> memref<10000xi32, #tpu.memory_space<hbm>>
      tpu.enqueue_dma source(%dma_start3A_214 : memref<10000xi32, #tpu.memory_space<hbm>>) target(%arg6 : memref<10000xi32, #tpu.memory_space<vmem>>) target_semaphore(%run_scoped3A : memref<!tpu.dma_semaphore, #tpu.memory_space<semaphore_mem>>)
      %dma_wait3A_215 = arith.constant 0 : i32
      %dma_wait3A_216 = tpu.memref_slice %arg3[%add3A, %dma_wait3A_215] : memref<32x10000xi32, #tpu.memory_space<hbm>> -> memref<1x10000xi32, #tpu.memory_space<hbm>>
      %dma_wait3A_217 = tpu.memref_squeeze %dma_wait3A_216 : memref<1x10000xi32, #tpu.memory_space<hbm>> -> memref<10000xi32, #tpu.memory_space<hbm>>
      %dma_wait3A_218 = arith.constant 0 : i32
      %dma_wait3A_219 = tpu.memref_slice %arg3[%add3A, %dma_wait3A_218] : memref<32x10000xi32, #tpu.memory_space<hbm>> -> memref<1x10000xi32, #tpu.memory_space<hbm>>
      %dma_wait3A_220 = tpu.memref_squeeze %dma_wait3A_219 : memref<1x10000xi32, #tpu.memory_space<hbm>> -> memref<10000xi32, #tpu.memory_space<hbm>>
      tpu.wait_dma2 semaphore(%run_scoped3A : memref<!tpu.dma_semaphore, #tpu.memory_space<semaphore_mem>>) src(%dma_wait3A_220 : memref<10000xi32, #tpu.memory_space<hbm>>) dst(%arg6 : memref<10000xi32, #tpu.memory_space<vmem>>)
      tpu.yield
    }) : () -> ()
    "tpu.region"() ({
      %run_scoped3A = tpu.sem_alloc : memref<!tpu.dma_semaphore, #tpu.memory_space<semaphore_mem>>
      %dma_start3A_209 = arith.constant 0 : i32
      %dma_start3A_210 = tpu.memref_slice %arg4[%add3A, %dma_start3A_209] : memref<32x10000xi32, #tpu.memory_space<hbm>> -> memref<1x10000xi32, #tpu.memory_space<hbm>>
      %dma_start3A_211 = tpu.memref_squeeze %dma_start3A_210 : memref<1x10000xi32, #tpu.memory_space<hbm>> -> memref<10000xi32, #tpu.memory_space<hbm>>
      %dma_start3A_212 = arith.constant 0 : i32
      %dma_start3A_213 = tpu.memref_slice %arg4[%add3A, %dma_start3A_212] : memref<32x10000xi32, #tpu.memory_space<hbm>> -> memref<1x10000xi32, #tpu.memory_space<hbm>>
      %dma_start3A_214 = tpu.memref_squeeze %dma_start3A_213 : memref<1x10000xi32, #tpu.memory_space<hbm>> -> memref<10000xi32, #tpu.memory_space<hbm>>
      tpu.enqueue_dma source(%dma_start3A_214 : memref<10000xi32, #tpu.memory_space<hbm>>) target(%arg7 : memref<10000xi32, #tpu.memory_space<vmem>>) target_semaphore(%run_scoped3A : memref<!tpu.dma_semaphore, #tpu.memory_space<semaphore_mem>>)
      %dma_wait3A_215 = arith.constant 0 : i32
      %dma_wait3A_216 = tpu.memref_slice %arg4[%add3A, %dma_wait3A_215] : memref<32x10000xi32, #tpu.memory_space<hbm>> -> memref<1x10000xi32, #tpu.memory_space<hbm>>
      %dma_wait3A_217 = tpu.memref_squeeze %dma_wait3A_216 : memref<1x10000xi32, #tpu.memory_space<hbm>> -> memref<10000xi32, #tpu.memory_space<hbm>>
      %dma_wait3A_218 = arith.constant 0 : i32
      %dma_wait3A_219 = tpu.memref_slice %arg4[%add3A, %dma_wait3A_218] : memref<32x10000xi32, #tpu.memory_space<hbm>> -> memref<1x10000xi32, #tpu.memory_space<hbm>>
      %dma_wait3A_220 = tpu.memref_squeeze %dma_wait3A_219 : memref<1x10000xi32, #tpu.memory_space<hbm>> -> memref<10000xi32, #tpu.memory_space<hbm>>
      tpu.wait_dma2 semaphore(%run_scoped3A : memref<!tpu.dma_semaphore, #tpu.memory_space<semaphore_mem>>) src(%dma_wait3A_220 : memref<10000xi32, #tpu.memory_space<hbm>>) dst(%arg7 : memref<10000xi32, #tpu.memory_space<vmem>>)
      tpu.yield
    }) : () -> ()
    %barrier3A = arith.constant 0 : index
    tpu.barrier barrier_id(%barrier3A)
    %min3A = arith.constant 0 : i32
    %min3A_15 = arith.constant 124 : i32
    %min3A_16 = arith.minsi %min3A, %min3A_15 : i32
    %mul3A_17 = arith.constant 80 : i32
    %mul3A_18 = arith.muli %min3A_16, %mul3A_17 : i32
    %multiple_of3A_19 = tpu.assume_multiple %mul3A_18, 80 : i32
    %dma_start3A = tpu.memref_slice %arg6[%multiple_of3A_19] : memref<10000xi32, #tpu.memory_space<vmem>> -> memref<80xi32, #tpu.memory_space<vmem>>
    %dma_start3A_20 = arith.constant 0 : i32
    %dma_start3A_21 = arith.constant 0 : i32
    %dma_start3A_22 = tpu.memref_slice %arg2[%dma_start3A_20, %dma_start3A_21] : memref<10000x128xf32, #tpu.memory_space<hbm>> -> memref<10000x128xf32, #tpu.memory_space<hbm>>
    tpu.enqueue_indirect_dma source(%dma_start3A_22 : memref<10000x128xf32, #tpu.memory_space<hbm>>) target(%arg9 : memref<80x128xf32, #tpu.memory_space<vmem>>) offsets(%dma_start3A : memref<80xi32, #tpu.memory_space<vmem>>) semaphore(%arg13 : memref<!tpu.dma_semaphore, #tpu.memory_space<semaphore_mem>>)
    %min3A_23 = arith.constant 1 : i32
    %min3A_24 = arith.constant 124 : i32
    %min3A_25 = arith.minsi %min3A_23, %min3A_24 : i32
    %mul3A_26 = arith.constant 80 : i32
    %mul3A_27 = arith.muli %min3A_25, %mul3A_26 : i32
    %multiple_of3A_28 = tpu.assume_multiple %mul3A_27, 80 : i32
    %dma_start3A_29 = tpu.memref_slice %arg6[%multiple_of3A_28] : memref<10000xi32, #tpu.memory_space<vmem>> -> memref<80xi32, #tpu.memory_space<vmem>>
    %dma_start3A_30 = arith.constant 0 : i32
    %dma_start3A_31 = arith.constant 0 : i32
    %dma_start3A_32 = tpu.memref_slice %arg2[%dma_start3A_30, %dma_start3A_31] : memref<10000x128xf32, #tpu.memory_space<hbm>> -> memref<10000x128xf32, #tpu.memory_space<hbm>>
    tpu.enqueue_indirect_dma source(%dma_start3A_32 : memref<10000x128xf32, #tpu.memory_space<hbm>>) target(%arg10 : memref<80x128xf32, #tpu.memory_space<vmem>>) offsets(%dma_start3A_29 : memref<80xi32, #tpu.memory_space<vmem>>) semaphore(%arg13 : memref<!tpu.dma_semaphore, #tpu.memory_space<semaphore_mem>>)
    %min3A_33 = arith.constant 2 : i32
    %min3A_34 = arith.constant 124 : i32
    %min3A_35 = arith.minsi %min3A_33, %min3A_34 : i32
    %mul3A_36 = arith.constant 80 : i32
    %mul3A_37 = arith.muli %min3A_35, %mul3A_36 : i32
    %multiple_of3A_38 = tpu.assume_multiple %mul3A_37, 80 : i32
    %dma_start3A_39 = tpu.memref_slice %arg6[%multiple_of3A_38] : memref<10000xi32, #tpu.memory_space<vmem>> -> memref<80xi32, #tpu.memory_space<vmem>>
    %dma_start3A_40 = arith.constant 0 : i32
    %dma_start3A_41 = arith.constant 0 : i32
    %dma_start3A_42 = tpu.memref_slice %arg2[%dma_start3A_40, %dma_start3A_41] : memref<10000x128xf32, #tpu.memory_space<hbm>> -> memref<10000x128xf32, #tpu.memory_space<hbm>>
    tpu.enqueue_indirect_dma source(%dma_start3A_42 : memref<10000x128xf32, #tpu.memory_space<hbm>>) target(%arg11 : memref<80x128xf32, #tpu.memory_space<vmem>>) offsets(%dma_start3A_39 : memref<80xi32, #tpu.memory_space<vmem>>) semaphore(%arg13 : memref<!tpu.dma_semaphore, #tpu.memory_space<semaphore_mem>>)
    %scan3A_43 = arith.constant 0 : i32
    %scan3A_44 = arith.constant 0 : i32
    %scan3A_45 = arith.constant 41 : i32
    %scan3A_46 = arith.addi %scan3A_44, %scan3A_45 : i32
    %scan3A_47 = arith.constant 1 : i32
    %scan3A_48 = scf.for %scan3A_209 = %scan3A_44 to %scan3A_46 step %scan3A_47 iter_args(%scan3A_210 = %scan3A_43) -> (i32)  : i32 {
      %mul3A_211 = arith.constant 3 : i32
      %mul3A_212 = arith.muli %scan3A_209, %mul3A_211 : i32
      %add3A_213 = arith.constant 0 : i32
      %add3A_214 = arith.addi %mul3A_212, %add3A_213 : i32
      %mul3A_215 = arith.constant 80 : i32
      %mul3A_216 = arith.muli %add3A_214, %mul3A_215 : i32
      %multiple_of3A_217 = tpu.assume_multiple %mul3A_216, 80 : i32
      %add3A_218 = arith.constant 0 : i32
      %add3A_219 = arith.addi %multiple_of3A_217, %add3A_218 : i32
      %get3A_220 = arith.index_cast %add3A_219 : i32 to index
      %get3A_221 = tpu.vector_load %arg7[%get3A_220] {strides = array<i32>} : memref<10000xi32, #tpu.memory_space<vmem>>, vector<16xi32>,
      %get3A_222 = vector.shape_cast %get3A_221 : vector<16xi32> to vector<16xi32>
      %swap3A_223 = arith.constant 0 : index
      %swap3A_224 = tpu.vector_load %arg8[%swap3A_223] {strides = array<i32>} : memref<80xi32, #tpu.memory_space<vmem>>, vector<16xi32>,
      %swap3A_225 = vector.shape_cast %swap3A_224 : vector<16xi32> to vector<16xi32>
      %swap3A_226 = vector.shape_cast %get3A_222 : vector<16xi32> to vector<16xi32>
      tpu.vector_store %arg8[%swap3A_223], %swap3A_226 {strides = array<i32>} : memref<80xi32, #tpu.memory_space<vmem>>, vector<16xi32>,
      %add3A_227 = arith.constant 16 : i32
      %add3A_228 = arith.addi %multiple_of3A_217, %add3A_227 : i32
      %get3A_229 = arith.index_cast %add3A_228 : i32 to index
      %get3A_230 = tpu.vector_load %arg7[%get3A_229] {strides = array<i32>} : memref<10000xi32, #tpu.memory_space<vmem>>, vector<16xi32>,
      %get3A_231 = vector.shape_cast %get3A_230 : vector<16xi32> to vector<16xi32>
      %swap3A_232 = arith.constant 16 : index
      %swap3A_233 = tpu.vector_load %arg8[%swap3A_232] {strides = array<i32>} : memref<80xi32, #tpu.memory_space<vmem>>, vector<16xi32>,
      %swap3A_234 = vector.shape_cast %swap3A_233 : vector<16xi32> to vector<16xi32>
      %swap3A_235 = vector.shape_cast %get3A_231 : vector<16xi32> to vector<16xi32>
      tpu.vector_store %arg8[%swap3A_232], %swap3A_235 {strides = array<i32>} : memref<80xi32, #tpu.memory_space<vmem>>, vector<16xi32>,
      %add3A_236 = arith.constant 32 : i32
      %add3A_237 = arith.addi %multiple_of3A_217, %add3A_236 : i32
      %get3A_238 = arith.index_cast %add3A_237 : i32 to index
      %get3A_239 = tpu.vector_load %arg7[%get3A_238] {strides = array<i32>} : memref<10000xi32, #tpu.memory_space<vmem>>, vector<16xi32>,
      %get3A_240 = vector.shape_cast %get3A_239 : vector<16xi32> to vector<16xi32>
      %swap3A_241 = arith.constant 32 : index
      %swap3A_242 = tpu.vector_load %arg8[%swap3A_241] {strides = array<i32>} : memref<80xi32, #tpu.memory_space<vmem>>, vector<16xi32>,
      %swap3A_243 = vector.shape_cast %swap3A_242 : vector<16xi32> to vector<16xi32>
      %swap3A_244 = vector.shape_cast %get3A_240 : vector<16xi32> to vector<16xi32>
      tpu.vector_store %arg8[%swap3A_241], %swap3A_244 {strides = array<i32>} : memref<80xi32, #tpu.memory_space<vmem>>, vector<16xi32>,
      %add3A_245 = arith.constant 48 : i32
      %add3A_246 = arith.addi %multiple_of3A_217, %add3A_245 : i32
      %get3A_247 = arith.index_cast %add3A_246 : i32 to index
      %get3A_248 = tpu.vector_load %arg7[%get3A_247] {strides = array<i32>} : memref<10000xi32, #tpu.memory_space<vmem>>, vector<16xi32>,
      %get3A_249 = vector.shape_cast %get3A_248 : vector<16xi32> to vector<16xi32>
      %swap3A_250 = arith.constant 48 : index
      %swap3A_251 = tpu.vector_load %arg8[%swap3A_250] {strides = array<i32>} : memref<80xi32, #tpu.memory_space<vmem>>, vector<16xi32>,
      %swap3A_252 = vector.shape_cast %swap3A_251 : vector<16xi32> to vector<16xi32>
      %swap3A_253 = vector.shape_cast %get3A_249 : vector<16xi32> to vector<16xi32>
      tpu.vector_store %arg8[%swap3A_250], %swap3A_253 {strides = array<i32>} : memref<80xi32, #tpu.memory_space<vmem>>, vector<16xi32>,
      %add3A_254 = arith.constant 64 : i32
      %add3A_255 = arith.addi %multiple_of3A_217, %add3A_254 : i32
      %get3A_256 = arith.index_cast %add3A_255 : i32 to index
      %get3A_257 = tpu.vector_load %arg7[%get3A_256] {strides = array<i32>} : memref<10000xi32, #tpu.memory_space<vmem>>, vector<16xi32>,
      %get3A_258 = vector.shape_cast %get3A_257 : vector<16xi32> to vector<16xi32>
      %swap3A_259 = arith.constant 64 : index
      %swap3A_260 = tpu.vector_load %arg8[%swap3A_259] {strides = array<i32>} : memref<80xi32, #tpu.memory_space<vmem>>, vector<16xi32>,
      %swap3A_261 = vector.shape_cast %swap3A_260 : vector<16xi32> to vector<16xi32>
      %swap3A_262 = vector.shape_cast %get3A_258 : vector<16xi32> to vector<16xi32>
      tpu.vector_store %arg8[%swap3A_259], %swap3A_262 {strides = array<i32>} : memref<80xi32, #tpu.memory_space<vmem>>, vector<16xi32>,
      %dma_wait3A_263 = arith.constant 0 : i32
      %dma_wait3A_264 = tpu.memref_slice %arg6[%dma_wait3A_263] : memref<10000xi32, #tpu.memory_space<vmem>> -> memref<80xi32, #tpu.memory_space<vmem>>
      %dma_wait3A_265 = arith.constant 0 : i32
      %dma_wait3A_266 = arith.constant 0 : i32
      %dma_wait3A_267 = tpu.memref_slice %arg2[%dma_wait3A_265, %dma_wait3A_266] : memref<10000x128xf32, #tpu.memory_space<hbm>> -> memref<10000x128xf32, #tpu.memory_space<hbm>>
      tpu.wait_indirect_dma semaphore(%arg13 : memref<!tpu.dma_semaphore, #tpu.memory_space<semaphore_mem>>) src(%dma_wait3A_267 : memref<10000x128xf32, #tpu.memory_space<hbm>>) dst(%arg9 : memref<80x128xf32, #tpu.memory_space<vmem>>)
      %dma_start3A_268 = arith.constant 0 : i32
      %dma_start3A_269 = arith.constant 0 : i32
      %dma_start3A_270 = tpu.memref_slice %arg12[%dma_start3A_268, %dma_start3A_269] : memref<10000x128xf32, #tpu.memory_space<vmem_shared>> -> memref<10000x128xf32, #tpu.memory_space<vmem_shared>>
      tpu.enqueue_indirect_dma source(%arg9 : memref<80x128xf32, #tpu.memory_space<vmem>>) target(%dma_start3A_270 : memref<10000x128xf32, #tpu.memory_space<vmem_shared>>) offsets(%arg8 : memref<80xi32, #tpu.memory_space<vmem>>) semaphore(%arg14 : memref<!tpu.dma_semaphore, #tpu.memory_space<semaphore_mem>>) {add = true}
      %dma_wait3A_271 = arith.constant 0 : i32
      %dma_wait3A_272 = arith.constant 0 : i32
      %dma_wait3A_273 = tpu.memref_slice %arg12[%dma_wait3A_271, %dma_wait3A_272] : memref<10000x128xf32, #tpu.memory_space<vmem_shared>> -> memref<10000x128xf32, #tpu.memory_space<vmem_shared>>
      tpu.wait_indirect_dma semaphore(%arg14 : memref<!tpu.dma_semaphore, #tpu.memory_space<semaphore_mem>>) src(%arg9 : memref<80x128xf32, #tpu.memory_space<vmem>>) dst(%dma_wait3A_273 : memref<10000x128xf32, #tpu.memory_space<vmem_shared>>)
      %add3A_274 = arith.constant 3 : i32
      %add3A_275 = arith.addi %add3A_214, %add3A_274 : i32
      %min3A_276 = arith.constant 124 : i32
      %min3A_277 = arith.minsi %add3A_275, %min3A_276 : i32
      %mul3A_278 = arith.constant 80 : i32
      %mul3A_279 = arith.muli %min3A_277, %mul3A_278 : i32
      %multiple_of3A_280 = tpu.assume_multiple %mul3A_279, 80 : i32
      %dma_start3A_281 = tpu.memref_slice %arg6[%multiple_of3A_280] : memref<10000xi32, #tpu.memory_space<vmem>> -> memref<80xi32, #tpu.memory_space<vmem>>
      %dma_start3A_282 = arith.constant 0 : i32
      %dma_start3A_283 = arith.constant 0 : i32
      %dma_start3A_284 = tpu.memref_slice %arg2[%dma_start3A_282, %dma_start3A_283] : memref<10000x128xf32, #tpu.memory_space<hbm>> -> memref<10000x128xf32, #tpu.memory_space<hbm>>
      tpu.enqueue_indirect_dma source(%dma_start3A_284 : memref<10000x128xf32, #tpu.memory_space<hbm>>) target(%arg9 : memref<80x128xf32, #tpu.memory_space<vmem>>) offsets(%dma_start3A_281 : memref<80xi32, #tpu.memory_space<vmem>>) semaphore(%arg13 : memref<!tpu.dma_semaphore, #tpu.memory_space<semaphore_mem>>)
      %mul3A_285 = arith.constant 3 : i32
      %mul3A_286 = arith.muli %scan3A_209, %mul3A_285 : i32
      %add3A_287 = arith.constant 1 : i32
      %add3A_288 = arith.addi %mul3A_286, %add3A_287 : i32
      %mul3A_289 = arith.constant 80 : i32
      %mul3A_290 = arith.muli %add3A_288, %mul3A_289 : i32
      %multiple_of3A_291 = tpu.assume_multiple %mul3A_290, 80 : i32
      %add3A_292 = arith.constant 0 : i32
      %add3A_293 = arith.addi %multiple_of3A_291, %add3A_292 : i32
      %get3A_294 = arith.index_cast %add3A_293 : i32 to index
      %get3A_295 = tpu.vector_load %arg7[%get3A_294] {strides = array<i32>} : memref<10000xi32, #tpu.memory_space<vmem>>, vector<16xi32>,
      %get3A_296 = vector.shape_cast %get3A_295 : vector<16xi32> to vector<16xi32>
      %swap3A_297 = arith.constant 0 : index
      %swap3A_298 = tpu.vector_load %arg8[%swap3A_297] {strides = array<i32>} : memref<80xi32, #tpu.memory_space<vmem>>, vector<16xi32>,
      %swap3A_299 = vector.shape_cast %swap3A_298 : vector<16xi32> to vector<16xi32>
      %swap3A_300 = vector.shape_cast %get3A_296 : vector<16xi32> to vector<16xi32>
      tpu.vector_store %arg8[%swap3A_297], %swap3A_300 {strides = array<i32>} : memref<80xi32, #tpu.memory_space<vmem>>, vector<16xi32>,
      %add3A_301 = arith.constant 16 : i32
      %add3A_302 = arith.addi %multiple_of3A_291, %add3A_301 : i32
      %get3A_303 = arith.index_cast %add3A_302 : i32 to index
      %get3A_304 = tpu.vector_load %arg7[%get3A_303] {strides = array<i32>} : memref<10000xi32, #tpu.memory_space<vmem>>, vector<16xi32>,
      %get3A_305 = vector.shape_cast %get3A_304 : vector<16xi32> to vector<16xi32>
      %swap3A_306 = arith.constant 16 : index
      %swap3A_307 = tpu.vector_load %arg8[%swap3A_306] {strides = array<i32>} : memref<80xi32, #tpu.memory_space<vmem>>, vector<16xi32>,
      %swap3A_308 = vector.shape_cast %swap3A_307 : vector<16xi32> to vector<16xi32>
      %swap3A_309 = vector.shape_cast %get3A_305 : vector<16xi32> to vector<16xi32>
      tpu.vector_store %arg8[%swap3A_306], %swap3A_309 {strides = array<i32>} : memref<80xi32, #tpu.memory_space<vmem>>, vector<16xi32>,
      %add3A_310 = arith.constant 32 : i32
      %add3A_311 = arith.addi %multiple_of3A_291, %add3A_310 : i32
      %get3A_312 = arith.index_cast %add3A_311 : i32 to index
      %get3A_313 = tpu.vector_load %arg7[%get3A_312] {strides = array<i32>} : memref<10000xi32, #tpu.memory_space<vmem>>, vector<16xi32>,
      %get3A_314 = vector.shape_cast %get3A_313 : vector<16xi32> to vector<16xi32>
      %swap3A_315 = arith.constant 32 : index
      %swap3A_316 = tpu.vector_load %arg8[%swap3A_315] {strides = array<i32>} : memref<80xi32, #tpu.memory_space<vmem>>, vector<16xi32>,
      %swap3A_317 = vector.shape_cast %swap3A_316 : vector<16xi32> to vector<16xi32>
      %swap3A_318 = vector.shape_cast %get3A_314 : vector<16xi32> to vector<16xi32>
      tpu.vector_store %arg8[%swap3A_315], %swap3A_318 {strides = array<i32>} : memref<80xi32, #tpu.memory_space<vmem>>, vector<16xi32>,
      %add3A_319 = arith.constant 48 : i32
      %add3A_320 = arith.addi %multiple_of3A_291, %add3A_319 : i32
      %get3A_321 = arith.index_cast %add3A_320 : i32 to index
      %get3A_322 = tpu.vector_load %arg7[%get3A_321] {strides = array<i32>} : memref<10000xi32, #tpu.memory_space<vmem>>, vector<16xi32>,
      %get3A_323 = vector.shape_cast %get3A_322 : vector<16xi32> to vector<16xi32>
      %swap3A_324 = arith.constant 48 : index
      %swap3A_325 = tpu.vector_load %arg8[%swap3A_324] {strides = array<i32>} : memref<80xi32, #tpu.memory_space<vmem>>, vector<16xi32>,
      %swap3A_326 = vector.shape_cast %swap3A_325 : vector<16xi32> to vector<16xi32>
      %swap3A_327 = vector.shape_cast %get3A_323 : vector<16xi32> to vector<16xi32>
      tpu.vector_store %arg8[%swap3A_324], %swap3A_327 {strides = array<i32>} : memref<80xi32, #tpu.memory_space<vmem>>, vector<16xi32>,
      %add3A_328 = arith.constant 64 : i32
      %add3A_329 = arith.addi %multiple_of3A_291, %add3A_328 : i32
      %get3A_330 = arith.index_cast %add3A_329 : i32 to index
      %get3A_331 = tpu.vector_load %arg7[%get3A_330] {strides = array<i32>} : memref<10000xi32, #tpu.memory_space<vmem>>, vector<16xi32>,
      %get3A_332 = vector.shape_cast %get3A_331 : vector<16xi32> to vector<16xi32>
      %swap3A_333 = arith.constant 64 : index
      %swap3A_334 = tpu.vector_load %arg8[%swap3A_333] {strides = array<i32>} : memref<80xi32, #tpu.memory_space<vmem>>, vector<16xi32>,
      %swap3A_335 = vector.shape_cast %swap3A_334 : vector<16xi32> to vector<16xi32>
      %swap3A_336 = vector.shape_cast %get3A_332 : vector<16xi32> to vector<16xi32>
      tpu.vector_store %arg8[%swap3A_333], %swap3A_336 {strides = array<i32>} : memref<80xi32, #tpu.memory_space<vmem>>, vector<16xi32>,
      %dma_wait3A_337 = arith.constant 0 : i32
      %dma_wait3A_338 = tpu.memref_slice %arg6[%dma_wait3A_337] : memref<10000xi32, #tpu.memory_space<vmem>> -> memref<80xi32, #tpu.memory_space<vmem>>
      %dma_wait3A_339 = arith.constant 0 : i32
      %dma_wait3A_340 = arith.constant 0 : i32
      %dma_wait3A_341 = tpu.memref_slice %arg2[%dma_wait3A_339, %dma_wait3A_340] : memref<10000x128xf32, #tpu.memory_space<hbm>> -> memref<10000x128xf32, #tpu.memory_space<hbm>>
      tpu.wait_indirect_dma semaphore(%arg13 : memref<!tpu.dma_semaphore, #tpu.memory_space<semaphore_mem>>) src(%dma_wait3A_341 : memref<10000x128xf32, #tpu.memory_space<hbm>>) dst(%arg10 : memref<80x128xf32, #tpu.memory_space<vmem>>)
      %dma_start3A_342 = arith.constant 0 : i32
      %dma_start3A_343 = arith.constant 0 : i32
      %dma_start3A_344 = tpu.memref_slice %arg12[%dma_start3A_342, %dma_start3A_343] : memref<10000x128xf32, #tpu.memory_space<vmem_shared>> -> memref<10000x128xf32, #tpu.memory_space<vmem_shared>>
      tpu.enqueue_indirect_dma source(%arg10 : memref<80x128xf32, #tpu.memory_space<vmem>>) target(%dma_start3A_344 : memref<10000x128xf32, #tpu.memory_space<vmem_shared>>) offsets(%arg8 : memref<80xi32, #tpu.memory_space<vmem>>) semaphore(%arg14 : memref<!tpu.dma_semaphore, #tpu.memory_space<semaphore_mem>>) {add = true}
      %dma_wait3A_345 = arith.constant 0 : i32
      %dma_wait3A_346 = arith.constant 0 : i32
      %dma_wait3A_347 = tpu.memref_slice %arg12[%dma_wait3A_345, %dma_wait3A_346] : memref<10000x128xf32, #tpu.memory_space<vmem_shared>> -> memref<10000x128xf32, #tpu.memory_space<vmem_shared>>
      tpu.wait_indirect_dma semaphore(%arg14 : memref<!tpu.dma_semaphore, #tpu.memory_space<semaphore_mem>>) src(%arg10 : memref<80x128xf32, #tpu.memory_space<vmem>>) dst(%dma_wait3A_347 : memref<10000x128xf32, #tpu.memory_space<vmem_shared>>)
      %add3A_348 = arith.constant 3 : i32
      %add3A_349 = arith.addi %add3A_288, %add3A_348 : i32
      %min3A_350 = arith.constant 124 : i32
      %min3A_351 = arith.minsi %add3A_349, %min3A_350 : i32
      %mul3A_352 = arith.constant 80 : i32
      %mul3A_353 = arith.muli %min3A_351, %mul3A_352 : i32
      %multiple_of3A_354 = tpu.assume_multiple %mul3A_353, 80 : i32
      %dma_start3A_355 = tpu.memref_slice %arg6[%multiple_of3A_354] : memref<10000xi32, #tpu.memory_space<vmem>> -> memref<80xi32, #tpu.memory_space<vmem>>
      %dma_start3A_356 = arith.constant 0 : i32
      %dma_start3A_357 = arith.constant 0 : i32
      %dma_start3A_358 = tpu.memref_slice %arg2[%dma_start3A_356, %dma_start3A_357] : memref<10000x128xf32, #tpu.memory_space<hbm>> -> memref<10000x128xf32, #tpu.memory_space<hbm>>
      tpu.enqueue_indirect_dma source(%dma_start3A_358 : memref<10000x128xf32, #tpu.memory_space<hbm>>) target(%arg10 : memref<80x128xf32, #tpu.memory_space<vmem>>) offsets(%dma_start3A_355 : memref<80xi32, #tpu.memory_space<vmem>>) semaphore(%arg13 : memref<!tpu.dma_semaphore, #tpu.memory_space<semaphore_mem>>)
      %mul3A_359 = arith.constant 3 : i32
      %mul3A_360 = arith.muli %scan3A_209, %mul3A_359 : i32
      %add3A_361 = arith.constant 2 : i32
      %add3A_362 = arith.addi %mul3A_360, %add3A_361 : i32
      %mul3A_363 = arith.constant 80 : i32
      %mul3A_364 = arith.muli %add3A_362, %mul3A_363 : i32
      %multiple_of3A_365 = tpu.assume_multiple %mul3A_364, 80 : i32
      %add3A_366 = arith.constant 0 : i32
      %add3A_367 = arith.addi %multiple_of3A_365, %add3A_366 : i32
      %get3A_368 = arith.index_cast %add3A_367 : i32 to index
      %get3A_369 = tpu.vector_load %arg7[%get3A_368] {strides = array<i32>} : memref<10000xi32, #tpu.memory_space<vmem>>, vector<16xi32>,
      %get3A_370 = vector.shape_cast %get3A_369 : vector<16xi32> to vector<16xi32>
      %swap3A_371 = arith.constant 0 : index
      %swap3A_372 = tpu.vector_load %arg8[%swap3A_371] {strides = array<i32>} : memref<80xi32, #tpu.memory_space<vmem>>, vector<16xi32>,
      %swap3A_373 = vector.shape_cast %swap3A_372 : vector<16xi32> to vector<16xi32>
      %swap3A_374 = vector.shape_cast %get3A_370 : vector<16xi32> to vector<16xi32>
      tpu.vector_store %arg8[%swap3A_371], %swap3A_374 {strides = array<i32>} : memref<80xi32, #tpu.memory_space<vmem>>, vector<16xi32>,
      %add3A_375 = arith.constant 16 : i32
      %add3A_376 = arith.addi %multiple_of3A_365, %add3A_375 : i32
      %get3A_377 = arith.index_cast %add3A_376 : i32 to index
      %get3A_378 = tpu.vector_load %arg7[%get3A_377] {strides = array<i32>} : memref<10000xi32, #tpu.memory_space<vmem>>, vector<16xi32>,
      %get3A_379 = vector.shape_cast %get3A_378 : vector<16xi32> to vector<16xi32>
      %swap3A_380 = arith.constant 16 : index
      %swap3A_381 = tpu.vector_load %arg8[%swap3A_380] {strides = array<i32>} : memref<80xi32, #tpu.memory_space<vmem>>, vector<16xi32>,
      %swap3A_382 = vector.shape_cast %swap3A_381 : vector<16xi32> to vector<16xi32>
      %swap3A_383 = vector.shape_cast %get3A_379 : vector<16xi32> to vector<16xi32>
      tpu.vector_store %arg8[%swap3A_380], %swap3A_383 {strides = array<i32>} : memref<80xi32, #tpu.memory_space<vmem>>, vector<16xi32>,
      %add3A_384 = arith.constant 32 : i32
      %add3A_385 = arith.addi %multiple_of3A_365, %add3A_384 : i32
      %get3A_386 = arith.index_cast %add3A_385 : i32 to index
      %get3A_387 = tpu.vector_load %arg7[%get3A_386] {strides = array<i32>} : memref<10000xi32, #tpu.memory_space<vmem>>, vector<16xi32>,
      %get3A_388 = vector.shape_cast %get3A_387 : vector<16xi32> to vector<16xi32>
      %swap3A_389 = arith.constant 32 : index
      %swap3A_390 = tpu.vector_load %arg8[%swap3A_389] {strides = array<i32>} : memref<80xi32, #tpu.memory_space<vmem>>, vector<16xi32>,
      %swap3A_391 = vector.shape_cast %swap3A_390 : vector<16xi32> to vector<16xi32>
      %swap3A_392 = vector.shape_cast %get3A_388 : vector<16xi32> to vector<16xi32>
      tpu.vector_store %arg8[%swap3A_389], %swap3A_392 {strides = array<i32>} : memref<80xi32, #tpu.memory_space<vmem>>, vector<16xi32>,
      %add3A_393 = arith.constant 48 : i32
      %add3A_394 = arith.addi %multiple_of3A_365, %add3A_393 : i32
      %get3A_395 = arith.index_cast %add3A_394 : i32 to index
      %get3A_396 = tpu.vector_load %arg7[%get3A_395] {strides = array<i32>} : memref<10000xi32, #tpu.memory_space<vmem>>, vector<16xi32>,
      %get3A_397 = vector.shape_cast %get3A_396 : vector<16xi32> to vector<16xi32>
      %swap3A_398 = arith.constant 48 : index
      %swap3A_399 = tpu.vector_load %arg8[%swap3A_398] {strides = array<i32>} : memref<80xi32, #tpu.memory_space<vmem>>, vector<16xi32>,
      %swap3A_400 = vector.shape_cast %swap3A_399 : vector<16xi32> to vector<16xi32>
      %swap3A_401 = vector.shape_cast %get3A_397 : vector<16xi32> to vector<16xi32>
      tpu.vector_store %arg8[%swap3A_398], %swap3A_401 {strides = array<i32>} : memref<80xi32, #tpu.memory_space<vmem>>, vector<16xi32>,
      %add3A_402 = arith.constant 64 : i32
      %add3A_403 = arith.addi %multiple_of3A_365, %add3A_402 : i32
      %get3A_404 = arith.index_cast %add3A_403 : i32 to index
      %get3A_405 = tpu.vector_load %arg7[%get3A_404] {strides = array<i32>} : memref<10000xi32, #tpu.memory_space<vmem>>, vector<16xi32>,
      %get3A_406 = vector.shape_cast %get3A_405 : vector<16xi32> to vector<16xi32>
      %swap3A_407 = arith.constant 64 : index
      %swap3A_408 = tpu.vector_load %arg8[%swap3A_407] {strides = array<i32>} : memref<80xi32, #tpu.memory_space<vmem>>, vector<16xi32>,
      %swap3A_409 = vector.shape_cast %swap3A_408 : vector<16xi32> to vector<16xi32>
      %swap3A_410 = vector.shape_cast %get3A_406 : vector<16xi32> to vector<16xi32>
      tpu.vector_store %arg8[%swap3A_407], %swap3A_410 {strides = array<i32>} : memref<80xi32, #tpu.memory_space<vmem>>, vector<16xi32>,
      %dma_wait3A_411 = arith.constant 0 : i32
      %dma_wait3A_412 = tpu.memref_slice %arg6[%dma_wait3A_411] : memref<10000xi32, #tpu.memory_space<vmem>> -> memref<80xi32, #tpu.memory_space<vmem>>
      %dma_wait3A_413 = arith.constant 0 : i32
      %dma_wait3A_414 = arith.constant 0 : i32
      %dma_wait3A_415 = tpu.memref_slice %arg2[%dma_wait3A_413, %dma_wait3A_414] : memref<10000x128xf32, #tpu.memory_space<hbm>> -> memref<10000x128xf32, #tpu.memory_space<hbm>>
      tpu.wait_indirect_dma semaphore(%arg13 : memref<!tpu.dma_semaphore, #tpu.memory_space<semaphore_mem>>) src(%dma_wait3A_415 : memref<10000x128xf32, #tpu.memory_space<hbm>>) dst(%arg11 : memref<80x128xf32, #tpu.memory_space<vmem>>)
      %dma_start3A_416 = arith.constant 0 : i32
      %dma_start3A_417 = arith.constant 0 : i32
      %dma_start3A_418 = tpu.memref_slice %arg12[%dma_start3A_416, %dma_start3A_417] : memref<10000x128xf32, #tpu.memory_space<vmem_shared>> -> memref<10000x128xf32, #tpu.memory_space<vmem_shared>>
      tpu.enqueue_indirect_dma source(%arg11 : memref<80x128xf32, #tpu.memory_space<vmem>>) target(%dma_start3A_418 : memref<10000x128xf32, #tpu.memory_space<vmem_shared>>) offsets(%arg8 : memref<80xi32, #tpu.memory_space<vmem>>) semaphore(%arg14 : memref<!tpu.dma_semaphore, #tpu.memory_space<semaphore_mem>>) {add = true}
      %dma_wait3A_419 = arith.constant 0 : i32
      %dma_wait3A_420 = arith.constant 0 : i32
      %dma_wait3A_421 = tpu.memref_slice %arg12[%dma_wait3A_419, %dma_wait3A_420] : memref<10000x128xf32, #tpu.memory_space<vmem_shared>> -> memref<10000x128xf32, #tpu.memory_space<vmem_shared>>
      tpu.wait_indirect_dma semaphore(%arg14 : memref<!tpu.dma_semaphore, #tpu.memory_space<semaphore_mem>>) src(%arg11 : memref<80x128xf32, #tpu.memory_space<vmem>>) dst(%dma_wait3A_421 : memref<10000x128xf32, #tpu.memory_space<vmem_shared>>)
      %add3A_422 = arith.constant 3 : i32
      %add3A_423 = arith.addi %add3A_362, %add3A_422 : i32
      %min3A_424 = arith.constant 124 : i32
      %min3A_425 = arith.minsi %add3A_423, %min3A_424 : i32
      %mul3A_426 = arith.constant 80 : i32
      %mul3A_427 = arith.muli %min3A_425, %mul3A_426 : i32
      %multiple_of3A_428 = tpu.assume_multiple %mul3A_427, 80 : i32
      %dma_start3A_429 = tpu.memref_slice %arg6[%multiple_of3A_428] : memref<10000xi32, #tpu.memory_space<vmem>> -> memref<80xi32, #tpu.memory_space<vmem>>
      %dma_start3A_430 = arith.constant 0 : i32
      %dma_start3A_431 = arith.constant 0 : i32
      %dma_start3A_432 = tpu.memref_slice %arg2[%dma_start3A_430, %dma_start3A_431] : memref<10000x128xf32, #tpu.memory_space<hbm>> -> memref<10000x128xf32, #tpu.memory_space<hbm>>
      tpu.enqueue_indirect_dma source(%dma_start3A_432 : memref<10000x128xf32, #tpu.memory_space<hbm>>) target(%arg11 : memref<80x128xf32, #tpu.memory_space<vmem>>) offsets(%dma_start3A_429 : memref<80xi32, #tpu.memory_space<vmem>>) semaphore(%arg13 : memref<!tpu.dma_semaphore, #tpu.memory_space<semaphore_mem>>)
      %scan3A_433 = arith.constant 0 : i32
      scf.yield %scan3A_433 : i32
    }
    %scan3A_49 = arith.constant 41 : i32
    %multiple_of3A_50 = arith.constant 9840 : i32
    %multiple_of3A_51 = tpu.assume_multiple %multiple_of3A_50, 80 : i32
    %add3A_52 = arith.constant 0 : i32
    %add3A_53 = arith.addi %multiple_of3A_51, %add3A_52 : i32
    %get3A = arith.index_cast %add3A_53 : i32 to index
    %get3A_54 = tpu.vector_load %arg7[%get3A] {strides = array<i32>} : memref<10000xi32, #tpu.memory_space<vmem>>, vector<16xi32>,
    %get3A_55 = vector.shape_cast %get3A_54 : vector<16xi32> to vector<16xi32>
    %swap3A = arith.constant 0 : index
    %swap3A_56 = tpu.vector_load %arg8[%swap3A] {strides = array<i32>} : memref<80xi32, #tpu.memory_space<vmem>>, vector<16xi32>,
    %swap3A_57 = vector.shape_cast %swap3A_56 : vector<16xi32> to vector<16xi32>
    %swap3A_58 = vector.shape_cast %get3A_55 : vector<16xi32> to vector<16xi32>
    tpu.vector_store %arg8[%swap3A], %swap3A_58 {strides = array<i32>} : memref<80xi32, #tpu.memory_space<vmem>>, vector<16xi32>,
    %add3A_59 = arith.constant 16 : i32
    %add3A_60 = arith.addi %multiple_of3A_51, %add3A_59 : i32
    %get3A_61 = arith.index_cast %add3A_60 : i32 to index
    %get3A_62 = tpu.vector_load %arg7[%get3A_61] {strides = array<i32>} : memref<10000xi32, #tpu.memory_space<vmem>>, vector<16xi32>,
    %get3A_63 = vector.shape_cast %get3A_62 : vector<16xi32> to vector<16xi32>
    %swap3A_64 = arith.constant 16 : index
    %swap3A_65 = tpu.vector_load %arg8[%swap3A_64] {strides = array<i32>} : memref<80xi32, #tpu.memory_space<vmem>>, vector<16xi32>,
    %swap3A_66 = vector.shape_cast %swap3A_65 : vector<16xi32> to vector<16xi32>
    %swap3A_67 = vector.shape_cast %get3A_63 : vector<16xi32> to vector<16xi32>
    tpu.vector_store %arg8[%swap3A_64], %swap3A_67 {strides = array<i32>} : memref<80xi32, #tpu.memory_space<vmem>>, vector<16xi32>,
    %add3A_68 = arith.constant 32 : i32
    %add3A_69 = arith.addi %multiple_of3A_51, %add3A_68 : i32
    %get3A_70 = arith.index_cast %add3A_69 : i32 to index
    %get3A_71 = tpu.vector_load %arg7[%get3A_70] {strides = array<i32>} : memref<10000xi32, #tpu.memory_space<vmem>>, vector<16xi32>,
    %get3A_72 = vector.shape_cast %get3A_71 : vector<16xi32> to vector<16xi32>
    %swap3A_73 = arith.constant 32 : index
    %swap3A_74 = tpu.vector_load %arg8[%swap3A_73] {strides = array<i32>} : memref<80xi32, #tpu.memory_space<vmem>>, vector<16xi32>,
    %swap3A_75 = vector.shape_cast %swap3A_74 : vector<16xi32> to vector<16xi32>
    %swap3A_76 = vector.shape_cast %get3A_72 : vector<16xi32> to vector<16xi32>
    tpu.vector_store %arg8[%swap3A_73], %swap3A_76 {strides = array<i32>} : memref<80xi32, #tpu.memory_space<vmem>>, vector<16xi32>,
    %add3A_77 = arith.constant 48 : i32
    %add3A_78 = arith.addi %multiple_of3A_51, %add3A_77 : i32
    %get3A_79 = arith.index_cast %add3A_78 : i32 to index
    %get3A_80 = tpu.vector_load %arg7[%get3A_79] {strides = array<i32>} : memref<10000xi32, #tpu.memory_space<vmem>>, vector<16xi32>,
    %get3A_81 = vector.shape_cast %get3A_80 : vector<16xi32> to vector<16xi32>
    %swap3A_82 = arith.constant 48 : index
    %swap3A_83 = tpu.vector_load %arg8[%swap3A_82] {strides = array<i32>} : memref<80xi32, #tpu.memory_space<vmem>>, vector<16xi32>,
    %swap3A_84 = vector.shape_cast %swap3A_83 : vector<16xi32> to vector<16xi32>
    %swap3A_85 = vector.shape_cast %get3A_81 : vector<16xi32> to vector<16xi32>
    tpu.vector_store %arg8[%swap3A_82], %swap3A_85 {strides = array<i32>} : memref<80xi32, #tpu.memory_space<vmem>>, vector<16xi32>,
    %add3A_86 = arith.constant 64 : i32
    %add3A_87 = arith.addi %multiple_of3A_51, %add3A_86 : i32
    %get3A_88 = arith.index_cast %add3A_87 : i32 to index
    %get3A_89 = tpu.vector_load %arg7[%get3A_88] {strides = array<i32>} : memref<10000xi32, #tpu.memory_space<vmem>>, vector<16xi32>,
    %get3A_90 = vector.shape_cast %get3A_89 : vector<16xi32> to vector<16xi32>
    %swap3A_91 = arith.constant 64 : index
    %swap3A_92 = tpu.vector_load %arg8[%swap3A_91] {strides = array<i32>} : memref<80xi32, #tpu.memory_space<vmem>>, vector<16xi32>,
    %swap3A_93 = vector.shape_cast %swap3A_92 : vector<16xi32> to vector<16xi32>
    %swap3A_94 = vector.shape_cast %get3A_90 : vector<16xi32> to vector<16xi32>
    tpu.vector_store %arg8[%swap3A_91], %swap3A_94 {strides = array<i32>} : memref<80xi32, #tpu.memory_space<vmem>>, vector<16xi32>,
    %dma_wait3A = arith.constant 0 : i32
    %dma_wait3A_95 = tpu.memref_slice %arg6[%dma_wait3A] : memref<10000xi32, #tpu.memory_space<vmem>> -> memref<80xi32, #tpu.memory_space<vmem>>
    %dma_wait3A_96 = arith.constant 0 : i32
    %dma_wait3A_97 = arith.constant 0 : i32
    %dma_wait3A_98 = tpu.memref_slice %arg2[%dma_wait3A_96, %dma_wait3A_97] : memref<10000x128xf32, #tpu.memory_space<hbm>> -> memref<10000x128xf32, #tpu.memory_space<hbm>>
    tpu.wait_indirect_dma semaphore(%arg13 : memref<!tpu.dma_semaphore, #tpu.memory_space<semaphore_mem>>) src(%dma_wait3A_98 : memref<10000x128xf32, #tpu.memory_space<hbm>>) dst(%arg9 : memref<80x128xf32, #tpu.memory_space<vmem>>)
    %dma_start3A_99 = arith.constant 0 : i32
    %dma_start3A_100 = arith.constant 0 : i32
    %dma_start3A_101 = tpu.memref_slice %arg12[%dma_start3A_99, %dma_start3A_100] : memref<10000x128xf32, #tpu.memory_space<vmem_shared>> -> memref<10000x128xf32, #tpu.memory_space<vmem_shared>>
    tpu.enqueue_indirect_dma source(%arg9 : memref<80x128xf32, #tpu.memory_space<vmem>>) target(%dma_start3A_101 : memref<10000x128xf32, #tpu.memory_space<vmem_shared>>) offsets(%arg8 : memref<80xi32, #tpu.memory_space<vmem>>) semaphore(%arg14 : memref<!tpu.dma_semaphore, #tpu.memory_space<semaphore_mem>>) {add = true}
    %dma_wait3A_102 = arith.constant 0 : i32
    %dma_wait3A_103 = arith.constant 0 : i32
    %dma_wait3A_104 = tpu.memref_slice %arg12[%dma_wait3A_102, %dma_wait3A_103] : memref<10000x128xf32, #tpu.memory_space<vmem_shared>> -> memref<10000x128xf32, #tpu.memory_space<vmem_shared>>
    tpu.wait_indirect_dma semaphore(%arg14 : memref<!tpu.dma_semaphore, #tpu.memory_space<semaphore_mem>>) src(%arg9 : memref<80x128xf32, #tpu.memory_space<vmem>>) dst(%dma_wait3A_104 : memref<10000x128xf32, #tpu.memory_space<vmem_shared>>)
    %min3A_105 = arith.constant 126 : i32
    %min3A_106 = arith.constant 124 : i32
    %min3A_107 = arith.minsi %min3A_105, %min3A_106 : i32
    %mul3A_108 = arith.constant 80 : i32
    %mul3A_109 = arith.muli %min3A_107, %mul3A_108 : i32
    %multiple_of3A_110 = tpu.assume_multiple %mul3A_109, 80 : i32
    %dma_start3A_111 = tpu.memref_slice %arg6[%multiple_of3A_110] : memref<10000xi32, #tpu.memory_space<vmem>> -> memref<80xi32, #tpu.memory_space<vmem>>
    %dma_start3A_112 = arith.constant 0 : i32
    %dma_start3A_113 = arith.constant 0 : i32
    %dma_start3A_114 = tpu.memref_slice %arg2[%dma_start3A_112, %dma_start3A_113] : memref<10000x128xf32, #tpu.memory_space<hbm>> -> memref<10000x128xf32, #tpu.memory_space<hbm>>
    tpu.enqueue_indirect_dma source(%dma_start3A_114 : memref<10000x128xf32, #tpu.memory_space<hbm>>) target(%arg9 : memref<80x128xf32, #tpu.memory_space<vmem>>) offsets(%dma_start3A_111 : memref<80xi32, #tpu.memory_space<vmem>>) semaphore(%arg13 : memref<!tpu.dma_semaphore, #tpu.memory_space<semaphore_mem>>)
    %multiple_of3A_115 = arith.constant 9920 : i32
    %multiple_of3A_116 = tpu.assume_multiple %multiple_of3A_115, 80 : i32
    %add3A_117 = arith.constant 0 : i32
    %add3A_118 = arith.addi %multiple_of3A_116, %add3A_117 : i32
    %get3A_119 = arith.index_cast %add3A_118 : i32 to index
    %get3A_120 = tpu.vector_load %arg7[%get3A_119] {strides = array<i32>} : memref<10000xi32, #tpu.memory_space<vmem>>, vector<16xi32>,
    %get3A_121 = vector.shape_cast %get3A_120 : vector<16xi32> to vector<16xi32>
    %swap3A_122 = arith.constant 0 : index
    %swap3A_123 = tpu.vector_load %arg8[%swap3A_122] {strides = array<i32>} : memref<80xi32, #tpu.memory_space<vmem>>, vector<16xi32>,
    %swap3A_124 = vector.shape_cast %swap3A_123 : vector<16xi32> to vector<16xi32>
    %swap3A_125 = vector.shape_cast %get3A_121 : vector<16xi32> to vector<16xi32>
    tpu.vector_store %arg8[%swap3A_122], %swap3A_125 {strides = array<i32>} : memref<80xi32, #tpu.memory_space<vmem>>, vector<16xi32>,
    %add3A_126 = arith.constant 16 : i32
    %add3A_127 = arith.addi %multiple_of3A_116, %add3A_126 : i32
    %get3A_128 = arith.index_cast %add3A_127 : i32 to index
    %get3A_129 = tpu.vector_load %arg7[%get3A_128] {strides = array<i32>} : memref<10000xi32, #tpu.memory_space<vmem>>, vector<16xi32>,
    %get3A_130 = vector.shape_cast %get3A_129 : vector<16xi32> to vector<16xi32>
    %swap3A_131 = arith.constant 16 : index
    %swap3A_132 = tpu.vector_load %arg8[%swap3A_131] {strides = array<i32>} : memref<80xi32, #tpu.memory_space<vmem>>, vector<16xi32>,
    %swap3A_133 = vector.shape_cast %swap3A_132 : vector<16xi32> to vector<16xi32>
    %swap3A_134 = vector.shape_cast %get3A_130 : vector<16xi32> to vector<16xi32>
    tpu.vector_store %arg8[%swap3A_131], %swap3A_134 {strides = array<i32>} : memref<80xi32, #tpu.memory_space<vmem>>, vector<16xi32>,
    %add3A_135 = arith.constant 32 : i32
    %add3A_136 = arith.addi %multiple_of3A_116, %add3A_135 : i32
    %get3A_137 = arith.index_cast %add3A_136 : i32 to index
    %get3A_138 = tpu.vector_load %arg7[%get3A_137] {strides = array<i32>} : memref<10000xi32, #tpu.memory_space<vmem>>, vector<16xi32>,
    %get3A_139 = vector.shape_cast %get3A_138 : vector<16xi32> to vector<16xi32>
    %swap3A_140 = arith.constant 32 : index
    %swap3A_141 = tpu.vector_load %arg8[%swap3A_140] {strides = array<i32>} : memref<80xi32, #tpu.memory_space<vmem>>, vector<16xi32>,
    %swap3A_142 = vector.shape_cast %swap3A_141 : vector<16xi32> to vector<16xi32>
    %swap3A_143 = vector.shape_cast %get3A_139 : vector<16xi32> to vector<16xi32>
    tpu.vector_store %arg8[%swap3A_140], %swap3A_143 {strides = array<i32>} : memref<80xi32, #tpu.memory_space<vmem>>, vector<16xi32>,
    %add3A_144 = arith.constant 48 : i32
    %add3A_145 = arith.addi %multiple_of3A_116, %add3A_144 : i32
    %get3A_146 = arith.index_cast %add3A_145 : i32 to index
    %get3A_147 = tpu.vector_load %arg7[%get3A_146] {strides = array<i32>} : memref<10000xi32, #tpu.memory_space<vmem>>, vector<16xi32>,
    %get3A_148 = vector.shape_cast %get3A_147 : vector<16xi32> to vector<16xi32>
    %swap3A_149 = arith.constant 48 : index
    %swap3A_150 = tpu.vector_load %arg8[%swap3A_149] {strides = array<i32>} : memref<80xi32, #tpu.memory_space<vmem>>, vector<16xi32>,
    %swap3A_151 = vector.shape_cast %swap3A_150 : vector<16xi32> to vector<16xi32>
    %swap3A_152 = vector.shape_cast %get3A_148 : vector<16xi32> to vector<16xi32>
    tpu.vector_store %arg8[%swap3A_149], %swap3A_152 {strides = array<i32>} : memref<80xi32, #tpu.memory_space<vmem>>, vector<16xi32>,
    %add3A_153 = arith.constant 64 : i32
    %add3A_154 = arith.addi %multiple_of3A_116, %add3A_153 : i32
    %get3A_155 = arith.index_cast %add3A_154 : i32 to index
    %get3A_156 = tpu.vector_load %arg7[%get3A_155] {strides = array<i32>} : memref<10000xi32, #tpu.memory_space<vmem>>, vector<16xi32>,
    %get3A_157 = vector.shape_cast %get3A_156 : vector<16xi32> to vector<16xi32>
    %swap3A_158 = arith.constant 64 : index
    %swap3A_159 = tpu.vector_load %arg8[%swap3A_158] {strides = array<i32>} : memref<80xi32, #tpu.memory_space<vmem>>, vector<16xi32>,
    %swap3A_160 = vector.shape_cast %swap3A_159 : vector<16xi32> to vector<16xi32>
    %swap3A_161 = vector.shape_cast %get3A_157 : vector<16xi32> to vector<16xi32>
    tpu.vector_store %arg8[%swap3A_158], %swap3A_161 {strides = array<i32>} : memref<80xi32, #tpu.memory_space<vmem>>, vector<16xi32>,
    %dma_wait3A_162 = arith.constant 0 : i32
    %dma_wait3A_163 = tpu.memref_slice %arg6[%dma_wait3A_162] : memref<10000xi32, #tpu.memory_space<vmem>> -> memref<80xi32, #tpu.memory_space<vmem>>
    %dma_wait3A_164 = arith.constant 0 : i32
    %dma_wait3A_165 = arith.constant 0 : i32
    %dma_wait3A_166 = tpu.memref_slice %arg2[%dma_wait3A_164, %dma_wait3A_165] : memref<10000x128xf32, #tpu.memory_space<hbm>> -> memref<10000x128xf32, #tpu.memory_space<hbm>>
    tpu.wait_indirect_dma semaphore(%arg13 : memref<!tpu.dma_semaphore, #tpu.memory_space<semaphore_mem>>) src(%dma_wait3A_166 : memref<10000x128xf32, #tpu.memory_space<hbm>>) dst(%arg10 : memref<80x128xf32, #tpu.memory_space<vmem>>)
    %dma_start3A_167 = arith.constant 0 : i32
    %dma_start3A_168 = arith.constant 0 : i32
    %dma_start3A_169 = tpu.memref_slice %arg12[%dma_start3A_167, %dma_start3A_168] : memref<10000x128xf32, #tpu.memory_space<vmem_shared>> -> memref<10000x128xf32, #tpu.memory_space<vmem_shared>>
    tpu.enqueue_indirect_dma source(%arg10 : memref<80x128xf32, #tpu.memory_space<vmem>>) target(%dma_start3A_169 : memref<10000x128xf32, #tpu.memory_space<vmem_shared>>) offsets(%arg8 : memref<80xi32, #tpu.memory_space<vmem>>) semaphore(%arg14 : memref<!tpu.dma_semaphore, #tpu.memory_space<semaphore_mem>>) {add = true}
    %dma_wait3A_170 = arith.constant 0 : i32
    %dma_wait3A_171 = arith.constant 0 : i32
    %dma_wait3A_172 = tpu.memref_slice %arg12[%dma_wait3A_170, %dma_wait3A_171] : memref<10000x128xf32, #tpu.memory_space<vmem_shared>> -> memref<10000x128xf32, #tpu.memory_space<vmem_shared>>
    tpu.wait_indirect_dma semaphore(%arg14 : memref<!tpu.dma_semaphore, #tpu.memory_space<semaphore_mem>>) src(%arg10 : memref<80x128xf32, #tpu.memory_space<vmem>>) dst(%dma_wait3A_172 : memref<10000x128xf32, #tpu.memory_space<vmem_shared>>)
    %min3A_173 = arith.constant 127 : i32
    %min3A_174 = arith.constant 124 : i32
    %min3A_175 = arith.minsi %min3A_173, %min3A_174 : i32
    %mul3A_176 = arith.constant 80 : i32
    %mul3A_177 = arith.muli %min3A_175, %mul3A_176 : i32
    %multiple_of3A_178 = tpu.assume_multiple %mul3A_177, 80 : i32
    %dma_start3A_179 = tpu.memref_slice %arg6[%multiple_of3A_178] : memref<10000xi32, #tpu.memory_space<vmem>> -> memref<80xi32, #tpu.memory_space<vmem>>
    %dma_start3A_180 = arith.constant 0 : i32
    %dma_start3A_181 = arith.constant 0 : i32
    %dma_start3A_182 = tpu.memref_slice %arg2[%dma_start3A_180, %dma_start3A_181] : memref<10000x128xf32, #tpu.memory_space<hbm>> -> memref<10000x128xf32, #tpu.memory_space<hbm>>
    tpu.enqueue_indirect_dma source(%dma_start3A_182 : memref<10000x128xf32, #tpu.memory_space<hbm>>) target(%arg10 : memref<80x128xf32, #tpu.memory_space<vmem>>) offsets(%dma_start3A_179 : memref<80xi32, #tpu.memory_space<vmem>>) semaphore(%arg13 : memref<!tpu.dma_semaphore, #tpu.memory_space<semaphore_mem>>)
    %dma_wait3A_183 = arith.constant 0 : i32
    %dma_wait3A_184 = tpu.memref_slice %arg6[%dma_wait3A_183] : memref<10000xi32, #tpu.memory_space<vmem>> -> memref<80xi32, #tpu.memory_space<vmem>>
    %dma_wait3A_185 = arith.constant 0 : i32
    %dma_wait3A_186 = arith.constant 0 : i32
    %dma_wait3A_187 = tpu.memref_slice %arg2[%dma_wait3A_185, %dma_wait3A_186] : memref<10000x128xf32, #tpu.memory_space<hbm>> -> memref<10000x128xf32, #tpu.memory_space<hbm>>
    tpu.wait_indirect_dma semaphore(%arg13 : memref<!tpu.dma_semaphore, #tpu.memory_space<semaphore_mem>>) src(%dma_wait3A_187 : memref<10000x128xf32, #tpu.memory_space<hbm>>) dst(%arg9 : memref<80x128xf32, #tpu.memory_space<vmem>>)
    %dma_wait3A_188 = arith.constant 0 : i32
    %dma_wait3A_189 = tpu.memref_slice %arg6[%dma_wait3A_188] : memref<10000xi32, #tpu.memory_space<vmem>> -> memref<80xi32, #tpu.memory_space<vmem>>
    %dma_wait3A_190 = arith.constant 0 : i32
    %dma_wait3A_191 = arith.constant 0 : i32
    %dma_wait3A_192 = tpu.memref_slice %arg2[%dma_wait3A_190, %dma_wait3A_191] : memref<10000x128xf32, #tpu.memory_space<hbm>> -> memref<10000x128xf32, #tpu.memory_space<hbm>>
    tpu.wait_indirect_dma semaphore(%arg13 : memref<!tpu.dma_semaphore, #tpu.memory_space<semaphore_mem>>) src(%dma_wait3A_192 : memref<10000x128xf32, #tpu.memory_space<hbm>>) dst(%arg10 : memref<80x128xf32, #tpu.memory_space<vmem>>)
    %dma_wait3A_193 = arith.constant 0 : i32
    %dma_wait3A_194 = tpu.memref_slice %arg6[%dma_wait3A_193] : memref<10000xi32, #tpu.memory_space<vmem>> -> memref<80xi32, #tpu.memory_space<vmem>>
    %dma_wait3A_195 = arith.constant 0 : i32
    %dma_wait3A_196 = arith.constant 0 : i32
    %dma_wait3A_197 = tpu.memref_slice %arg2[%dma_wait3A_195, %dma_wait3A_196] : memref<10000x128xf32, #tpu.memory_space<hbm>> -> memref<10000x128xf32, #tpu.memory_space<hbm>>
    tpu.wait_indirect_dma semaphore(%arg13 : memref<!tpu.dma_semaphore, #tpu.memory_space<semaphore_mem>>) src(%dma_wait3A_197 : memref<10000x128xf32, #tpu.memory_space<hbm>>) dst(%arg11 : memref<80x128xf32, #tpu.memory_space<vmem>>)
    %barrier3A_198 = arith.constant 0 : index
    tpu.barrier barrier_id(%barrier3A_198)
    %lt3A_199 = arith.constant 15 : i32
    %lt3A_200 = arith.cmpi slt, %arg1, %lt3A_199 : i32
    %convert_element_type3A_201 = arith.extui %lt3A_200 : i1 to i32
    %cond3A_202 = arith.constant 0 : i32
    %cond3A_203 = arith.cmpi ne, %convert_element_type3A_201, %cond3A_202 : i32
    scf.if %cond3A_203 {
      "tpu.region"() ({
        %run_scoped3A = tpu.sem_alloc : memref<!tpu.dma_semaphore, #tpu.memory_space<semaphore_mem>>
        %dma_start3A_209 = arith.constant 0 : i32
        %dma_start3A_210 = tpu.memref_slice %arg5[%arg0, %multiple_of3A, %dma_start3A_209] : memref<2x10000x128xf32, #tpu.memory_space<hbm>> -> memref<1x632x128xf32, #tpu.memory_space<hbm>>
        %dma_start3A_211 = tpu.memref_squeeze %dma_start3A_210 : memref<1x632x128xf32, #tpu.memory_space<hbm>> -> memref<632x128xf32, #tpu.memory_space<hbm>>
        %dma_start3A_212 = arith.constant 0 : i32
        %dma_start3A_213 = tpu.memref_slice %arg12[%multiple_of3A, %dma_start3A_212] : memref<10000x128xf32, #tpu.memory_space<vmem_shared>> -> memref<632x128xf32, #tpu.memory_space<vmem_shared>>
        tpu.enqueue_dma source(%dma_start3A_213 : memref<632x128xf32, #tpu.memory_space<vmem_shared>>) target(%dma_start3A_211 : memref<632x128xf32, #tpu.memory_space<hbm>>) target_semaphore(%run_scoped3A : memref<!tpu.dma_semaphore, #tpu.memory_space<semaphore_mem>>)
        %dma_wait3A_214 = arith.constant 0 : i32
        %dma_wait3A_215 = tpu.memref_slice %arg5[%arg0, %multiple_of3A, %dma_wait3A_214] : memref<2x10000x128xf32, #tpu.memory_space<hbm>> -> memref<1x632x128xf32, #tpu.memory_space<hbm>>
        %dma_wait3A_216 = tpu.memref_squeeze %dma_wait3A_215 : memref<1x632x128xf32, #tpu.memory_space<hbm>> -> memref<632x128xf32, #tpu.memory_space<hbm>>
        %dma_wait3A_217 = arith.constant 0 : i32
        %dma_wait3A_218 = tpu.memref_slice %arg12[%multiple_of3A, %dma_wait3A_217] : memref<10000x128xf32, #tpu.memory_space<vmem_shared>> -> memref<632x128xf32, #tpu.memory_space<vmem_shared>>
        tpu.wait_dma2 semaphore(%run_scoped3A : memref<!tpu.dma_semaphore, #tpu.memory_space<semaphore_mem>>) src(%dma_wait3A_218 : memref<632x128xf32, #tpu.memory_space<vmem_shared>>) dst(%dma_wait3A_216 : memref<632x128xf32, #tpu.memory_space<hbm>>)
        tpu.yield
      }) : () -> ()
    } else {
    }
    %eq3A_204 = arith.constant 15 : i32
    %eq3A_205 = arith.cmpi eq, %arg1, %eq3A_204 : i32
    %convert_element_type3A_206 = arith.extui %eq3A_205 : i1 to i32
    %cond3A_207 = arith.constant 0 : i32
    %cond3A_208 = arith.cmpi ne, %convert_element_type3A_206, %cond3A_207 : i32
    scf.if %cond3A_208 {
      "tpu.region"() ({
        %run_scoped3A = tpu.sem_alloc : memref<!tpu.dma_semaphore, #tpu.memory_space<semaphore_mem>>
        %dma_start3A_209 = arith.constant 0 : i32
        %dma_start3A_210 = tpu.memref_slice %arg5[%arg0, %multiple_of3A, %dma_start3A_209] : memref<2x10000x128xf32, #tpu.memory_space<hbm>> -> memref<1x520x128xf32, #tpu.memory_space<hbm>>
        %dma_start3A_211 = tpu.memref_squeeze %dma_start3A_210 : memref<1x520x128xf32, #tpu.memory_space<hbm>> -> memref<520x128xf32, #tpu.memory_space<hbm>>
        %dma_start3A_212 = arith.constant 0 : i32
        %dma_start3A_213 = tpu.memref_slice %arg12[%multiple_of3A, %dma_start3A_212] : memref<10000x128xf32, #tpu.memory_space<vmem_shared>> -> memref<520x128xf32, #tpu.memory_space<vmem_shared>>
        tpu.enqueue_dma source(%dma_start3A_213 : memref<520x128xf32, #tpu.memory_space<vmem_shared>>) target(%dma_start3A_211 : memref<520x128xf32, #tpu.memory_space<hbm>>) target_semaphore(%run_scoped3A : memref<!tpu.dma_semaphore, #tpu.memory_space<semaphore_mem>>)
        %dma_wait3A_214 = arith.constant 0 : i32
        %dma_wait3A_215 = tpu.memref_slice %arg5[%arg0, %multiple_of3A, %dma_wait3A_214] : memref<2x10000x128xf32, #tpu.memory_space<hbm>> -> memref<1x520x128xf32, #tpu.memory_space<hbm>>
        %dma_wait3A_216 = tpu.memref_squeeze %dma_wait3A_215 : memref<1x520x128xf32, #tpu.memory_space<hbm>> -> memref<520x128xf32, #tpu.memory_space<hbm>>
        %dma_wait3A_217 = arith.constant 0 : i32
        %dma_wait3A_218 = tpu.memref_slice %arg12[%multiple_of3A, %dma_wait3A_217] : memref<10000x128xf32, #tpu.memory_space<vmem_shared>> -> memref<520x128xf32, #tpu.memory_space<vmem_shared>>
        tpu.wait_dma2 semaphore(%run_scoped3A : memref<!tpu.dma_semaphore, #tpu.memory_space<semaphore_mem>>) src(%dma_wait3A_218 : memref<520x128xf32, #tpu.memory_space<vmem_shared>>) dst(%dma_wait3A_216 : memref<520x128xf32, #tpu.memory_space<hbm>>)
        tpu.yield
      }) : () -> ()
    } else {
    }
    return
  }
}

#map = affine_map<(d0, d1) -> (0, 0)>
#map1 = affine_map<(d0, d1) -> (0, 0, 0)>
module attributes {stable_mosaic.version = 14 : i64} {
  func.func @k(%arg0: i32, %arg1: i32, %arg2: memref<10000x128xf32, #tpu.memory_space<hbm>>, %arg3: memref<32x10000xi32, #tpu.memory_space<hbm>>, %arg4: memref<32x10000xi32, #tpu.memory_space<hbm>>, %arg5: memref<2x10000x128xf32, #tpu.memory_space<hbm>>, %arg6: memref<10000xi32, #tpu.memory_space<vmem>>, %arg7: memref<10000xi32, #tpu.memory_space<vmem>>, %arg8: memref<80xi32, #tpu.memory_space<vmem>>, %arg9: memref<80x128xf32, #tpu.memory_space<vmem>>, %arg10: memref<80x128xf32, #tpu.memory_space<vmem>>, %arg11: memref<80x128xf32, #tpu.memory_space<vmem>>, %arg12: memref<10000x128xf32, #tpu.memory_space<vmem_shared>>, %arg13: memref<!tpu.dma_semaphore, #tpu.memory_space<semaphore_mem>>, %arg14: memref<!tpu.dma_semaphore, #tpu.memory_space<semaphore_mem>>) attributes {dimension_semantics = [#tpu.dimension_semantics<core_parallel>, #tpu.dimension_semantics<subcore_parallel>], iteration_bounds = array<i64: 2, 16>, scalar_prefetch = 0 : i64, scratch_operands = 9 : i64, tpu.core_type = #tpu.core_type<sc_vector_subcore>, window_params = [{transform_indices = #map}, {transform_indices = #map}, {transform_indices = #map}, {transform_indices = #map1}]} {
    %mul3A = arith.constant 2 : i32
    %mul3A_0 = arith.muli %arg1, %mul3A : i32
    %add3A = arith.addi %mul3A_0, %arg0 : i32
    %mul3A_1 = arith.constant 632 : i32
    %mul3A_2 = arith.muli %arg1, %mul3A_1 : i32
    %multiple_of3A = tpu.assume_multiple %mul3A_2, 8 : i32
    %scan3A = arith.constant 0 : i32
    %scan3A_3 = arith.constant 0 : i32
    %scan3A_4 = arith.constant 80 : i32
    %scan3A_5 = arith.addi %scan3A_3, %scan3A_4 : i32
    %scan3A_6 = arith.constant 1 : i32
    %scan3A_7 = scf.for %scan3A_209 = %scan3A_3 to %scan3A_5 step %scan3A_6 iter_args(%scan3A_210 = %scan3A) -> (i32)  : i32 {
      %scan3A_211 = arith.constant 0 : i32
      %scan3A_212 = arith.constant 0 : i32
      %scan3A_213 = arith.constant 8 : i32
      %scan3A_214 = arith.addi %scan3A_212, %scan3A_213 : i32
      %scan3A_215 = arith.constant 1 : i32
      %scan3A_216 = scf.for %scan3A_218 = %scan3A_212 to %scan3A_214 step %scan3A_215 iter_args(%scan3A_219 = %scan3A_211) -> (i32)  : i32 {
        %broadcast_in_dim3A = arith.constant 0.000000e+00 : f32
        %broadcast_in_dim3A_220 = vector.broadcast %broadcast_in_dim3A : f32 to vector<16xf32>
        %mul3A_221 = arith.constant 16 : i32
        %mul3A_222 = arith.muli %scan3A_218, %mul3A_221 : i32
        %swap3A_223 = arith.index_cast %scan3A_209 : i32 to index
        %swap3A_224 = arith.index_cast %mul3A_222 : i32 to index
        %swap3A_225 = tpu.vector_load %arg9[%swap3A_223, %swap3A_224] {strides = array<i32>} : memref<80x128xf32, #tpu.memory_space<vmem>>, vector<1x16xf32>,
        %swap3A_226 = vector.shape_cast %swap3A_225 : vector<1x16xf32> to vector<16xf32>
        %swap3A_227 = vector.shape_cast %broadcast_in_dim3A_220 : vector<16xf32> to vector<1x16xf32>
        tpu.vector_store %arg9[%swap3A_223, %swap3A_224], %swap3A_227 {strides = array<i32>} : memref<80x128xf32, #tpu.memory_space<vmem>>, vector<1x16xf32>,
        %scan3A_228 = arith.constant 0 : i32
        scf.yield %scan3A_228 : i32
      }
      %scan3A_217 = arith.constant 8 : i32
      scf.yield %scan3A_216 : i32
    }
    %scan3A_8 = arith.constant 80 : i32
    %lt3A = arith.constant 15 : i32
    %lt3A_9 = arith.cmpi slt, %arg1, %lt3A : i32
    %convert_element_type3A = arith.extui %lt3A_9 : i1 to i32
    %cond3A = arith.constant 0 : i32
    %cond3A_10 = arith.cmpi ne, %convert_element_type3A, %cond3A : i32
    scf.if %cond3A_10 {
      %add3A_209 = arith.constant 0 : i32
      %add3A_210 = arith.addi %multiple_of3A, %add3A_209 : i32
      %dma_start3A_211 = arith.constant 0 : i32
      %dma_start3A_212 = tpu.memref_slice %arg12[%add3A_210, %dma_start3A_211] : memref<10000x128xf32, #tpu.memory_space<vmem_shared>> -> memref<80x128xf32, #tpu.memory_space<vmem_shared>>
      %dma_start3A_213 = arith.constant 0 : i32
      %dma_start3A_214 = tpu.memref_slice %arg12[%add3A_210, %dma_start3A_213] : memref<10000x128xf32, #tpu.memory_space<vmem_shared>> -> memref<80x128xf32, #tpu.memory_space<vmem_shared>>
      tpu.enqueue_dma source(%arg9 : memref<80x128xf32, #tpu.memory_space<vmem>>) target(%dma_start3A_214 : memref<80x128xf32, #tpu.memory_space<vmem_shared>>) target_semaphore(%arg14 : memref<!tpu.dma_semaphore, #tpu.memory_space<semaphore_mem>>)
      %add3A_215 = arith.constant 80 : i32
      %add3A_216 = arith.addi %multiple_of3A, %add3A_215 : i32
      %dma_start3A_217 = arith.constant 0 : i32
      %dma_start3A_218 = tpu.memref_slice %arg12[%add3A_216, %dma_start3A_217] : memref<10000x128xf32, #tpu.memory_space<vmem_shared>> -> memref<80x128xf32, #tpu.memory_space<vmem_shared>>
      %dma_start3A_219 = arith.constant 0 : i32
      %dma_start3A_220 = tpu.memref_slice %arg12[%add3A_216, %dma_start3A_219] : memref<10000x128xf32, #tpu.memory_space<vmem_shared>> -> memref<80x128xf32, #tpu.memory_space<vmem_shared>>
      tpu.enqueue_dma source(%arg9 : memref<80x128xf32, #tpu.memory_space<vmem>>) target(%dma_start3A_220 : memref<80x128xf32, #tpu.memory_space<vmem_shared>>) target_semaphore(%arg14 : memref<!tpu.dma_semaphore, #tpu.memory_space<semaphore_mem>>)
      %add3A_221 = arith.constant 160 : i32
      %add3A_222 = arith.addi %multiple_of3A, %add3A_221 : i32
      %dma_start3A_223 = arith.constant 0 : i32
      %dma_start3A_224 = tpu.memref_slice %arg12[%add3A_222, %dma_start3A_223] : memref<10000x128xf32, #tpu.memory_space<vmem_shared>> -> memref<80x128xf32, #tpu.memory_space<vmem_shared>>
      %dma_start3A_225 = arith.constant 0 : i32
      %dma_start3A_226 = tpu.memref_slice %arg12[%add3A_222, %dma_start3A_225] : memref<10000x128xf32, #tpu.memory_space<vmem_shared>> -> memref<80x128xf32, #tpu.memory_space<vmem_shared>>
      tpu.enqueue_dma source(%arg9 : memref<80x128xf32, #tpu.memory_space<vmem>>) target(%dma_start3A_226 : memref<80x128xf32, #tpu.memory_space<vmem_shared>>) target_semaphore(%arg14 : memref<!tpu.dma_semaphore, #tpu.memory_space<semaphore_mem>>)
      %add3A_227 = arith.constant 240 : i32
      %add3A_228 = arith.addi %multiple_of3A, %add3A_227 : i32
      %dma_start3A_229 = arith.constant 0 : i32
      %dma_start3A_230 = tpu.memref_slice %arg12[%add3A_228, %dma_start3A_229] : memref<10000x128xf32, #tpu.memory_space<vmem_shared>> -> memref<80x128xf32, #tpu.memory_space<vmem_shared>>
      %dma_start3A_231 = arith.constant 0 : i32
      %dma_start3A_232 = tpu.memref_slice %arg12[%add3A_228, %dma_start3A_231] : memref<10000x128xf32, #tpu.memory_space<vmem_shared>> -> memref<80x128xf32, #tpu.memory_space<vmem_shared>>
      tpu.enqueue_dma source(%arg9 : memref<80x128xf32, #tpu.memory_space<vmem>>) target(%dma_start3A_232 : memref<80x128xf32, #tpu.memory_space<vmem_shared>>) target_semaphore(%arg14 : memref<!tpu.dma_semaphore, #tpu.memory_space<semaphore_mem>>)
      %add3A_233 = arith.constant 320 : i32
      %add3A_234 = arith.addi %multiple_of3A, %add3A_233 : i32
      %dma_start3A_235 = arith.constant 0 : i32
      %dma_start3A_236 = tpu.memref_slice %arg12[%add3A_234, %dma_start3A_235] : memref<10000x128xf32, #tpu.memory_space<vmem_shared>> -> memref<80x128xf32, #tpu.memory_space<vmem_shared>>
      %dma_start3A_237 = arith.constant 0 : i32
      %dma_start3A_238 = tpu.memref_slice %arg12[%add3A_234, %dma_start3A_237] : memref<10000x128xf32, #tpu.memory_space<vmem_shared>> -> memref<80x128xf32, #tpu.memory_space<vmem_shared>>
      tpu.enqueue_dma source(%arg9 : memref<80x128xf32, #tpu.memory_space<vmem>>) target(%dma_start3A_238 : memref<80x128xf32, #tpu.memory_space<vmem_shared>>) target_semaphore(%arg14 : memref<!tpu.dma_semaphore, #tpu.memory_space<semaphore_mem>>)
      %add3A_239 = arith.constant 400 : i32
      %add3A_240 = arith.addi %multiple_of3A, %add3A_239 : i32
      %dma_start3A_241 = arith.constant 0 : i32
      %dma_start3A_242 = tpu.memref_slice %arg12[%add3A_240, %dma_start3A_241] : memref<10000x128xf32, #tpu.memory_space<vmem_shared>> -> memref<80x128xf32, #tpu.memory_space<vmem_shared>>
      %dma_start3A_243 = arith.constant 0 : i32
      %dma_start3A_244 = tpu.memref_slice %arg12[%add3A_240, %dma_start3A_243] : memref<10000x128xf32, #tpu.memory_space<vmem_shared>> -> memref<80x128xf32, #tpu.memory_space<vmem_shared>>
      tpu.enqueue_dma source(%arg9 : memref<80x128xf32, #tpu.memory_space<vmem>>) target(%dma_start3A_244 : memref<80x128xf32, #tpu.memory_space<vmem_shared>>) target_semaphore(%arg14 : memref<!tpu.dma_semaphore, #tpu.memory_space<semaphore_mem>>)
      %add3A_245 = arith.constant 480 : i32
      %add3A_246 = arith.addi %multiple_of3A, %add3A_245 : i32
      %dma_start3A_247 = arith.constant 0 : i32
      %dma_start3A_248 = tpu.memref_slice %arg12[%add3A_246, %dma_start3A_247] : memref<10000x128xf32, #tpu.memory_space<vmem_shared>> -> memref<80x128xf32, #tpu.memory_space<vmem_shared>>
      %dma_start3A_249 = arith.constant 0 : i32
      %dma_start3A_250 = tpu.memref_slice %arg12[%add3A_246, %dma_start3A_249] : memref<10000x128xf32, #tpu.memory_space<vmem_shared>> -> memref<80x128xf32, #tpu.memory_space<vmem_shared>>
      tpu.enqueue_dma source(%arg9 : memref<80x128xf32, #tpu.memory_space<vmem>>) target(%dma_start3A_250 : memref<80x128xf32, #tpu.memory_space<vmem_shared>>) target_semaphore(%arg14 : memref<!tpu.dma_semaphore, #tpu.memory_space<semaphore_mem>>)
      %add3A_251 = arith.constant 560 : i32
      %add3A_252 = arith.addi %multiple_of3A, %add3A_251 : i32
      %dma_start3A_253 = arith.constant 0 : i32
      %dma_start3A_254 = arith.constant 0 : i32
      %dma_start3A_255 = tpu.memref_slice %arg9[%dma_start3A_253, %dma_start3A_254] : memref<80x128xf32, #tpu.memory_space<vmem>> -> memref<72x128xf32, #tpu.memory_space<vmem>>
      %dma_start3A_256 = arith.constant 0 : i32
      %dma_start3A_257 = tpu.memref_slice %arg12[%add3A_252, %dma_start3A_256] : memref<10000x128xf32, #tpu.memory_space<vmem_shared>> -> memref<72x128xf32, #tpu.memory_space<vmem_shared>>
      %dma_start3A_258 = arith.constant 0 : i32
      %dma_start3A_259 = tpu.memref_slice %arg12[%add3A_252, %dma_start3A_258] : memref<10000x128xf32, #tpu.memory_space<vmem_shared>> -> memref<72x128xf32, #tpu.memory_space<vmem_shared>>
      %dma_start3A_260 = arith.constant 0 : i32
      %dma_start3A_261 = arith.constant 0 : i32
      %dma_start3A_262 = tpu.memref_slice %arg9[%dma_start3A_260, %dma_start3A_261] : memref<80x128xf32, #tpu.memory_space<vmem>> -> memref<72x128xf32, #tpu.memory_space<vmem>>
      tpu.enqueue_dma source(%dma_start3A_262 : memref<72x128xf32, #tpu.memory_space<vmem>>) target(%dma_start3A_259 : memref<72x128xf32, #tpu.memory_space<vmem_shared>>) target_semaphore(%arg14 : memref<!tpu.dma_semaphore, #tpu.memory_space<semaphore_mem>>)
      %dma_wait3A_263 = arith.constant 0 : i32
      %dma_wait3A_264 = arith.constant 0 : i32
      %dma_wait3A_265 = tpu.memref_slice %arg12[%dma_wait3A_263, %dma_wait3A_264] : memref<10000x128xf32, #tpu.memory_space<vmem_shared>> -> memref<80x128xf32, #tpu.memory_space<vmem_shared>>
      %dma_wait3A_266 = arith.constant 0 : i32
      %dma_wait3A_267 = arith.constant 0 : i32
      %dma_wait3A_268 = tpu.memref_slice %arg12[%dma_wait3A_266, %dma_wait3A_267] : memref<10000x128xf32, #tpu.memory_space<vmem_shared>> -> memref<80x128xf32, #tpu.memory_space<vmem_shared>>
      tpu.wait_dma2 semaphore(%arg14 : memref<!tpu.dma_semaphore, #tpu.memory_space<semaphore_mem>>) src(%arg9 : memref<80x128xf32, #tpu.memory_space<vmem>>) dst(%dma_wait3A_268 : memref<80x128xf32, #tpu.memory_space<vmem_shared>>)
      %dma_wait3A_269 = arith.constant 0 : i32
      %dma_wait3A_270 = arith.constant 0 : i32
      %dma_wait3A_271 = tpu.memref_slice %arg12[%dma_wait3A_269, %dma_wait3A_270] : memref<10000x128xf32, #tpu.memory_space<vmem_shared>> -> memref<80x128xf32, #tpu.memory_space<vmem_shared>>
      %dma_wait3A_272 = arith.constant 0 : i32
      %dma_wait3A_273 = arith.constant 0 : i32
      %dma_wait3A_274 = tpu.memref_slice %arg12[%dma_wait3A_272, %dma_wait3A_273] : memref<10000x128xf32, #tpu.memory_space<vmem_shared>> -> memref<80x128xf32, #tpu.memory_space<vmem_shared>>
      tpu.wait_dma2 semaphore(%arg14 : memref<!tpu.dma_semaphore, #tpu.memory_space<semaphore_mem>>) src(%arg9 : memref<80x128xf32, #tpu.memory_space<vmem>>) dst(%dma_wait3A_274 : memref<80x128xf32, #tpu.memory_space<vmem_shared>>)
      %dma_wait3A_275 = arith.constant 0 : i32
      %dma_wait3A_276 = arith.constant 0 : i32
      %dma_wait3A_277 = tpu.memref_slice %arg12[%dma_wait3A_275, %dma_wait3A_276] : memref<10000x128xf32, #tpu.memory_space<vmem_shared>> -> memref<80x128xf32, #tpu.memory_space<vmem_shared>>
      %dma_wait3A_278 = arith.constant 0 : i32
      %dma_wait3A_279 = arith.constant 0 : i32
      %dma_wait3A_280 = tpu.memref_slice %arg12[%dma_wait3A_278, %dma_wait3A_279] : memref<10000x128xf32, #tpu.memory_space<vmem_shared>> -> memref<80x128xf32, #tpu.memory_space<vmem_shared>>
      tpu.wait_dma2 semaphore(%arg14 : memref<!tpu.dma_semaphore, #tpu.memory_space<semaphore_mem>>) src(%arg9 : memref<80x128xf32, #tpu.memory_space<vmem>>) dst(%dma_wait3A_280 : memref<80x128xf32, #tpu.memory_space<vmem_shared>>)
      %dma_wait3A_281 = arith.constant 0 : i32
      %dma_wait3A_282 = arith.constant 0 : i32
      %dma_wait3A_283 = tpu.memref_slice %arg12[%dma_wait3A_281, %dma_wait3A_282] : memref<10000x128xf32, #tpu.memory_space<vmem_shared>> -> memref<80x128xf32, #tpu.memory_space<vmem_shared>>
      %dma_wait3A_284 = arith.constant 0 : i32
      %dma_wait3A_285 = arith.constant 0 : i32
      %dma_wait3A_286 = tpu.memref_slice %arg12[%dma_wait3A_284, %dma_wait3A_285] : memref<10000x128xf32, #tpu.memory_space<vmem_shared>> -> memref<80x128xf32, #tpu.memory_space<vmem_shared>>
      tpu.wait_dma2 semaphore(%arg14 : memref<!tpu.dma_semaphore, #tpu.memory_space<semaphore_mem>>) src(%arg9 : memref<80x128xf32, #tpu.memory_space<vmem>>) dst(%dma_wait3A_286 : memref<80x128xf32, #tpu.memory_space<vmem_shared>>)
      %dma_wait3A_287 = arith.constant 0 : i32
      %dma_wait3A_288 = arith.constant 0 : i32
      %dma_wait3A_289 = tpu.memref_slice %arg12[%dma_wait3A_287, %dma_wait3A_288] : memref<10000x128xf32, #tpu.memory_space<vmem_shared>> -> memref<80x128xf32, #tpu.memory_space<vmem_shared>>
      %dma_wait3A_290 = arith.constant 0 : i32
      %dma_wait3A_291 = arith.constant 0 : i32
      %dma_wait3A_292 = tpu.memref_slice %arg12[%dma_wait3A_290, %dma_wait3A_291] : memref<10000x128xf32, #tpu.memory_space<vmem_shared>> -> memref<80x128xf32, #tpu.memory_space<vmem_shared>>
      tpu.wait_dma2 semaphore(%arg14 : memref<!tpu.dma_semaphore, #tpu.memory_space<semaphore_mem>>) src(%arg9 : memref<80x128xf32, #tpu.memory_space<vmem>>) dst(%dma_wait3A_292 : memref<80x128xf32, #tpu.memory_space<vmem_shared>>)
      %dma_wait3A_293 = arith.constant 0 : i32
      %dma_wait3A_294 = arith.constant 0 : i32
      %dma_wait3A_295 = tpu.memref_slice %arg12[%dma_wait3A_293, %dma_wait3A_294] : memref<10000x128xf32, #tpu.memory_space<vmem_shared>> -> memref<80x128xf32, #tpu.memory_space<vmem_shared>>
      %dma_wait3A_296 = arith.constant 0 : i32
      %dma_wait3A_297 = arith.constant 0 : i32
      %dma_wait3A_298 = tpu.memref_slice %arg12[%dma_wait3A_296, %dma_wait3A_297] : memref<10000x128xf32, #tpu.memory_space<vmem_shared>> -> memref<80x128xf32, #tpu.memory_space<vmem_shared>>
      tpu.wait_dma2 semaphore(%arg14 : memref<!tpu.dma_semaphore, #tpu.memory_space<semaphore_mem>>) src(%arg9 : memref<80x128xf32, #tpu.memory_space<vmem>>) dst(%dma_wait3A_298 : memref<80x128xf32, #tpu.memory_space<vmem_shared>>)
      %dma_wait3A_299 = arith.constant 0 : i32
      %dma_wait3A_300 = arith.constant 0 : i32
      %dma_wait3A_301 = tpu.memref_slice %arg12[%dma_wait3A_299, %dma_wait3A_300] : memref<10000x128xf32, #tpu.memory_space<vmem_shared>> -> memref<80x128xf32, #tpu.memory_space<vmem_shared>>
      %dma_wait3A_302 = arith.constant 0 : i32
      %dma_wait3A_303 = arith.constant 0 : i32
      %dma_wait3A_304 = tpu.memref_slice %arg12[%dma_wait3A_302, %dma_wait3A_303] : memref<10000x128xf32, #tpu.memory_space<vmem_shared>> -> memref<80x128xf32, #tpu.memory_space<vmem_shared>>
      tpu.wait_dma2 semaphore(%arg14 : memref<!tpu.dma_semaphore, #tpu.memory_space<semaphore_mem>>) src(%arg9 : memref<80x128xf32, #tpu.memory_space<vmem>>) dst(%dma_wait3A_304 : memref<80x128xf32, #tpu.memory_space<vmem_shared>>)
      %dma_wait3A_305 = arith.constant 0 : i32
      %dma_wait3A_306 = arith.constant 0 : i32
      %dma_wait3A_307 = tpu.memref_slice %arg9[%dma_wait3A_305, %dma_wait3A_306] : memref<80x128xf32, #tpu.memory_space<vmem>> -> memref<72x128xf32, #tpu.memory_space<vmem>>
      %dma_wait3A_308 = arith.constant 0 : i32
      %dma_wait3A_309 = arith.constant 0 : i32
      %dma_wait3A_310 = tpu.memref_slice %arg12[%dma_wait3A_308, %dma_wait3A_309] : memref<10000x128xf32, #tpu.memory_space<vmem_shared>> -> memref<72x128xf32, #tpu.memory_space<vmem_shared>>
      %dma_wait3A_311 = arith.constant 0 : i32
      %dma_wait3A_312 = arith.constant 0 : i32
      %dma_wait3A_313 = tpu.memref_slice %arg12[%dma_wait3A_311, %dma_wait3A_312] : memref<10000x128xf32, #tpu.memory_space<vmem_shared>> -> memref<72x128xf32, #tpu.memory_space<vmem_shared>>
      %dma_wait3A_314 = arith.constant 0 : i32
      %dma_wait3A_315 = arith.constant 0 : i32
      %dma_wait3A_316 = tpu.memref_slice %arg9[%dma_wait3A_314, %dma_wait3A_315] : memref<80x128xf32, #tpu.memory_space<vmem>> -> memref<72x128xf32, #tpu.memory_space<vmem>>
      tpu.wait_dma2 semaphore(%arg14 : memref<!tpu.dma_semaphore, #tpu.memory_space<semaphore_mem>>) src(%dma_wait3A_316 : memref<72x128xf32, #tpu.memory_space<vmem>>) dst(%dma_wait3A_313 : memref<72x128xf32, #tpu.memory_space<vmem_shared>>)
    } else {
    }
    %eq3A = arith.constant 15 : i32
    %eq3A_11 = arith.cmpi eq, %arg1, %eq3A : i32
    %convert_element_type3A_12 = arith.extui %eq3A_11 : i1 to i32
    %cond3A_13 = arith.constant 0 : i32
    %cond3A_14 = arith.cmpi ne, %convert_element_type3A_12, %cond3A_13 : i32
    scf.if %cond3A_14 {
      %add3A_209 = arith.constant 0 : i32
      %add3A_210 = arith.addi %multiple_of3A, %add3A_209 : i32
      %dma_start3A_211 = arith.constant 0 : i32
      %dma_start3A_212 = tpu.memref_slice %arg12[%add3A_210, %dma_start3A_211] : memref<10000x128xf32, #tpu.memory_space<vmem_shared>> -> memref<80x128xf32, #tpu.memory_space<vmem_shared>>
      %dma_start3A_213 = arith.constant 0 : i32
      %dma_start3A_214 = tpu.memref_slice %arg12[%add3A_210, %dma_start3A_213] : memref<10000x128xf32, #tpu.memory_space<vmem_shared>> -> memref<80x128xf32, #tpu.memory_space<vmem_shared>>
      tpu.enqueue_dma source(%arg9 : memref<80x128xf32, #tpu.memory_space<vmem>>) target(%dma_start3A_214 : memref<80x128xf32, #tpu.memory_space<vmem_shared>>) target_semaphore(%arg14 : memref<!tpu.dma_semaphore, #tpu.memory_space<semaphore_mem>>)
      %add3A_215 = arith.constant 80 : i32
      %add3A_216 = arith.addi %multiple_of3A, %add3A_215 : i32
      %dma_start3A_217 = arith.constant 0 : i32
      %dma_start3A_218 = tpu.memref_slice %arg12[%add3A_216, %dma_start3A_217] : memref<10000x128xf32, #tpu.memory_space<vmem_shared>> -> memref<80x128xf32, #tpu.memory_space<vmem_shared>>
      %dma_start3A_219 = arith.constant 0 : i32
      %dma_start3A_220 = tpu.memref_slice %arg12[%add3A_216, %dma_start3A_219] : memref<10000x128xf32, #tpu.memory_space<vmem_shared>> -> memref<80x128xf32, #tpu.memory_space<vmem_shared>>
      tpu.enqueue_dma source(%arg9 : memref<80x128xf32, #tpu.memory_space<vmem>>) target(%dma_start3A_220 : memref<80x128xf32, #tpu.memory_space<vmem_shared>>) target_semaphore(%arg14 : memref<!tpu.dma_semaphore, #tpu.memory_space<semaphore_mem>>)
      %add3A_221 = arith.constant 160 : i32
      %add3A_222 = arith.addi %multiple_of3A, %add3A_221 : i32
      %dma_start3A_223 = arith.constant 0 : i32
      %dma_start3A_224 = tpu.memref_slice %arg12[%add3A_222, %dma_start3A_223] : memref<10000x128xf32, #tpu.memory_space<vmem_shared>> -> memref<80x128xf32, #tpu.memory_space<vmem_shared>>
      %dma_start3A_225 = arith.constant 0 : i32
      %dma_start3A_226 = tpu.memref_slice %arg12[%add3A_222, %dma_start3A_225] : memref<10000x128xf32, #tpu.memory_space<vmem_shared>> -> memref<80x128xf32, #tpu.memory_space<vmem_shared>>
      tpu.enqueue_dma source(%arg9 : memref<80x128xf32, #tpu.memory_space<vmem>>) target(%dma_start3A_226 : memref<80x128xf32, #tpu.memory_space<vmem_shared>>) target_semaphore(%arg14 : memref<!tpu.dma_semaphore, #tpu.memory_space<semaphore_mem>>)
      %add3A_227 = arith.constant 240 : i32
      %add3A_228 = arith.addi %multiple_of3A, %add3A_227 : i32
      %dma_start3A_229 = arith.constant 0 : i32
      %dma_start3A_230 = tpu.memref_slice %arg12[%add3A_228, %dma_start3A_229] : memref<10000x128xf32, #tpu.memory_space<vmem_shared>> -> memref<80x128xf32, #tpu.memory_space<vmem_shared>>
      %dma_start3A_231 = arith.constant 0 : i32
      %dma_start3A_232 = tpu.memref_slice %arg12[%add3A_228, %dma_start3A_231] : memref<10000x128xf32, #tpu.memory_space<vmem_shared>> -> memref<80x128xf32, #tpu.memory_space<vmem_shared>>
      tpu.enqueue_dma source(%arg9 : memref<80x128xf32, #tpu.memory_space<vmem>>) target(%dma_start3A_232 : memref<80x128xf32, #tpu.memory_space<vmem_shared>>) target_semaphore(%arg14 : memref<!tpu.dma_semaphore, #tpu.memory_space<semaphore_mem>>)
      %add3A_233 = arith.constant 320 : i32
      %add3A_234 = arith.addi %multiple_of3A, %add3A_233 : i32
      %dma_start3A_235 = arith.constant 0 : i32
      %dma_start3A_236 = tpu.memref_slice %arg12[%add3A_234, %dma_start3A_235] : memref<10000x128xf32, #tpu.memory_space<vmem_shared>> -> memref<80x128xf32, #tpu.memory_space<vmem_shared>>
      %dma_start3A_237 = arith.constant 0 : i32
      %dma_start3A_238 = tpu.memref_slice %arg12[%add3A_234, %dma_start3A_237] : memref<10000x128xf32, #tpu.memory_space<vmem_shared>> -> memref<80x128xf32, #tpu.memory_space<vmem_shared>>
      tpu.enqueue_dma source(%arg9 : memref<80x128xf32, #tpu.memory_space<vmem>>) target(%dma_start3A_238 : memref<80x128xf32, #tpu.memory_space<vmem_shared>>) target_semaphore(%arg14 : memref<!tpu.dma_semaphore, #tpu.memory_space<semaphore_mem>>)
      %add3A_239 = arith.constant 400 : i32
      %add3A_240 = arith.addi %multiple_of3A, %add3A_239 : i32
      %dma_start3A_241 = arith.constant 0 : i32
      %dma_start3A_242 = tpu.memref_slice %arg12[%add3A_240, %dma_start3A_241] : memref<10000x128xf32, #tpu.memory_space<vmem_shared>> -> memref<80x128xf32, #tpu.memory_space<vmem_shared>>
      %dma_start3A_243 = arith.constant 0 : i32
      %dma_start3A_244 = tpu.memref_slice %arg12[%add3A_240, %dma_start3A_243] : memref<10000x128xf32, #tpu.memory_space<vmem_shared>> -> memref<80x128xf32, #tpu.memory_space<vmem_shared>>
      tpu.enqueue_dma source(%arg9 : memref<80x128xf32, #tpu.memory_space<vmem>>) target(%dma_start3A_244 : memref<80x128xf32, #tpu.memory_space<vmem_shared>>) target_semaphore(%arg14 : memref<!tpu.dma_semaphore, #tpu.memory_space<semaphore_mem>>)
      %add3A_245 = arith.constant 480 : i32
      %add3A_246 = arith.addi %multiple_of3A, %add3A_245 : i32
      %dma_start3A_247 = arith.constant 0 : i32
      %dma_start3A_248 = arith.constant 0 : i32
      %dma_start3A_249 = tpu.memref_slice %arg9[%dma_start3A_247, %dma_start3A_248] : memref<80x128xf32, #tpu.memory_space<vmem>> -> memref<40x128xf32, #tpu.memory_space<vmem>>
      %dma_start3A_250 = arith.constant 0 : i32
      %dma_start3A_251 = tpu.memref_slice %arg12[%add3A_246, %dma_start3A_250] : memref<10000x128xf32, #tpu.memory_space<vmem_shared>> -> memref<40x128xf32, #tpu.memory_space<vmem_shared>>
      %dma_start3A_252 = arith.constant 0 : i32
      %dma_start3A_253 = tpu.memref_slice %arg12[%add3A_246, %dma_start3A_252] : memref<10000x128xf32, #tpu.memory_space<vmem_shared>> -> memref<40x128xf32, #tpu.memory_space<vmem_shared>>
      %dma_start3A_254 = arith.constant 0 : i32
      %dma_start3A_255 = arith.constant 0 : i32
      %dma_start3A_256 = tpu.memref_slice %arg9[%dma_start3A_254, %dma_start3A_255] : memref<80x128xf32, #tpu.memory_space<vmem>> -> memref<40x128xf32, #tpu.memory_space<vmem>>
      tpu.enqueue_dma source(%dma_start3A_256 : memref<40x128xf32, #tpu.memory_space<vmem>>) target(%dma_start3A_253 : memref<40x128xf32, #tpu.memory_space<vmem_shared>>) target_semaphore(%arg14 : memref<!tpu.dma_semaphore, #tpu.memory_space<semaphore_mem>>)
      %dma_wait3A_257 = arith.constant 0 : i32
      %dma_wait3A_258 = arith.constant 0 : i32
      %dma_wait3A_259 = tpu.memref_slice %arg12[%dma_wait3A_257, %dma_wait3A_258] : memref<10000x128xf32, #tpu.memory_space<vmem_shared>> -> memref<80x128xf32, #tpu.memory_space<vmem_shared>>
      %dma_wait3A_260 = arith.constant 0 : i32
      %dma_wait3A_261 = arith.constant 0 : i32
      %dma_wait3A_262 = tpu.memref_slice %arg12[%dma_wait3A_260, %dma_wait3A_261] : memref<10000x128xf32, #tpu.memory_space<vmem_shared>> -> memref<80x128xf32, #tpu.memory_space<vmem_shared>>
      tpu.wait_dma2 semaphore(%arg14 : memref<!tpu.dma_semaphore, #tpu.memory_space<semaphore_mem>>) src(%arg9 : memref<80x128xf32, #tpu.memory_space<vmem>>) dst(%dma_wait3A_262 : memref<80x128xf32, #tpu.memory_space<vmem_shared>>)
      %dma_wait3A_263 = arith.constant 0 : i32
      %dma_wait3A_264 = arith.constant 0 : i32
      %dma_wait3A_265 = tpu.memref_slice %arg12[%dma_wait3A_263, %dma_wait3A_264] : memref<10000x128xf32, #tpu.memory_space<vmem_shared>> -> memref<80x128xf32, #tpu.memory_space<vmem_shared>>
      %dma_wait3A_266 = arith.constant 0 : i32
      %dma_wait3A_267 = arith.constant 0 : i32
      %dma_wait3A_268 = tpu.memref_slice %arg12[%dma_wait3A_266, %dma_wait3A_267] : memref<10000x128xf32, #tpu.memory_space<vmem_shared>> -> memref<80x128xf32, #tpu.memory_space<vmem_shared>>
      tpu.wait_dma2 semaphore(%arg14 : memref<!tpu.dma_semaphore, #tpu.memory_space<semaphore_mem>>) src(%arg9 : memref<80x128xf32, #tpu.memory_space<vmem>>) dst(%dma_wait3A_268 : memref<80x128xf32, #tpu.memory_space<vmem_shared>>)
      %dma_wait3A_269 = arith.constant 0 : i32
      %dma_wait3A_270 = arith.constant 0 : i32
      %dma_wait3A_271 = tpu.memref_slice %arg12[%dma_wait3A_269, %dma_wait3A_270] : memref<10000x128xf32, #tpu.memory_space<vmem_shared>> -> memref<80x128xf32, #tpu.memory_space<vmem_shared>>
      %dma_wait3A_272 = arith.constant 0 : i32
      %dma_wait3A_273 = arith.constant 0 : i32
      %dma_wait3A_274 = tpu.memref_slice %arg12[%dma_wait3A_272, %dma_wait3A_273] : memref<10000x128xf32, #tpu.memory_space<vmem_shared>> -> memref<80x128xf32, #tpu.memory_space<vmem_shared>>
      tpu.wait_dma2 semaphore(%arg14 : memref<!tpu.dma_semaphore, #tpu.memory_space<semaphore_mem>>) src(%arg9 : memref<80x128xf32, #tpu.memory_space<vmem>>) dst(%dma_wait3A_274 : memref<80x128xf32, #tpu.memory_space<vmem_shared>>)
      %dma_wait3A_275 = arith.constant 0 : i32
      %dma_wait3A_276 = arith.constant 0 : i32
      %dma_wait3A_277 = tpu.memref_slice %arg12[%dma_wait3A_275, %dma_wait3A_276] : memref<10000x128xf32, #tpu.memory_space<vmem_shared>> -> memref<80x128xf32, #tpu.memory_space<vmem_shared>>
      %dma_wait3A_278 = arith.constant 0 : i32
      %dma_wait3A_279 = arith.constant 0 : i32
      %dma_wait3A_280 = tpu.memref_slice %arg12[%dma_wait3A_278, %dma_wait3A_279] : memref<10000x128xf32, #tpu.memory_space<vmem_shared>> -> memref<80x128xf32, #tpu.memory_space<vmem_shared>>
      tpu.wait_dma2 semaphore(%arg14 : memref<!tpu.dma_semaphore, #tpu.memory_space<semaphore_mem>>) src(%arg9 : memref<80x128xf32, #tpu.memory_space<vmem>>) dst(%dma_wait3A_280 : memref<80x128xf32, #tpu.memory_space<vmem_shared>>)
      %dma_wait3A_281 = arith.constant 0 : i32
      %dma_wait3A_282 = arith.constant 0 : i32
      %dma_wait3A_283 = tpu.memref_slice %arg12[%dma_wait3A_281, %dma_wait3A_282] : memref<10000x128xf32, #tpu.memory_space<vmem_shared>> -> memref<80x128xf32, #tpu.memory_space<vmem_shared>>
      %dma_wait3A_284 = arith.constant 0 : i32
      %dma_wait3A_285 = arith.constant 0 : i32
      %dma_wait3A_286 = tpu.memref_slice %arg12[%dma_wait3A_284, %dma_wait3A_285] : memref<10000x128xf32, #tpu.memory_space<vmem_shared>> -> memref<80x128xf32, #tpu.memory_space<vmem_shared>>
      tpu.wait_dma2 semaphore(%arg14 : memref<!tpu.dma_semaphore, #tpu.memory_space<semaphore_mem>>) src(%arg9 : memref<80x128xf32, #tpu.memory_space<vmem>>) dst(%dma_wait3A_286 : memref<80x128xf32, #tpu.memory_space<vmem_shared>>)
      %dma_wait3A_287 = arith.constant 0 : i32
      %dma_wait3A_288 = arith.constant 0 : i32
      %dma_wait3A_289 = tpu.memref_slice %arg12[%dma_wait3A_287, %dma_wait3A_288] : memref<10000x128xf32, #tpu.memory_space<vmem_shared>> -> memref<80x128xf32, #tpu.memory_space<vmem_shared>>
      %dma_wait3A_290 = arith.constant 0 : i32
      %dma_wait3A_291 = arith.constant 0 : i32
      %dma_wait3A_292 = tpu.memref_slice %arg12[%dma_wait3A_290, %dma_wait3A_291] : memref<10000x128xf32, #tpu.memory_space<vmem_shared>> -> memref<80x128xf32, #tpu.memory_space<vmem_shared>>
      tpu.wait_dma2 semaphore(%arg14 : memref<!tpu.dma_semaphore, #tpu.memory_space<semaphore_mem>>) src(%arg9 : memref<80x128xf32, #tpu.memory_space<vmem>>) dst(%dma_wait3A_292 : memref<80x128xf32, #tpu.memory_space<vmem_shared>>)
      %dma_wait3A_293 = arith.constant 0 : i32
      %dma_wait3A_294 = arith.constant 0 : i32
      %dma_wait3A_295 = tpu.memref_slice %arg9[%dma_wait3A_293, %dma_wait3A_294] : memref<80x128xf32, #tpu.memory_space<vmem>> -> memref<40x128xf32, #tpu.memory_space<vmem>>
      %dma_wait3A_296 = arith.constant 0 : i32
      %dma_wait3A_297 = arith.constant 0 : i32
      %dma_wait3A_298 = tpu.memref_slice %arg12[%dma_wait3A_296, %dma_wait3A_297] : memref<10000x128xf32, #tpu.memory_space<vmem_shared>> -> memref<40x128xf32, #tpu.memory_space<vmem_shared>>
      %dma_wait3A_299 = arith.constant 0 : i32
      %dma_wait3A_300 = arith.constant 0 : i32
      %dma_wait3A_301 = tpu.memref_slice %arg12[%dma_wait3A_299, %dma_wait3A_300] : memref<10000x128xf32, #tpu.memory_space<vmem_shared>> -> memref<40x128xf32, #tpu.memory_space<vmem_shared>>
      %dma_wait3A_302 = arith.constant 0 : i32
      %dma_wait3A_303 = arith.constant 0 : i32
      %dma_wait3A_304 = tpu.memref_slice %arg9[%dma_wait3A_302, %dma_wait3A_303] : memref<80x128xf32, #tpu.memory_space<vmem>> -> memref<40x128xf32, #tpu.memory_space<vmem>>
      tpu.wait_dma2 semaphore(%arg14 : memref<!tpu.dma_semaphore, #tpu.memory_space<semaphore_mem>>) src(%dma_wait3A_304 : memref<40x128xf32, #tpu.memory_space<vmem>>) dst(%dma_wait3A_301 : memref<40x128xf32, #tpu.memory_space<vmem_shared>>)
    } else {
    }
    "tpu.region"() ({
      %run_scoped3A = tpu.sem_alloc : memref<!tpu.dma_semaphore, #tpu.memory_space<semaphore_mem>>
      %dma_start3A_209 = arith.constant 0 : i32
      %dma_start3A_210 = tpu.memref_slice %arg3[%add3A, %dma_start3A_209] : memref<32x10000xi32, #tpu.memory_space<hbm>> -> memref<1x10000xi32, #tpu.memory_space<hbm>>
      %dma_start3A_211 = tpu.memref_squeeze %dma_start3A_210 : memref<1x10000xi32, #tpu.memory_space<hbm>> -> memref<10000xi32, #tpu.memory_space<hbm>>
      %dma_start3A_212 = arith.constant 0 : i32
      %dma_start3A_213 = tpu.memref_slice %arg3[%add3A, %dma_start3A_212] : memref<32x10000xi32, #tpu.memory_space<hbm>> -> memref<1x10000xi32, #tpu.memory_space<hbm>>
      %dma_start3A_214 = tpu.memref_squeeze %dma_start3A_213 : memref<1x10000xi32, #tpu.memory_space<hbm>> -> memref<10000xi32, #tpu.memory_space<hbm>>
      tpu.enqueue_dma source(%dma_start3A_214 : memref<10000xi32, #tpu.memory_space<hbm>>) target(%arg6 : memref<10000xi32, #tpu.memory_space<vmem>>) target_semaphore(%run_scoped3A : memref<!tpu.dma_semaphore, #tpu.memory_space<semaphore_mem>>)
      %dma_wait3A_215 = arith.constant 0 : i32
      %dma_wait3A_216 = tpu.memref_slice %arg3[%add3A, %dma_wait3A_215] : memref<32x10000xi32, #tpu.memory_space<hbm>> -> memref<1x10000xi32, #tpu.memory_space<hbm>>
      %dma_wait3A_217 = tpu.memref_squeeze %dma_wait3A_216 : memref<1x10000xi32, #tpu.memory_space<hbm>> -> memref<10000xi32, #tpu.memory_space<hbm>>
      %dma_wait3A_218 = arith.constant 0 : i32
      %dma_wait3A_219 = tpu.memref_slice %arg3[%add3A, %dma_wait3A_218] : memref<32x10000xi32, #tpu.memory_space<hbm>> -> memref<1x10000xi32, #tpu.memory_space<hbm>>
      %dma_wait3A_220 = tpu.memref_squeeze %dma_wait3A_219 : memref<1x10000xi32, #tpu.memory_space<hbm>> -> memref<10000xi32, #tpu.memory_space<hbm>>
      tpu.wait_dma2 semaphore(%run_scoped3A : memref<!tpu.dma_semaphore, #tpu.memory_space<semaphore_mem>>) src(%dma_wait3A_220 : memref<10000xi32, #tpu.memory_space<hbm>>) dst(%arg6 : memref<10000xi32, #tpu.memory_space<vmem>>)
      tpu.yield
    }) : () -> ()
    "tpu.region"() ({
      %run_scoped3A = tpu.sem_alloc : memref<!tpu.dma_semaphore, #tpu.memory_space<semaphore_mem>>
      %dma_start3A_209 = arith.constant 0 : i32
      %dma_start3A_210 = tpu.memref_slice %arg4[%add3A, %dma_start3A_209] : memref<32x10000xi32, #tpu.memory_space<hbm>> -> memref<1x10000xi32, #tpu.memory_space<hbm>>
      %dma_start3A_211 = tpu.memref_squeeze %dma_start3A_210 : memref<1x10000xi32, #tpu.memory_space<hbm>> -> memref<10000xi32, #tpu.memory_space<hbm>>
      %dma_start3A_212 = arith.constant 0 : i32
      %dma_start3A_213 = tpu.memref_slice %arg4[%add3A, %dma_start3A_212] : memref<32x10000xi32, #tpu.memory_space<hbm>> -> memref<1x10000xi32, #tpu.memory_space<hbm>>
      %dma_start3A_214 = tpu.memref_squeeze %dma_start3A_213 : memref<1x10000xi32, #tpu.memory_space<hbm>> -> memref<10000xi32, #tpu.memory_space<hbm>>
      tpu.enqueue_dma source(%dma_start3A_214 : memref<10000xi32, #tpu.memory_space<hbm>>) target(%arg7 : memref<10000xi32, #tpu.memory_space<vmem>>) target_semaphore(%run_scoped3A : memref<!tpu.dma_semaphore, #tpu.memory_space<semaphore_mem>>)
      %dma_wait3A_215 = arith.constant 0 : i32
      %dma_wait3A_216 = tpu.memref_slice %arg4[%add3A, %dma_wait3A_215] : memref<32x10000xi32, #tpu.memory_space<hbm>> -> memref<1x10000xi32, #tpu.memory_space<hbm>>
      %dma_wait3A_217 = tpu.memref_squeeze %dma_wait3A_216 : memref<1x10000xi32, #tpu.memory_space<hbm>> -> memref<10000xi32, #tpu.memory_space<hbm>>
      %dma_wait3A_218 = arith.constant 0 : i32
      %dma_wait3A_219 = tpu.memref_slice %arg4[%add3A, %dma_wait3A_218] : memref<32x10000xi32, #tpu.memory_space<hbm>> -> memref<1x10000xi32, #tpu.memory_space<hbm>>
      %dma_wait3A_220 = tpu.memref_squeeze %dma_wait3A_219 : memref<1x10000xi32, #tpu.memory_space<hbm>> -> memref<10000xi32, #tpu.memory_space<hbm>>
      tpu.wait_dma2 semaphore(%run_scoped3A : memref<!tpu.dma_semaphore, #tpu.memory_space<semaphore_mem>>) src(%dma_wait3A_220 : memref<10000xi32, #tpu.memory_space<hbm>>) dst(%arg7 : memref<10000xi32, #tpu.memory_space<vmem>>)
      tpu.yield
    }) : () -> ()
    %barrier3A = arith.constant 0 : index
    tpu.barrier barrier_id(%barrier3A)
    %min3A = arith.constant 0 : i32
    %min3A_15 = arith.constant 124 : i32
    %min3A_16 = arith.minsi %min3A, %min3A_15 : i32
    %mul3A_17 = arith.constant 80 : i32
    %mul3A_18 = arith.muli %min3A_16, %mul3A_17 : i32
    %multiple_of3A_19 = tpu.assume_multiple %mul3A_18, 80 : i32
    %dma_start3A = tpu.memref_slice %arg6[%multiple_of3A_19] : memref<10000xi32, #tpu.memory_space<vmem>> -> memref<80xi32, #tpu.memory_space<vmem>>
    %dma_start3A_20 = arith.constant 0 : i32
    %dma_start3A_21 = arith.constant 0 : i32
    %dma_start3A_22 = tpu.memref_slice %arg2[%dma_start3A_20, %dma_start3A_21] : memref<10000x128xf32, #tpu.memory_space<hbm>> -> memref<10000x128xf32, #tpu.memory_space<hbm>>
    tpu.enqueue_indirect_dma source(%dma_start3A_22 : memref<10000x128xf32, #tpu.memory_space<hbm>>) target(%arg9 : memref<80x128xf32, #tpu.memory_space<vmem>>) offsets(%dma_start3A : memref<80xi32, #tpu.memory_space<vmem>>) semaphore(%arg13 : memref<!tpu.dma_semaphore, #tpu.memory_space<semaphore_mem>>)
    %min3A_23 = arith.constant 1 : i32
    %min3A_24 = arith.constant 124 : i32
    %min3A_25 = arith.minsi %min3A_23, %min3A_24 : i32
    %mul3A_26 = arith.constant 80 : i32
    %mul3A_27 = arith.muli %min3A_25, %mul3A_26 : i32
    %multiple_of3A_28 = tpu.assume_multiple %mul3A_27, 80 : i32
    %dma_start3A_29 = tpu.memref_slice %arg6[%multiple_of3A_28] : memref<10000xi32, #tpu.memory_space<vmem>> -> memref<80xi32, #tpu.memory_space<vmem>>
    %dma_start3A_30 = arith.constant 0 : i32
    %dma_start3A_31 = arith.constant 0 : i32
    %dma_start3A_32 = tpu.memref_slice %arg2[%dma_start3A_30, %dma_start3A_31] : memref<10000x128xf32, #tpu.memory_space<hbm>> -> memref<10000x128xf32, #tpu.memory_space<hbm>>
    tpu.enqueue_indirect_dma source(%dma_start3A_32 : memref<10000x128xf32, #tpu.memory_space<hbm>>) target(%arg10 : memref<80x128xf32, #tpu.memory_space<vmem>>) offsets(%dma_start3A_29 : memref<80xi32, #tpu.memory_space<vmem>>) semaphore(%arg13 : memref<!tpu.dma_semaphore, #tpu.memory_space<semaphore_mem>>)
    %min3A_33 = arith.constant 2 : i32
    %min3A_34 = arith.constant 124 : i32
    %min3A_35 = arith.minsi %min3A_33, %min3A_34 : i32
    %mul3A_36 = arith.constant 80 : i32
    %mul3A_37 = arith.muli %min3A_35, %mul3A_36 : i32
    %multiple_of3A_38 = tpu.assume_multiple %mul3A_37, 80 : i32
    %dma_start3A_39 = tpu.memref_slice %arg6[%multiple_of3A_38] : memref<10000xi32, #tpu.memory_space<vmem>> -> memref<80xi32, #tpu.memory_space<vmem>>
    %dma_start3A_40 = arith.constant 0 : i32
    %dma_start3A_41 = arith.constant 0 : i32
    %dma_start3A_42 = tpu.memref_slice %arg2[%dma_start3A_40, %dma_start3A_41] : memref<10000x128xf32, #tpu.memory_space<hbm>> -> memref<10000x128xf32, #tpu.memory_space<hbm>>
    tpu.enqueue_indirect_dma source(%dma_start3A_42 : memref<10000x128xf32, #tpu.memory_space<hbm>>) target(%arg11 : memref<80x128xf32, #tpu.memory_space<vmem>>) offsets(%dma_start3A_39 : memref<80xi32, #tpu.memory_space<vmem>>) semaphore(%arg13 : memref<!tpu.dma_semaphore, #tpu.memory_space<semaphore_mem>>)
    %scan3A_43 = arith.constant 0 : i32
    %scan3A_44 = arith.constant 0 : i32
    %scan3A_45 = arith.constant 41 : i32
    %scan3A_46 = arith.addi %scan3A_44, %scan3A_45 : i32
    %scan3A_47 = arith.constant 1 : i32
    %scan3A_48 = scf.for %scan3A_209 = %scan3A_44 to %scan3A_46 step %scan3A_47 iter_args(%scan3A_210 = %scan3A_43) -> (i32)  : i32 {
      %mul3A_211 = arith.constant 3 : i32
      %mul3A_212 = arith.muli %scan3A_209, %mul3A_211 : i32
      %add3A_213 = arith.constant 0 : i32
      %add3A_214 = arith.addi %mul3A_212, %add3A_213 : i32
      %mul3A_215 = arith.constant 80 : i32
      %mul3A_216 = arith.muli %add3A_214, %mul3A_215 : i32
      %multiple_of3A_217 = tpu.assume_multiple %mul3A_216, 80 : i32
      %add3A_218 = arith.constant 0 : i32
      %add3A_219 = arith.addi %multiple_of3A_217, %add3A_218 : i32
      %get3A_220 = arith.index_cast %add3A_219 : i32 to index
      %get3A_221 = tpu.vector_load %arg7[%get3A_220] {strides = array<i32>} : memref<10000xi32, #tpu.memory_space<vmem>>, vector<16xi32>,
      %get3A_222 = vector.shape_cast %get3A_221 : vector<16xi32> to vector<16xi32>
      %swap3A_223 = arith.constant 0 : index
      %swap3A_224 = tpu.vector_load %arg8[%swap3A_223] {strides = array<i32>} : memref<80xi32, #tpu.memory_space<vmem>>, vector<16xi32>,
      %swap3A_225 = vector.shape_cast %swap3A_224 : vector<16xi32> to vector<16xi32>
      %swap3A_226 = vector.shape_cast %get3A_222 : vector<16xi32> to vector<16xi32>
      tpu.vector_store %arg8[%swap3A_223], %swap3A_226 {strides = array<i32>} : memref<80xi32, #tpu.memory_space<vmem>>, vector<16xi32>,
      %add3A_227 = arith.constant 16 : i32
      %add3A_228 = arith.addi %multiple_of3A_217, %add3A_227 : i32
      %get3A_229 = arith.index_cast %add3A_228 : i32 to index
      %get3A_230 = tpu.vector_load %arg7[%get3A_229] {strides = array<i32>} : memref<10000xi32, #tpu.memory_space<vmem>>, vector<16xi32>,
      %get3A_231 = vector.shape_cast %get3A_230 : vector<16xi32> to vector<16xi32>
      %swap3A_232 = arith.constant 16 : index
      %swap3A_233 = tpu.vector_load %arg8[%swap3A_232] {strides = array<i32>} : memref<80xi32, #tpu.memory_space<vmem>>, vector<16xi32>,
      %swap3A_234 = vector.shape_cast %swap3A_233 : vector<16xi32> to vector<16xi32>
      %swap3A_235 = vector.shape_cast %get3A_231 : vector<16xi32> to vector<16xi32>
      tpu.vector_store %arg8[%swap3A_232], %swap3A_235 {strides = array<i32>} : memref<80xi32, #tpu.memory_space<vmem>>, vector<16xi32>,
      %add3A_236 = arith.constant 32 : i32
      %add3A_237 = arith.addi %multiple_of3A_217, %add3A_236 : i32
      %get3A_238 = arith.index_cast %add3A_237 : i32 to index
      %get3A_239 = tpu.vector_load %arg7[%get3A_238] {strides = array<i32>} : memref<10000xi32, #tpu.memory_space<vmem>>, vector<16xi32>,
      %get3A_240 = vector.shape_cast %get3A_239 : vector<16xi32> to vector<16xi32>
      %swap3A_241 = arith.constant 32 : index
      %swap3A_242 = tpu.vector_load %arg8[%swap3A_241] {strides = array<i32>} : memref<80xi32, #tpu.memory_space<vmem>>, vector<16xi32>,
      %swap3A_243 = vector.shape_cast %swap3A_242 : vector<16xi32> to vector<16xi32>
      %swap3A_244 = vector.shape_cast %get3A_240 : vector<16xi32> to vector<16xi32>
      tpu.vector_store %arg8[%swap3A_241], %swap3A_244 {strides = array<i32>} : memref<80xi32, #tpu.memory_space<vmem>>, vector<16xi32>,
      %add3A_245 = arith.constant 48 : i32
      %add3A_246 = arith.addi %multiple_of3A_217, %add3A_245 : i32
      %get3A_247 = arith.index_cast %add3A_246 : i32 to index
      %get3A_248 = tpu.vector_load %arg7[%get3A_247] {strides = array<i32>} : memref<10000xi32, #tpu.memory_space<vmem>>, vector<16xi32>,
      %get3A_249 = vector.shape_cast %get3A_248 : vector<16xi32> to vector<16xi32>
      %swap3A_250 = arith.constant 48 : index
      %swap3A_251 = tpu.vector_load %arg8[%swap3A_250] {strides = array<i32>} : memref<80xi32, #tpu.memory_space<vmem>>, vector<16xi32>,
      %swap3A_252 = vector.shape_cast %swap3A_251 : vector<16xi32> to vector<16xi32>
      %swap3A_253 = vector.shape_cast %get3A_249 : vector<16xi32> to vector<16xi32>
      tpu.vector_store %arg8[%swap3A_250], %swap3A_253 {strides = array<i32>} : memref<80xi32, #tpu.memory_space<vmem>>, vector<16xi32>,
      %add3A_254 = arith.constant 64 : i32
      %add3A_255 = arith.addi %multiple_of3A_217, %add3A_254 : i32
      %get3A_256 = arith.index_cast %add3A_255 : i32 to index
      %get3A_257 = tpu.vector_load %arg7[%get3A_256] {strides = array<i32>} : memref<10000xi32, #tpu.memory_space<vmem>>, vector<16xi32>,
      %get3A_258 = vector.shape_cast %get3A_257 : vector<16xi32> to vector<16xi32>
      %swap3A_259 = arith.constant 64 : index
      %swap3A_260 = tpu.vector_load %arg8[%swap3A_259] {strides = array<i32>} : memref<80xi32, #tpu.memory_space<vmem>>, vector<16xi32>,
      %swap3A_261 = vector.shape_cast %swap3A_260 : vector<16xi32> to vector<16xi32>
      %swap3A_262 = vector.shape_cast %get3A_258 : vector<16xi32> to vector<16xi32>
      tpu.vector_store %arg8[%swap3A_259], %swap3A_262 {strides = array<i32>} : memref<80xi32, #tpu.memory_space<vmem>>, vector<16xi32>,
      %dma_wait3A_263 = arith.constant 0 : i32
      %dma_wait3A_264 = tpu.memref_slice %arg6[%dma_wait3A_263] : memref<10000xi32, #tpu.memory_space<vmem>> -> memref<80xi32, #tpu.memory_space<vmem>>
      %dma_wait3A_265 = arith.constant 0 : i32
      %dma_wait3A_266 = arith.constant 0 : i32
      %dma_wait3A_267 = tpu.memref_slice %arg2[%dma_wait3A_265, %dma_wait3A_266] : memref<10000x128xf32, #tpu.memory_space<hbm>> -> memref<10000x128xf32, #tpu.memory_space<hbm>>
      tpu.wait_indirect_dma semaphore(%arg13 : memref<!tpu.dma_semaphore, #tpu.memory_space<semaphore_mem>>) src(%dma_wait3A_267 : memref<10000x128xf32, #tpu.memory_space<hbm>>) dst(%arg9 : memref<80x128xf32, #tpu.memory_space<vmem>>)
      %dma_start3A_268 = arith.constant 0 : i32
      %dma_start3A_269 = arith.constant 0 : i32
      %dma_start3A_270 = tpu.memref_slice %arg12[%dma_start3A_268, %dma_start3A_269] : memref<10000x128xf32, #tpu.memory_space<vmem_shared>> -> memref<10000x128xf32, #tpu.memory_space<vmem_shared>>
      tpu.enqueue_indirect_dma source(%arg9 : memref<80x128xf32, #tpu.memory_space<vmem>>) target(%dma_start3A_270 : memref<10000x128xf32, #tpu.memory_space<vmem_shared>>) offsets(%arg8 : memref<80xi32, #tpu.memory_space<vmem>>) semaphore(%arg14 : memref<!tpu.dma_semaphore, #tpu.memory_space<semaphore_mem>>) {add = true}
      %dma_wait3A_271 = arith.constant 0 : i32
      %dma_wait3A_272 = arith.constant 0 : i32
      %dma_wait3A_273 = tpu.memref_slice %arg12[%dma_wait3A_271, %dma_wait3A_272] : memref<10000x128xf32, #tpu.memory_space<vmem_shared>> -> memref<10000x128xf32, #tpu.memory_space<vmem_shared>>
      tpu.wait_indirect_dma semaphore(%arg14 : memref<!tpu.dma_semaphore, #tpu.memory_space<semaphore_mem>>) src(%arg9 : memref<80x128xf32, #tpu.memory_space<vmem>>) dst(%dma_wait3A_273 : memref<10000x128xf32, #tpu.memory_space<vmem_shared>>)
      %add3A_274 = arith.constant 3 : i32
      %add3A_275 = arith.addi %add3A_214, %add3A_274 : i32
      %min3A_276 = arith.constant 124 : i32
      %min3A_277 = arith.minsi %add3A_275, %min3A_276 : i32
      %mul3A_278 = arith.constant 80 : i32
      %mul3A_279 = arith.muli %min3A_277, %mul3A_278 : i32
      %multiple_of3A_280 = tpu.assume_multiple %mul3A_279, 80 : i32
      %dma_start3A_281 = tpu.memref_slice %arg6[%multiple_of3A_280] : memref<10000xi32, #tpu.memory_space<vmem>> -> memref<80xi32, #tpu.memory_space<vmem>>
      %dma_start3A_282 = arith.constant 0 : i32
      %dma_start3A_283 = arith.constant 0 : i32
      %dma_start3A_284 = tpu.memref_slice %arg2[%dma_start3A_282, %dma_start3A_283] : memref<10000x128xf32, #tpu.memory_space<hbm>> -> memref<10000x128xf32, #tpu.memory_space<hbm>>
      tpu.enqueue_indirect_dma source(%dma_start3A_284 : memref<10000x128xf32, #tpu.memory_space<hbm>>) target(%arg9 : memref<80x128xf32, #tpu.memory_space<vmem>>) offsets(%dma_start3A_281 : memref<80xi32, #tpu.memory_space<vmem>>) semaphore(%arg13 : memref<!tpu.dma_semaphore, #tpu.memory_space<semaphore_mem>>)
      %mul3A_285 = arith.constant 3 : i32
      %mul3A_286 = arith.muli %scan3A_209, %mul3A_285 : i32
      %add3A_287 = arith.constant 1 : i32
      %add3A_288 = arith.addi %mul3A_286, %add3A_287 : i32
      %mul3A_289 = arith.constant 80 : i32
      %mul3A_290 = arith.muli %add3A_288, %mul3A_289 : i32
      %multiple_of3A_291 = tpu.assume_multiple %mul3A_290, 80 : i32
      %add3A_292 = arith.constant 0 : i32
      %add3A_293 = arith.addi %multiple_of3A_291, %add3A_292 : i32
      %get3A_294 = arith.index_cast %add3A_293 : i32 to index
      %get3A_295 = tpu.vector_load %arg7[%get3A_294] {strides = array<i32>} : memref<10000xi32, #tpu.memory_space<vmem>>, vector<16xi32>,
      %get3A_296 = vector.shape_cast %get3A_295 : vector<16xi32> to vector<16xi32>
      %swap3A_297 = arith.constant 0 : index
      %swap3A_298 = tpu.vector_load %arg8[%swap3A_297] {strides = array<i32>} : memref<80xi32, #tpu.memory_space<vmem>>, vector<16xi32>,
      %swap3A_299 = vector.shape_cast %swap3A_298 : vector<16xi32> to vector<16xi32>
      %swap3A_300 = vector.shape_cast %get3A_296 : vector<16xi32> to vector<16xi32>
      tpu.vector_store %arg8[%swap3A_297], %swap3A_300 {strides = array<i32>} : memref<80xi32, #tpu.memory_space<vmem>>, vector<16xi32>,
      %add3A_301 = arith.constant 16 : i32
      %add3A_302 = arith.addi %multiple_of3A_291, %add3A_301 : i32
      %get3A_303 = arith.index_cast %add3A_302 : i32 to index
      %get3A_304 = tpu.vector_load %arg7[%get3A_303] {strides = array<i32>} : memref<10000xi32, #tpu.memory_space<vmem>>, vector<16xi32>,
      %get3A_305 = vector.shape_cast %get3A_304 : vector<16xi32> to vector<16xi32>
      %swap3A_306 = arith.constant 16 : index
      %swap3A_307 = tpu.vector_load %arg8[%swap3A_306] {strides = array<i32>} : memref<80xi32, #tpu.memory_space<vmem>>, vector<16xi32>,
      %swap3A_308 = vector.shape_cast %swap3A_307 : vector<16xi32> to vector<16xi32>
      %swap3A_309 = vector.shape_cast %get3A_305 : vector<16xi32> to vector<16xi32>
      tpu.vector_store %arg8[%swap3A_306], %swap3A_309 {strides = array<i32>} : memref<80xi32, #tpu.memory_space<vmem>>, vector<16xi32>,
      %add3A_310 = arith.constant 32 : i32
      %add3A_311 = arith.addi %multiple_of3A_291, %add3A_310 : i32
      %get3A_312 = arith.index_cast %add3A_311 : i32 to index
      %get3A_313 = tpu.vector_load %arg7[%get3A_312] {strides = array<i32>} : memref<10000xi32, #tpu.memory_space<vmem>>, vector<16xi32>,
      %get3A_314 = vector.shape_cast %get3A_313 : vector<16xi32> to vector<16xi32>
      %swap3A_315 = arith.constant 32 : index
      %swap3A_316 = tpu.vector_load %arg8[%swap3A_315] {strides = array<i32>} : memref<80xi32, #tpu.memory_space<vmem>>, vector<16xi32>,
      %swap3A_317 = vector.shape_cast %swap3A_316 : vector<16xi32> to vector<16xi32>
      %swap3A_318 = vector.shape_cast %get3A_314 : vector<16xi32> to vector<16xi32>
      tpu.vector_store %arg8[%swap3A_315], %swap3A_318 {strides = array<i32>} : memref<80xi32, #tpu.memory_space<vmem>>, vector<16xi32>,
      %add3A_319 = arith.constant 48 : i32
      %add3A_320 = arith.addi %multiple_of3A_291, %add3A_319 : i32
      %get3A_321 = arith.index_cast %add3A_320 : i32 to index
      %get3A_322 = tpu.vector_load %arg7[%get3A_321] {strides = array<i32>} : memref<10000xi32, #tpu.memory_space<vmem>>, vector<16xi32>,
      %get3A_323 = vector.shape_cast %get3A_322 : vector<16xi32> to vector<16xi32>
      %swap3A_324 = arith.constant 48 : index
      %swap3A_325 = tpu.vector_load %arg8[%swap3A_324] {strides = array<i32>} : memref<80xi32, #tpu.memory_space<vmem>>, vector<16xi32>,
      %swap3A_326 = vector.shape_cast %swap3A_325 : vector<16xi32> to vector<16xi32>
      %swap3A_327 = vector.shape_cast %get3A_323 : vector<16xi32> to vector<16xi32>
      tpu.vector_store %arg8[%swap3A_324], %swap3A_327 {strides = array<i32>} : memref<80xi32, #tpu.memory_space<vmem>>, vector<16xi32>,
      %add3A_328 = arith.constant 64 : i32
      %add3A_329 = arith.addi %multiple_of3A_291, %add3A_328 : i32
      %get3A_330 = arith.index_cast %add3A_329 : i32 to index
      %get3A_331 = tpu.vector_load %arg7[%get3A_330] {strides = array<i32>} : memref<10000xi32, #tpu.memory_space<vmem>>, vector<16xi32>,
      %get3A_332 = vector.shape_cast %get3A_331 : vector<16xi32> to vector<16xi32>
      %swap3A_333 = arith.constant 64 : index
      %swap3A_334 = tpu.vector_load %arg8[%swap3A_333] {strides = array<i32>} : memref<80xi32, #tpu.memory_space<vmem>>, vector<16xi32>,
      %swap3A_335 = vector.shape_cast %swap3A_334 : vector<16xi32> to vector<16xi32>
      %swap3A_336 = vector.shape_cast %get3A_332 : vector<16xi32> to vector<16xi32>
      tpu.vector_store %arg8[%swap3A_333], %swap3A_336 {strides = array<i32>} : memref<80xi32, #tpu.memory_space<vmem>>, vector<16xi32>,
      %dma_wait3A_337 = arith.constant 0 : i32
      %dma_wait3A_338 = tpu.memref_slice %arg6[%dma_wait3A_337] : memref<10000xi32, #tpu.memory_space<vmem>> -> memref<80xi32, #tpu.memory_space<vmem>>
      %dma_wait3A_339 = arith.constant 0 : i32
      %dma_wait3A_340 = arith.constant 0 : i32
      %dma_wait3A_341 = tpu.memref_slice %arg2[%dma_wait3A_339, %dma_wait3A_340] : memref<10000x128xf32, #tpu.memory_space<hbm>> -> memref<10000x128xf32, #tpu.memory_space<hbm>>
      tpu.wait_indirect_dma semaphore(%arg13 : memref<!tpu.dma_semaphore, #tpu.memory_space<semaphore_mem>>) src(%dma_wait3A_341 : memref<10000x128xf32, #tpu.memory_space<hbm>>) dst(%arg10 : memref<80x128xf32, #tpu.memory_space<vmem>>)
      %dma_start3A_342 = arith.constant 0 : i32
      %dma_start3A_343 = arith.constant 0 : i32
      %dma_start3A_344 = tpu.memref_slice %arg12[%dma_start3A_342, %dma_start3A_343] : memref<10000x128xf32, #tpu.memory_space<vmem_shared>> -> memref<10000x128xf32, #tpu.memory_space<vmem_shared>>
      tpu.enqueue_indirect_dma source(%arg10 : memref<80x128xf32, #tpu.memory_space<vmem>>) target(%dma_start3A_344 : memref<10000x128xf32, #tpu.memory_space<vmem_shared>>) offsets(%arg8 : memref<80xi32, #tpu.memory_space<vmem>>) semaphore(%arg14 : memref<!tpu.dma_semaphore, #tpu.memory_space<semaphore_mem>>) {add = true}
      %dma_wait3A_345 = arith.constant 0 : i32
      %dma_wait3A_346 = arith.constant 0 : i32
      %dma_wait3A_347 = tpu.memref_slice %arg12[%dma_wait3A_345, %dma_wait3A_346] : memref<10000x128xf32, #tpu.memory_space<vmem_shared>> -> memref<10000x128xf32, #tpu.memory_space<vmem_shared>>
      tpu.wait_indirect_dma semaphore(%arg14 : memref<!tpu.dma_semaphore, #tpu.memory_space<semaphore_mem>>) src(%arg10 : memref<80x128xf32, #tpu.memory_space<vmem>>) dst(%dma_wait3A_347 : memref<10000x128xf32, #tpu.memory_space<vmem_shared>>)
      %add3A_348 = arith.constant 3 : i32
      %add3A_349 = arith.addi %add3A_288, %add3A_348 : i32
      %min3A_350 = arith.constant 124 : i32
      %min3A_351 = arith.minsi %add3A_349, %min3A_350 : i32
      %mul3A_352 = arith.constant 80 : i32
      %mul3A_353 = arith.muli %min3A_351, %mul3A_352 : i32
      %multiple_of3A_354 = tpu.assume_multiple %mul3A_353, 80 : i32
      %dma_start3A_355 = tpu.memref_slice %arg6[%multiple_of3A_354] : memref<10000xi32, #tpu.memory_space<vmem>> -> memref<80xi32, #tpu.memory_space<vmem>>
      %dma_start3A_356 = arith.constant 0 : i32
      %dma_start3A_357 = arith.constant 0 : i32
      %dma_start3A_358 = tpu.memref_slice %arg2[%dma_start3A_356, %dma_start3A_357] : memref<10000x128xf32, #tpu.memory_space<hbm>> -> memref<10000x128xf32, #tpu.memory_space<hbm>>
      tpu.enqueue_indirect_dma source(%dma_start3A_358 : memref<10000x128xf32, #tpu.memory_space<hbm>>) target(%arg10 : memref<80x128xf32, #tpu.memory_space<vmem>>) offsets(%dma_start3A_355 : memref<80xi32, #tpu.memory_space<vmem>>) semaphore(%arg13 : memref<!tpu.dma_semaphore, #tpu.memory_space<semaphore_mem>>)
      %mul3A_359 = arith.constant 3 : i32
      %mul3A_360 = arith.muli %scan3A_209, %mul3A_359 : i32
      %add3A_361 = arith.constant 2 : i32
      %add3A_362 = arith.addi %mul3A_360, %add3A_361 : i32
      %mul3A_363 = arith.constant 80 : i32
      %mul3A_364 = arith.muli %add3A_362, %mul3A_363 : i32
      %multiple_of3A_365 = tpu.assume_multiple %mul3A_364, 80 : i32
      %add3A_366 = arith.constant 0 : i32
      %add3A_367 = arith.addi %multiple_of3A_365, %add3A_366 : i32
      %get3A_368 = arith.index_cast %add3A_367 : i32 to index
      %get3A_369 = tpu.vector_load %arg7[%get3A_368] {strides = array<i32>} : memref<10000xi32, #tpu.memory_space<vmem>>, vector<16xi32>,
      %get3A_370 = vector.shape_cast %get3A_369 : vector<16xi32> to vector<16xi32>
      %swap3A_371 = arith.constant 0 : index
      %swap3A_372 = tpu.vector_load %arg8[%swap3A_371] {strides = array<i32>} : memref<80xi32, #tpu.memory_space<vmem>>, vector<16xi32>,
      %swap3A_373 = vector.shape_cast %swap3A_372 : vector<16xi32> to vector<16xi32>
      %swap3A_374 = vector.shape_cast %get3A_370 : vector<16xi32> to vector<16xi32>
      tpu.vector_store %arg8[%swap3A_371], %swap3A_374 {strides = array<i32>} : memref<80xi32, #tpu.memory_space<vmem>>, vector<16xi32>,
      %add3A_375 = arith.constant 16 : i32
      %add3A_376 = arith.addi %multiple_of3A_365, %add3A_375 : i32
      %get3A_377 = arith.index_cast %add3A_376 : i32 to index
      %get3A_378 = tpu.vector_load %arg7[%get3A_377] {strides = array<i32>} : memref<10000xi32, #tpu.memory_space<vmem>>, vector<16xi32>,
      %get3A_379 = vector.shape_cast %get3A_378 : vector<16xi32> to vector<16xi32>
      %swap3A_380 = arith.constant 16 : index
      %swap3A_381 = tpu.vector_load %arg8[%swap3A_380] {strides = array<i32>} : memref<80xi32, #tpu.memory_space<vmem>>, vector<16xi32>,
      %swap3A_382 = vector.shape_cast %swap3A_381 : vector<16xi32> to vector<16xi32>
      %swap3A_383 = vector.shape_cast %get3A_379 : vector<16xi32> to vector<16xi32>
      tpu.vector_store %arg8[%swap3A_380], %swap3A_383 {strides = array<i32>} : memref<80xi32, #tpu.memory_space<vmem>>, vector<16xi32>,
      %add3A_384 = arith.constant 32 : i32
      %add3A_385 = arith.addi %multiple_of3A_365, %add3A_384 : i32
      %get3A_386 = arith.index_cast %add3A_385 : i32 to index
      %get3A_387 = tpu.vector_load %arg7[%get3A_386] {strides = array<i32>} : memref<10000xi32, #tpu.memory_space<vmem>>, vector<16xi32>,
      %get3A_388 = vector.shape_cast %get3A_387 : vector<16xi32> to vector<16xi32>
      %swap3A_389 = arith.constant 32 : index
      %swap3A_390 = tpu.vector_load %arg8[%swap3A_389] {strides = array<i32>} : memref<80xi32, #tpu.memory_space<vmem>>, vector<16xi32>,
      %swap3A_391 = vector.shape_cast %swap3A_390 : vector<16xi32> to vector<16xi32>
      %swap3A_392 = vector.shape_cast %get3A_388 : vector<16xi32> to vector<16xi32>
      tpu.vector_store %arg8[%swap3A_389], %swap3A_392 {strides = array<i32>} : memref<80xi32, #tpu.memory_space<vmem>>, vector<16xi32>,
      %add3A_393 = arith.constant 48 : i32
      %add3A_394 = arith.addi %multiple_of3A_365, %add3A_393 : i32
      %get3A_395 = arith.index_cast %add3A_394 : i32 to index
      %get3A_396 = tpu.vector_load %arg7[%get3A_395] {strides = array<i32>} : memref<10000xi32, #tpu.memory_space<vmem>>, vector<16xi32>,
      %get3A_397 = vector.shape_cast %get3A_396 : vector<16xi32> to vector<16xi32>
      %swap3A_398 = arith.constant 48 : index
      %swap3A_399 = tpu.vector_load %arg8[%swap3A_398] {strides = array<i32>} : memref<80xi32, #tpu.memory_space<vmem>>, vector<16xi32>,
      %swap3A_400 = vector.shape_cast %swap3A_399 : vector<16xi32> to vector<16xi32>
      %swap3A_401 = vector.shape_cast %get3A_397 : vector<16xi32> to vector<16xi32>
      tpu.vector_store %arg8[%swap3A_398], %swap3A_401 {strides = array<i32>} : memref<80xi32, #tpu.memory_space<vmem>>, vector<16xi32>,
      %add3A_402 = arith.constant 64 : i32
      %add3A_403 = arith.addi %multiple_of3A_365, %add3A_402 : i32
      %get3A_404 = arith.index_cast %add3A_403 : i32 to index
      %get3A_405 = tpu.vector_load %arg7[%get3A_404] {strides = array<i32>} : memref<10000xi32, #tpu.memory_space<vmem>>, vector<16xi32>,
      %get3A_406 = vector.shape_cast %get3A_405 : vector<16xi32> to vector<16xi32>
      %swap3A_407 = arith.constant 64 : index
      %swap3A_408 = tpu.vector_load %arg8[%swap3A_407] {strides = array<i32>} : memref<80xi32, #tpu.memory_space<vmem>>, vector<16xi32>,
      %swap3A_409 = vector.shape_cast %swap3A_408 : vector<16xi32> to vector<16xi32>
      %swap3A_410 = vector.shape_cast %get3A_406 : vector<16xi32> to vector<16xi32>
      tpu.vector_store %arg8[%swap3A_407], %swap3A_410 {strides = array<i32>} : memref<80xi32, #tpu.memory_space<vmem>>, vector<16xi32>,
      %dma_wait3A_411 = arith.constant 0 : i32
      %dma_wait3A_412 = tpu.memref_slice %arg6[%dma_wait3A_411] : memref<10000xi32, #tpu.memory_space<vmem>> -> memref<80xi32, #tpu.memory_space<vmem>>
      %dma_wait3A_413 = arith.constant 0 : i32
      %dma_wait3A_414 = arith.constant 0 : i32
      %dma_wait3A_415 = tpu.memref_slice %arg2[%dma_wait3A_413, %dma_wait3A_414] : memref<10000x128xf32, #tpu.memory_space<hbm>> -> memref<10000x128xf32, #tpu.memory_space<hbm>>
      tpu.wait_indirect_dma semaphore(%arg13 : memref<!tpu.dma_semaphore, #tpu.memory_space<semaphore_mem>>) src(%dma_wait3A_415 : memref<10000x128xf32, #tpu.memory_space<hbm>>) dst(%arg11 : memref<80x128xf32, #tpu.memory_space<vmem>>)
      %dma_start3A_416 = arith.constant 0 : i32
      %dma_start3A_417 = arith.constant 0 : i32
      %dma_start3A_418 = tpu.memref_slice %arg12[%dma_start3A_416, %dma_start3A_417] : memref<10000x128xf32, #tpu.memory_space<vmem_shared>> -> memref<10000x128xf32, #tpu.memory_space<vmem_shared>>
      tpu.enqueue_indirect_dma source(%arg11 : memref<80x128xf32, #tpu.memory_space<vmem>>) target(%dma_start3A_418 : memref<10000x128xf32, #tpu.memory_space<vmem_shared>>) offsets(%arg8 : memref<80xi32, #tpu.memory_space<vmem>>) semaphore(%arg14 : memref<!tpu.dma_semaphore, #tpu.memory_space<semaphore_mem>>) {add = true}
      %dma_wait3A_419 = arith.constant 0 : i32
      %dma_wait3A_420 = arith.constant 0 : i32
      %dma_wait3A_421 = tpu.memref_slice %arg12[%dma_wait3A_419, %dma_wait3A_420] : memref<10000x128xf32, #tpu.memory_space<vmem_shared>> -> memref<10000x128xf32, #tpu.memory_space<vmem_shared>>
      tpu.wait_indirect_dma semaphore(%arg14 : memref<!tpu.dma_semaphore, #tpu.memory_space<semaphore_mem>>) src(%arg11 : memref<80x128xf32, #tpu.memory_space<vmem>>) dst(%dma_wait3A_421 : memref<10000x128xf32, #tpu.memory_space<vmem_shared>>)
      %add3A_422 = arith.constant 3 : i32
      %add3A_423 = arith.addi %add3A_362, %add3A_422 : i32
      %min3A_424 = arith.constant 124 : i32
      %min3A_425 = arith.minsi %add3A_423, %min3A_424 : i32
      %mul3A_426 = arith.constant 80 : i32
      %mul3A_427 = arith.muli %min3A_425, %mul3A_426 : i32
      %multiple_of3A_428 = tpu.assume_multiple %mul3A_427, 80 : i32
      %dma_start3A_429 = tpu.memref_slice %arg6[%multiple_of3A_428] : memref<10000xi32, #tpu.memory_space<vmem>> -> memref<80xi32, #tpu.memory_space<vmem>>
      %dma_start3A_430 = arith.constant 0 : i32
      %dma_start3A_431 = arith.constant 0 : i32
      %dma_start3A_432 = tpu.memref_slice %arg2[%dma_start3A_430, %dma_start3A_431] : memref<10000x128xf32, #tpu.memory_space<hbm>> -> memref<10000x128xf32, #tpu.memory_space<hbm>>
      tpu.enqueue_indirect_dma source(%dma_start3A_432 : memref<10000x128xf32, #tpu.memory_space<hbm>>) target(%arg11 : memref<80x128xf32, #tpu.memory_space<vmem>>) offsets(%dma_start3A_429 : memref<80xi32, #tpu.memory_space<vmem>>) semaphore(%arg13 : memref<!tpu.dma_semaphore, #tpu.memory_space<semaphore_mem>>)
      %scan3A_433 = arith.constant 0 : i32
      scf.yield %scan3A_433 : i32
    }
    %scan3A_49 = arith.constant 41 : i32
    %multiple_of3A_50 = arith.constant 9840 : i32
    %multiple_of3A_51 = tpu.assume_multiple %multiple_of3A_50, 80 : i32
    %add3A_52 = arith.constant 0 : i32
    %add3A_53 = arith.addi %multiple_of3A_51, %add3A_52 : i32
    %get3A = arith.index_cast %add3A_53 : i32 to index
    %get3A_54 = tpu.vector_load %arg7[%get3A] {strides = array<i32>} : memref<10000xi32, #tpu.memory_space<vmem>>, vector<16xi32>,
    %get3A_55 = vector.shape_cast %get3A_54 : vector<16xi32> to vector<16xi32>
    %swap3A = arith.constant 0 : index
    %swap3A_56 = tpu.vector_load %arg8[%swap3A] {strides = array<i32>} : memref<80xi32, #tpu.memory_space<vmem>>, vector<16xi32>,
    %swap3A_57 = vector.shape_cast %swap3A_56 : vector<16xi32> to vector<16xi32>
    %swap3A_58 = vector.shape_cast %get3A_55 : vector<16xi32> to vector<16xi32>
    tpu.vector_store %arg8[%swap3A], %swap3A_58 {strides = array<i32>} : memref<80xi32, #tpu.memory_space<vmem>>, vector<16xi32>,
    %add3A_59 = arith.constant 16 : i32
    %add3A_60 = arith.addi %multiple_of3A_51, %add3A_59 : i32
    %get3A_61 = arith.index_cast %add3A_60 : i32 to index
    %get3A_62 = tpu.vector_load %arg7[%get3A_61] {strides = array<i32>} : memref<10000xi32, #tpu.memory_space<vmem>>, vector<16xi32>,
    %get3A_63 = vector.shape_cast %get3A_62 : vector<16xi32> to vector<16xi32>
    %swap3A_64 = arith.constant 16 : index
    %swap3A_65 = tpu.vector_load %arg8[%swap3A_64] {strides = array<i32>} : memref<80xi32, #tpu.memory_space<vmem>>, vector<16xi32>,
    %swap3A_66 = vector.shape_cast %swap3A_65 : vector<16xi32> to vector<16xi32>
    %swap3A_67 = vector.shape_cast %get3A_63 : vector<16xi32> to vector<16xi32>
    tpu.vector_store %arg8[%swap3A_64], %swap3A_67 {strides = array<i32>} : memref<80xi32, #tpu.memory_space<vmem>>, vector<16xi32>,
    %add3A_68 = arith.constant 32 : i32
    %add3A_69 = arith.addi %multiple_of3A_51, %add3A_68 : i32
    %get3A_70 = arith.index_cast %add3A_69 : i32 to index
    %get3A_71 = tpu.vector_load %arg7[%get3A_70] {strides = array<i32>} : memref<10000xi32, #tpu.memory_space<vmem>>, vector<16xi32>,
    %get3A_72 = vector.shape_cast %get3A_71 : vector<16xi32> to vector<16xi32>
    %swap3A_73 = arith.constant 32 : index
    %swap3A_74 = tpu.vector_load %arg8[%swap3A_73] {strides = array<i32>} : memref<80xi32, #tpu.memory_space<vmem>>, vector<16xi32>,
    %swap3A_75 = vector.shape_cast %swap3A_74 : vector<16xi32> to vector<16xi32>
    %swap3A_76 = vector.shape_cast %get3A_72 : vector<16xi32> to vector<16xi32>
    tpu.vector_store %arg8[%swap3A_73], %swap3A_76 {strides = array<i32>} : memref<80xi32, #tpu.memory_space<vmem>>, vector<16xi32>,
    %add3A_77 = arith.constant 48 : i32
    %add3A_78 = arith.addi %multiple_of3A_51, %add3A_77 : i32
    %get3A_79 = arith.index_cast %add3A_78 : i32 to index
    %get3A_80 = tpu.vector_load %arg7[%get3A_79] {strides = array<i32>} : memref<10000xi32, #tpu.memory_space<vmem>>, vector<16xi32>,
    %get3A_81 = vector.shape_cast %get3A_80 : vector<16xi32> to vector<16xi32>
    %swap3A_82 = arith.constant 48 : index
    %swap3A_83 = tpu.vector_load %arg8[%swap3A_82] {strides = array<i32>} : memref<80xi32, #tpu.memory_space<vmem>>, vector<16xi32>,
    %swap3A_84 = vector.shape_cast %swap3A_83 : vector<16xi32> to vector<16xi32>
    %swap3A_85 = vector.shape_cast %get3A_81 : vector<16xi32> to vector<16xi32>
    tpu.vector_store %arg8[%swap3A_82], %swap3A_85 {strides = array<i32>} : memref<80xi32, #tpu.memory_space<vmem>>, vector<16xi32>,
    %add3A_86 = arith.constant 64 : i32
    %add3A_87 = arith.addi %multiple_of3A_51, %add3A_86 : i32
    %get3A_88 = arith.index_cast %add3A_87 : i32 to index
    %get3A_89 = tpu.vector_load %arg7[%get3A_88] {strides = array<i32>} : memref<10000xi32, #tpu.memory_space<vmem>>, vector<16xi32>,
    %get3A_90 = vector.shape_cast %get3A_89 : vector<16xi32> to vector<16xi32>
    %swap3A_91 = arith.constant 64 : index
    %swap3A_92 = tpu.vector_load %arg8[%swap3A_91] {strides = array<i32>} : memref<80xi32, #tpu.memory_space<vmem>>, vector<16xi32>,
    %swap3A_93 = vector.shape_cast %swap3A_92 : vector<16xi32> to vector<16xi32>
    %swap3A_94 = vector.shape_cast %get3A_90 : vector<16xi32> to vector<16xi32>
    tpu.vector_store %arg8[%swap3A_91], %swap3A_94 {strides = array<i32>} : memref<80xi32, #tpu.memory_space<vmem>>, vector<16xi32>,
    %dma_wait3A = arith.constant 0 : i32
    %dma_wait3A_95 = tpu.memref_slice %arg6[%dma_wait3A] : memref<10000xi32, #tpu.memory_space<vmem>> -> memref<80xi32, #tpu.memory_space<vmem>>
    %dma_wait3A_96 = arith.constant 0 : i32
    %dma_wait3A_97 = arith.constant 0 : i32
    %dma_wait3A_98 = tpu.memref_slice %arg2[%dma_wait3A_96, %dma_wait3A_97] : memref<10000x128xf32, #tpu.memory_space<hbm>> -> memref<10000x128xf32, #tpu.memory_space<hbm>>
    tpu.wait_indirect_dma semaphore(%arg13 : memref<!tpu.dma_semaphore, #tpu.memory_space<semaphore_mem>>) src(%dma_wait3A_98 : memref<10000x128xf32, #tpu.memory_space<hbm>>) dst(%arg9 : memref<80x128xf32, #tpu.memory_space<vmem>>)
    %dma_start3A_99 = arith.constant 0 : i32
    %dma_start3A_100 = arith.constant 0 : i32
    %dma_start3A_101 = tpu.memref_slice %arg12[%dma_start3A_99, %dma_start3A_100] : memref<10000x128xf32, #tpu.memory_space<vmem_shared>> -> memref<10000x128xf32, #tpu.memory_space<vmem_shared>>
    tpu.enqueue_indirect_dma source(%arg9 : memref<80x128xf32, #tpu.memory_space<vmem>>) target(%dma_start3A_101 : memref<10000x128xf32, #tpu.memory_space<vmem_shared>>) offsets(%arg8 : memref<80xi32, #tpu.memory_space<vmem>>) semaphore(%arg14 : memref<!tpu.dma_semaphore, #tpu.memory_space<semaphore_mem>>) {add = true}
    %dma_wait3A_102 = arith.constant 0 : i32
    %dma_wait3A_103 = arith.constant 0 : i32
    %dma_wait3A_104 = tpu.memref_slice %arg12[%dma_wait3A_102, %dma_wait3A_103] : memref<10000x128xf32, #tpu.memory_space<vmem_shared>> -> memref<10000x128xf32, #tpu.memory_space<vmem_shared>>
    tpu.wait_indirect_dma semaphore(%arg14 : memref<!tpu.dma_semaphore, #tpu.memory_space<semaphore_mem>>) src(%arg9 : memref<80x128xf32, #tpu.memory_space<vmem>>) dst(%dma_wait3A_104 : memref<10000x128xf32, #tpu.memory_space<vmem_shared>>)
    %min3A_105 = arith.constant 126 : i32
    %min3A_106 = arith.constant 124 : i32
    %min3A_107 = arith.minsi %min3A_105, %min3A_106 : i32
    %mul3A_108 = arith.constant 80 : i32
    %mul3A_109 = arith.muli %min3A_107, %mul3A_108 : i32
    %multiple_of3A_110 = tpu.assume_multiple %mul3A_109, 80 : i32
    %dma_start3A_111 = tpu.memref_slice %arg6[%multiple_of3A_110] : memref<10000xi32, #tpu.memory_space<vmem>> -> memref<80xi32, #tpu.memory_space<vmem>>
    %dma_start3A_112 = arith.constant 0 : i32
    %dma_start3A_113 = arith.constant 0 : i32
    %dma_start3A_114 = tpu.memref_slice %arg2[%dma_start3A_112, %dma_start3A_113] : memref<10000x128xf32, #tpu.memory_space<hbm>> -> memref<10000x128xf32, #tpu.memory_space<hbm>>
    tpu.enqueue_indirect_dma source(%dma_start3A_114 : memref<10000x128xf32, #tpu.memory_space<hbm>>) target(%arg9 : memref<80x128xf32, #tpu.memory_space<vmem>>) offsets(%dma_start3A_111 : memref<80xi32, #tpu.memory_space<vmem>>) semaphore(%arg13 : memref<!tpu.dma_semaphore, #tpu.memory_space<semaphore_mem>>)
    %multiple_of3A_115 = arith.constant 9920 : i32
    %multiple_of3A_116 = tpu.assume_multiple %multiple_of3A_115, 80 : i32
    %add3A_117 = arith.constant 0 : i32
    %add3A_118 = arith.addi %multiple_of3A_116, %add3A_117 : i32
    %get3A_119 = arith.index_cast %add3A_118 : i32 to index
    %get3A_120 = tpu.vector_load %arg7[%get3A_119] {strides = array<i32>} : memref<10000xi32, #tpu.memory_space<vmem>>, vector<16xi32>,
    %get3A_121 = vector.shape_cast %get3A_120 : vector<16xi32> to vector<16xi32>
    %swap3A_122 = arith.constant 0 : index
    %swap3A_123 = tpu.vector_load %arg8[%swap3A_122] {strides = array<i32>} : memref<80xi32, #tpu.memory_space<vmem>>, vector<16xi32>,
    %swap3A_124 = vector.shape_cast %swap3A_123 : vector<16xi32> to vector<16xi32>
    %swap3A_125 = vector.shape_cast %get3A_121 : vector<16xi32> to vector<16xi32>
    tpu.vector_store %arg8[%swap3A_122], %swap3A_125 {strides = array<i32>} : memref<80xi32, #tpu.memory_space<vmem>>, vector<16xi32>,
    %add3A_126 = arith.constant 16 : i32
    %add3A_127 = arith.addi %multiple_of3A_116, %add3A_126 : i32
    %get3A_128 = arith.index_cast %add3A_127 : i32 to index
    %get3A_129 = tpu.vector_load %arg7[%get3A_128] {strides = array<i32>} : memref<10000xi32, #tpu.memory_space<vmem>>, vector<16xi32>,
    %get3A_130 = vector.shape_cast %get3A_129 : vector<16xi32> to vector<16xi32>
    %swap3A_131 = arith.constant 16 : index
    %swap3A_132 = tpu.vector_load %arg8[%swap3A_131] {strides = array<i32>} : memref<80xi32, #tpu.memory_space<vmem>>, vector<16xi32>,
    %swap3A_133 = vector.shape_cast %swap3A_132 : vector<16xi32> to vector<16xi32>
    %swap3A_134 = vector.shape_cast %get3A_130 : vector<16xi32> to vector<16xi32>
    tpu.vector_store %arg8[%swap3A_131], %swap3A_134 {strides = array<i32>} : memref<80xi32, #tpu.memory_space<vmem>>, vector<16xi32>,
    %add3A_135 = arith.constant 32 : i32
    %add3A_136 = arith.addi %multiple_of3A_116, %add3A_135 : i32
    %get3A_137 = arith.index_cast %add3A_136 : i32 to index
    %get3A_138 = tpu.vector_load %arg7[%get3A_137] {strides = array<i32>} : memref<10000xi32, #tpu.memory_space<vmem>>, vector<16xi32>,
    %get3A_139 = vector.shape_cast %get3A_138 : vector<16xi32> to vector<16xi32>
    %swap3A_140 = arith.constant 32 : index
    %swap3A_141 = tpu.vector_load %arg8[%swap3A_140] {strides = array<i32>} : memref<80xi32, #tpu.memory_space<vmem>>, vector<16xi32>,
    %swap3A_142 = vector.shape_cast %swap3A_141 : vector<16xi32> to vector<16xi32>
    %swap3A_143 = vector.shape_cast %get3A_139 : vector<16xi32> to vector<16xi32>
    tpu.vector_store %arg8[%swap3A_140], %swap3A_143 {strides = array<i32>} : memref<80xi32, #tpu.memory_space<vmem>>, vector<16xi32>,
    %add3A_144 = arith.constant 48 : i32
    %add3A_145 = arith.addi %multiple_of3A_116, %add3A_144 : i32
    %get3A_146 = arith.index_cast %add3A_145 : i32 to index
    %get3A_147 = tpu.vector_load %arg7[%get3A_146] {strides = array<i32>} : memref<10000xi32, #tpu.memory_space<vmem>>, vector<16xi32>,
    %get3A_148 = vector.shape_cast %get3A_147 : vector<16xi32> to vector<16xi32>
    %swap3A_149 = arith.constant 48 : index
    %swap3A_150 = tpu.vector_load %arg8[%swap3A_149] {strides = array<i32>} : memref<80xi32, #tpu.memory_space<vmem>>, vector<16xi32>,
    %swap3A_151 = vector.shape_cast %swap3A_150 : vector<16xi32> to vector<16xi32>
    %swap3A_152 = vector.shape_cast %get3A_148 : vector<16xi32> to vector<16xi32>
    tpu.vector_store %arg8[%swap3A_149], %swap3A_152 {strides = array<i32>} : memref<80xi32, #tpu.memory_space<vmem>>, vector<16xi32>,
    %add3A_153 = arith.constant 64 : i32
    %add3A_154 = arith.addi %multiple_of3A_116, %add3A_153 : i32
    %get3A_155 = arith.index_cast %add3A_154 : i32 to index
    %get3A_156 = tpu.vector_load %arg7[%get3A_155] {strides = array<i32>} : memref<10000xi32, #tpu.memory_space<vmem>>, vector<16xi32>,
    %get3A_157 = vector.shape_cast %get3A_156 : vector<16xi32> to vector<16xi32>
    %swap3A_158 = arith.constant 64 : index
    %swap3A_159 = tpu.vector_load %arg8[%swap3A_158] {strides = array<i32>} : memref<80xi32, #tpu.memory_space<vmem>>, vector<16xi32>,
    %swap3A_160 = vector.shape_cast %swap3A_159 : vector<16xi32> to vector<16xi32>
    %swap3A_161 = vector.shape_cast %get3A_157 : vector<16xi32> to vector<16xi32>
    tpu.vector_store %arg8[%swap3A_158], %swap3A_161 {strides = array<i32>} : memref<80xi32, #tpu.memory_space<vmem>>, vector<16xi32>,
    %dma_wait3A_162 = arith.constant 0 : i32
    %dma_wait3A_163 = tpu.memref_slice %arg6[%dma_wait3A_162] : memref<10000xi32, #tpu.memory_space<vmem>> -> memref<80xi32, #tpu.memory_space<vmem>>
    %dma_wait3A_164 = arith.constant 0 : i32
    %dma_wait3A_165 = arith.constant 0 : i32
    %dma_wait3A_166 = tpu.memref_slice %arg2[%dma_wait3A_164, %dma_wait3A_165] : memref<10000x128xf32, #tpu.memory_space<hbm>> -> memref<10000x128xf32, #tpu.memory_space<hbm>>
    tpu.wait_indirect_dma semaphore(%arg13 : memref<!tpu.dma_semaphore, #tpu.memory_space<semaphore_mem>>) src(%dma_wait3A_166 : memref<10000x128xf32, #tpu.memory_space<hbm>>) dst(%arg10 : memref<80x128xf32, #tpu.memory_space<vmem>>)
    %dma_start3A_167 = arith.constant 0 : i32
    %dma_start3A_168 = arith.constant 0 : i32
    %dma_start3A_169 = tpu.memref_slice %arg12[%dma_start3A_167, %dma_start3A_168] : memref<10000x128xf32, #tpu.memory_space<vmem_shared>> -> memref<10000x128xf32, #tpu.memory_space<vmem_shared>>
    tpu.enqueue_indirect_dma source(%arg10 : memref<80x128xf32, #tpu.memory_space<vmem>>) target(%dma_start3A_169 : memref<10000x128xf32, #tpu.memory_space<vmem_shared>>) offsets(%arg8 : memref<80xi32, #tpu.memory_space<vmem>>) semaphore(%arg14 : memref<!tpu.dma_semaphore, #tpu.memory_space<semaphore_mem>>) {add = true}
    %dma_wait3A_170 = arith.constant 0 : i32
    %dma_wait3A_171 = arith.constant 0 : i32
    %dma_wait3A_172 = tpu.memref_slice %arg12[%dma_wait3A_170, %dma_wait3A_171] : memref<10000x128xf32, #tpu.memory_space<vmem_shared>> -> memref<10000x128xf32, #tpu.memory_space<vmem_shared>>
    tpu.wait_indirect_dma semaphore(%arg14 : memref<!tpu.dma_semaphore, #tpu.memory_space<semaphore_mem>>) src(%arg10 : memref<80x128xf32, #tpu.memory_space<vmem>>) dst(%dma_wait3A_172 : memref<10000x128xf32, #tpu.memory_space<vmem_shared>>)
    %min3A_173 = arith.constant 127 : i32
    %min3A_174 = arith.constant 124 : i32
    %min3A_175 = arith.minsi %min3A_173, %min3A_174 : i32
    %mul3A_176 = arith.constant 80 : i32
    %mul3A_177 = arith.muli %min3A_175, %mul3A_176 : i32
    %multiple_of3A_178 = tpu.assume_multiple %mul3A_177, 80 : i32
    %dma_start3A_179 = tpu.memref_slice %arg6[%multiple_of3A_178] : memref<10000xi32, #tpu.memory_space<vmem>> -> memref<80xi32, #tpu.memory_space<vmem>>
    %dma_start3A_180 = arith.constant 0 : i32
    %dma_start3A_181 = arith.constant 0 : i32
    %dma_start3A_182 = tpu.memref_slice %arg2[%dma_start3A_180, %dma_start3A_181] : memref<10000x128xf32, #tpu.memory_space<hbm>> -> memref<10000x128xf32, #tpu.memory_space<hbm>>
    tpu.enqueue_indirect_dma source(%dma_start3A_182 : memref<10000x128xf32, #tpu.memory_space<hbm>>) target(%arg10 : memref<80x128xf32, #tpu.memory_space<vmem>>) offsets(%dma_start3A_179 : memref<80xi32, #tpu.memory_space<vmem>>) semaphore(%arg13 : memref<!tpu.dma_semaphore, #tpu.memory_space<semaphore_mem>>)
    %dma_wait3A_183 = arith.constant 0 : i32
    %dma_wait3A_184 = tpu.memref_slice %arg6[%dma_wait3A_183] : memref<10000xi32, #tpu.memory_space<vmem>> -> memref<80xi32, #tpu.memory_space<vmem>>
    %dma_wait3A_185 = arith.constant 0 : i32
    %dma_wait3A_186 = arith.constant 0 : i32
    %dma_wait3A_187 = tpu.memref_slice %arg2[%dma_wait3A_185, %dma_wait3A_186] : memref<10000x128xf32, #tpu.memory_space<hbm>> -> memref<10000x128xf32, #tpu.memory_space<hbm>>
    tpu.wait_indirect_dma semaphore(%arg13 : memref<!tpu.dma_semaphore, #tpu.memory_space<semaphore_mem>>) src(%dma_wait3A_187 : memref<10000x128xf32, #tpu.memory_space<hbm>>) dst(%arg9 : memref<80x128xf32, #tpu.memory_space<vmem>>)
    %dma_wait3A_188 = arith.constant 0 : i32
    %dma_wait3A_189 = tpu.memref_slice %arg6[%dma_wait3A_188] : memref<10000xi32, #tpu.memory_space<vmem>> -> memref<80xi32, #tpu.memory_space<vmem>>
    %dma_wait3A_190 = arith.constant 0 : i32
    %dma_wait3A_191 = arith.constant 0 : i32
    %dma_wait3A_192 = tpu.memref_slice %arg2[%dma_wait3A_190, %dma_wait3A_191] : memref<10000x128xf32, #tpu.memory_space<hbm>> -> memref<10000x128xf32, #tpu.memory_space<hbm>>
    tpu.wait_indirect_dma semaphore(%arg13 : memref<!tpu.dma_semaphore, #tpu.memory_space<semaphore_mem>>) src(%dma_wait3A_192 : memref<10000x128xf32, #tpu.memory_space<hbm>>) dst(%arg10 : memref<80x128xf32, #tpu.memory_space<vmem>>)
    %dma_wait3A_193 = arith.constant 0 : i32
    %dma_wait3A_194 = tpu.memref_slice %arg6[%dma_wait3A_193] : memref<10000xi32, #tpu.memory_space<vmem>> -> memref<80xi32, #tpu.memory_space<vmem>>
    %dma_wait3A_195 = arith.constant 0 : i32
    %dma_wait3A_196 = arith.constant 0 : i32
    %dma_wait3A_197 = tpu.memref_slice %arg2[%dma_wait3A_195, %dma_wait3A_196] : memref<10000x128xf32, #tpu.memory_space<hbm>> -> memref<10000x128xf32, #tpu.memory_space<hbm>>
    tpu.wait_indirect_dma semaphore(%arg13 : memref<!tpu.dma_semaphore, #tpu.memory_space<semaphore_mem>>) src(%dma_wait3A_197 : memref<10000x128xf32, #tpu.memory_space<hbm>>) dst(%arg11 : memref<80x128xf32, #tpu.memory_space<vmem>>)
    %barrier3A_198 = arith.constant 0 : index
    tpu.barrier barrier_id(%barrier3A_198)
    %lt3A_199 = arith.constant 15 : i32
    %lt3A_200 = arith.cmpi slt, %arg1, %lt3A_199 : i32
    %convert_element_type3A_201 = arith.extui %lt3A_200 : i1 to i32
    %cond3A_202 = arith.constant 0 : i32
    %cond3A_203 = arith.cmpi ne, %convert_element_type3A_201, %cond3A_202 : i32
    scf.if %cond3A_203 {
      "tpu.region"() ({
        %run_scoped3A = tpu.sem_alloc : memref<!tpu.dma_semaphore, #tpu.memory_space<semaphore_mem>>
        %dma_start3A_209 = arith.constant 0 : i32
        %dma_start3A_210 = tpu.memref_slice %arg5[%arg0, %multiple_of3A, %dma_start3A_209] : memref<2x10000x128xf32, #tpu.memory_space<hbm>> -> memref<1x632x128xf32, #tpu.memory_space<hbm>>
        %dma_start3A_211 = tpu.memref_squeeze %dma_start3A_210 : memref<1x632x128xf32, #tpu.memory_space<hbm>> -> memref<632x128xf32, #tpu.memory_space<hbm>>
        %dma_start3A_212 = arith.constant 0 : i32
        %dma_start3A_213 = tpu.memref_slice %arg12[%multiple_of3A, %dma_start3A_212] : memref<10000x128xf32, #tpu.memory_space<vmem_shared>> -> memref<632x128xf32, #tpu.memory_space<vmem_shared>>
        tpu.enqueue_dma source(%dma_start3A_213 : memref<632x128xf32, #tpu.memory_space<vmem_shared>>) target(%dma_start3A_211 : memref<632x128xf32, #tpu.memory_space<hbm>>) target_semaphore(%run_scoped3A : memref<!tpu.dma_semaphore, #tpu.memory_space<semaphore_mem>>)
        %dma_wait3A_214 = arith.constant 0 : i32
        %dma_wait3A_215 = tpu.memref_slice %arg5[%arg0, %multiple_of3A, %dma_wait3A_214] : memref<2x10000x128xf32, #tpu.memory_space<hbm>> -> memref<1x632x128xf32, #tpu.memory_space<hbm>>
        %dma_wait3A_216 = tpu.memref_squeeze %dma_wait3A_215 : memref<1x632x128xf32, #tpu.memory_space<hbm>> -> memref<632x128xf32, #tpu.memory_space<hbm>>
        %dma_wait3A_217 = arith.constant 0 : i32
        %dma_wait3A_218 = tpu.memref_slice %arg12[%multiple_of3A, %dma_wait3A_217] : memref<10000x128xf32, #tpu.memory_space<vmem_shared>> -> memref<632x128xf32, #tpu.memory_space<vmem_shared>>
        tpu.wait_dma2 semaphore(%run_scoped3A : memref<!tpu.dma_semaphore, #tpu.memory_space<semaphore_mem>>) src(%dma_wait3A_218 : memref<632x128xf32, #tpu.memory_space<vmem_shared>>) dst(%dma_wait3A_216 : memref<632x128xf32, #tpu.memory_space<hbm>>)
        tpu.yield
      }) : () -> ()
    } else {
    }
    %eq3A_204 = arith.constant 15 : i32
    %eq3A_205 = arith.cmpi eq, %arg1, %eq3A_204 : i32
    %convert_element_type3A_206 = arith.extui %eq3A_205 : i1 to i32
    %cond3A_207 = arith.constant 0 : i32
    %cond3A_208 = arith.cmpi ne, %convert_element_type3A_206, %cond3A_207 : i32
    scf.if %cond3A_208 {
      "tpu.region"() ({
        %run_scoped3A = tpu.sem_alloc : memref<!tpu.dma_semaphore, #tpu.memory_space<semaphore_mem>>
        %dma_start3A_209 = arith.constant 0 : i32
        %dma_start3A_210 = tpu.memref_slice %arg5[%arg0, %multiple_of3A, %dma_start3A_209] : memref<2x10000x128xf32, #tpu.memory_space<hbm>> -> memref<1x520x128xf32, #tpu.memory_space<hbm>>
        %dma_start3A_211 = tpu.memref_squeeze %dma_start3A_210 : memref<1x520x128xf32, #tpu.memory_space<hbm>> -> memref<520x128xf32, #tpu.memory_space<hbm>>
        %dma_start3A_212 = arith.constant 0 : i32
        %dma_start3A_213 = tpu.memref_slice %arg12[%multiple_of3A, %dma_start3A_212] : memref<10000x128xf32, #tpu.memory_space<vmem_shared>> -> memref<520x128xf32, #tpu.memory_space<vmem_shared>>
        tpu.enqueue_dma source(%dma_start3A_213 : memref<520x128xf32, #tpu.memory_space<vmem_shared>>) target(%dma_start3A_211 : memref<520x128xf32, #tpu.memory_space<hbm>>) target_semaphore(%run_scoped3A : memref<!tpu.dma_semaphore, #tpu.memory_space<semaphore_mem>>)
        %dma_wait3A_214 = arith.constant 0 : i32
        %dma_wait3A_215 = tpu.memref_slice %arg5[%arg0, %multiple_of3A, %dma_wait3A_214] : memref<2x10000x128xf32, #tpu.memory_space<hbm>> -> memref<1x520x128xf32, #tpu.memory_space<hbm>>
        %dma_wait3A_216 = tpu.memref_squeeze %dma_wait3A_215 : memref<1x520x128xf32, #tpu.memory_space<hbm>> -> memref<520x128xf32, #tpu.memory_space<hbm>>
        %dma_wait3A_217 = arith.constant 0 : i32
        %dma_wait3A_218 = tpu.memref_slice %arg12[%multiple_of3A, %dma_wait3A_217] : memref<10000x128xf32, #tpu.memory_space<vmem_shared>> -> memref<520x128xf32, #tpu.memory_space<vmem_shared>>
        tpu.wait_dma2 semaphore(%run_scoped3A : memref<!tpu.dma_semaphore, #tpu.memory_space<semaphore_mem>>) src(%dma_wait3A_218 : memref<520x128xf32, #tpu.memory_space<vmem_shared>>) dst(%dma_wait3A_216 : memref<520x128xf32, #tpu.memory_space<hbm>>)
        tpu.yield
      }) : () -> ()
    } else {
    }
    return
  }
}

#map = affine_map<(d0, d1) -> (0, 0)>
#map1 = affine_map<(d0, d1) -> (0, 0, 0)>
module attributes {stable_mosaic.version = 14 : i64} {
  func.func @k(%arg0: i32, %arg1: i32, %arg2: memref<10000x128xf32, #tpu.memory_space<hbm>>, %arg3: memref<32x10000xi32, #tpu.memory_space<hbm>>, %arg4: memref<32x10000xi32, #tpu.memory_space<hbm>>, %arg5: memref<2x10000x128xf32, #tpu.memory_space<hbm>>, %arg6: memref<10000xi32, #tpu.memory_space<vmem>>, %arg7: memref<10000xi32, #tpu.memory_space<vmem>>, %arg8: memref<80xi32, #tpu.memory_space<vmem>>, %arg9: memref<80x128xf32, #tpu.memory_space<vmem>>, %arg10: memref<80x128xf32, #tpu.memory_space<vmem>>, %arg11: memref<80x128xf32, #tpu.memory_space<vmem>>, %arg12: memref<10000x128xf32, #tpu.memory_space<vmem_shared>>, %arg13: memref<!tpu.dma_semaphore, #tpu.memory_space<semaphore_mem>>, %arg14: memref<!tpu.dma_semaphore, #tpu.memory_space<semaphore_mem>>) attributes {dimension_semantics = [#tpu.dimension_semantics<core_parallel>, #tpu.dimension_semantics<subcore_parallel>], iteration_bounds = array<i64: 2, 16>, scalar_prefetch = 0 : i64, scratch_operands = 9 : i64, tpu.core_type = #tpu.core_type<sc_vector_subcore>, window_params = [{transform_indices = #map}, {transform_indices = #map}, {transform_indices = #map}, {transform_indices = #map1}]} {
    %mul3A = arith.constant 2 : i32
    %mul3A_0 = arith.muli %arg1, %mul3A : i32
    %add3A = arith.addi %mul3A_0, %arg0 : i32
    %mul3A_1 = arith.constant 632 : i32
    %mul3A_2 = arith.muli %arg1, %mul3A_1 : i32
    %multiple_of3A = tpu.assume_multiple %mul3A_2, 8 : i32
    %scan3A = arith.constant 0 : i32
    %scan3A_3 = arith.constant 0 : i32
    %scan3A_4 = arith.constant 80 : i32
    %scan3A_5 = arith.addi %scan3A_3, %scan3A_4 : i32
    %scan3A_6 = arith.constant 1 : i32
    %scan3A_7 = scf.for %scan3A_209 = %scan3A_3 to %scan3A_5 step %scan3A_6 iter_args(%scan3A_210 = %scan3A) -> (i32)  : i32 {
      %scan3A_211 = arith.constant 0 : i32
      %scan3A_212 = arith.constant 0 : i32
      %scan3A_213 = arith.constant 8 : i32
      %scan3A_214 = arith.addi %scan3A_212, %scan3A_213 : i32
      %scan3A_215 = arith.constant 1 : i32
      %scan3A_216 = scf.for %scan3A_218 = %scan3A_212 to %scan3A_214 step %scan3A_215 iter_args(%scan3A_219 = %scan3A_211) -> (i32)  : i32 {
        %broadcast_in_dim3A = arith.constant 0.000000e+00 : f32
        %broadcast_in_dim3A_220 = vector.broadcast %broadcast_in_dim3A : f32 to vector<16xf32>
        %mul3A_221 = arith.constant 16 : i32
        %mul3A_222 = arith.muli %scan3A_218, %mul3A_221 : i32
        %swap3A_223 = arith.index_cast %scan3A_209 : i32 to index
        %swap3A_224 = arith.index_cast %mul3A_222 : i32 to index
        %swap3A_225 = tpu.vector_load %arg9[%swap3A_223, %swap3A_224] {strides = array<i32>} : memref<80x128xf32, #tpu.memory_space<vmem>>, vector<1x16xf32>,
        %swap3A_226 = vector.shape_cast %swap3A_225 : vector<1x16xf32> to vector<16xf32>
        %swap3A_227 = vector.shape_cast %broadcast_in_dim3A_220 : vector<16xf32> to vector<1x16xf32>
        tpu.vector_store %arg9[%swap3A_223, %swap3A_224], %swap3A_227 {strides = array<i32>} : memref<80x128xf32, #tpu.memory_space<vmem>>, vector<1x16xf32>,
        %scan3A_228 = arith.constant 0 : i32
        scf.yield %scan3A_228 : i32
      }
      %scan3A_217 = arith.constant 8 : i32
      scf.yield %scan3A_216 : i32
    }
    %scan3A_8 = arith.constant 80 : i32
    %lt3A = arith.constant 15 : i32
    %lt3A_9 = arith.cmpi slt, %arg1, %lt3A : i32
    %convert_element_type3A = arith.extui %lt3A_9 : i1 to i32
    %cond3A = arith.constant 0 : i32
    %cond3A_10 = arith.cmpi ne, %convert_element_type3A, %cond3A : i32
    scf.if %cond3A_10 {
      %add3A_209 = arith.constant 0 : i32
      %add3A_210 = arith.addi %multiple_of3A, %add3A_209 : i32
      %dma_start3A_211 = arith.constant 0 : i32
      %dma_start3A_212 = tpu.memref_slice %arg12[%add3A_210, %dma_start3A_211] : memref<10000x128xf32, #tpu.memory_space<vmem_shared>> -> memref<80x128xf32, #tpu.memory_space<vmem_shared>>
      %dma_start3A_213 = arith.constant 0 : i32
      %dma_start3A_214 = tpu.memref_slice %arg12[%add3A_210, %dma_start3A_213] : memref<10000x128xf32, #tpu.memory_space<vmem_shared>> -> memref<80x128xf32, #tpu.memory_space<vmem_shared>>
      tpu.enqueue_dma source(%arg9 : memref<80x128xf32, #tpu.memory_space<vmem>>) target(%dma_start3A_214 : memref<80x128xf32, #tpu.memory_space<vmem_shared>>) target_semaphore(%arg14 : memref<!tpu.dma_semaphore, #tpu.memory_space<semaphore_mem>>)
      %add3A_215 = arith.constant 80 : i32
      %add3A_216 = arith.addi %multiple_of3A, %add3A_215 : i32
      %dma_start3A_217 = arith.constant 0 : i32
      %dma_start3A_218 = tpu.memref_slice %arg12[%add3A_216, %dma_start3A_217] : memref<10000x128xf32, #tpu.memory_space<vmem_shared>> -> memref<80x128xf32, #tpu.memory_space<vmem_shared>>
      %dma_start3A_219 = arith.constant 0 : i32
      %dma_start3A_220 = tpu.memref_slice %arg12[%add3A_216, %dma_start3A_219] : memref<10000x128xf32, #tpu.memory_space<vmem_shared>> -> memref<80x128xf32, #tpu.memory_space<vmem_shared>>
      tpu.enqueue_dma source(%arg9 : memref<80x128xf32, #tpu.memory_space<vmem>>) target(%dma_start3A_220 : memref<80x128xf32, #tpu.memory_space<vmem_shared>>) target_semaphore(%arg14 : memref<!tpu.dma_semaphore, #tpu.memory_space<semaphore_mem>>)
      %add3A_221 = arith.constant 160 : i32
      %add3A_222 = arith.addi %multiple_of3A, %add3A_221 : i32
      %dma_start3A_223 = arith.constant 0 : i32
      %dma_start3A_224 = tpu.memref_slice %arg12[%add3A_222, %dma_start3A_223] : memref<10000x128xf32, #tpu.memory_space<vmem_shared>> -> memref<80x128xf32, #tpu.memory_space<vmem_shared>>
      %dma_start3A_225 = arith.constant 0 : i32
      %dma_start3A_226 = tpu.memref_slice %arg12[%add3A_222, %dma_start3A_225] : memref<10000x128xf32, #tpu.memory_space<vmem_shared>> -> memref<80x128xf32, #tpu.memory_space<vmem_shared>>
      tpu.enqueue_dma source(%arg9 : memref<80x128xf32, #tpu.memory_space<vmem>>) target(%dma_start3A_226 : memref<80x128xf32, #tpu.memory_space<vmem_shared>>) target_semaphore(%arg14 : memref<!tpu.dma_semaphore, #tpu.memory_space<semaphore_mem>>)
      %add3A_227 = arith.constant 240 : i32
      %add3A_228 = arith.addi %multiple_of3A, %add3A_227 : i32
      %dma_start3A_229 = arith.constant 0 : i32
      %dma_start3A_230 = tpu.memref_slice %arg12[%add3A_228, %dma_start3A_229] : memref<10000x128xf32, #tpu.memory_space<vmem_shared>> -> memref<80x128xf32, #tpu.memory_space<vmem_shared>>
      %dma_start3A_231 = arith.constant 0 : i32
      %dma_start3A_232 = tpu.memref_slice %arg12[%add3A_228, %dma_start3A_231] : memref<10000x128xf32, #tpu.memory_space<vmem_shared>> -> memref<80x128xf32, #tpu.memory_space<vmem_shared>>
      tpu.enqueue_dma source(%arg9 : memref<80x128xf32, #tpu.memory_space<vmem>>) target(%dma_start3A_232 : memref<80x128xf32, #tpu.memory_space<vmem_shared>>) target_semaphore(%arg14 : memref<!tpu.dma_semaphore, #tpu.memory_space<semaphore_mem>>)
      %add3A_233 = arith.constant 320 : i32
      %add3A_234 = arith.addi %multiple_of3A, %add3A_233 : i32
      %dma_start3A_235 = arith.constant 0 : i32
      %dma_start3A_236 = tpu.memref_slice %arg12[%add3A_234, %dma_start3A_235] : memref<10000x128xf32, #tpu.memory_space<vmem_shared>> -> memref<80x128xf32, #tpu.memory_space<vmem_shared>>
      %dma_start3A_237 = arith.constant 0 : i32
      %dma_start3A_238 = tpu.memref_slice %arg12[%add3A_234, %dma_start3A_237] : memref<10000x128xf32, #tpu.memory_space<vmem_shared>> -> memref<80x128xf32, #tpu.memory_space<vmem_shared>>
      tpu.enqueue_dma source(%arg9 : memref<80x128xf32, #tpu.memory_space<vmem>>) target(%dma_start3A_238 : memref<80x128xf32, #tpu.memory_space<vmem_shared>>) target_semaphore(%arg14 : memref<!tpu.dma_semaphore, #tpu.memory_space<semaphore_mem>>)
      %add3A_239 = arith.constant 400 : i32
      %add3A_240 = arith.addi %multiple_of3A, %add3A_239 : i32
      %dma_start3A_241 = arith.constant 0 : i32
      %dma_start3A_242 = tpu.memref_slice %arg12[%add3A_240, %dma_start3A_241] : memref<10000x128xf32, #tpu.memory_space<vmem_shared>> -> memref<80x128xf32, #tpu.memory_space<vmem_shared>>
      %dma_start3A_243 = arith.constant 0 : i32
      %dma_start3A_244 = tpu.memref_slice %arg12[%add3A_240, %dma_start3A_243] : memref<10000x128xf32, #tpu.memory_space<vmem_shared>> -> memref<80x128xf32, #tpu.memory_space<vmem_shared>>
      tpu.enqueue_dma source(%arg9 : memref<80x128xf32, #tpu.memory_space<vmem>>) target(%dma_start3A_244 : memref<80x128xf32, #tpu.memory_space<vmem_shared>>) target_semaphore(%arg14 : memref<!tpu.dma_semaphore, #tpu.memory_space<semaphore_mem>>)
      %add3A_245 = arith.constant 480 : i32
      %add3A_246 = arith.addi %multiple_of3A, %add3A_245 : i32
      %dma_start3A_247 = arith.constant 0 : i32
      %dma_start3A_248 = tpu.memref_slice %arg12[%add3A_246, %dma_start3A_247] : memref<10000x128xf32, #tpu.memory_space<vmem_shared>> -> memref<80x128xf32, #tpu.memory_space<vmem_shared>>
      %dma_start3A_249 = arith.constant 0 : i32
      %dma_start3A_250 = tpu.memref_slice %arg12[%add3A_246, %dma_start3A_249] : memref<10000x128xf32, #tpu.memory_space<vmem_shared>> -> memref<80x128xf32, #tpu.memory_space<vmem_shared>>
      tpu.enqueue_dma source(%arg9 : memref<80x128xf32, #tpu.memory_space<vmem>>) target(%dma_start3A_250 : memref<80x128xf32, #tpu.memory_space<vmem_shared>>) target_semaphore(%arg14 : memref<!tpu.dma_semaphore, #tpu.memory_space<semaphore_mem>>)
      %add3A_251 = arith.constant 560 : i32
      %add3A_252 = arith.addi %multiple_of3A, %add3A_251 : i32
      %dma_start3A_253 = arith.constant 0 : i32
      %dma_start3A_254 = arith.constant 0 : i32
      %dma_start3A_255 = tpu.memref_slice %arg9[%dma_start3A_253, %dma_start3A_254] : memref<80x128xf32, #tpu.memory_space<vmem>> -> memref<72x128xf32, #tpu.memory_space<vmem>>
      %dma_start3A_256 = arith.constant 0 : i32
      %dma_start3A_257 = tpu.memref_slice %arg12[%add3A_252, %dma_start3A_256] : memref<10000x128xf32, #tpu.memory_space<vmem_shared>> -> memref<72x128xf32, #tpu.memory_space<vmem_shared>>
      %dma_start3A_258 = arith.constant 0 : i32
      %dma_start3A_259 = tpu.memref_slice %arg12[%add3A_252, %dma_start3A_258] : memref<10000x128xf32, #tpu.memory_space<vmem_shared>> -> memref<72x128xf32, #tpu.memory_space<vmem_shared>>
      %dma_start3A_260 = arith.constant 0 : i32
      %dma_start3A_261 = arith.constant 0 : i32
      %dma_start3A_262 = tpu.memref_slice %arg9[%dma_start3A_260, %dma_start3A_261] : memref<80x128xf32, #tpu.memory_space<vmem>> -> memref<72x128xf32, #tpu.memory_space<vmem>>
      tpu.enqueue_dma source(%dma_start3A_262 : memref<72x128xf32, #tpu.memory_space<vmem>>) target(%dma_start3A_259 : memref<72x128xf32, #tpu.memory_space<vmem_shared>>) target_semaphore(%arg14 : memref<!tpu.dma_semaphore, #tpu.memory_space<semaphore_mem>>)
      %dma_wait3A_263 = arith.constant 0 : i32
      %dma_wait3A_264 = arith.constant 0 : i32
      %dma_wait3A_265 = tpu.memref_slice %arg12[%dma_wait3A_263, %dma_wait3A_264] : memref<10000x128xf32, #tpu.memory_space<vmem_shared>> -> memref<80x128xf32, #tpu.memory_space<vmem_shared>>
      %dma_wait3A_266 = arith.constant 0 : i32
      %dma_wait3A_267 = arith.constant 0 : i32
      %dma_wait3A_268 = tpu.memref_slice %arg12[%dma_wait3A_266, %dma_wait3A_267] : memref<10000x128xf32, #tpu.memory_space<vmem_shared>> -> memref<80x128xf32, #tpu.memory_space<vmem_shared>>
      tpu.wait_dma2 semaphore(%arg14 : memref<!tpu.dma_semaphore, #tpu.memory_space<semaphore_mem>>) src(%arg9 : memref<80x128xf32, #tpu.memory_space<vmem>>) dst(%dma_wait3A_268 : memref<80x128xf32, #tpu.memory_space<vmem_shared>>)
      %dma_wait3A_269 = arith.constant 0 : i32
      %dma_wait3A_270 = arith.constant 0 : i32
      %dma_wait3A_271 = tpu.memref_slice %arg12[%dma_wait3A_269, %dma_wait3A_270] : memref<10000x128xf32, #tpu.memory_space<vmem_shared>> -> memref<80x128xf32, #tpu.memory_space<vmem_shared>>
      %dma_wait3A_272 = arith.constant 0 : i32
      %dma_wait3A_273 = arith.constant 0 : i32
      %dma_wait3A_274 = tpu.memref_slice %arg12[%dma_wait3A_272, %dma_wait3A_273] : memref<10000x128xf32, #tpu.memory_space<vmem_shared>> -> memref<80x128xf32, #tpu.memory_space<vmem_shared>>
      tpu.wait_dma2 semaphore(%arg14 : memref<!tpu.dma_semaphore, #tpu.memory_space<semaphore_mem>>) src(%arg9 : memref<80x128xf32, #tpu.memory_space<vmem>>) dst(%dma_wait3A_274 : memref<80x128xf32, #tpu.memory_space<vmem_shared>>)
      %dma_wait3A_275 = arith.constant 0 : i32
      %dma_wait3A_276 = arith.constant 0 : i32
      %dma_wait3A_277 = tpu.memref_slice %arg12[%dma_wait3A_275, %dma_wait3A_276] : memref<10000x128xf32, #tpu.memory_space<vmem_shared>> -> memref<80x128xf32, #tpu.memory_space<vmem_shared>>
      %dma_wait3A_278 = arith.constant 0 : i32
      %dma_wait3A_279 = arith.constant 0 : i32
      %dma_wait3A_280 = tpu.memref_slice %arg12[%dma_wait3A_278, %dma_wait3A_279] : memref<10000x128xf32, #tpu.memory_space<vmem_shared>> -> memref<80x128xf32, #tpu.memory_space<vmem_shared>>
      tpu.wait_dma2 semaphore(%arg14 : memref<!tpu.dma_semaphore, #tpu.memory_space<semaphore_mem>>) src(%arg9 : memref<80x128xf32, #tpu.memory_space<vmem>>) dst(%dma_wait3A_280 : memref<80x128xf32, #tpu.memory_space<vmem_shared>>)
      %dma_wait3A_281 = arith.constant 0 : i32
      %dma_wait3A_282 = arith.constant 0 : i32
      %dma_wait3A_283 = tpu.memref_slice %arg12[%dma_wait3A_281, %dma_wait3A_282] : memref<10000x128xf32, #tpu.memory_space<vmem_shared>> -> memref<80x128xf32, #tpu.memory_space<vmem_shared>>
      %dma_wait3A_284 = arith.constant 0 : i32
      %dma_wait3A_285 = arith.constant 0 : i32
      %dma_wait3A_286 = tpu.memref_slice %arg12[%dma_wait3A_284, %dma_wait3A_285] : memref<10000x128xf32, #tpu.memory_space<vmem_shared>> -> memref<80x128xf32, #tpu.memory_space<vmem_shared>>
      tpu.wait_dma2 semaphore(%arg14 : memref<!tpu.dma_semaphore, #tpu.memory_space<semaphore_mem>>) src(%arg9 : memref<80x128xf32, #tpu.memory_space<vmem>>) dst(%dma_wait3A_286 : memref<80x128xf32, #tpu.memory_space<vmem_shared>>)
      %dma_wait3A_287 = arith.constant 0 : i32
      %dma_wait3A_288 = arith.constant 0 : i32
      %dma_wait3A_289 = tpu.memref_slice %arg12[%dma_wait3A_287, %dma_wait3A_288] : memref<10000x128xf32, #tpu.memory_space<vmem_shared>> -> memref<80x128xf32, #tpu.memory_space<vmem_shared>>
      %dma_wait3A_290 = arith.constant 0 : i32
      %dma_wait3A_291 = arith.constant 0 : i32
      %dma_wait3A_292 = tpu.memref_slice %arg12[%dma_wait3A_290, %dma_wait3A_291] : memref<10000x128xf32, #tpu.memory_space<vmem_shared>> -> memref<80x128xf32, #tpu.memory_space<vmem_shared>>
      tpu.wait_dma2 semaphore(%arg14 : memref<!tpu.dma_semaphore, #tpu.memory_space<semaphore_mem>>) src(%arg9 : memref<80x128xf32, #tpu.memory_space<vmem>>) dst(%dma_wait3A_292 : memref<80x128xf32, #tpu.memory_space<vmem_shared>>)
      %dma_wait3A_293 = arith.constant 0 : i32
      %dma_wait3A_294 = arith.constant 0 : i32
      %dma_wait3A_295 = tpu.memref_slice %arg12[%dma_wait3A_293, %dma_wait3A_294] : memref<10000x128xf32, #tpu.memory_space<vmem_shared>> -> memref<80x128xf32, #tpu.memory_space<vmem_shared>>
      %dma_wait3A_296 = arith.constant 0 : i32
      %dma_wait3A_297 = arith.constant 0 : i32
      %dma_wait3A_298 = tpu.memref_slice %arg12[%dma_wait3A_296, %dma_wait3A_297] : memref<10000x128xf32, #tpu.memory_space<vmem_shared>> -> memref<80x128xf32, #tpu.memory_space<vmem_shared>>
      tpu.wait_dma2 semaphore(%arg14 : memref<!tpu.dma_semaphore, #tpu.memory_space<semaphore_mem>>) src(%arg9 : memref<80x128xf32, #tpu.memory_space<vmem>>) dst(%dma_wait3A_298 : memref<80x128xf32, #tpu.memory_space<vmem_shared>>)
      %dma_wait3A_299 = arith.constant 0 : i32
      %dma_wait3A_300 = arith.constant 0 : i32
      %dma_wait3A_301 = tpu.memref_slice %arg12[%dma_wait3A_299, %dma_wait3A_300] : memref<10000x128xf32, #tpu.memory_space<vmem_shared>> -> memref<80x128xf32, #tpu.memory_space<vmem_shared>>
      %dma_wait3A_302 = arith.constant 0 : i32
      %dma_wait3A_303 = arith.constant 0 : i32
      %dma_wait3A_304 = tpu.memref_slice %arg12[%dma_wait3A_302, %dma_wait3A_303] : memref<10000x128xf32, #tpu.memory_space<vmem_shared>> -> memref<80x128xf32, #tpu.memory_space<vmem_shared>>
      tpu.wait_dma2 semaphore(%arg14 : memref<!tpu.dma_semaphore, #tpu.memory_space<semaphore_mem>>) src(%arg9 : memref<80x128xf32, #tpu.memory_space<vmem>>) dst(%dma_wait3A_304 : memref<80x128xf32, #tpu.memory_space<vmem_shared>>)
      %dma_wait3A_305 = arith.constant 0 : i32
      %dma_wait3A_306 = arith.constant 0 : i32
      %dma_wait3A_307 = tpu.memref_slice %arg9[%dma_wait3A_305, %dma_wait3A_306] : memref<80x128xf32, #tpu.memory_space<vmem>> -> memref<72x128xf32, #tpu.memory_space<vmem>>
      %dma_wait3A_308 = arith.constant 0 : i32
      %dma_wait3A_309 = arith.constant 0 : i32
      %dma_wait3A_310 = tpu.memref_slice %arg12[%dma_wait3A_308, %dma_wait3A_309] : memref<10000x128xf32, #tpu.memory_space<vmem_shared>> -> memref<72x128xf32, #tpu.memory_space<vmem_shared>>
      %dma_wait3A_311 = arith.constant 0 : i32
      %dma_wait3A_312 = arith.constant 0 : i32
      %dma_wait3A_313 = tpu.memref_slice %arg12[%dma_wait3A_311, %dma_wait3A_312] : memref<10000x128xf32, #tpu.memory_space<vmem_shared>> -> memref<72x128xf32, #tpu.memory_space<vmem_shared>>
      %dma_wait3A_314 = arith.constant 0 : i32
      %dma_wait3A_315 = arith.constant 0 : i32
      %dma_wait3A_316 = tpu.memref_slice %arg9[%dma_wait3A_314, %dma_wait3A_315] : memref<80x128xf32, #tpu.memory_space<vmem>> -> memref<72x128xf32, #tpu.memory_space<vmem>>
      tpu.wait_dma2 semaphore(%arg14 : memref<!tpu.dma_semaphore, #tpu.memory_space<semaphore_mem>>) src(%dma_wait3A_316 : memref<72x128xf32, #tpu.memory_space<vmem>>) dst(%dma_wait3A_313 : memref<72x128xf32, #tpu.memory_space<vmem_shared>>)
    } else {
    }
    %eq3A = arith.constant 15 : i32
    %eq3A_11 = arith.cmpi eq, %arg1, %eq3A : i32
    %convert_element_type3A_12 = arith.extui %eq3A_11 : i1 to i32
    %cond3A_13 = arith.constant 0 : i32
    %cond3A_14 = arith.cmpi ne, %convert_element_type3A_12, %cond3A_13 : i32
    scf.if %cond3A_14 {
      %add3A_209 = arith.constant 0 : i32
      %add3A_210 = arith.addi %multiple_of3A, %add3A_209 : i32
      %dma_start3A_211 = arith.constant 0 : i32
      %dma_start3A_212 = tpu.memref_slice %arg12[%add3A_210, %dma_start3A_211] : memref<10000x128xf32, #tpu.memory_space<vmem_shared>> -> memref<80x128xf32, #tpu.memory_space<vmem_shared>>
      %dma_start3A_213 = arith.constant 0 : i32
      %dma_start3A_214 = tpu.memref_slice %arg12[%add3A_210, %dma_start3A_213] : memref<10000x128xf32, #tpu.memory_space<vmem_shared>> -> memref<80x128xf32, #tpu.memory_space<vmem_shared>>
      tpu.enqueue_dma source(%arg9 : memref<80x128xf32, #tpu.memory_space<vmem>>) target(%dma_start3A_214 : memref<80x128xf32, #tpu.memory_space<vmem_shared>>) target_semaphore(%arg14 : memref<!tpu.dma_semaphore, #tpu.memory_space<semaphore_mem>>)
      %add3A_215 = arith.constant 80 : i32
      %add3A_216 = arith.addi %multiple_of3A, %add3A_215 : i32
      %dma_start3A_217 = arith.constant 0 : i32
      %dma_start3A_218 = tpu.memref_slice %arg12[%add3A_216, %dma_start3A_217] : memref<10000x128xf32, #tpu.memory_space<vmem_shared>> -> memref<80x128xf32, #tpu.memory_space<vmem_shared>>
      %dma_start3A_219 = arith.constant 0 : i32
      %dma_start3A_220 = tpu.memref_slice %arg12[%add3A_216, %dma_start3A_219] : memref<10000x128xf32, #tpu.memory_space<vmem_shared>> -> memref<80x128xf32, #tpu.memory_space<vmem_shared>>
      tpu.enqueue_dma source(%arg9 : memref<80x128xf32, #tpu.memory_space<vmem>>) target(%dma_start3A_220 : memref<80x128xf32, #tpu.memory_space<vmem_shared>>) target_semaphore(%arg14 : memref<!tpu.dma_semaphore, #tpu.memory_space<semaphore_mem>>)
      %add3A_221 = arith.constant 160 : i32
      %add3A_222 = arith.addi %multiple_of3A, %add3A_221 : i32
      %dma_start3A_223 = arith.constant 0 : i32
      %dma_start3A_224 = tpu.memref_slice %arg12[%add3A_222, %dma_start3A_223] : memref<10000x128xf32, #tpu.memory_space<vmem_shared>> -> memref<80x128xf32, #tpu.memory_space<vmem_shared>>
      %dma_start3A_225 = arith.constant 0 : i32
      %dma_start3A_226 = tpu.memref_slice %arg12[%add3A_222, %dma_start3A_225] : memref<10000x128xf32, #tpu.memory_space<vmem_shared>> -> memref<80x128xf32, #tpu.memory_space<vmem_shared>>
      tpu.enqueue_dma source(%arg9 : memref<80x128xf32, #tpu.memory_space<vmem>>) target(%dma_start3A_226 : memref<80x128xf32, #tpu.memory_space<vmem_shared>>) target_semaphore(%arg14 : memref<!tpu.dma_semaphore, #tpu.memory_space<semaphore_mem>>)
      %add3A_227 = arith.constant 240 : i32
      %add3A_228 = arith.addi %multiple_of3A, %add3A_227 : i32
      %dma_start3A_229 = arith.constant 0 : i32
      %dma_start3A_230 = tpu.memref_slice %arg12[%add3A_228, %dma_start3A_229] : memref<10000x128xf32, #tpu.memory_space<vmem_shared>> -> memref<80x128xf32, #tpu.memory_space<vmem_shared>>
      %dma_start3A_231 = arith.constant 0 : i32
      %dma_start3A_232 = tpu.memref_slice %arg12[%add3A_228, %dma_start3A_231] : memref<10000x128xf32, #tpu.memory_space<vmem_shared>> -> memref<80x128xf32, #tpu.memory_space<vmem_shared>>
      tpu.enqueue_dma source(%arg9 : memref<80x128xf32, #tpu.memory_space<vmem>>) target(%dma_start3A_232 : memref<80x128xf32, #tpu.memory_space<vmem_shared>>) target_semaphore(%arg14 : memref<!tpu.dma_semaphore, #tpu.memory_space<semaphore_mem>>)
      %add3A_233 = arith.constant 320 : i32
      %add3A_234 = arith.addi %multiple_of3A, %add3A_233 : i32
      %dma_start3A_235 = arith.constant 0 : i32
      %dma_start3A_236 = tpu.memref_slice %arg12[%add3A_234, %dma_start3A_235] : memref<10000x128xf32, #tpu.memory_space<vmem_shared>> -> memref<80x128xf32, #tpu.memory_space<vmem_shared>>
      %dma_start3A_237 = arith.constant 0 : i32
      %dma_start3A_238 = tpu.memref_slice %arg12[%add3A_234, %dma_start3A_237] : memref<10000x128xf32, #tpu.memory_space<vmem_shared>> -> memref<80x128xf32, #tpu.memory_space<vmem_shared>>
      tpu.enqueue_dma source(%arg9 : memref<80x128xf32, #tpu.memory_space<vmem>>) target(%dma_start3A_238 : memref<80x128xf32, #tpu.memory_space<vmem_shared>>) target_semaphore(%arg14 : memref<!tpu.dma_semaphore, #tpu.memory_space<semaphore_mem>>)
      %add3A_239 = arith.constant 400 : i32
      %add3A_240 = arith.addi %multiple_of3A, %add3A_239 : i32
      %dma_start3A_241 = arith.constant 0 : i32
      %dma_start3A_242 = tpu.memref_slice %arg12[%add3A_240, %dma_start3A_241] : memref<10000x128xf32, #tpu.memory_space<vmem_shared>> -> memref<80x128xf32, #tpu.memory_space<vmem_shared>>
      %dma_start3A_243 = arith.constant 0 : i32
      %dma_start3A_244 = tpu.memref_slice %arg12[%add3A_240, %dma_start3A_243] : memref<10000x128xf32, #tpu.memory_space<vmem_shared>> -> memref<80x128xf32, #tpu.memory_space<vmem_shared>>
      tpu.enqueue_dma source(%arg9 : memref<80x128xf32, #tpu.memory_space<vmem>>) target(%dma_start3A_244 : memref<80x128xf32, #tpu.memory_space<vmem_shared>>) target_semaphore(%arg14 : memref<!tpu.dma_semaphore, #tpu.memory_space<semaphore_mem>>)
      %add3A_245 = arith.constant 480 : i32
      %add3A_246 = arith.addi %multiple_of3A, %add3A_245 : i32
      %dma_start3A_247 = arith.constant 0 : i32
      %dma_start3A_248 = arith.constant 0 : i32
      %dma_start3A_249 = tpu.memref_slice %arg9[%dma_start3A_247, %dma_start3A_248] : memref<80x128xf32, #tpu.memory_space<vmem>> -> memref<40x128xf32, #tpu.memory_space<vmem>>
      %dma_start3A_250 = arith.constant 0 : i32
      %dma_start3A_251 = tpu.memref_slice %arg12[%add3A_246, %dma_start3A_250] : memref<10000x128xf32, #tpu.memory_space<vmem_shared>> -> memref<40x128xf32, #tpu.memory_space<vmem_shared>>
      %dma_start3A_252 = arith.constant 0 : i32
      %dma_start3A_253 = tpu.memref_slice %arg12[%add3A_246, %dma_start3A_252] : memref<10000x128xf32, #tpu.memory_space<vmem_shared>> -> memref<40x128xf32, #tpu.memory_space<vmem_shared>>
      %dma_start3A_254 = arith.constant 0 : i32
      %dma_start3A_255 = arith.constant 0 : i32
      %dma_start3A_256 = tpu.memref_slice %arg9[%dma_start3A_254, %dma_start3A_255] : memref<80x128xf32, #tpu.memory_space<vmem>> -> memref<40x128xf32, #tpu.memory_space<vmem>>
      tpu.enqueue_dma source(%dma_start3A_256 : memref<40x128xf32, #tpu.memory_space<vmem>>) target(%dma_start3A_253 : memref<40x128xf32, #tpu.memory_space<vmem_shared>>) target_semaphore(%arg14 : memref<!tpu.dma_semaphore, #tpu.memory_space<semaphore_mem>>)
      %dma_wait3A_257 = arith.constant 0 : i32
      %dma_wait3A_258 = arith.constant 0 : i32
      %dma_wait3A_259 = tpu.memref_slice %arg12[%dma_wait3A_257, %dma_wait3A_258] : memref<10000x128xf32, #tpu.memory_space<vmem_shared>> -> memref<80x128xf32, #tpu.memory_space<vmem_shared>>
      %dma_wait3A_260 = arith.constant 0 : i32
      %dma_wait3A_261 = arith.constant 0 : i32
      %dma_wait3A_262 = tpu.memref_slice %arg12[%dma_wait3A_260, %dma_wait3A_261] : memref<10000x128xf32, #tpu.memory_space<vmem_shared>> -> memref<80x128xf32, #tpu.memory_space<vmem_shared>>
      tpu.wait_dma2 semaphore(%arg14 : memref<!tpu.dma_semaphore, #tpu.memory_space<semaphore_mem>>) src(%arg9 : memref<80x128xf32, #tpu.memory_space<vmem>>) dst(%dma_wait3A_262 : memref<80x128xf32, #tpu.memory_space<vmem_shared>>)
      %dma_wait3A_263 = arith.constant 0 : i32
      %dma_wait3A_264 = arith.constant 0 : i32
      %dma_wait3A_265 = tpu.memref_slice %arg12[%dma_wait3A_263, %dma_wait3A_264] : memref<10000x128xf32, #tpu.memory_space<vmem_shared>> -> memref<80x128xf32, #tpu.memory_space<vmem_shared>>
      %dma_wait3A_266 = arith.constant 0 : i32
      %dma_wait3A_267 = arith.constant 0 : i32
      %dma_wait3A_268 = tpu.memref_slice %arg12[%dma_wait3A_266, %dma_wait3A_267] : memref<10000x128xf32, #tpu.memory_space<vmem_shared>> -> memref<80x128xf32, #tpu.memory_space<vmem_shared>>
      tpu.wait_dma2 semaphore(%arg14 : memref<!tpu.dma_semaphore, #tpu.memory_space<semaphore_mem>>) src(%arg9 : memref<80x128xf32, #tpu.memory_space<vmem>>) dst(%dma_wait3A_268 : memref<80x128xf32, #tpu.memory_space<vmem_shared>>)
      %dma_wait3A_269 = arith.constant 0 : i32
      %dma_wait3A_270 = arith.constant 0 : i32
      %dma_wait3A_271 = tpu.memref_slice %arg12[%dma_wait3A_269, %dma_wait3A_270] : memref<10000x128xf32, #tpu.memory_space<vmem_shared>> -> memref<80x128xf32, #tpu.memory_space<vmem_shared>>
      %dma_wait3A_272 = arith.constant 0 : i32
      %dma_wait3A_273 = arith.constant 0 : i32
      %dma_wait3A_274 = tpu.memref_slice %arg12[%dma_wait3A_272, %dma_wait3A_273] : memref<10000x128xf32, #tpu.memory_space<vmem_shared>> -> memref<80x128xf32, #tpu.memory_space<vmem_shared>>
      tpu.wait_dma2 semaphore(%arg14 : memref<!tpu.dma_semaphore, #tpu.memory_space<semaphore_mem>>) src(%arg9 : memref<80x128xf32, #tpu.memory_space<vmem>>) dst(%dma_wait3A_274 : memref<80x128xf32, #tpu.memory_space<vmem_shared>>)
      %dma_wait3A_275 = arith.constant 0 : i32
      %dma_wait3A_276 = arith.constant 0 : i32
      %dma_wait3A_277 = tpu.memref_slice %arg12[%dma_wait3A_275, %dma_wait3A_276] : memref<10000x128xf32, #tpu.memory_space<vmem_shared>> -> memref<80x128xf32, #tpu.memory_space<vmem_shared>>
      %dma_wait3A_278 = arith.constant 0 : i32
      %dma_wait3A_279 = arith.constant 0 : i32
      %dma_wait3A_280 = tpu.memref_slice %arg12[%dma_wait3A_278, %dma_wait3A_279] : memref<10000x128xf32, #tpu.memory_space<vmem_shared>> -> memref<80x128xf32, #tpu.memory_space<vmem_shared>>
      tpu.wait_dma2 semaphore(%arg14 : memref<!tpu.dma_semaphore, #tpu.memory_space<semaphore_mem>>) src(%arg9 : memref<80x128xf32, #tpu.memory_space<vmem>>) dst(%dma_wait3A_280 : memref<80x128xf32, #tpu.memory_space<vmem_shared>>)
      %dma_wait3A_281 = arith.constant 0 : i32
      %dma_wait3A_282 = arith.constant 0 : i32
      %dma_wait3A_283 = tpu.memref_slice %arg12[%dma_wait3A_281, %dma_wait3A_282] : memref<10000x128xf32, #tpu.memory_space<vmem_shared>> -> memref<80x128xf32, #tpu.memory_space<vmem_shared>>
      %dma_wait3A_284 = arith.constant 0 : i32
      %dma_wait3A_285 = arith.constant 0 : i32
      %dma_wait3A_286 = tpu.memref_slice %arg12[%dma_wait3A_284, %dma_wait3A_285] : memref<10000x128xf32, #tpu.memory_space<vmem_shared>> -> memref<80x128xf32, #tpu.memory_space<vmem_shared>>
      tpu.wait_dma2 semaphore(%arg14 : memref<!tpu.dma_semaphore, #tpu.memory_space<semaphore_mem>>) src(%arg9 : memref<80x128xf32, #tpu.memory_space<vmem>>) dst(%dma_wait3A_286 : memref<80x128xf32, #tpu.memory_space<vmem_shared>>)
      %dma_wait3A_287 = arith.constant 0 : i32
      %dma_wait3A_288 = arith.constant 0 : i32
      %dma_wait3A_289 = tpu.memref_slice %arg12[%dma_wait3A_287, %dma_wait3A_288] : memref<10000x128xf32, #tpu.memory_space<vmem_shared>> -> memref<80x128xf32, #tpu.memory_space<vmem_shared>>
      %dma_wait3A_290 = arith.constant 0 : i32
      %dma_wait3A_291 = arith.constant 0 : i32
      %dma_wait3A_292 = tpu.memref_slice %arg12[%dma_wait3A_290, %dma_wait3A_291] : memref<10000x128xf32, #tpu.memory_space<vmem_shared>> -> memref<80x128xf32, #tpu.memory_space<vmem_shared>>
      tpu.wait_dma2 semaphore(%arg14 : memref<!tpu.dma_semaphore, #tpu.memory_space<semaphore_mem>>) src(%arg9 : memref<80x128xf32, #tpu.memory_space<vmem>>) dst(%dma_wait3A_292 : memref<80x128xf32, #tpu.memory_space<vmem_shared>>)
      %dma_wait3A_293 = arith.constant 0 : i32
      %dma_wait3A_294 = arith.constant 0 : i32
      %dma_wait3A_295 = tpu.memref_slice %arg9[%dma_wait3A_293, %dma_wait3A_294] : memref<80x128xf32, #tpu.memory_space<vmem>> -> memref<40x128xf32, #tpu.memory_space<vmem>>
      %dma_wait3A_296 = arith.constant 0 : i32
      %dma_wait3A_297 = arith.constant 0 : i32
      %dma_wait3A_298 = tpu.memref_slice %arg12[%dma_wait3A_296, %dma_wait3A_297] : memref<10000x128xf32, #tpu.memory_space<vmem_shared>> -> memref<40x128xf32, #tpu.memory_space<vmem_shared>>
      %dma_wait3A_299 = arith.constant 0 : i32
      %dma_wait3A_300 = arith.constant 0 : i32
      %dma_wait3A_301 = tpu.memref_slice %arg12[%dma_wait3A_299, %dma_wait3A_300] : memref<10000x128xf32, #tpu.memory_space<vmem_shared>> -> memref<40x128xf32, #tpu.memory_space<vmem_shared>>
      %dma_wait3A_302 = arith.constant 0 : i32
      %dma_wait3A_303 = arith.constant 0 : i32
      %dma_wait3A_304 = tpu.memref_slice %arg9[%dma_wait3A_302, %dma_wait3A_303] : memref<80x128xf32, #tpu.memory_space<vmem>> -> memref<40x128xf32, #tpu.memory_space<vmem>>
      tpu.wait_dma2 semaphore(%arg14 : memref<!tpu.dma_semaphore, #tpu.memory_space<semaphore_mem>>) src(%dma_wait3A_304 : memref<40x128xf32, #tpu.memory_space<vmem>>) dst(%dma_wait3A_301 : memref<40x128xf32, #tpu.memory_space<vmem_shared>>)
    } else {
    }
    "tpu.region"() ({
      %run_scoped3A = tpu.sem_alloc : memref<!tpu.dma_semaphore, #tpu.memory_space<semaphore_mem>>
      %dma_start3A_209 = arith.constant 0 : i32
      %dma_start3A_210 = tpu.memref_slice %arg3[%add3A, %dma_start3A_209] : memref<32x10000xi32, #tpu.memory_space<hbm>> -> memref<1x10000xi32, #tpu.memory_space<hbm>>
      %dma_start3A_211 = tpu.memref_squeeze %dma_start3A_210 : memref<1x10000xi32, #tpu.memory_space<hbm>> -> memref<10000xi32, #tpu.memory_space<hbm>>
      %dma_start3A_212 = arith.constant 0 : i32
      %dma_start3A_213 = tpu.memref_slice %arg3[%add3A, %dma_start3A_212] : memref<32x10000xi32, #tpu.memory_space<hbm>> -> memref<1x10000xi32, #tpu.memory_space<hbm>>
      %dma_start3A_214 = tpu.memref_squeeze %dma_start3A_213 : memref<1x10000xi32, #tpu.memory_space<hbm>> -> memref<10000xi32, #tpu.memory_space<hbm>>
      tpu.enqueue_dma source(%dma_start3A_214 : memref<10000xi32, #tpu.memory_space<hbm>>) target(%arg6 : memref<10000xi32, #tpu.memory_space<vmem>>) target_semaphore(%run_scoped3A : memref<!tpu.dma_semaphore, #tpu.memory_space<semaphore_mem>>)
      %dma_wait3A_215 = arith.constant 0 : i32
      %dma_wait3A_216 = tpu.memref_slice %arg3[%add3A, %dma_wait3A_215] : memref<32x10000xi32, #tpu.memory_space<hbm>> -> memref<1x10000xi32, #tpu.memory_space<hbm>>
      %dma_wait3A_217 = tpu.memref_squeeze %dma_wait3A_216 : memref<1x10000xi32, #tpu.memory_space<hbm>> -> memref<10000xi32, #tpu.memory_space<hbm>>
      %dma_wait3A_218 = arith.constant 0 : i32
      %dma_wait3A_219 = tpu.memref_slice %arg3[%add3A, %dma_wait3A_218] : memref<32x10000xi32, #tpu.memory_space<hbm>> -> memref<1x10000xi32, #tpu.memory_space<hbm>>
      %dma_wait3A_220 = tpu.memref_squeeze %dma_wait3A_219 : memref<1x10000xi32, #tpu.memory_space<hbm>> -> memref<10000xi32, #tpu.memory_space<hbm>>
      tpu.wait_dma2 semaphore(%run_scoped3A : memref<!tpu.dma_semaphore, #tpu.memory_space<semaphore_mem>>) src(%dma_wait3A_220 : memref<10000xi32, #tpu.memory_space<hbm>>) dst(%arg6 : memref<10000xi32, #tpu.memory_space<vmem>>)
      tpu.yield
    }) : () -> ()
    "tpu.region"() ({
      %run_scoped3A = tpu.sem_alloc : memref<!tpu.dma_semaphore, #tpu.memory_space<semaphore_mem>>
      %dma_start3A_209 = arith.constant 0 : i32
      %dma_start3A_210 = tpu.memref_slice %arg4[%add3A, %dma_start3A_209] : memref<32x10000xi32, #tpu.memory_space<hbm>> -> memref<1x10000xi32, #tpu.memory_space<hbm>>
      %dma_start3A_211 = tpu.memref_squeeze %dma_start3A_210 : memref<1x10000xi32, #tpu.memory_space<hbm>> -> memref<10000xi32, #tpu.memory_space<hbm>>
      %dma_start3A_212 = arith.constant 0 : i32
      %dma_start3A_213 = tpu.memref_slice %arg4[%add3A, %dma_start3A_212] : memref<32x10000xi32, #tpu.memory_space<hbm>> -> memref<1x10000xi32, #tpu.memory_space<hbm>>
      %dma_start3A_214 = tpu.memref_squeeze %dma_start3A_213 : memref<1x10000xi32, #tpu.memory_space<hbm>> -> memref<10000xi32, #tpu.memory_space<hbm>>
      tpu.enqueue_dma source(%dma_start3A_214 : memref<10000xi32, #tpu.memory_space<hbm>>) target(%arg7 : memref<10000xi32, #tpu.memory_space<vmem>>) target_semaphore(%run_scoped3A : memref<!tpu.dma_semaphore, #tpu.memory_space<semaphore_mem>>)
      %dma_wait3A_215 = arith.constant 0 : i32
      %dma_wait3A_216 = tpu.memref_slice %arg4[%add3A, %dma_wait3A_215] : memref<32x10000xi32, #tpu.memory_space<hbm>> -> memref<1x10000xi32, #tpu.memory_space<hbm>>
      %dma_wait3A_217 = tpu.memref_squeeze %dma_wait3A_216 : memref<1x10000xi32, #tpu.memory_space<hbm>> -> memref<10000xi32, #tpu.memory_space<hbm>>
      %dma_wait3A_218 = arith.constant 0 : i32
      %dma_wait3A_219 = tpu.memref_slice %arg4[%add3A, %dma_wait3A_218] : memref<32x10000xi32, #tpu.memory_space<hbm>> -> memref<1x10000xi32, #tpu.memory_space<hbm>>
      %dma_wait3A_220 = tpu.memref_squeeze %dma_wait3A_219 : memref<1x10000xi32, #tpu.memory_space<hbm>> -> memref<10000xi32, #tpu.memory_space<hbm>>
      tpu.wait_dma2 semaphore(%run_scoped3A : memref<!tpu.dma_semaphore, #tpu.memory_space<semaphore_mem>>) src(%dma_wait3A_220 : memref<10000xi32, #tpu.memory_space<hbm>>) dst(%arg7 : memref<10000xi32, #tpu.memory_space<vmem>>)
      tpu.yield
    }) : () -> ()
    %barrier3A = arith.constant 0 : index
    tpu.barrier barrier_id(%barrier3A)
    %min3A = arith.constant 0 : i32
    %min3A_15 = arith.constant 124 : i32
    %min3A_16 = arith.minsi %min3A, %min3A_15 : i32
    %mul3A_17 = arith.constant 80 : i32
    %mul3A_18 = arith.muli %min3A_16, %mul3A_17 : i32
    %multiple_of3A_19 = tpu.assume_multiple %mul3A_18, 80 : i32
    %dma_start3A = tpu.memref_slice %arg6[%multiple_of3A_19] : memref<10000xi32, #tpu.memory_space<vmem>> -> memref<80xi32, #tpu.memory_space<vmem>>
    %dma_start3A_20 = arith.constant 0 : i32
    %dma_start3A_21 = arith.constant 0 : i32
    %dma_start3A_22 = tpu.memref_slice %arg2[%dma_start3A_20, %dma_start3A_21] : memref<10000x128xf32, #tpu.memory_space<hbm>> -> memref<10000x128xf32, #tpu.memory_space<hbm>>
    tpu.enqueue_indirect_dma source(%dma_start3A_22 : memref<10000x128xf32, #tpu.memory_space<hbm>>) target(%arg9 : memref<80x128xf32, #tpu.memory_space<vmem>>) offsets(%dma_start3A : memref<80xi32, #tpu.memory_space<vmem>>) semaphore(%arg13 : memref<!tpu.dma_semaphore, #tpu.memory_space<semaphore_mem>>)
    %min3A_23 = arith.constant 1 : i32
    %min3A_24 = arith.constant 124 : i32
    %min3A_25 = arith.minsi %min3A_23, %min3A_24 : i32
    %mul3A_26 = arith.constant 80 : i32
    %mul3A_27 = arith.muli %min3A_25, %mul3A_26 : i32
    %multiple_of3A_28 = tpu.assume_multiple %mul3A_27, 80 : i32
    %dma_start3A_29 = tpu.memref_slice %arg6[%multiple_of3A_28] : memref<10000xi32, #tpu.memory_space<vmem>> -> memref<80xi32, #tpu.memory_space<vmem>>
    %dma_start3A_30 = arith.constant 0 : i32
    %dma_start3A_31 = arith.constant 0 : i32
    %dma_start3A_32 = tpu.memref_slice %arg2[%dma_start3A_30, %dma_start3A_31] : memref<10000x128xf32, #tpu.memory_space<hbm>> -> memref<10000x128xf32, #tpu.memory_space<hbm>>
    tpu.enqueue_indirect_dma source(%dma_start3A_32 : memref<10000x128xf32, #tpu.memory_space<hbm>>) target(%arg10 : memref<80x128xf32, #tpu.memory_space<vmem>>) offsets(%dma_start3A_29 : memref<80xi32, #tpu.memory_space<vmem>>) semaphore(%arg13 : memref<!tpu.dma_semaphore, #tpu.memory_space<semaphore_mem>>)
    %min3A_33 = arith.constant 2 : i32
    %min3A_34 = arith.constant 124 : i32
    %min3A_35 = arith.minsi %min3A_33, %min3A_34 : i32
    %mul3A_36 = arith.constant 80 : i32
    %mul3A_37 = arith.muli %min3A_35, %mul3A_36 : i32
    %multiple_of3A_38 = tpu.assume_multiple %mul3A_37, 80 : i32
    %dma_start3A_39 = tpu.memref_slice %arg6[%multiple_of3A_38] : memref<10000xi32, #tpu.memory_space<vmem>> -> memref<80xi32, #tpu.memory_space<vmem>>
    %dma_start3A_40 = arith.constant 0 : i32
    %dma_start3A_41 = arith.constant 0 : i32
    %dma_start3A_42 = tpu.memref_slice %arg2[%dma_start3A_40, %dma_start3A_41] : memref<10000x128xf32, #tpu.memory_space<hbm>> -> memref<10000x128xf32, #tpu.memory_space<hbm>>
    tpu.enqueue_indirect_dma source(%dma_start3A_42 : memref<10000x128xf32, #tpu.memory_space<hbm>>) target(%arg11 : memref<80x128xf32, #tpu.memory_space<vmem>>) offsets(%dma_start3A_39 : memref<80xi32, #tpu.memory_space<vmem>>) semaphore(%arg13 : memref<!tpu.dma_semaphore, #tpu.memory_space<semaphore_mem>>)
    %scan3A_43 = arith.constant 0 : i32
    %scan3A_44 = arith.constant 0 : i32
    %scan3A_45 = arith.constant 41 : i32
    %scan3A_46 = arith.addi %scan3A_44, %scan3A_45 : i32
    %scan3A_47 = arith.constant 1 : i32
    %scan3A_48 = scf.for %scan3A_209 = %scan3A_44 to %scan3A_46 step %scan3A_47 iter_args(%scan3A_210 = %scan3A_43) -> (i32)  : i32 {
      %mul3A_211 = arith.constant 3 : i32
      %mul3A_212 = arith.muli %scan3A_209, %mul3A_211 : i32
      %add3A_213 = arith.constant 0 : i32
      %add3A_214 = arith.addi %mul3A_212, %add3A_213 : i32
      %mul3A_215 = arith.constant 80 : i32
      %mul3A_216 = arith.muli %add3A_214, %mul3A_215 : i32
      %multiple_of3A_217 = tpu.assume_multiple %mul3A_216, 80 : i32
      %add3A_218 = arith.constant 0 : i32
      %add3A_219 = arith.addi %multiple_of3A_217, %add3A_218 : i32
      %get3A_220 = arith.index_cast %add3A_219 : i32 to index
      %get3A_221 = tpu.vector_load %arg7[%get3A_220] {strides = array<i32>} : memref<10000xi32, #tpu.memory_space<vmem>>, vector<16xi32>,
      %get3A_222 = vector.shape_cast %get3A_221 : vector<16xi32> to vector<16xi32>
      %swap3A_223 = arith.constant 0 : index
      %swap3A_224 = tpu.vector_load %arg8[%swap3A_223] {strides = array<i32>} : memref<80xi32, #tpu.memory_space<vmem>>, vector<16xi32>,
      %swap3A_225 = vector.shape_cast %swap3A_224 : vector<16xi32> to vector<16xi32>
      %swap3A_226 = vector.shape_cast %get3A_222 : vector<16xi32> to vector<16xi32>
      tpu.vector_store %arg8[%swap3A_223], %swap3A_226 {strides = array<i32>} : memref<80xi32, #tpu.memory_space<vmem>>, vector<16xi32>,
      %add3A_227 = arith.constant 16 : i32
      %add3A_228 = arith.addi %multiple_of3A_217, %add3A_227 : i32
      %get3A_229 = arith.index_cast %add3A_228 : i32 to index
      %get3A_230 = tpu.vector_load %arg7[%get3A_229] {strides = array<i32>} : memref<10000xi32, #tpu.memory_space<vmem>>, vector<16xi32>,
      %get3A_231 = vector.shape_cast %get3A_230 : vector<16xi32> to vector<16xi32>
      %swap3A_232 = arith.constant 16 : index
      %swap3A_233 = tpu.vector_load %arg8[%swap3A_232] {strides = array<i32>} : memref<80xi32, #tpu.memory_space<vmem>>, vector<16xi32>,
      %swap3A_234 = vector.shape_cast %swap3A_233 : vector<16xi32> to vector<16xi32>
      %swap3A_235 = vector.shape_cast %get3A_231 : vector<16xi32> to vector<16xi32>
      tpu.vector_store %arg8[%swap3A_232], %swap3A_235 {strides = array<i32>} : memref<80xi32, #tpu.memory_space<vmem>>, vector<16xi32>,
      %add3A_236 = arith.constant 32 : i32
      %add3A_237 = arith.addi %multiple_of3A_217, %add3A_236 : i32
      %get3A_238 = arith.index_cast %add3A_237 : i32 to index
      %get3A_239 = tpu.vector_load %arg7[%get3A_238] {strides = array<i32>} : memref<10000xi32, #tpu.memory_space<vmem>>, vector<16xi32>,
      %get3A_240 = vector.shape_cast %get3A_239 : vector<16xi32> to vector<16xi32>
      %swap3A_241 = arith.constant 32 : index
      %swap3A_242 = tpu.vector_load %arg8[%swap3A_241] {strides = array<i32>} : memref<80xi32, #tpu.memory_space<vmem>>, vector<16xi32>,
      %swap3A_243 = vector.shape_cast %swap3A_242 : vector<16xi32> to vector<16xi32>
      %swap3A_244 = vector.shape_cast %get3A_240 : vector<16xi32> to vector<16xi32>
      tpu.vector_store %arg8[%swap3A_241], %swap3A_244 {strides = array<i32>} : memref<80xi32, #tpu.memory_space<vmem>>, vector<16xi32>,
      %add3A_245 = arith.constant 48 : i32
      %add3A_246 = arith.addi %multiple_of3A_217, %add3A_245 : i32
      %get3A_247 = arith.index_cast %add3A_246 : i32 to index
      %get3A_248 = tpu.vector_load %arg7[%get3A_247] {strides = array<i32>} : memref<10000xi32, #tpu.memory_space<vmem>>, vector<16xi32>,
      %get3A_249 = vector.shape_cast %get3A_248 : vector<16xi32> to vector<16xi32>
      %swap3A_250 = arith.constant 48 : index
      %swap3A_251 = tpu.vector_load %arg8[%swap3A_250] {strides = array<i32>} : memref<80xi32, #tpu.memory_space<vmem>>, vector<16xi32>,
      %swap3A_252 = vector.shape_cast %swap3A_251 : vector<16xi32> to vector<16xi32>
      %swap3A_253 = vector.shape_cast %get3A_249 : vector<16xi32> to vector<16xi32>
      tpu.vector_store %arg8[%swap3A_250], %swap3A_253 {strides = array<i32>} : memref<80xi32, #tpu.memory_space<vmem>>, vector<16xi32>,
      %add3A_254 = arith.constant 64 : i32
      %add3A_255 = arith.addi %multiple_of3A_217, %add3A_254 : i32
      %get3A_256 = arith.index_cast %add3A_255 : i32 to index
      %get3A_257 = tpu.vector_load %arg7[%get3A_256] {strides = array<i32>} : memref<10000xi32, #tpu.memory_space<vmem>>, vector<16xi32>,
      %get3A_258 = vector.shape_cast %get3A_257 : vector<16xi32> to vector<16xi32>
      %swap3A_259 = arith.constant 64 : index
      %swap3A_260 = tpu.vector_load %arg8[%swap3A_259] {strides = array<i32>} : memref<80xi32, #tpu.memory_space<vmem>>, vector<16xi32>,
      %swap3A_261 = vector.shape_cast %swap3A_260 : vector<16xi32> to vector<16xi32>
      %swap3A_262 = vector.shape_cast %get3A_258 : vector<16xi32> to vector<16xi32>
      tpu.vector_store %arg8[%swap3A_259], %swap3A_262 {strides = array<i32>} : memref<80xi32, #tpu.memory_space<vmem>>, vector<16xi32>,
      %dma_wait3A_263 = arith.constant 0 : i32
      %dma_wait3A_264 = tpu.memref_slice %arg6[%dma_wait3A_263] : memref<10000xi32, #tpu.memory_space<vmem>> -> memref<80xi32, #tpu.memory_space<vmem>>
      %dma_wait3A_265 = arith.constant 0 : i32
      %dma_wait3A_266 = arith.constant 0 : i32
      %dma_wait3A_267 = tpu.memref_slice %arg2[%dma_wait3A_265, %dma_wait3A_266] : memref<10000x128xf32, #tpu.memory_space<hbm>> -> memref<10000x128xf32, #tpu.memory_space<hbm>>
      tpu.wait_indirect_dma semaphore(%arg13 : memref<!tpu.dma_semaphore, #tpu.memory_space<semaphore_mem>>) src(%dma_wait3A_267 : memref<10000x128xf32, #tpu.memory_space<hbm>>) dst(%arg9 : memref<80x128xf32, #tpu.memory_space<vmem>>)
      %dma_start3A_268 = arith.constant 0 : i32
      %dma_start3A_269 = arith.constant 0 : i32
      %dma_start3A_270 = tpu.memref_slice %arg12[%dma_start3A_268, %dma_start3A_269] : memref<10000x128xf32, #tpu.memory_space<vmem_shared>> -> memref<10000x128xf32, #tpu.memory_space<vmem_shared>>
      tpu.enqueue_indirect_dma source(%arg9 : memref<80x128xf32, #tpu.memory_space<vmem>>) target(%dma_start3A_270 : memref<10000x128xf32, #tpu.memory_space<vmem_shared>>) offsets(%arg8 : memref<80xi32, #tpu.memory_space<vmem>>) semaphore(%arg14 : memref<!tpu.dma_semaphore, #tpu.memory_space<semaphore_mem>>) {add = true}
      %dma_wait3A_271 = arith.constant 0 : i32
      %dma_wait3A_272 = arith.constant 0 : i32
      %dma_wait3A_273 = tpu.memref_slice %arg12[%dma_wait3A_271, %dma_wait3A_272] : memref<10000x128xf32, #tpu.memory_space<vmem_shared>> -> memref<10000x128xf32, #tpu.memory_space<vmem_shared>>
      tpu.wait_indirect_dma semaphore(%arg14 : memref<!tpu.dma_semaphore, #tpu.memory_space<semaphore_mem>>) src(%arg9 : memref<80x128xf32, #tpu.memory_space<vmem>>) dst(%dma_wait3A_273 : memref<10000x128xf32, #tpu.memory_space<vmem_shared>>)
      %add3A_274 = arith.constant 3 : i32
      %add3A_275 = arith.addi %add3A_214, %add3A_274 : i32
      %min3A_276 = arith.constant 124 : i32
      %min3A_277 = arith.minsi %add3A_275, %min3A_276 : i32
      %mul3A_278 = arith.constant 80 : i32
      %mul3A_279 = arith.muli %min3A_277, %mul3A_278 : i32
      %multiple_of3A_280 = tpu.assume_multiple %mul3A_279, 80 : i32
      %dma_start3A_281 = tpu.memref_slice %arg6[%multiple_of3A_280] : memref<10000xi32, #tpu.memory_space<vmem>> -> memref<80xi32, #tpu.memory_space<vmem>>
      %dma_start3A_282 = arith.constant 0 : i32
      %dma_start3A_283 = arith.constant 0 : i32
      %dma_start3A_284 = tpu.memref_slice %arg2[%dma_start3A_282, %dma_start3A_283] : memref<10000x128xf32, #tpu.memory_space<hbm>> -> memref<10000x128xf32, #tpu.memory_space<hbm>>
      tpu.enqueue_indirect_dma source(%dma_start3A_284 : memref<10000x128xf32, #tpu.memory_space<hbm>>) target(%arg9 : memref<80x128xf32, #tpu.memory_space<vmem>>) offsets(%dma_start3A_281 : memref<80xi32, #tpu.memory_space<vmem>>) semaphore(%arg13 : memref<!tpu.dma_semaphore, #tpu.memory_space<semaphore_mem>>)
      %mul3A_285 = arith.constant 3 : i32
      %mul3A_286 = arith.muli %scan3A_209, %mul3A_285 : i32
      %add3A_287 = arith.constant 1 : i32
      %add3A_288 = arith.addi %mul3A_286, %add3A_287 : i32
      %mul3A_289 = arith.constant 80 : i32
      %mul3A_290 = arith.muli %add3A_288, %mul3A_289 : i32
      %multiple_of3A_291 = tpu.assume_multiple %mul3A_290, 80 : i32
      %add3A_292 = arith.constant 0 : i32
      %add3A_293 = arith.addi %multiple_of3A_291, %add3A_292 : i32
      %get3A_294 = arith.index_cast %add3A_293 : i32 to index
      %get3A_295 = tpu.vector_load %arg7[%get3A_294] {strides = array<i32>} : memref<10000xi32, #tpu.memory_space<vmem>>, vector<16xi32>,
      %get3A_296 = vector.shape_cast %get3A_295 : vector<16xi32> to vector<16xi32>
      %swap3A_297 = arith.constant 0 : index
      %swap3A_298 = tpu.vector_load %arg8[%swap3A_297] {strides = array<i32>} : memref<80xi32, #tpu.memory_space<vmem>>, vector<16xi32>,
      %swap3A_299 = vector.shape_cast %swap3A_298 : vector<16xi32> to vector<16xi32>
      %swap3A_300 = vector.shape_cast %get3A_296 : vector<16xi32> to vector<16xi32>
      tpu.vector_store %arg8[%swap3A_297], %swap3A_300 {strides = array<i32>} : memref<80xi32, #tpu.memory_space<vmem>>, vector<16xi32>,
      %add3A_301 = arith.constant 16 : i32
      %add3A_302 = arith.addi %multiple_of3A_291, %add3A_301 : i32
      %get3A_303 = arith.index_cast %add3A_302 : i32 to index
      %get3A_304 = tpu.vector_load %arg7[%get3A_303] {strides = array<i32>} : memref<10000xi32, #tpu.memory_space<vmem>>, vector<16xi32>,
      %get3A_305 = vector.shape_cast %get3A_304 : vector<16xi32> to vector<16xi32>
      %swap3A_306 = arith.constant 16 : index
      %swap3A_307 = tpu.vector_load %arg8[%swap3A_306] {strides = array<i32>} : memref<80xi32, #tpu.memory_space<vmem>>, vector<16xi32>,
      %swap3A_308 = vector.shape_cast %swap3A_307 : vector<16xi32> to vector<16xi32>
      %swap3A_309 = vector.shape_cast %get3A_305 : vector<16xi32> to vector<16xi32>
      tpu.vector_store %arg8[%swap3A_306], %swap3A_309 {strides = array<i32>} : memref<80xi32, #tpu.memory_space<vmem>>, vector<16xi32>,
      %add3A_310 = arith.constant 32 : i32
      %add3A_311 = arith.addi %multiple_of3A_291, %add3A_310 : i32
      %get3A_312 = arith.index_cast %add3A_311 : i32 to index
      %get3A_313 = tpu.vector_load %arg7[%get3A_312] {strides = array<i32>} : memref<10000xi32, #tpu.memory_space<vmem>>, vector<16xi32>,
      %get3A_314 = vector.shape_cast %get3A_313 : vector<16xi32> to vector<16xi32>
      %swap3A_315 = arith.constant 32 : index
      %swap3A_316 = tpu.vector_load %arg8[%swap3A_315] {strides = array<i32>} : memref<80xi32, #tpu.memory_space<vmem>>, vector<16xi32>,
      %swap3A_317 = vector.shape_cast %swap3A_316 : vector<16xi32> to vector<16xi32>
      %swap3A_318 = vector.shape_cast %get3A_314 : vector<16xi32> to vector<16xi32>
      tpu.vector_store %arg8[%swap3A_315], %swap3A_318 {strides = array<i32>} : memref<80xi32, #tpu.memory_space<vmem>>, vector<16xi32>,
      %add3A_319 = arith.constant 48 : i32
      %add3A_320 = arith.addi %multiple_of3A_291, %add3A_319 : i32
      %get3A_321 = arith.index_cast %add3A_320 : i32 to index
      %get3A_322 = tpu.vector_load %arg7[%get3A_321] {strides = array<i32>} : memref<10000xi32, #tpu.memory_space<vmem>>, vector<16xi32>,
      %get3A_323 = vector.shape_cast %get3A_322 : vector<16xi32> to vector<16xi32>
      %swap3A_324 = arith.constant 48 : index
      %swap3A_325 = tpu.vector_load %arg8[%swap3A_324] {strides = array<i32>} : memref<80xi32, #tpu.memory_space<vmem>>, vector<16xi32>,
      %swap3A_326 = vector.shape_cast %swap3A_325 : vector<16xi32> to vector<16xi32>
      %swap3A_327 = vector.shape_cast %get3A_323 : vector<16xi32> to vector<16xi32>
      tpu.vector_store %arg8[%swap3A_324], %swap3A_327 {strides = array<i32>} : memref<80xi32, #tpu.memory_space<vmem>>, vector<16xi32>,
      %add3A_328 = arith.constant 64 : i32
      %add3A_329 = arith.addi %multiple_of3A_291, %add3A_328 : i32
      %get3A_330 = arith.index_cast %add3A_329 : i32 to index
      %get3A_331 = tpu.vector_load %arg7[%get3A_330] {strides = array<i32>} : memref<10000xi32, #tpu.memory_space<vmem>>, vector<16xi32>,
      %get3A_332 = vector.shape_cast %get3A_331 : vector<16xi32> to vector<16xi32>
      %swap3A_333 = arith.constant 64 : index
      %swap3A_334 = tpu.vector_load %arg8[%swap3A_333] {strides = array<i32>} : memref<80xi32, #tpu.memory_space<vmem>>, vector<16xi32>,
      %swap3A_335 = vector.shape_cast %swap3A_334 : vector<16xi32> to vector<16xi32>
      %swap3A_336 = vector.shape_cast %get3A_332 : vector<16xi32> to vector<16xi32>
      tpu.vector_store %arg8[%swap3A_333], %swap3A_336 {strides = array<i32>} : memref<80xi32, #tpu.memory_space<vmem>>, vector<16xi32>,
      %dma_wait3A_337 = arith.constant 0 : i32
      %dma_wait3A_338 = tpu.memref_slice %arg6[%dma_wait3A_337] : memref<10000xi32, #tpu.memory_space<vmem>> -> memref<80xi32, #tpu.memory_space<vmem>>
      %dma_wait3A_339 = arith.constant 0 : i32
      %dma_wait3A_340 = arith.constant 0 : i32
      %dma_wait3A_341 = tpu.memref_slice %arg2[%dma_wait3A_339, %dma_wait3A_340] : memref<10000x128xf32, #tpu.memory_space<hbm>> -> memref<10000x128xf32, #tpu.memory_space<hbm>>
      tpu.wait_indirect_dma semaphore(%arg13 : memref<!tpu.dma_semaphore, #tpu.memory_space<semaphore_mem>>) src(%dma_wait3A_341 : memref<10000x128xf32, #tpu.memory_space<hbm>>) dst(%arg10 : memref<80x128xf32, #tpu.memory_space<vmem>>)
      %dma_start3A_342 = arith.constant 0 : i32
      %dma_start3A_343 = arith.constant 0 : i32
      %dma_start3A_344 = tpu.memref_slice %arg12[%dma_start3A_342, %dma_start3A_343] : memref<10000x128xf32, #tpu.memory_space<vmem_shared>> -> memref<10000x128xf32, #tpu.memory_space<vmem_shared>>
      tpu.enqueue_indirect_dma source(%arg10 : memref<80x128xf32, #tpu.memory_space<vmem>>) target(%dma_start3A_344 : memref<10000x128xf32, #tpu.memory_space<vmem_shared>>) offsets(%arg8 : memref<80xi32, #tpu.memory_space<vmem>>) semaphore(%arg14 : memref<!tpu.dma_semaphore, #tpu.memory_space<semaphore_mem>>) {add = true}
      %dma_wait3A_345 = arith.constant 0 : i32
      %dma_wait3A_346 = arith.constant 0 : i32
      %dma_wait3A_347 = tpu.memref_slice %arg12[%dma_wait3A_345, %dma_wait3A_346] : memref<10000x128xf32, #tpu.memory_space<vmem_shared>> -> memref<10000x128xf32, #tpu.memory_space<vmem_shared>>
      tpu.wait_indirect_dma semaphore(%arg14 : memref<!tpu.dma_semaphore, #tpu.memory_space<semaphore_mem>>) src(%arg10 : memref<80x128xf32, #tpu.memory_space<vmem>>) dst(%dma_wait3A_347 : memref<10000x128xf32, #tpu.memory_space<vmem_shared>>)
      %add3A_348 = arith.constant 3 : i32
      %add3A_349 = arith.addi %add3A_288, %add3A_348 : i32
      %min3A_350 = arith.constant 124 : i32
      %min3A_351 = arith.minsi %add3A_349, %min3A_350 : i32
      %mul3A_352 = arith.constant 80 : i32
      %mul3A_353 = arith.muli %min3A_351, %mul3A_352 : i32
      %multiple_of3A_354 = tpu.assume_multiple %mul3A_353, 80 : i32
      %dma_start3A_355 = tpu.memref_slice %arg6[%multiple_of3A_354] : memref<10000xi32, #tpu.memory_space<vmem>> -> memref<80xi32, #tpu.memory_space<vmem>>
      %dma_start3A_356 = arith.constant 0 : i32
      %dma_start3A_357 = arith.constant 0 : i32
      %dma_start3A_358 = tpu.memref_slice %arg2[%dma_start3A_356, %dma_start3A_357] : memref<10000x128xf32, #tpu.memory_space<hbm>> -> memref<10000x128xf32, #tpu.memory_space<hbm>>
      tpu.enqueue_indirect_dma source(%dma_start3A_358 : memref<10000x128xf32, #tpu.memory_space<hbm>>) target(%arg10 : memref<80x128xf32, #tpu.memory_space<vmem>>) offsets(%dma_start3A_355 : memref<80xi32, #tpu.memory_space<vmem>>) semaphore(%arg13 : memref<!tpu.dma_semaphore, #tpu.memory_space<semaphore_mem>>)
      %mul3A_359 = arith.constant 3 : i32
      %mul3A_360 = arith.muli %scan3A_209, %mul3A_359 : i32
      %add3A_361 = arith.constant 2 : i32
      %add3A_362 = arith.addi %mul3A_360, %add3A_361 : i32
      %mul3A_363 = arith.constant 80 : i32
      %mul3A_364 = arith.muli %add3A_362, %mul3A_363 : i32
      %multiple_of3A_365 = tpu.assume_multiple %mul3A_364, 80 : i32
      %add3A_366 = arith.constant 0 : i32
      %add3A_367 = arith.addi %multiple_of3A_365, %add3A_366 : i32
      %get3A_368 = arith.index_cast %add3A_367 : i32 to index
      %get3A_369 = tpu.vector_load %arg7[%get3A_368] {strides = array<i32>} : memref<10000xi32, #tpu.memory_space<vmem>>, vector<16xi32>,
      %get3A_370 = vector.shape_cast %get3A_369 : vector<16xi32> to vector<16xi32>
      %swap3A_371 = arith.constant 0 : index
      %swap3A_372 = tpu.vector_load %arg8[%swap3A_371] {strides = array<i32>} : memref<80xi32, #tpu.memory_space<vmem>>, vector<16xi32>,
      %swap3A_373 = vector.shape_cast %swap3A_372 : vector<16xi32> to vector<16xi32>
      %swap3A_374 = vector.shape_cast %get3A_370 : vector<16xi32> to vector<16xi32>
      tpu.vector_store %arg8[%swap3A_371], %swap3A_374 {strides = array<i32>} : memref<80xi32, #tpu.memory_space<vmem>>, vector<16xi32>,
      %add3A_375 = arith.constant 16 : i32
      %add3A_376 = arith.addi %multiple_of3A_365, %add3A_375 : i32
      %get3A_377 = arith.index_cast %add3A_376 : i32 to index
      %get3A_378 = tpu.vector_load %arg7[%get3A_377] {strides = array<i32>} : memref<10000xi32, #tpu.memory_space<vmem>>, vector<16xi32>,
      %get3A_379 = vector.shape_cast %get3A_378 : vector<16xi32> to vector<16xi32>
      %swap3A_380 = arith.constant 16 : index
      %swap3A_381 = tpu.vector_load %arg8[%swap3A_380] {strides = array<i32>} : memref<80xi32, #tpu.memory_space<vmem>>, vector<16xi32>,
      %swap3A_382 = vector.shape_cast %swap3A_381 : vector<16xi32> to vector<16xi32>
      %swap3A_383 = vector.shape_cast %get3A_379 : vector<16xi32> to vector<16xi32>
      tpu.vector_store %arg8[%swap3A_380], %swap3A_383 {strides = array<i32>} : memref<80xi32, #tpu.memory_space<vmem>>, vector<16xi32>,
      %add3A_384 = arith.constant 32 : i32
      %add3A_385 = arith.addi %multiple_of3A_365, %add3A_384 : i32
      %get3A_386 = arith.index_cast %add3A_385 : i32 to index
      %get3A_387 = tpu.vector_load %arg7[%get3A_386] {strides = array<i32>} : memref<10000xi32, #tpu.memory_space<vmem>>, vector<16xi32>,
      %get3A_388 = vector.shape_cast %get3A_387 : vector<16xi32> to vector<16xi32>
      %swap3A_389 = arith.constant 32 : index
      %swap3A_390 = tpu.vector_load %arg8[%swap3A_389] {strides = array<i32>} : memref<80xi32, #tpu.memory_space<vmem>>, vector<16xi32>,
      %swap3A_391 = vector.shape_cast %swap3A_390 : vector<16xi32> to vector<16xi32>
      %swap3A_392 = vector.shape_cast %get3A_388 : vector<16xi32> to vector<16xi32>
      tpu.vector_store %arg8[%swap3A_389], %swap3A_392 {strides = array<i32>} : memref<80xi32, #tpu.memory_space<vmem>>, vector<16xi32>,
      %add3A_393 = arith.constant 48 : i32
      %add3A_394 = arith.addi %multiple_of3A_365, %add3A_393 : i32
      %get3A_395 = arith.index_cast %add3A_394 : i32 to index
      %get3A_396 = tpu.vector_load %arg7[%get3A_395] {strides = array<i32>} : memref<10000xi32, #tpu.memory_space<vmem>>, vector<16xi32>,
      %get3A_397 = vector.shape_cast %get3A_396 : vector<16xi32> to vector<16xi32>
      %swap3A_398 = arith.constant 48 : index
      %swap3A_399 = tpu.vector_load %arg8[%swap3A_398] {strides = array<i32>} : memref<80xi32, #tpu.memory_space<vmem>>, vector<16xi32>,
      %swap3A_400 = vector.shape_cast %swap3A_399 : vector<16xi32> to vector<16xi32>
      %swap3A_401 = vector.shape_cast %get3A_397 : vector<16xi32> to vector<16xi32>
      tpu.vector_store %arg8[%swap3A_398], %swap3A_401 {strides = array<i32>} : memref<80xi32, #tpu.memory_space<vmem>>, vector<16xi32>,
      %add3A_402 = arith.constant 64 : i32
      %add3A_403 = arith.addi %multiple_of3A_365, %add3A_402 : i32
      %get3A_404 = arith.index_cast %add3A_403 : i32 to index
      %get3A_405 = tpu.vector_load %arg7[%get3A_404] {strides = array<i32>} : memref<10000xi32, #tpu.memory_space<vmem>>, vector<16xi32>,
      %get3A_406 = vector.shape_cast %get3A_405 : vector<16xi32> to vector<16xi32>
      %swap3A_407 = arith.constant 64 : index
      %swap3A_408 = tpu.vector_load %arg8[%swap3A_407] {strides = array<i32>} : memref<80xi32, #tpu.memory_space<vmem>>, vector<16xi32>,
      %swap3A_409 = vector.shape_cast %swap3A_408 : vector<16xi32> to vector<16xi32>
      %swap3A_410 = vector.shape_cast %get3A_406 : vector<16xi32> to vector<16xi32>
      tpu.vector_store %arg8[%swap3A_407], %swap3A_410 {strides = array<i32>} : memref<80xi32, #tpu.memory_space<vmem>>, vector<16xi32>,
      %dma_wait3A_411 = arith.constant 0 : i32
      %dma_wait3A_412 = tpu.memref_slice %arg6[%dma_wait3A_411] : memref<10000xi32, #tpu.memory_space<vmem>> -> memref<80xi32, #tpu.memory_space<vmem>>
      %dma_wait3A_413 = arith.constant 0 : i32
      %dma_wait3A_414 = arith.constant 0 : i32
      %dma_wait3A_415 = tpu.memref_slice %arg2[%dma_wait3A_413, %dma_wait3A_414] : memref<10000x128xf32, #tpu.memory_space<hbm>> -> memref<10000x128xf32, #tpu.memory_space<hbm>>
      tpu.wait_indirect_dma semaphore(%arg13 : memref<!tpu.dma_semaphore, #tpu.memory_space<semaphore_mem>>) src(%dma_wait3A_415 : memref<10000x128xf32, #tpu.memory_space<hbm>>) dst(%arg11 : memref<80x128xf32, #tpu.memory_space<vmem>>)
      %dma_start3A_416 = arith.constant 0 : i32
      %dma_start3A_417 = arith.constant 0 : i32
      %dma_start3A_418 = tpu.memref_slice %arg12[%dma_start3A_416, %dma_start3A_417] : memref<10000x128xf32, #tpu.memory_space<vmem_shared>> -> memref<10000x128xf32, #tpu.memory_space<vmem_shared>>
      tpu.enqueue_indirect_dma source(%arg11 : memref<80x128xf32, #tpu.memory_space<vmem>>) target(%dma_start3A_418 : memref<10000x128xf32, #tpu.memory_space<vmem_shared>>) offsets(%arg8 : memref<80xi32, #tpu.memory_space<vmem>>) semaphore(%arg14 : memref<!tpu.dma_semaphore, #tpu.memory_space<semaphore_mem>>) {add = true}
      %dma_wait3A_419 = arith.constant 0 : i32
      %dma_wait3A_420 = arith.constant 0 : i32
      %dma_wait3A_421 = tpu.memref_slice %arg12[%dma_wait3A_419, %dma_wait3A_420] : memref<10000x128xf32, #tpu.memory_space<vmem_shared>> -> memref<10000x128xf32, #tpu.memory_space<vmem_shared>>
      tpu.wait_indirect_dma semaphore(%arg14 : memref<!tpu.dma_semaphore, #tpu.memory_space<semaphore_mem>>) src(%arg11 : memref<80x128xf32, #tpu.memory_space<vmem>>) dst(%dma_wait3A_421 : memref<10000x128xf32, #tpu.memory_space<vmem_shared>>)
      %add3A_422 = arith.constant 3 : i32
      %add3A_423 = arith.addi %add3A_362, %add3A_422 : i32
      %min3A_424 = arith.constant 124 : i32
      %min3A_425 = arith.minsi %add3A_423, %min3A_424 : i32
      %mul3A_426 = arith.constant 80 : i32
      %mul3A_427 = arith.muli %min3A_425, %mul3A_426 : i32
      %multiple_of3A_428 = tpu.assume_multiple %mul3A_427, 80 : i32
      %dma_start3A_429 = tpu.memref_slice %arg6[%multiple_of3A_428] : memref<10000xi32, #tpu.memory_space<vmem>> -> memref<80xi32, #tpu.memory_space<vmem>>
      %dma_start3A_430 = arith.constant 0 : i32
      %dma_start3A_431 = arith.constant 0 : i32
      %dma_start3A_432 = tpu.memref_slice %arg2[%dma_start3A_430, %dma_start3A_431] : memref<10000x128xf32, #tpu.memory_space<hbm>> -> memref<10000x128xf32, #tpu.memory_space<hbm>>
      tpu.enqueue_indirect_dma source(%dma_start3A_432 : memref<10000x128xf32, #tpu.memory_space<hbm>>) target(%arg11 : memref<80x128xf32, #tpu.memory_space<vmem>>) offsets(%dma_start3A_429 : memref<80xi32, #tpu.memory_space<vmem>>) semaphore(%arg13 : memref<!tpu.dma_semaphore, #tpu.memory_space<semaphore_mem>>)
      %scan3A_433 = arith.constant 0 : i32
      scf.yield %scan3A_433 : i32
    }
    %scan3A_49 = arith.constant 41 : i32
    %multiple_of3A_50 = arith.constant 9840 : i32
    %multiple_of3A_51 = tpu.assume_multiple %multiple_of3A_50, 80 : i32
    %add3A_52 = arith.constant 0 : i32
    %add3A_53 = arith.addi %multiple_of3A_51, %add3A_52 : i32
    %get3A = arith.index_cast %add3A_53 : i32 to index
    %get3A_54 = tpu.vector_load %arg7[%get3A] {strides = array<i32>} : memref<10000xi32, #tpu.memory_space<vmem>>, vector<16xi32>,
    %get3A_55 = vector.shape_cast %get3A_54 : vector<16xi32> to vector<16xi32>
    %swap3A = arith.constant 0 : index
    %swap3A_56 = tpu.vector_load %arg8[%swap3A] {strides = array<i32>} : memref<80xi32, #tpu.memory_space<vmem>>, vector<16xi32>,
    %swap3A_57 = vector.shape_cast %swap3A_56 : vector<16xi32> to vector<16xi32>
    %swap3A_58 = vector.shape_cast %get3A_55 : vector<16xi32> to vector<16xi32>
    tpu.vector_store %arg8[%swap3A], %swap3A_58 {strides = array<i32>} : memref<80xi32, #tpu.memory_space<vmem>>, vector<16xi32>,
    %add3A_59 = arith.constant 16 : i32
    %add3A_60 = arith.addi %multiple_of3A_51, %add3A_59 : i32
    %get3A_61 = arith.index_cast %add3A_60 : i32 to index
    %get3A_62 = tpu.vector_load %arg7[%get3A_61] {strides = array<i32>} : memref<10000xi32, #tpu.memory_space<vmem>>, vector<16xi32>,
    %get3A_63 = vector.shape_cast %get3A_62 : vector<16xi32> to vector<16xi32>
    %swap3A_64 = arith.constant 16 : index
    %swap3A_65 = tpu.vector_load %arg8[%swap3A_64] {strides = array<i32>} : memref<80xi32, #tpu.memory_space<vmem>>, vector<16xi32>,
    %swap3A_66 = vector.shape_cast %swap3A_65 : vector<16xi32> to vector<16xi32>
    %swap3A_67 = vector.shape_cast %get3A_63 : vector<16xi32> to vector<16xi32>
    tpu.vector_store %arg8[%swap3A_64], %swap3A_67 {strides = array<i32>} : memref<80xi32, #tpu.memory_space<vmem>>, vector<16xi32>,
    %add3A_68 = arith.constant 32 : i32
    %add3A_69 = arith.addi %multiple_of3A_51, %add3A_68 : i32
    %get3A_70 = arith.index_cast %add3A_69 : i32 to index
    %get3A_71 = tpu.vector_load %arg7[%get3A_70] {strides = array<i32>} : memref<10000xi32, #tpu.memory_space<vmem>>, vector<16xi32>,
    %get3A_72 = vector.shape_cast %get3A_71 : vector<16xi32> to vector<16xi32>
    %swap3A_73 = arith.constant 32 : index
    %swap3A_74 = tpu.vector_load %arg8[%swap3A_73] {strides = array<i32>} : memref<80xi32, #tpu.memory_space<vmem>>, vector<16xi32>,
    %swap3A_75 = vector.shape_cast %swap3A_74 : vector<16xi32> to vector<16xi32>
    %swap3A_76 = vector.shape_cast %get3A_72 : vector<16xi32> to vector<16xi32>
    tpu.vector_store %arg8[%swap3A_73], %swap3A_76 {strides = array<i32>} : memref<80xi32, #tpu.memory_space<vmem>>, vector<16xi32>,
    %add3A_77 = arith.constant 48 : i32
    %add3A_78 = arith.addi %multiple_of3A_51, %add3A_77 : i32
    %get3A_79 = arith.index_cast %add3A_78 : i32 to index
    %get3A_80 = tpu.vector_load %arg7[%get3A_79] {strides = array<i32>} : memref<10000xi32, #tpu.memory_space<vmem>>, vector<16xi32>,
    %get3A_81 = vector.shape_cast %get3A_80 : vector<16xi32> to vector<16xi32>
    %swap3A_82 = arith.constant 48 : index
    %swap3A_83 = tpu.vector_load %arg8[%swap3A_82] {strides = array<i32>} : memref<80xi32, #tpu.memory_space<vmem>>, vector<16xi32>,
    %swap3A_84 = vector.shape_cast %swap3A_83 : vector<16xi32> to vector<16xi32>
    %swap3A_85 = vector.shape_cast %get3A_81 : vector<16xi32> to vector<16xi32>
    tpu.vector_store %arg8[%swap3A_82], %swap3A_85 {strides = array<i32>} : memref<80xi32, #tpu.memory_space<vmem>>, vector<16xi32>,
    %add3A_86 = arith.constant 64 : i32
    %add3A_87 = arith.addi %multiple_of3A_51, %add3A_86 : i32
    %get3A_88 = arith.index_cast %add3A_87 : i32 to index
    %get3A_89 = tpu.vector_load %arg7[%get3A_88] {strides = array<i32>} : memref<10000xi32, #tpu.memory_space<vmem>>, vector<16xi32>,
    %get3A_90 = vector.shape_cast %get3A_89 : vector<16xi32> to vector<16xi32>
    %swap3A_91 = arith.constant 64 : index
    %swap3A_92 = tpu.vector_load %arg8[%swap3A_91] {strides = array<i32>} : memref<80xi32, #tpu.memory_space<vmem>>, vector<16xi32>,
    %swap3A_93 = vector.shape_cast %swap3A_92 : vector<16xi32> to vector<16xi32>
    %swap3A_94 = vector.shape_cast %get3A_90 : vector<16xi32> to vector<16xi32>
    tpu.vector_store %arg8[%swap3A_91], %swap3A_94 {strides = array<i32>} : memref<80xi32, #tpu.memory_space<vmem>>, vector<16xi32>,
    %dma_wait3A = arith.constant 0 : i32
    %dma_wait3A_95 = tpu.memref_slice %arg6[%dma_wait3A] : memref<10000xi32, #tpu.memory_space<vmem>> -> memref<80xi32, #tpu.memory_space<vmem>>
    %dma_wait3A_96 = arith.constant 0 : i32
    %dma_wait3A_97 = arith.constant 0 : i32
    %dma_wait3A_98 = tpu.memref_slice %arg2[%dma_wait3A_96, %dma_wait3A_97] : memref<10000x128xf32, #tpu.memory_space<hbm>> -> memref<10000x128xf32, #tpu.memory_space<hbm>>
    tpu.wait_indirect_dma semaphore(%arg13 : memref<!tpu.dma_semaphore, #tpu.memory_space<semaphore_mem>>) src(%dma_wait3A_98 : memref<10000x128xf32, #tpu.memory_space<hbm>>) dst(%arg9 : memref<80x128xf32, #tpu.memory_space<vmem>>)
    %dma_start3A_99 = arith.constant 0 : i32
    %dma_start3A_100 = arith.constant 0 : i32
    %dma_start3A_101 = tpu.memref_slice %arg12[%dma_start3A_99, %dma_start3A_100] : memref<10000x128xf32, #tpu.memory_space<vmem_shared>> -> memref<10000x128xf32, #tpu.memory_space<vmem_shared>>
    tpu.enqueue_indirect_dma source(%arg9 : memref<80x128xf32, #tpu.memory_space<vmem>>) target(%dma_start3A_101 : memref<10000x128xf32, #tpu.memory_space<vmem_shared>>) offsets(%arg8 : memref<80xi32, #tpu.memory_space<vmem>>) semaphore(%arg14 : memref<!tpu.dma_semaphore, #tpu.memory_space<semaphore_mem>>) {add = true}
    %dma_wait3A_102 = arith.constant 0 : i32
    %dma_wait3A_103 = arith.constant 0 : i32
    %dma_wait3A_104 = tpu.memref_slice %arg12[%dma_wait3A_102, %dma_wait3A_103] : memref<10000x128xf32, #tpu.memory_space<vmem_shared>> -> memref<10000x128xf32, #tpu.memory_space<vmem_shared>>
    tpu.wait_indirect_dma semaphore(%arg14 : memref<!tpu.dma_semaphore, #tpu.memory_space<semaphore_mem>>) src(%arg9 : memref<80x128xf32, #tpu.memory_space<vmem>>) dst(%dma_wait3A_104 : memref<10000x128xf32, #tpu.memory_space<vmem_shared>>)
    %min3A_105 = arith.constant 126 : i32
    %min3A_106 = arith.constant 124 : i32
    %min3A_107 = arith.minsi %min3A_105, %min3A_106 : i32
    %mul3A_108 = arith.constant 80 : i32
    %mul3A_109 = arith.muli %min3A_107, %mul3A_108 : i32
    %multiple_of3A_110 = tpu.assume_multiple %mul3A_109, 80 : i32
    %dma_start3A_111 = tpu.memref_slice %arg6[%multiple_of3A_110] : memref<10000xi32, #tpu.memory_space<vmem>> -> memref<80xi32, #tpu.memory_space<vmem>>
    %dma_start3A_112 = arith.constant 0 : i32
    %dma_start3A_113 = arith.constant 0 : i32
    %dma_start3A_114 = tpu.memref_slice %arg2[%dma_start3A_112, %dma_start3A_113] : memref<10000x128xf32, #tpu.memory_space<hbm>> -> memref<10000x128xf32, #tpu.memory_space<hbm>>
    tpu.enqueue_indirect_dma source(%dma_start3A_114 : memref<10000x128xf32, #tpu.memory_space<hbm>>) target(%arg9 : memref<80x128xf32, #tpu.memory_space<vmem>>) offsets(%dma_start3A_111 : memref<80xi32, #tpu.memory_space<vmem>>) semaphore(%arg13 : memref<!tpu.dma_semaphore, #tpu.memory_space<semaphore_mem>>)
    %multiple_of3A_115 = arith.constant 9920 : i32
    %multiple_of3A_116 = tpu.assume_multiple %multiple_of3A_115, 80 : i32
    %add3A_117 = arith.constant 0 : i32
    %add3A_118 = arith.addi %multiple_of3A_116, %add3A_117 : i32
    %get3A_119 = arith.index_cast %add3A_118 : i32 to index
    %get3A_120 = tpu.vector_load %arg7[%get3A_119] {strides = array<i32>} : memref<10000xi32, #tpu.memory_space<vmem>>, vector<16xi32>,
    %get3A_121 = vector.shape_cast %get3A_120 : vector<16xi32> to vector<16xi32>
    %swap3A_122 = arith.constant 0 : index
    %swap3A_123 = tpu.vector_load %arg8[%swap3A_122] {strides = array<i32>} : memref<80xi32, #tpu.memory_space<vmem>>, vector<16xi32>,
    %swap3A_124 = vector.shape_cast %swap3A_123 : vector<16xi32> to vector<16xi32>
    %swap3A_125 = vector.shape_cast %get3A_121 : vector<16xi32> to vector<16xi32>
    tpu.vector_store %arg8[%swap3A_122], %swap3A_125 {strides = array<i32>} : memref<80xi32, #tpu.memory_space<vmem>>, vector<16xi32>,
    %add3A_126 = arith.constant 16 : i32
    %add3A_127 = arith.addi %multiple_of3A_116, %add3A_126 : i32
    %get3A_128 = arith.index_cast %add3A_127 : i32 to index
    %get3A_129 = tpu.vector_load %arg7[%get3A_128] {strides = array<i32>} : memref<10000xi32, #tpu.memory_space<vmem>>, vector<16xi32>,
    %get3A_130 = vector.shape_cast %get3A_129 : vector<16xi32> to vector<16xi32>
    %swap3A_131 = arith.constant 16 : index
    %swap3A_132 = tpu.vector_load %arg8[%swap3A_131] {strides = array<i32>} : memref<80xi32, #tpu.memory_space<vmem>>, vector<16xi32>,
    %swap3A_133 = vector.shape_cast %swap3A_132 : vector<16xi32> to vector<16xi32>
    %swap3A_134 = vector.shape_cast %get3A_130 : vector<16xi32> to vector<16xi32>
    tpu.vector_store %arg8[%swap3A_131], %swap3A_134 {strides = array<i32>} : memref<80xi32, #tpu.memory_space<vmem>>, vector<16xi32>,
    %add3A_135 = arith.constant 32 : i32
    %add3A_136 = arith.addi %multiple_of3A_116, %add3A_135 : i32
    %get3A_137 = arith.index_cast %add3A_136 : i32 to index
    %get3A_138 = tpu.vector_load %arg7[%get3A_137] {strides = array<i32>} : memref<10000xi32, #tpu.memory_space<vmem>>, vector<16xi32>,
    %get3A_139 = vector.shape_cast %get3A_138 : vector<16xi32> to vector<16xi32>
    %swap3A_140 = arith.constant 32 : index
    %swap3A_141 = tpu.vector_load %arg8[%swap3A_140] {strides = array<i32>} : memref<80xi32, #tpu.memory_space<vmem>>, vector<16xi32>,
    %swap3A_142 = vector.shape_cast %swap3A_141 : vector<16xi32> to vector<16xi32>
    %swap3A_143 = vector.shape_cast %get3A_139 : vector<16xi32> to vector<16xi32>
    tpu.vector_store %arg8[%swap3A_140], %swap3A_143 {strides = array<i32>} : memref<80xi32, #tpu.memory_space<vmem>>, vector<16xi32>,
    %add3A_144 = arith.constant 48 : i32
    %add3A_145 = arith.addi %multiple_of3A_116, %add3A_144 : i32
    %get3A_146 = arith.index_cast %add3A_145 : i32 to index
    %get3A_147 = tpu.vector_load %arg7[%get3A_146] {strides = array<i32>} : memref<10000xi32, #tpu.memory_space<vmem>>, vector<16xi32>,
    %get3A_148 = vector.shape_cast %get3A_147 : vector<16xi32> to vector<16xi32>
    %swap3A_149 = arith.constant 48 : index
    %swap3A_150 = tpu.vector_load %arg8[%swap3A_149] {strides = array<i32>} : memref<80xi32, #tpu.memory_space<vmem>>, vector<16xi32>,
    %swap3A_151 = vector.shape_cast %swap3A_150 : vector<16xi32> to vector<16xi32>
    %swap3A_152 = vector.shape_cast %get3A_148 : vector<16xi32> to vector<16xi32>
    tpu.vector_store %arg8[%swap3A_149], %swap3A_152 {strides = array<i32>} : memref<80xi32, #tpu.memory_space<vmem>>, vector<16xi32>,
    %add3A_153 = arith.constant 64 : i32
    %add3A_154 = arith.addi %multiple_of3A_116, %add3A_153 : i32
    %get3A_155 = arith.index_cast %add3A_154 : i32 to index
    %get3A_156 = tpu.vector_load %arg7[%get3A_155] {strides = array<i32>} : memref<10000xi32, #tpu.memory_space<vmem>>, vector<16xi32>,
    %get3A_157 = vector.shape_cast %get3A_156 : vector<16xi32> to vector<16xi32>
    %swap3A_158 = arith.constant 64 : index
    %swap3A_159 = tpu.vector_load %arg8[%swap3A_158] {strides = array<i32>} : memref<80xi32, #tpu.memory_space<vmem>>, vector<16xi32>,
    %swap3A_160 = vector.shape_cast %swap3A_159 : vector<16xi32> to vector<16xi32>
    %swap3A_161 = vector.shape_cast %get3A_157 : vector<16xi32> to vector<16xi32>
    tpu.vector_store %arg8[%swap3A_158], %swap3A_161 {strides = array<i32>} : memref<80xi32, #tpu.memory_space<vmem>>, vector<16xi32>,
    %dma_wait3A_162 = arith.constant 0 : i32
    %dma_wait3A_163 = tpu.memref_slice %arg6[%dma_wait3A_162] : memref<10000xi32, #tpu.memory_space<vmem>> -> memref<80xi32, #tpu.memory_space<vmem>>
    %dma_wait3A_164 = arith.constant 0 : i32
    %dma_wait3A_165 = arith.constant 0 : i32
    %dma_wait3A_166 = tpu.memref_slice %arg2[%dma_wait3A_164, %dma_wait3A_165] : memref<10000x128xf32, #tpu.memory_space<hbm>> -> memref<10000x128xf32, #tpu.memory_space<hbm>>
    tpu.wait_indirect_dma semaphore(%arg13 : memref<!tpu.dma_semaphore, #tpu.memory_space<semaphore_mem>>) src(%dma_wait3A_166 : memref<10000x128xf32, #tpu.memory_space<hbm>>) dst(%arg10 : memref<80x128xf32, #tpu.memory_space<vmem>>)
    %dma_start3A_167 = arith.constant 0 : i32
    %dma_start3A_168 = arith.constant 0 : i32
    %dma_start3A_169 = tpu.memref_slice %arg12[%dma_start3A_167, %dma_start3A_168] : memref<10000x128xf32, #tpu.memory_space<vmem_shared>> -> memref<10000x128xf32, #tpu.memory_space<vmem_shared>>
    tpu.enqueue_indirect_dma source(%arg10 : memref<80x128xf32, #tpu.memory_space<vmem>>) target(%dma_start3A_169 : memref<10000x128xf32, #tpu.memory_space<vmem_shared>>) offsets(%arg8 : memref<80xi32, #tpu.memory_space<vmem>>) semaphore(%arg14 : memref<!tpu.dma_semaphore, #tpu.memory_space<semaphore_mem>>) {add = true}
    %dma_wait3A_170 = arith.constant 0 : i32
    %dma_wait3A_171 = arith.constant 0 : i32
    %dma_wait3A_172 = tpu.memref_slice %arg12[%dma_wait3A_170, %dma_wait3A_171] : memref<10000x128xf32, #tpu.memory_space<vmem_shared>> -> memref<10000x128xf32, #tpu.memory_space<vmem_shared>>
    tpu.wait_indirect_dma semaphore(%arg14 : memref<!tpu.dma_semaphore, #tpu.memory_space<semaphore_mem>>) src(%arg10 : memref<80x128xf32, #tpu.memory_space<vmem>>) dst(%dma_wait3A_172 : memref<10000x128xf32, #tpu.memory_space<vmem_shared>>)
    %min3A_173 = arith.constant 127 : i32
    %min3A_174 = arith.constant 124 : i32
    %min3A_175 = arith.minsi %min3A_173, %min3A_174 : i32
    %mul3A_176 = arith.constant 80 : i32
    %mul3A_177 = arith.muli %min3A_175, %mul3A_176 : i32
    %multiple_of3A_178 = tpu.assume_multiple %mul3A_177, 80 : i32
    %dma_start3A_179 = tpu.memref_slice %arg6[%multiple_of3A_178] : memref<10000xi32, #tpu.memory_space<vmem>> -> memref<80xi32, #tpu.memory_space<vmem>>
    %dma_start3A_180 = arith.constant 0 : i32
    %dma_start3A_181 = arith.constant 0 : i32
    %dma_start3A_182 = tpu.memref_slice %arg2[%dma_start3A_180, %dma_start3A_181] : memref<10000x128xf32, #tpu.memory_space<hbm>> -> memref<10000x128xf32, #tpu.memory_space<hbm>>
    tpu.enqueue_indirect_dma source(%dma_start3A_182 : memref<10000x128xf32, #tpu.memory_space<hbm>>) target(%arg10 : memref<80x128xf32, #tpu.memory_space<vmem>>) offsets(%dma_start3A_179 : memref<80xi32, #tpu.memory_space<vmem>>) semaphore(%arg13 : memref<!tpu.dma_semaphore, #tpu.memory_space<semaphore_mem>>)
    %dma_wait3A_183 = arith.constant 0 : i32
    %dma_wait3A_184 = tpu.memref_slice %arg6[%dma_wait3A_183] : memref<10000xi32, #tpu.memory_space<vmem>> -> memref<80xi32, #tpu.memory_space<vmem>>
    %dma_wait3A_185 = arith.constant 0 : i32
    %dma_wait3A_186 = arith.constant 0 : i32
    %dma_wait3A_187 = tpu.memref_slice %arg2[%dma_wait3A_185, %dma_wait3A_186] : memref<10000x128xf32, #tpu.memory_space<hbm>> -> memref<10000x128xf32, #tpu.memory_space<hbm>>
    tpu.wait_indirect_dma semaphore(%arg13 : memref<!tpu.dma_semaphore, #tpu.memory_space<semaphore_mem>>) src(%dma_wait3A_187 : memref<10000x128xf32, #tpu.memory_space<hbm>>) dst(%arg9 : memref<80x128xf32, #tpu.memory_space<vmem>>)
    %dma_wait3A_188 = arith.constant 0 : i32
    %dma_wait3A_189 = tpu.memref_slice %arg6[%dma_wait3A_188] : memref<10000xi32, #tpu.memory_space<vmem>> -> memref<80xi32, #tpu.memory_space<vmem>>
    %dma_wait3A_190 = arith.constant 0 : i32
    %dma_wait3A_191 = arith.constant 0 : i32
    %dma_wait3A_192 = tpu.memref_slice %arg2[%dma_wait3A_190, %dma_wait3A_191] : memref<10000x128xf32, #tpu.memory_space<hbm>> -> memref<10000x128xf32, #tpu.memory_space<hbm>>
    tpu.wait_indirect_dma semaphore(%arg13 : memref<!tpu.dma_semaphore, #tpu.memory_space<semaphore_mem>>) src(%dma_wait3A_192 : memref<10000x128xf32, #tpu.memory_space<hbm>>) dst(%arg10 : memref<80x128xf32, #tpu.memory_space<vmem>>)
    %dma_wait3A_193 = arith.constant 0 : i32
    %dma_wait3A_194 = tpu.memref_slice %arg6[%dma_wait3A_193] : memref<10000xi32, #tpu.memory_space<vmem>> -> memref<80xi32, #tpu.memory_space<vmem>>
    %dma_wait3A_195 = arith.constant 0 : i32
    %dma_wait3A_196 = arith.constant 0 : i32
    %dma_wait3A_197 = tpu.memref_slice %arg2[%dma_wait3A_195, %dma_wait3A_196] : memref<10000x128xf32, #tpu.memory_space<hbm>> -> memref<10000x128xf32, #tpu.memory_space<hbm>>
    tpu.wait_indirect_dma semaphore(%arg13 : memref<!tpu.dma_semaphore, #tpu.memory_space<semaphore_mem>>) src(%dma_wait3A_197 : memref<10000x128xf32, #tpu.memory_space<hbm>>) dst(%arg11 : memref<80x128xf32, #tpu.memory_space<vmem>>)
    %barrier3A_198 = arith.constant 0 : index
    tpu.barrier barrier_id(%barrier3A_198)
    %lt3A_199 = arith.constant 15 : i32
    %lt3A_200 = arith.cmpi slt, %arg1, %lt3A_199 : i32
    %convert_element_type3A_201 = arith.extui %lt3A_200 : i1 to i32
    %cond3A_202 = arith.constant 0 : i32
    %cond3A_203 = arith.cmpi ne, %convert_element_type3A_201, %cond3A_202 : i32
    scf.if %cond3A_203 {
      "tpu.region"() ({
        %run_scoped3A = tpu.sem_alloc : memref<!tpu.dma_semaphore, #tpu.memory_space<semaphore_mem>>
        %dma_start3A_209 = arith.constant 0 : i32
        %dma_start3A_210 = tpu.memref_slice %arg5[%arg0, %multiple_of3A, %dma_start3A_209] : memref<2x10000x128xf32, #tpu.memory_space<hbm>> -> memref<1x632x128xf32, #tpu.memory_space<hbm>>
        %dma_start3A_211 = tpu.memref_squeeze %dma_start3A_210 : memref<1x632x128xf32, #tpu.memory_space<hbm>> -> memref<632x128xf32, #tpu.memory_space<hbm>>
        %dma_start3A_212 = arith.constant 0 : i32
        %dma_start3A_213 = tpu.memref_slice %arg12[%multiple_of3A, %dma_start3A_212] : memref<10000x128xf32, #tpu.memory_space<vmem_shared>> -> memref<632x128xf32, #tpu.memory_space<vmem_shared>>
        tpu.enqueue_dma source(%dma_start3A_213 : memref<632x128xf32, #tpu.memory_space<vmem_shared>>) target(%dma_start3A_211 : memref<632x128xf32, #tpu.memory_space<hbm>>) target_semaphore(%run_scoped3A : memref<!tpu.dma_semaphore, #tpu.memory_space<semaphore_mem>>)
        %dma_wait3A_214 = arith.constant 0 : i32
        %dma_wait3A_215 = tpu.memref_slice %arg5[%arg0, %multiple_of3A, %dma_wait3A_214] : memref<2x10000x128xf32, #tpu.memory_space<hbm>> -> memref<1x632x128xf32, #tpu.memory_space<hbm>>
        %dma_wait3A_216 = tpu.memref_squeeze %dma_wait3A_215 : memref<1x632x128xf32, #tpu.memory_space<hbm>> -> memref<632x128xf32, #tpu.memory_space<hbm>>
        %dma_wait3A_217 = arith.constant 0 : i32
        %dma_wait3A_218 = tpu.memref_slice %arg12[%multiple_of3A, %dma_wait3A_217] : memref<10000x128xf32, #tpu.memory_space<vmem_shared>> -> memref<632x128xf32, #tpu.memory_space<vmem_shared>>
        tpu.wait_dma2 semaphore(%run_scoped3A : memref<!tpu.dma_semaphore, #tpu.memory_space<semaphore_mem>>) src(%dma_wait3A_218 : memref<632x128xf32, #tpu.memory_space<vmem_shared>>) dst(%dma_wait3A_216 : memref<632x128xf32, #tpu.memory_space<hbm>>)
        tpu.yield
      }) : () -> ()
    } else {
    }
    %eq3A_204 = arith.constant 15 : i32
    %eq3A_205 = arith.cmpi eq, %arg1, %eq3A_204 : i32
    %convert_element_type3A_206 = arith.extui %eq3A_205 : i1 to i32
    %cond3A_207 = arith.constant 0 : i32
    %cond3A_208 = arith.cmpi ne, %convert_element_type3A_206, %cond3A_207 : i32
    scf.if %cond3A_208 {
      "tpu.region"() ({
        %run_scoped3A = tpu.sem_alloc : memref<!tpu.dma_semaphore, #tpu.memory_space<semaphore_mem>>
        %dma_start3A_209 = arith.constant 0 : i32
        %dma_start3A_210 = tpu.memref_slice %arg5[%arg0, %multiple_of3A, %dma_start3A_209] : memref<2x10000x128xf32, #tpu.memory_space<hbm>> -> memref<1x520x128xf32, #tpu.memory_space<hbm>>
        %dma_start3A_211 = tpu.memref_squeeze %dma_start3A_210 : memref<1x520x128xf32, #tpu.memory_space<hbm>> -> memref<520x128xf32, #tpu.memory_space<hbm>>
        %dma_start3A_212 = arith.constant 0 : i32
        %dma_start3A_213 = tpu.memref_slice %arg12[%multiple_of3A, %dma_start3A_212] : memref<10000x128xf32, #tpu.memory_space<vmem_shared>> -> memref<520x128xf32, #tpu.memory_space<vmem_shared>>
        tpu.enqueue_dma source(%dma_start3A_213 : memref<520x128xf32, #tpu.memory_space<vmem_shared>>) target(%dma_start3A_211 : memref<520x128xf32, #tpu.memory_space<hbm>>) target_semaphore(%run_scoped3A : memref<!tpu.dma_semaphore, #tpu.memory_space<semaphore_mem>>)
        %dma_wait3A_214 = arith.constant 0 : i32
        %dma_wait3A_215 = tpu.memref_slice %arg5[%arg0, %multiple_of3A, %dma_wait3A_214] : memref<2x10000x128xf32, #tpu.memory_space<hbm>> -> memref<1x520x128xf32, #tpu.memory_space<hbm>>
        %dma_wait3A_216 = tpu.memref_squeeze %dma_wait3A_215 : memref<1x520x128xf32, #tpu.memory_space<hbm>> -> memref<520x128xf32, #tpu.memory_space<hbm>>
        %dma_wait3A_217 = arith.constant 0 : i32
        %dma_wait3A_218 = tpu.memref_slice %arg12[%multiple_of3A, %dma_wait3A_217] : memref<10000x128xf32, #tpu.memory_space<vmem_shared>> -> memref<520x128xf32, #tpu.memory_space<vmem_shared>>
        tpu.wait_dma2 semaphore(%run_scoped3A : memref<!tpu.dma_semaphore, #tpu.memory_space<semaphore_mem>>) src(%dma_wait3A_218 : memref<520x128xf32, #tpu.memory_space<vmem_shared>>) dst(%dma_wait3A_216 : memref<520x128xf32, #tpu.memory_space<hbm>>)
        tpu.yield
      }) : () -> ()
    } else {
    }
    return
  }
}

module attributes {stable_mosaic.version = 14 : i64} {
  func.func @body(%arg0: memref<10000x128xf32, #tpu.memory_space<vmem>>, %arg1: memref<2x10000x128xf32, #tpu.memory_space<vmem>>, %arg2: memref<128x128xf32, #tpu.memory_space<vmem>>, %arg3: memref<1x128xf32, #tpu.memory_space<vmem>>, %arg4: memref<128x128xf32, #tpu.memory_space<vmem>>, %arg5: memref<1x128xf32, #tpu.memory_space<vmem>>, %arg6: memref<1x128xf32, #tpu.memory_space<vmem>>, %arg7: memref<1x128xf32, #tpu.memory_space<vmem>>, %arg8: memref<10000x128xf32, #tpu.memory_space<vmem>>) attributes {dimension_semantics = [], scalar_prefetch = 0 : i64, scratch_operands = 0 : i64, tpu.core_type = #tpu.core_type<tc>} {
    %get3A = arith.constant 0 : index
    %get3A_0 = arith.constant 0 : index
    %get3A_1 = vector.load %arg0[%get3A, %get3A_0] : memref<10000x128xf32, #tpu.memory_space<vmem>>, vector<10000x128xf32>
    %get3A_2 = arith.constant 0 : index
    %get3A_3 = arith.constant 0 : index
    %get3A_4 = arith.constant 0 : index
    %get3A_5 = vector.load %arg1[%get3A_2, %get3A_3, %get3A_4] : memref<2x10000x128xf32, #tpu.memory_space<vmem>>, vector<1x10000x128xf32>
    %get3A_6 = vector.shape_cast %get3A_5 : vector<1x10000x128xf32> to vector<10000x128xf32>
    %add3A = arith.addf %get3A_1, %get3A_6 : vector<10000x128xf32>
    %get3A_7 = arith.constant 1 : index
    %get3A_8 = arith.constant 0 : index
    %get3A_9 = arith.constant 0 : index
    %get3A_10 = vector.load %arg1[%get3A_7, %get3A_8, %get3A_9] : memref<2x10000x128xf32, #tpu.memory_space<vmem>>, vector<1x10000x128xf32>
    %get3A_11 = vector.shape_cast %get3A_10 : vector<1x10000x128xf32> to vector<10000x128xf32>
    %add3A_12 = arith.addf %add3A, %get3A_11 : vector<10000x128xf32>
    %get3A_13 = arith.constant 0 : index
    %get3A_14 = arith.constant 0 : index
    %get3A_15 = vector.load %arg2[%get3A_13, %get3A_14] : memref<128x128xf32, #tpu.memory_space<vmem>>, vector<128x128xf32>
    %dot_general3A = arith.constant dense<0.000000e+00> : vector<10000x128xf32>
    %dot_general3A_16 = tpu.matmul %add3A_12, %get3A_15, %dot_general3A {dimension_numbers = #tpu.dot_dimension_numbers<[1], [0], [0], [1], [0, 0, 1, 1], [], []>, transpose_lhs_hint = false} : vector<10000x128xf32>, vector<128x128xf32>, vector<10000x128xf32> -> vector<10000x128xf32>
    %get3A_17 = arith.constant 0 : index
    %get3A_18 = arith.constant 0 : index
    %get3A_19 = vector.load %arg3[%get3A_17, %get3A_18] : memref<1x128xf32, #tpu.memory_space<vmem>>, vector<1x128xf32>
    %add3A_20 = vector.broadcast %get3A_19 : vector<1x128xf32> to vector<10000x128xf32>
    %add3A_21 = arith.addf %dot_general3A_16, %add3A_20 : vector<10000x128xf32>
    %max3A = arith.constant 0.000000e+00 : f32
    %max3A_22 = vector.broadcast %max3A : f32 to vector<10000x128xf32>
    %max3A_23 = arith.maximumf %add3A_21, %max3A_22 : vector<10000x128xf32>
    %get3A_24 = arith.constant 0 : index
    %get3A_25 = arith.constant 0 : index
    %get3A_26 = vector.load %arg4[%get3A_24, %get3A_25] : memref<128x128xf32, #tpu.memory_space<vmem>>, vector<128x128xf32>
    %dot_general3A_27 = arith.constant dense<0.000000e+00> : vector<10000x128xf32>
    %dot_general3A_28 = tpu.matmul %max3A_23, %get3A_26, %dot_general3A_27 {dimension_numbers = #tpu.dot_dimension_numbers<[1], [0], [0], [1], [0, 0, 1, 1], [], []>, transpose_lhs_hint = false} : vector<10000x128xf32>, vector<128x128xf32>, vector<10000x128xf32> -> vector<10000x128xf32>
    %get3A_29 = arith.constant 0 : index
    %get3A_30 = arith.constant 0 : index
    %get3A_31 = vector.load %arg5[%get3A_29, %get3A_30] : memref<1x128xf32, #tpu.memory_space<vmem>>, vector<1x128xf32>
    %add3A_32 = vector.broadcast %get3A_31 : vector<1x128xf32> to vector<10000x128xf32>
    %add3A_33 = arith.addf %dot_general3A_28, %add3A_32 : vector<10000x128xf32>
    %max3A_34 = arith.constant 0.000000e+00 : f32
    %max3A_35 = vector.broadcast %max3A_34 : f32 to vector<10000x128xf32>
    %max3A_36 = arith.maximumf %add3A_33, %max3A_35 : vector<10000x128xf32>
    %reduce_sum3A = arith.constant dense<0.000000e+00> : vector<128xf32>
    %reduce_sum3A_37 = vector.multi_reduction <add>, %max3A_36, %reduce_sum3A [0] : vector<10000x128xf32> to vector<128xf32>
    %broadcast_in_dim3A = vector.shape_cast %reduce_sum3A_37 : vector<128xf32> to vector<1x128xf32>
    %div3A = arith.constant 1.000000e+04 : f32
    %div3A_38 = vector.broadcast %div3A : f32 to vector<1x128xf32>
    %div3A_39 = arith.divf %broadcast_in_dim3A, %div3A_38 : vector<1x128xf32>
    %sub3A = vector.broadcast %div3A_39 : vector<1x128xf32> to vector<10000x128xf32>
    %sub3A_40 = arith.subf %max3A_36, %sub3A : vector<10000x128xf32>
    %mul3A = arith.mulf %sub3A_40, %sub3A_40 : vector<10000x128xf32>
    %reduce_sum3A_41 = arith.constant dense<0.000000e+00> : vector<128xf32>
    %reduce_sum3A_42 = vector.multi_reduction <add>, %mul3A, %reduce_sum3A_41 [0] : vector<10000x128xf32> to vector<128xf32>
    %broadcast_in_dim3A_43 = vector.shape_cast %reduce_sum3A_42 : vector<128xf32> to vector<1x128xf32>
    %div3A_44 = arith.constant 1.000000e+04 : f32
    %div3A_45 = vector.broadcast %div3A_44 : f32 to vector<1x128xf32>
    %div3A_46 = arith.divf %broadcast_in_dim3A_43, %div3A_45 : vector<1x128xf32>
    %add3A_47 = arith.constant 9.99999974E-6 : f32
    %add3A_48 = vector.broadcast %add3A_47 : f32 to vector<1x128xf32>
    %add3A_49 = arith.addf %div3A_46, %add3A_48 : vector<1x128xf32>
    %rsqrt3A = math.rsqrt %add3A_49 : vector<1x128xf32>
    %mul3A_50 = vector.broadcast %rsqrt3A : vector<1x128xf32> to vector<10000x128xf32>
    %mul3A_51 = arith.mulf %sub3A_40, %mul3A_50 : vector<10000x128xf32>
    %get3A_52 = arith.constant 0 : index
    %get3A_53 = arith.constant 0 : index
    %get3A_54 = vector.load %arg6[%get3A_52, %get3A_53] : memref<1x128xf32, #tpu.memory_space<vmem>>, vector<1x128xf32>
    %mul3A_55 = vector.broadcast %get3A_54 : vector<1x128xf32> to vector<10000x128xf32>
    %mul3A_56 = arith.mulf %mul3A_51, %mul3A_55 : vector<10000x128xf32>
    %get3A_57 = arith.constant 0 : index
    %get3A_58 = arith.constant 0 : index
    %get3A_59 = vector.load %arg7[%get3A_57, %get3A_58] : memref<1x128xf32, #tpu.memory_space<vmem>>, vector<1x128xf32>
    %add3A_60 = vector.broadcast %get3A_59 : vector<1x128xf32> to vector<10000x128xf32>
    %add3A_61 = arith.addf %mul3A_56, %add3A_60 : vector<10000x128xf32>
    %swap3A = arith.constant 0 : index
    %swap3A_62 = arith.constant 0 : index
    %swap3A_63 = vector.load %arg8[%swap3A, %swap3A_62] : memref<10000x128xf32, #tpu.memory_space<vmem>>, vector<10000x128xf32>
    tpu.vector_store %arg8[%swap3A, %swap3A_62], %add3A_61 {strides = array<i32>} : memref<10000x128xf32, #tpu.memory_space<vmem>>, vector<10000x128xf32>,
    return
  }
}

module attributes {stable_mosaic.version = 14 : i64} {
  func.func @body(%arg0: memref<10000x128xf32, #tpu.memory_space<vmem>>, %arg1: memref<10000x128xf32, #tpu.memory_space<vmem>>, %arg2: memref<10000x128xf32, #tpu.memory_space<vmem>>, %arg3: memref<1x10000xi32, #tpu.memory_space<vmem>>, %arg4: memref<384x384xf32, #tpu.memory_space<vmem>>, %arg5: memref<1x384xf32, #tpu.memory_space<vmem>>, %arg6: memref<384x384xf32, #tpu.memory_space<vmem>>, %arg7: memref<1x384xf32, #tpu.memory_space<vmem>>, %arg8: memref<128x384xf32, #tpu.memory_space<vmem>>, %arg9: memref<128x384xf32, #tpu.memory_space<vmem>>) attributes {dimension_semantics = [], scalar_prefetch = 0 : i64, scratch_operands = 0 : i64, tpu.core_type = #tpu.core_type<tc>} {
    %iota3A = tpu.iota {dimensions = array<i32: 0>} : vector<128x10000xi32>
    %get3A = arith.constant 0 : index
    %get3A_0 = arith.constant 0 : index
    %get3A_1 = vector.load %arg3[%get3A, %get3A_0] : memref<1x10000xi32, #tpu.memory_space<vmem>>, vector<1x10000xi32>
    %eq3A = vector.broadcast %get3A_1 : vector<1x10000xi32> to vector<128x10000xi32>
    %eq3A_2 = arith.cmpi eq, %eq3A, %iota3A : vector<128x10000xi32>
    %convert_element_type3A = arith.extui %eq3A_2 : vector<128x10000xi1> to vector<128x10000xi32>
    %convert_element_type3A_3 = arith.sitofp %convert_element_type3A : vector<128x10000xi32> to vector<128x10000xf32>
    %get3A_4 = arith.constant 0 : index
    %get3A_5 = arith.constant 0 : index
    %get3A_6 = vector.load %arg0[%get3A_4, %get3A_5] : memref<10000x128xf32, #tpu.memory_space<vmem>>, vector<10000x128xf32>
    %dot_general3A = arith.constant dense<0.000000e+00> : vector<128x128xf32>
    %dot_general3A_7 = tpu.matmul %convert_element_type3A_3, %get3A_6, %dot_general3A {dimension_numbers = #tpu.dot_dimension_numbers<[1], [0], [0], [1], [0, 0, 1, 1], [], []>, transpose_lhs_hint = false} : vector<128x10000xf32>, vector<10000x128xf32>, vector<128x128xf32> -> vector<128x128xf32>
    %get3A_8 = arith.constant 0 : index
    %get3A_9 = arith.constant 0 : index
    %get3A_10 = vector.load %arg1[%get3A_8, %get3A_9] : memref<10000x128xf32, #tpu.memory_space<vmem>>, vector<10000x128xf32>
    %dot_general3A_11 = arith.constant dense<0.000000e+00> : vector<128x128xf32>
    %dot_general3A_12 = tpu.matmul %convert_element_type3A_3, %get3A_10, %dot_general3A_11 {dimension_numbers = #tpu.dot_dimension_numbers<[1], [0], [0], [1], [0, 0, 1, 1], [], []>, transpose_lhs_hint = false} : vector<128x10000xf32>, vector<10000x128xf32>, vector<128x128xf32> -> vector<128x128xf32>
    %get3A_13 = arith.constant 0 : index
    %get3A_14 = arith.constant 0 : index
    %get3A_15 = vector.load %arg2[%get3A_13, %get3A_14] : memref<10000x128xf32, #tpu.memory_space<vmem>>, vector<10000x128xf32>
    %dot_general3A_16 = arith.constant dense<0.000000e+00> : vector<128x128xf32>
    %dot_general3A_17 = tpu.matmul %convert_element_type3A_3, %get3A_15, %dot_general3A_16 {dimension_numbers = #tpu.dot_dimension_numbers<[1], [0], [0], [1], [0, 0, 1, 1], [], []>, transpose_lhs_hint = false} : vector<128x10000xf32>, vector<10000x128xf32>, vector<128x128xf32> -> vector<128x128xf32>
    %concatenate3A = tpu.concatenate %dot_general3A_7, %dot_general3A_12, %dot_general3A_17 in 1 : vector<128x128xf32>, vector<128x128xf32>, vector<128x128xf32> -> vector<128x384xf32>
    %get3A_18 = arith.constant 0 : index
    %get3A_19 = arith.constant 0 : index
    %get3A_20 = vector.load %arg4[%get3A_18, %get3A_19] : memref<384x384xf32, #tpu.memory_space<vmem>>, vector<384x384xf32>
    %dot_general3A_21 = arith.constant dense<0.000000e+00> : vector<128x384xf32>
    %dot_general3A_22 = tpu.matmul %concatenate3A, %get3A_20, %dot_general3A_21 {dimension_numbers = #tpu.dot_dimension_numbers<[1], [0], [0], [1], [0, 0, 1, 1], [], []>, transpose_lhs_hint = false} : vector<128x384xf32>, vector<384x384xf32>, vector<128x384xf32> -> vector<128x384xf32>
    %get3A_23 = arith.constant 0 : index
    %get3A_24 = arith.constant 0 : index
    %get3A_25 = vector.load %arg5[%get3A_23, %get3A_24] : memref<1x384xf32, #tpu.memory_space<vmem>>, vector<1x384xf32>
    %add3A = vector.broadcast %get3A_25 : vector<1x384xf32> to vector<128x384xf32>
    %add3A_26 = arith.addf %dot_general3A_22, %add3A : vector<128x384xf32>
    %max3A = arith.constant 0.000000e+00 : f32
    %max3A_27 = vector.broadcast %max3A : f32 to vector<128x384xf32>
    %max3A_28 = arith.maximumf %add3A_26, %max3A_27 : vector<128x384xf32>
    %get3A_29 = arith.constant 0 : index
    %get3A_30 = arith.constant 0 : index
    %get3A_31 = vector.load %arg6[%get3A_29, %get3A_30] : memref<384x384xf32, #tpu.memory_space<vmem>>, vector<384x384xf32>
    %dot_general3A_32 = arith.constant dense<0.000000e+00> : vector<128x384xf32>
    %dot_general3A_33 = tpu.matmul %max3A_28, %get3A_31, %dot_general3A_32 {dimension_numbers = #tpu.dot_dimension_numbers<[1], [0], [0], [1], [0, 0, 1, 1], [], []>, transpose_lhs_hint = false} : vector<128x384xf32>, vector<384x384xf32>, vector<128x384xf32> -> vector<128x384xf32>
    %get3A_34 = arith.constant 0 : index
    %get3A_35 = arith.constant 0 : index
    %get3A_36 = vector.load %arg7[%get3A_34, %get3A_35] : memref<1x384xf32, #tpu.memory_space<vmem>>, vector<1x384xf32>
    %add3A_37 = vector.broadcast %get3A_36 : vector<1x384xf32> to vector<128x384xf32>
    %add3A_38 = arith.addf %dot_general3A_33, %add3A_37 : vector<128x384xf32>
    %mul3A = arith.mulf %add3A_38, %add3A_38 : vector<128x384xf32>
    %reduce_sum3A = arith.constant dense<0.000000e+00> : vector<128xf32>
    %reduce_sum3A_39 = vector.multi_reduction <add>, %mul3A, %reduce_sum3A [1] : vector<128x384xf32> to vector<128xf32>
    %broadcast_in_dim3A = vector.shape_cast %reduce_sum3A_39 : vector<128xf32> to vector<128x1xf32>
    %sqrt3A = math.sqrt %broadcast_in_dim3A : vector<128x1xf32>
    %max3A_40 = arith.constant 9.99999996E-13 : f32
    %max3A_41 = vector.broadcast %max3A_40 : f32 to vector<128x1xf32>
    %max3A_42 = arith.maximumf %sqrt3A, %max3A_41 : vector<128x1xf32>
    %div3A = vector.broadcast %max3A_42 : vector<128x1xf32> to vector<128x384xf32>
    %div3A_43 = arith.divf %add3A_38, %div3A : vector<128x384xf32>
    %swap3A = arith.constant 0 : index
    %swap3A_44 = arith.constant 0 : index
    %swap3A_45 = vector.load %arg8[%swap3A, %swap3A_44] : memref<128x384xf32, #tpu.memory_space<vmem>>, vector<128x384xf32>
    tpu.vector_store %arg8[%swap3A, %swap3A_44], %div3A_43 {strides = array<i32>} : memref<128x384xf32, #tpu.memory_space<vmem>>, vector<128x384xf32>,
    %mul3A_46 = arith.mulf %concatenate3A, %concatenate3A : vector<128x384xf32>
    %reduce_sum3A_47 = arith.constant dense<0.000000e+00> : vector<128xf32>
    %reduce_sum3A_48 = vector.multi_reduction <add>, %mul3A_46, %reduce_sum3A_47 [1] : vector<128x384xf32> to vector<128xf32>
    %broadcast_in_dim3A_49 = vector.shape_cast %reduce_sum3A_48 : vector<128xf32> to vector<128x1xf32>
    %sqrt3A_50 = math.sqrt %broadcast_in_dim3A_49 : vector<128x1xf32>
    %max3A_51 = arith.constant 9.99999996E-13 : f32
    %max3A_52 = vector.broadcast %max3A_51 : f32 to vector<128x1xf32>
    %max3A_53 = arith.maximumf %sqrt3A_50, %max3A_52 : vector<128x1xf32>
    %div3A_54 = vector.broadcast %max3A_53 : vector<128x1xf32> to vector<128x384xf32>
    %div3A_55 = arith.divf %concatenate3A, %div3A_54 : vector<128x384xf32>
    %swap3A_56 = arith.constant 0 : index
    %swap3A_57 = arith.constant 0 : index
    %swap3A_58 = vector.load %arg9[%swap3A_56, %swap3A_57] : memref<128x384xf32, #tpu.memory_space<vmem>>, vector<128x384xf32>
    tpu.vector_store %arg9[%swap3A_56, %swap3A_57], %div3A_55 {strides = array<i32>} : memref<128x384xf32, #tpu.memory_space<vmem>>, vector<128x384xf32>,
    return
  }
}

</mosaic_0001>

<sc_bundles>
// kernel: kernel.12.cloned.1.call-start
scs
__scs_entry_jumppad:
0x0: {  	(pc) =	sbr.rel $0x88, $3  }
0x1: {  	(tag) =	ssettag $0x0;
	lr =	simm.s32 $0x1  }
0x2: {  	[smem:$0x3F88] =	sst lr;
	_ =	strace $0xD0000000  }
0x3: {  	_ = 	snop  }
0x4: {  	_ = 	snop  }
0x5: {  	_ = 	snop  }
0x6: {  	_ = 	snop  }
0x7: {  	_ = 	snop  }
__scs_overlays_trampoline_lowered:
0x8: {  	[smem:$0x3F97] =	sst s0  }
0x9: {  	[smem:$0x3F98] =	sst s1  }
0xa: {  	[smem:$0x3F99] =	sst s2  }
0xb: {  	[smem:$0x3F9A] =	sst s3  }
0xc: {  	[smem:$0x3F9B] =	sst s4  }
0xd: {  	[smem:$0x3F9C] =	sst s5  }
0xe: {  	[smem:$0x3F9D] =	sst s6  }
0xf: {  	[smem:$0x3F9E] =	sst s7  }
0x10: {  	[smem:$0x3F9F] =	sst s8  }
0x11: {  	[smem:$0x3FA0] =	sst s9;
	s0 =	simm.s32 @!p0 $0x0  }
0x12: {  	s1 =	sld [smem:$0x3F86];
	s0 =	simm.s32 @p0 $0x1  }
0x13: {  	[smem:$0x3FA1] =	sst s0;
	s0 =	simm.s32 @!p1 $0x0  }
0x14: {  	s2 =	sld [smem:$0x3F85];
	s0 =	simm.s32 @p1 $0x1  }
0x15: {  	[smem:$0x3FA2] =	sst s0;
	s0 =	simm.s32 @!p2 $0x0  }
0x16: {  	s3 =	sld [smem:$0x3FDB];
	s0 =	simm.s32 @p2 $0x1  }
0x17: {  	s4 =	simm.s32 $0x1BF5;
	[smem:$0x3FA4] =	sst s0  }
0x18: {  	s0 =	sld [smem:$0x3F87];
	_ =	swait.ge [sflag:s4], $0x0  }
0x19: {  	s7 =	sld [smem:$0x3F88]  }
0x1a: {  	s8 =	sadd.s32 $0xFFFFE003, lr  }
0x1b: {  	s9 =	sadd.s32 $0xFFFFFEF7, lr;
	s5 =	simm.s32 $0xFFFFFFFF;
	p2 =	slt.u32 s8, $0xFFFFF086  }
0x1c: {  	p1 =	slt.u32 s9, $0xF7A;
	s5 =	simm.s32 @!p2 $0x0  }
0x1d: {  	s5 =	simm.s32 @p1 $0x1;
	p0 =	seq.s32 s7, s2  }
0x1e: {  	s7 =	smul.u32 @!p0 $0xF7A, s2;
	p2 =	seq.s32 @!p0 s5, $0x0  }
0x1f: {  	s9 =	smul.u32 $0xF7A, s1;
	s8 =	simm.s32 @!p0 $0x1BF5;
	p2 =	por !p2, p0  }
0x20: {  	[sflag:s8] =	ssyncset.s32 @!p0 $0xFFFFF086;
	s6 =	sadd.s32 @!p0 s3, s7;
	s7 =	simm.s32 @!p0 $0x108  }
0x21: {  	s3 =	sadd.s32 s3, s9;
	s6 =	sadd.s32 @!p0 $0x88, s6;
	s7 =	simm.s32 @p2 $0x1082  }
0x22: {  	[simem:s7], [sflag:s8] =	dma.local @!p0 [hbm:s6], $0xF7A  }
0x23: {  	s9 =	sor.u32 $0xD0000000, s2;
	s6 =	simm.s32 $0x108;
	_ =	swait.ge @!p0 [sflag:s8], $0x0  }
0x24: {  	s3 =	sadd.s32 $0x88, s3;
	s6 =	simm.s32 @!p1 $0x1082;
	[sflag:s4] =	ssyncset.s32 $0xFFFFF086  }
0x25: {  	[simem:s6], [sflag:s4] =	dma.local [hbm:s3], $0xF7A  }
0x26: {  	[smem:$0x3F88] =	sst s1;
	(tag) =	ssettag s2;
	_ =	strace s9  }
0x27: {  	s1 =	sld [smem:$0x3F98]  }
0x28: {  	s2 =	sld [smem:$0x3F99]  }
0x29: {  	s4 =	sld [smem:$0x3F9B]  }
0x2a: {  	p0 =	seq.s32 s5, $0x0;
	s5 =	sld [smem:$0x3F9C]  }
0x2b: {  	s6 =	sld [smem:$0x3F9D]  }
0x2c: {  	s7 =	sld [smem:$0x3F9E]  }
0x2d: {  	s3 =	simm.s32 $0x108;
	s8 =	sld [smem:$0x3F9F]  }
0x2e: {  	s3 =	simm.s32 @!p0 $0x1082;
	s9 =	sld [smem:$0x3FA0]  }
0x2f: {  	lr =	sadd.s32 s0, s3;
	s0 =	sld [smem:$0x3F97]  }
0x30: {  	s3 =	sld [smem:$0x3F9A]  }
0x31: {  	[smem:$0x3FA3] =	sst s10  }
0x32: {  	s10 =	sld [smem:$0x3FA1];
	_ =	sdelay $0x3  }
0x33: {  	p0 =	seq.s32 s10, $0x1;
	s10 =	sld [smem:$0x3FA3];
	_ =	sdelay $0x3  }
0x34: {  	[smem:$0x3FA3] =	sst s10  }
0x35: {  	s10 =	sld [smem:$0x3FA2];
	_ =	sdelay $0x3  }
0x36: {  	p1 =	seq.s32 s10, $0x1;
	s10 =	sld [smem:$0x3FA3];
	_ =	sdelay $0x3  }
0x37: {  	[smem:$0x3FA3] =	sst s10  }
0x38: {  	s10 =	sld [smem:$0x3FA4]  }
0x39: {  	_ = 	snop;
	(pc) =	sbr.ind lr, $3  }
0x3a: {  	_ = 	snop  }
0x3b: {  	_ = 	snop  }
0x3c: {  	p2 =	seq.s32 s10, $0x1;
	s10 =	sld [smem:$0x3FA3]  }
0x3d: {  	_ =	shalt  }
0x3e: {  	_ =	shalt  }
0x3f: {  	_ =	shalt  }
0x40: {  	_ =	shalt  }
0x41: {  	_ =	shalt  }
0x42: {  	_ =	shalt  }
0x43: {  	_ =	shalt  }
0x44: {  	_ =	shalt  }
0x45: {  	_ =	shalt  }
0x46: {  	_ =	shalt  }
0x47: {  	_ =	shalt  }
0x48: {  	_ =	shalt  }
0x49: {  	_ =	shalt  }
0x4a: {  	_ =	shalt  }
0x4b: {  	_ =	shalt  }
0x4c: {  	_ =	shalt  }
0x4d: {  	_ =	shalt  }
0x4e: {  	_ =	shalt  }
0x4f: {  	_ =	shalt  }
0x50: {  	_ =	shalt  }
0x51: {  	_ =	shalt  }
0x52: {  	_ =	shalt  }
0x53: {  	_ =	shalt  }
0x54: {  	_ =	shalt  }
0x55: {  	_ =	shalt  }
0x56: {  	_ =	shalt  }
0x57: {  	_ =	shalt  }
0x58: {  	_ =	shalt  }
0x59: {  	_ =	shalt  }
0x5a: {  	_ =	shalt  }
0x5b: {  	_ =	shalt  }
0x5c: {  	_ =	shalt  }
0x5d: {  	_ =	shalt  }
0x5e: {  	_ =	shalt  }
0x5f: {  	_ =	shalt  }
0x60: {  	_ =	shalt  }
0x61: {  	_ =	shalt  }
0x62: {  	_ =	shalt  }
0x63: {  	_ =	shalt  }
0x64: {  	_ =	shalt  }
0x65: {  	_ =	shalt  }
0x66: {  	_ =	shalt  }
0x67: {  	_ =	shalt  }
0x68: {  	_ =	shalt  }
0x69: {  	_ =	shalt  }
0x6a: {  	_ =	shalt  }
0x6b: {  	_ =	shalt  }
0x6c: {  	_ =	shalt  }
0x6d: {  	_ =	shalt  }
0x6e: {  	_ =	shalt  }
0x6f: {  	_ =	shalt  }
0x70: {  	_ =	shalt  }
0x71: {  	_ =	shalt  }
0x72: {  	_ =	shalt  }
0x73: {  	_ =	shalt  }
0x74: {  	_ =	shalt  }
0x75: {  	_ =	shalt  }
0x76: {  	_ =	shalt  }
0x77: {  	_ =	shalt  }
0x78: {  	_ =	shalt  }
0x79: {  	_ =	shalt  }
0x7a: {  	_ =	shalt  }
0x7b: {  	_ =	shalt  }
0x7c: {  	_ =	shalt  }
0x7d: {  	_ =	shalt  }
0x7e: {  	_ =	shalt  }
0x7f: {  	_ =	shalt  }
0x80: {  	_ =	shalt  }
0x81: {  	_ =	shalt  }
0x82: {  	_ =	shalt  }
0x83: {  	_ =	shalt  }
0x84: {  	_ =	shalt  }
0x85: {  	_ =	shalt  }
0x86: {  	_ =	shalt  }
0x87: {  	_ =	shalt  }
.Lfunc_end0:
.L_simem_size_0:
called_computation.1_lowered:
.L_overlay_start_0:
0x88: {  	s2 =	sld [smem:$0x3FD9]  }
0x89: {  	s3 =	sld [smem:$0x3FFE];
	_ =	sdelay $0x1  }
0x8a: {  	s1 =	srdreg.scid  }
0x8b: {  	s0 =	sand.u32 $0x1, s1  }
0x8c: {  	s16 =	sshll.u32 s0, $0xA;
	s2 =	sadd.s32 s3, s2  }
0x8d: {  	s2 =	sadd.s32 s2, s16  }
0x8e: {  	[smem:$0x3FAF] =	sst s2  }
0x8f: {  	_ = 	snop  }
0x90: {  	(tm) =	ssettm $0x1  }
0x91: {  	s17 =	sld [smem:$0x3FFB];
	_ =	sdelay $0x3  }
0x92: {  	_ =	strace s17  }
0x93: {  	s2 =	sld [smem:$0x3FFC];
	_ =	sdelay $0x3  }
0x94: {  	_ =	strace s2  }
0x95: {  	s2 =	sld [smem:$0x3FFD];
	_ =	sdelay $0x3  }
0x96: {  	_ =	strace s2  }
0x97: {  	_ =	strace $0x8FFFFFFF  }
0x98: {  	s18 =	sld [smem:$0x3FDB];
	_ =	sdelay $0x1  }
0x99: {  	s19 =	simm.s32 $_scs_section_size  }
0x9a: {  	s4 =	simm.s32 $_size__tile_overlayer_lowered;
	s5 =	simm.s32 $_tile_overlayer_lowered  }
0x9b: {  	s22 =	simm.s32 $0x1BFF;
	s21 =	sshll.u32 s5, $0x1;
	s2 =	sadd.s32 s19, s18  }
0x9c: {  	s6 =	simm.s32 $0x0;
	s20 =	sshll.u32 s4, $0x1;
	s4 =	sadd.s32 s21, s2  }
0x9d: {  	[timem:s6], [sflag:s22] =	dma.local [hbm:s4], s20  }
0x9e: {  	_ =	swait.ge [sflag:s22], s20  }
0x9f: {  	s3 =	ssub.s32 $0x0, s20;
	[sflag:s22] =	ssyncset.done $0x0  }
0xa0: {  	[sflag:s22] =	ssyncadd.s32 s3;
	_ =	sdelay $0x1  }
0xa1: {  	s23 =	simm.s32 $0x1B8B  }
0xa2: {  	_ =	swait.ge [sflag:s23], $0x1  }
0xa3: {  	[sflag:s23] =	ssyncset.done $0x0  }
0xa4: {  	s25 =	simm.s32 $0x1B8E;
	s24 =	sld [smem:$0x3FFE];
	[sflag:s23] =	ssyncadd.s32 $0xFFFFFFFF  }
0xa5: {  	s26 =	simm.s32 $execute0_lowered;
	[smem:$0x3FD2] =	sst s25  }
0xa6: {  	s4 =	sshll.u32 s26, $0x1;
	_ =	strace $0x80000049;
	[dreg:$0x1] =	wrdreg $0xFFFFFFFF  }
0xa7: {  	s28 =	simm.s32 $_size_execute0_lowered;
	s2 =	sadd.s32 s2, s4;
	[dreg:$0x0] =	wrdreg $0x0  }
0xa8: {  	s4 =	sshll.u32 s28, $0x1;
	[dreg:$0x2] =	wrdreg s2  }
0xa9: {  	[dreg:$0x3] =	wrdreg s4  }
0xaa: {  	[dreg:$0x4] =	wrdreg $0xC0  }
0xab: {  	_ =	task [dreg:s6], $0x5FFFF  }
0xac: {  	[dreg:$0x1] =	wrdreg $0xFFFFFFFF  }
0xad: {  	[dreg:$0x0] =	wrdreg $0x60  }
0xae: {  	[dreg:$0x2] =	wrdreg s24  }
0xaf: {  	[dreg:$0x3] =	wrdreg $0xC7800  }
0xb0: {  	[dreg:$0x4] =	wrdreg $0x9  }
0xb1: {  	_ =	task.clear_ibuf [dreg:s6], $0x5FFFF;
	_ =	strace $0x90000049  }
0xb2: {  	s29 =	simm.s32 $0x9;
	_ =	strace $0x8000004B  }
0xb3: {  	_ =	swait.ge [sflag:s29], $0x1  }
0xb4: {  	[sflag:s29] =	ssyncadd.s32 $0xFFFFFFFF  }
0xb5: {  	_ =	strace $0x9000004B  }
0xb6: {  	_ =	sfence  }
0xb7: {  	s30 =	sld [smem:$0x0];
	_ =	sdelay $0x2  }
0xb8: {  	s31 =	sshll.u32 s1, $0xD;
	s1 =	sshrl.u32 s1, $0x2  }
0xb9: {  	s3 =	sand.u32 $0x4000, s31;
	s1 =	sadd.s32 s1, s30  }
0xba: {  	s0 =	sor.u32 s3, s0;
	s1 =	sshll.u32 s1, $0x11  }
0xbb: {  	s0 =	sor.u32 s1, s0  }
0xbc: {  	s0 =	sadd.s32 $0x8F2B, s0  }
0xbd: {  	[sflag:s0] =	ssyncadd.remote.s32 $0x1  }
0xbe: {  	_ =	sfence.sel $0xFFFF  }
0xbf: {  	[dreg:$0x0] =	wrdreg $0xFFFFFFFF;
	(pc) =	sbr.abs _section_cstart, $3  }
0xc0: {  	[dreg:$0x1] =	wrdreg $0xFFFFFFFF  }
0xc1: {  	_ =	task.clear_ibuf [dreg:s6], $0x2FFFF;
	_ =	strace $0x9FFFFFFF  }
0xc2: {  	(tm) =	ssettm $0x7FFFFFFF  }
0xc3: {  	_ =	shalt  }
tec
execute0_lowered:
.L_overlay_start_1:
0x0: {  	(tag) =	ssettag $0x1  }
0x1: {  	s0 =	rddreg [dreg:$0x0]  }
0x2: {  	s2 =	rddreg [dreg:$0x1];
	s3 =	simm.s32 $0x0;
	s1 =	srdreg.scid  }
0x3: {  	s10 =	stileid.u32;
	s28 =	simm.s32 $0x3;
	s30 =	simm.s32 $0x50  }
0x4: {  	s31 =	simm.s32 $0x4F80;
	s29 =	simm.s32 $0x9F80;
	s1 =	sand.u32 $0x1, s1  }
0x5: {  	s4 =	sshrl.u32 s10, $0x2;
	s14 =	smul.u32 $0x4F000, s10;
	s12 =	sadd.s32 $0x128400, s2  }
0x6: {  	s5 =	sshll.u32 s10, $0x8;
	s8 =	sadd.s32 $0x12AC00, s2;
	s9 =	sadd.s32 $0x12D400, s2  }
0x7: {  	[smem:$0x7FF] =	sst s3;
	s23 =	sadd.s32 $0x12FC00, s2;
	s24 =	smul.u32 $0x13C00, s10  }
0x8: {  	s25 =	sadd.s32 $0x132400, s2;
	p0 =	seq.s32 s10, $0xF;
	s4 =	smul.u32 $0x13C00, s4  }
0x9: {  	s6 =	sshll.u32 s1, $0x7;
	s5 =	sand.u32 $0x300, s5;
	_ =	strace $0x8000004A  }
0xa: {  	s20 =	ssub.s32 $0x2, s1;
	[dreg:$0x9] =	wrdreg s8;
	s5 =	sor.u32 s6, s5  }
0xb: {  	[dreg:$0xa] =	wrdreg s9;
	s1 =	smul.u32 $0x138800, s1;
	s5 =	sor.u32 s4, s5  }
0xc: {  	[dreg:$0xc] =	wrdreg s23;
	s6 =	sshrl.u32 s14, $0x2;
	s5 =	sshrl.u32 s5, $0x3  }
0xd: {  	[dreg:$0xd] =	wrdreg s25;
	s7 =	sadd.s32 s5, s0;
	s5 =	sadd.s32 s6, s2  }
0xe: {  	s25 =	simm.s32 $0x80;
	s21 =	sshrl.u32 s20, $0x1;
	s6 =	sadd.s32 $0x2800, s5  }
0xf: {  	s4 =	sadd.s32 $0x18400, s0;
	s15 =	sadd.s32 $0x5000, s5;
	[dreg:$0x3] =	wrdreg s6  }
0x10: {  	s26 =	sadd.s32 s24, s1;
	s16 =	sadd.s32 $0x7800, s5;
	[dreg:$0x4] =	wrdreg s15  }
0x11: {  	s1 =	sshrl.u32 s1, $0x3;
	s17 =	sadd.s32 $0xA000, s5;
	[dreg:$0x5] =	wrdreg s16  }
0x12: {  	s8 =	sshrl.u32 s26, $0x3;
	s18 =	sadd.s32 $0xC800, s5;
	[dreg:$0x6] =	wrdreg s17  }
0x13: {  	s26 =	simm.s32 $0x400;
	s19 =	sadd.s32 $0xF000, s5;
	[dreg:$0x7] =	wrdreg s18  }
0x14: {  	s0 =	sadd.s32 $0x3F600, s0;
	s22 =	sadd.s32 $0x11800, s5;
	[dreg:$0x8] =	wrdreg s19  }
0x15: {  	s1 =	sadd.s32 s0, s1;
	[dreg:$0xb] =	wrdreg s22;
	s18 =	sadd.s32 $0x134C00, s2  }
0x16: {  	s6 =	ssub.s32 s20, s21;
	s19 =	sadd.s32 $0x137400, s2;
	s20 =	sadd.s32 $0x4800, s7  }
0x17: {  	s21 =	sadd.s32 $0xE600, s7;
	s22 =	sadd.s32 s0, s8;
	s23 =	sadd.s32 $0x25080, s1  }
0x18: {  	s0 =	simm.s32 $0x7780;
	s1 =	simm.s32 $0x1;
	s7 =	simm.s32 $0x2  }
0x19: {  	v0 =	vimm.f32 $0.0e+00;
	s8 =	simm.s32 $0x26C0;
	s24 =	smax.u32 s6, $0x1;
	s6 =	simm.s32 $0x4F00  }
.LBB2_1:
0x1a: {  	s9 =	simm.s32 $0x70;
	s10 =	simm.s32 $0x3C0  }
.LBB2_2:
0x1b: {  	p1 =	sne.s32 s10, $0x9FC0;
	[tilespmem:s9+$0x4F80] =	vst v0  }
0x1c: {  	[tilespmem:s9+$0x4F10] =	vst v0  }
0x1d: {  	[tilespmem:s9+$0x4F20] =	vst v0  }
.Ltmp0:
0x1e: {  	[tilespmem:s9+$0x4F30] =	vst v0;
	(pc) =	sbr.rel @p1 .LBB2_2-.Ltmp0, $4  }
0x1f: {  	[tilespmem:s9+$0x4F40] =	vst v0  }
0x20: {  	[tilespmem:s9+$0x4F50] =	vst v0  }
0x21: {  	[tilespmem:s9+$0x4F60] =	vst v0  }
0x22: {  	[tilespmem:s9+$0x4F70] =	vst v0;
	s9 =	sshra.s32 s10, $0x2;
	s10 =	sadd.s32 $0x200, s10  }
0x23: {  	[tilespmem:s9+$0x4F80] =	vst v0  }
0x24: {  	[tilespmem:s9+$0x4F10] =	vst v0  }
0x25: {  	[tilespmem:s9+$0x4F20] =	vst v0  }
0x26: {  	[tilespmem:s9+$0x4F30] =	vst v0  }
0x27: {  	[tilespmem:s9+$0x4F40] =	vst v0  }
0x28: {  	[tilespmem:s9+$0x4F50] =	vst v0  }
0x29: {  	[tilespmem:s9+$0x4F60] =	vst v0  }
0x2a: {  	[tilespmem:s9+$0x4F70] =	vst v0;
	s9 =	simm.s32 @p0 $0x4F80  }
0x2b: {  	[spmem:s12] =	stream.linear.scatter @p0 [tilespmem:s9], [sflag:$0x2], $0x2800, $0x38;
	v63 =	vld [tilespmem:$0x0]  }
0x2c: {  	s10 =	rddreg [dreg:$0x9]  }
0x2d: {  	[spmem:s10] =	stream.linear.scatter @p0 [tilespmem:s9], [sflag:$0x2], $0x2800, $0x38;
	v63 =	vld [tilespmem:$0x0]  }
0x2e: {  	s10 =	rddreg [dreg:$0xa]  }
0x2f: {  	[spmem:s10] =	stream.linear.scatter @p0 [tilespmem:s9], [sflag:$0x2], $0x2800, $0x38;
	v63 =	vld [tilespmem:$0x0]  }
0x30: {  	s10 =	rddreg [dreg:$0xc]  }
0x31: {  	[spmem:s10] =	stream.linear.scatter @p0 [tilespmem:s9], [sflag:$0x2], $0x2800, $0x38;
	v63 =	vld [tilespmem:$0x0]  }
0x32: {  	s10 =	rddreg [dreg:$0xd]  }
0x33: {  	[spmem:s10] =	stream.linear.scatter @p0 [tilespmem:s9], [sflag:$0x2], $0x2800, $0x38;
	v63 =	vld [tilespmem:$0x0]  }
0x34: {  	_ = 	snop  }
0x35: {  	[spmem:s18] =	stream.linear.scatter @p0 [tilespmem:s9], [sflag:$0x2], $0x2800, $0x38;
	v63 =	vld [tilespmem:$0x0]  }
0x36: {  	_ = 	snop  }
0x37: {  	[spmem:s19] =	stream.linear.scatter @p0 [tilespmem:s9], [sflag:$0x2], $0x1400, $0x38;
	v63 =	vld [tilespmem:$0x0]  }
0x38: {  	s9 =	simm.s32 @p0 $0x2  }
0x39: {  	_ =	swait.ge @p0 [sflag:s9], $0x2800  }
0x3a: {  	[sflag:s9] =	ssyncset.done @p0 $0x0  }
0x3b: {  	[sflag:s9] =	ssyncadd.s32 @p0 $0xFFFFD800  }
0x3c: {  	_ =	swait.ge @p0 [sflag:s9], $0x2800  }
0x3d: {  	[sflag:s9] =	ssyncset.done @p0 $0x0  }
0x3e: {  	[sflag:s9] =	ssyncadd.s32 @p0 $0xFFFFD800  }
0x3f: {  	_ =	swait.ge @p0 [sflag:s9], $0x2800  }
0x40: {  	[sflag:s9] =	ssyncset.done @p0 $0x0  }
0x41: {  	[sflag:s9] =	ssyncadd.s32 @p0 $0xFFFFD800  }
0x42: {  	_ =	swait.ge @p0 [sflag:s9], $0x2800  }
0x43: {  	[sflag:s9] =	ssyncset.done @p0 $0x0  }
0x44: {  	[sflag:s9] =	ssyncadd.s32 @p0 $0xFFFFD800  }
0x45: {  	_ =	swait.ge @p0 [sflag:s9], $0x2800  }
0x46: {  	[sflag:s9] =	ssyncset.done @p0 $0x0  }
0x47: {  	[sflag:s9] =	ssyncadd.s32 @p0 $0xFFFFD800  }
0x48: {  	_ =	swait.ge @p0 [sflag:s9], $0x2800  }
0x49: {  	[sflag:s9] =	ssyncset.done @p0 $0x0  }
0x4a: {  	[sflag:s9] =	ssyncadd.s32 @p0 $0xFFFFD800  }
0x4b: {  	_ =	swait.ge @p0 [sflag:s9], $0x1400  }
0x4c: {  	[sflag:s9] =	ssyncset.done @p0 $0x0  }
0x4d: {  	[sflag:s9] =	ssyncadd.s32 @p0 $0xFFFFEC00;
	s9 =	simm.s32 @!p0 $0x4F80  }
0x4e: {  	[spmem:s5] =	stream.linear.scatter @!p0 [tilespmem:s9], [sflag:$0x2], $0x2800, $0x38;
	v63 =	vld [tilespmem:$0x0]  }
0x4f: {  	s10 =	rddreg [dreg:$0x3]  }
0x50: {  	[spmem:s10] =	stream.linear.scatter @!p0 [tilespmem:s9], [sflag:$0x2], $0x2800, $0x38;
	v63 =	vld [tilespmem:$0x0]  }
0x51: {  	s10 =	rddreg [dreg:$0x4]  }
0x52: {  	[spmem:s10] =	stream.linear.scatter @!p0 [tilespmem:s9], [sflag:$0x2], $0x2800, $0x38;
	v63 =	vld [tilespmem:$0x0]  }
0x53: {  	s10 =	rddreg [dreg:$0x5]  }
0x54: {  	[spmem:s10] =	stream.linear.scatter @!p0 [tilespmem:s9], [sflag:$0x2], $0x2800, $0x38;
	v63 =	vld [tilespmem:$0x0]  }
0x55: {  	s10 =	rddreg [dreg:$0x6]  }
0x56: {  	[spmem:s10] =	stream.linear.scatter @!p0 [tilespmem:s9], [sflag:$0x2], $0x2800, $0x38;
	v63 =	vld [tilespmem:$0x0]  }
0x57: {  	s10 =	rddreg [dreg:$0x7]  }
0x58: {  	[spmem:s10] =	stream.linear.scatter @!p0 [tilespmem:s9], [sflag:$0x2], $0x2800, $0x38;
	v63 =	vld [tilespmem:$0x0]  }
0x59: {  	s10 =	rddreg [dreg:$0x8]  }
0x5a: {  	[spmem:s10] =	stream.linear.scatter @!p0 [tilespmem:s9], [sflag:$0x2], $0x2800, $0x38;
	v63 =	vld [tilespmem:$0x0]  }
0x5b: {  	s10 =	rddreg [dreg:$0xb]  }
0x5c: {  	[spmem:s10] =	stream.linear.scatter @!p0 [tilespmem:s9], [sflag:$0x2], $0x2400, $0x38;
	v63 =	vld [tilespmem:$0x0]  }
0x5d: {  	s9 =	simm.s32 @!p0 $0x2  }
0x5e: {  	_ =	swait.ge @!p0 [sflag:s9], $0x2800  }
0x5f: {  	[sflag:s9] =	ssyncset.done @!p0 $0x0  }
0x60: {  	[sflag:s9] =	ssyncadd.s32 @!p0 $0xFFFFD800  }
0x61: {  	_ =	swait.ge @!p0 [sflag:s9], $0x2800  }
0x62: {  	[sflag:s9] =	ssyncset.done @!p0 $0x0  }
0x63: {  	[sflag:s9] =	ssyncadd.s32 @!p0 $0xFFFFD800  }
0x64: {  	_ =	swait.ge @!p0 [sflag:s9], $0x2800  }
0x65: {  	[sflag:s9] =	ssyncset.done @!p0 $0x0  }
0x66: {  	[sflag:s9] =	ssyncadd.s32 @!p0 $0xFFFFD800  }
0x67: {  	_ =	swait.ge @!p0 [sflag:s9], $0x2800  }
0x68: {  	[sflag:s9] =	ssyncset.done @!p0 $0x0  }
0x69: {  	[sflag:s9] =	ssyncadd.s32 @!p0 $0xFFFFD800  }
0x6a: {  	_ =	swait.ge @!p0 [sflag:s9], $0x2800  }
0x6b: {  	[sflag:s9] =	ssyncset.done @!p0 $0x0  }
0x6c: {  	[sflag:s9] =	ssyncadd.s32 @!p0 $0xFFFFD800  }
0x6d: {  	_ =	swait.ge @!p0 [sflag:s9], $0x2800  }
0x6e: {  	[sflag:s9] =	ssyncset.done @!p0 $0x0  }
0x6f: {  	[sflag:s9] =	ssyncadd.s32 @!p0 $0xFFFFD800  }
0x70: {  	_ =	swait.ge @!p0 [sflag:s9], $0x2800  }
0x71: {  	[sflag:s9] =	ssyncset.done @!p0 $0x0  }
0x72: {  	[sflag:s9] =	ssyncadd.s32 @!p0 $0xFFFFD800  }
0x73: {  	_ =	swait.ge @!p0 [sflag:s9], $0x2400  }
0x74: {  	[sflag:s9] =	ssyncset.done @!p0 $0x0  }
0x75: {  	s13 =	simm.s32 $0x0;
	[sflag:s9] =	ssyncadd.s32 @!p0 $0xFFFFDC00  }
0x76: {  	[tilespmem:s13], [sflag:$0x3] =	stream.strided.gather [hbm4b:s20+s25], $0x2780, s26, s25, $0x38;
	v63 =	vld [tilespmem:$0x0]  }
0x77: {  	_ =	swait.ge [sflag:s28], $0x2780  }
0x78: {  	[sflag:s28] =	ssyncset.done $0x0  }
0x79: {  	s14 =	simm.s32 $0x2780;
	[sflag:s28] =	ssyncadd.s32 $0xFFFFD880  }
0x7a: {  	[tilespmem:s14], [sflag:$0x3] =	stream.strided.gather [hbm4b:s21+s25], $0x2780, s26, s25, $0x38;
	v63 =	vld [tilespmem:$0x0]  }
0x7b: {  	_ =	swait.ge [sflag:s28], $0x2780  }
0x7c: {  	[sflag:s28] =	ssyncset.done $0x0  }
0x7d: {  	[sflag:s28] =	ssyncadd.s32 $0xFFFFD880  }
0x7e: {  	[bflag:$0x0] =	sbarrier.arrive $0xFFFF  }
0x7f: {  	[tilespmem:s31], [sflag:$0x1] =	stream.indirect.gather [hbm4b:s4+s30], $0x80, s13, s30, $0xb8;
	v63 =	vld [tilespmem:$0x0]  }
0x80: {  	_ = 	snop  }
0x81: {  	[tilespmem:s0], [sflag:$0x1] =	stream.indirect.gather [hbm4b:s4+s30], $0x80, s30, s30, $0xb8;
	v63 =	vld [tilespmem:$0x0]  }
0x82: {  	s15 =	simm.s32 $0xA0;
	s16 =	simm.s32 $0x27F0  }
0x83: {  	[tilespmem:s29], [sflag:$0x1] =	stream.indirect.gather [hbm4b:s4+s30], $0x80, s15, s30, $0xb8;
	v63 =	vld [tilespmem:$0x0]  }
0x84: {  	v1 =	vld [tilespmem:s16+$0xFFFFFF90];
	_ =	sdelay $0x4  }
0x85: {  	[tilespmem:$0x4F00] =	vst v1  }
0x86: {  	v1 =	vld [tilespmem:s16+$0xFFFFFFA0];
	_ =	sdelay $0x4  }
0x87: {  	[tilespmem:$0x4F10] =	vst v1  }
0x88: {  	v1 =	vld [tilespmem:s16+$0xFFFFFFB0];
	_ =	sdelay $0x4  }
0x89: {  	[tilespmem:$0x4F20] =	vst v1  }
0x8a: {  	v1 =	vld [tilespmem:s16+$0xFFFFFFC0];
	_ =	sdelay $0x4  }
0x8b: {  	[tilespmem:$0x4F30] =	vst v1  }
0x8c: {  	v1 =	vld [tilespmem:s16+$0xFFFFFFD0];
	_ =	sdelay $0x4  }
0x8d: {  	[tilespmem:$0x4F40] =	vst v1  }
0x8e: {  	_ =	swait.ge [sflag:s1], $0x2800  }
0x8f: {  	[sflag:s1] =	ssyncset.done $0x0  }
0x90: {  	[sflag:s1] =	ssyncadd.s32 $0xFFFFD800  }
0x91: {  	[spmem:s2] =	stream.indirect.scatter.add.f32 [tilespmem:s31], [sflag:$0x2], $0x80, s6, s30, $0xb8;
	v63 =	vld [tilespmem:$0x0]  }
0x92: {  	_ =	swait.ge [sflag:s7], $0x2800  }
0x93: {  	[sflag:s7] =	ssyncset.done $0x0  }
0x94: {  	s11 =	simm.s32 $0xF0;
	[sflag:s7] =	ssyncadd.s32 $0xFFFFD800  }
0x95: {  	[tilespmem:s31], [sflag:$0x1] =	stream.indirect.gather [hbm4b:s4+s30], $0x80, s11, s30, $0xb8;
	v63 =	vld [tilespmem:$0x0]  }
0x96: {  	v1 =	vld [tilespmem:s16+$0xFFFFFFE0];
	_ =	sdelay $0x4  }
0x97: {  	[tilespmem:$0x4F00] =	vst v1  }
0x98: {  	v1 =	vld [tilespmem:s16+$0xFFFFFFF0];
	_ =	sdelay $0x4  }
0x99: {  	[tilespmem:$0x4F10] =	vst v1  }
0x9a: {  	v1 =	vld [tilespmem:s16+$0x0];
	_ =	sdelay $0x4  }
0x9b: {  	s9 =	sand.u32 $0x3FF0, s13;
	[tilespmem:$0x4F20] =	vst v1  }
0x9c: {  	v1 =	vld [tilespmem:s9+$0x2800];
	_ =	sdelay $0x4  }
0x9d: {  	[tilespmem:$0x4F30] =	vst v1  }
0x9e: {  	v1 =	vld [tilespmem:s16+$0x20];
	_ =	sdelay $0x4  }
0x9f: {  	[tilespmem:$0x4F40] =	vst v1  }
0xa0: {  	_ =	swait.ge [sflag:s1], $0x2800  }
0xa1: {  	[sflag:s1] =	ssyncset.done $0x0  }
0xa2: {  	[sflag:s1] =	ssyncadd.s32 $0xFFFFD800  }
0xa3: {  	[spmem:s2] =	stream.indirect.scatter.add.f32 [tilespmem:s0], [sflag:$0x2], $0x80, s6, s30, $0xb8;
	v63 =	vld [tilespmem:$0x0]  }
0xa4: {  	_ =	swait.ge [sflag:s7], $0x2800  }
0xa5: {  	[sflag:s7] =	ssyncset.done $0x0  }
0xa6: {  	s17 =	simm.s32 $0x140;
	[sflag:s7] =	ssyncadd.s32 $0xFFFFD800  }
0xa7: {  	[tilespmem:s0], [sflag:$0x1] =	stream.indirect.gather [hbm4b:s4+s30], $0x80, s17, s30, $0xb8;
	v63 =	vld [tilespmem:$0x0]  }
0xa8: {  	v1 =	vld [tilespmem:s16+$0x30];
	_ =	sdelay $0x4  }
0xa9: {  	[tilespmem:$0x4F00] =	vst v1  }
0xaa: {  	v1 =	vld [tilespmem:s16+$0x40];
	_ =	sdelay $0x4  }
0xab: {  	[tilespmem:$0x4F10] =	vst v1  }
0xac: {  	v1 =	vld [tilespmem:s16+$0x50];
	_ =	sdelay $0x4  }
0xad: {  	[tilespmem:$0x4F20] =	vst v1  }
0xae: {  	v1 =	vld [tilespmem:s16+$0x60];
	_ =	sdelay $0x4  }
0xaf: {  	[tilespmem:$0x4F30] =	vst v1  }
0xb0: {  	v1 =	vld [tilespmem:s16+$0x70];
	_ =	sdelay $0x4  }
0xb1: {  	[tilespmem:$0x4F40] =	vst v1  }
0xb2: {  	_ =	swait.ge [sflag:s1], $0x2800  }
0xb3: {  	[sflag:s1] =	ssyncset.done $0x0  }
0xb4: {  	[sflag:s1] =	ssyncadd.s32 $0xFFFFD800  }
0xb5: {  	[spmem:s2] =	stream.indirect.scatter.add.f32 [tilespmem:s29], [sflag:$0x2], $0x80, s6, s30, $0xb8;
	v63 =	vld [tilespmem:$0x0]  }
0xb6: {  	_ =	swait.ge [sflag:s7], $0x2800  }
0xb7: {  	s10 =	simm.s32 $0x280;
	s15 =	simm.s32 $0x190;
	[sflag:s7] =	ssyncset.done $0x0  }
0xb8: {  	s11 =	simm.s32 $0xF0;
	s9 =	simm.s32 $0x28E0;
	[sflag:s7] =	ssyncadd.s32 $0xFFFFD800  }
.LBB2_4:
0xb9: {  	s13 =	smov.u32 s10;
	s14 =	smov.u32 s9  }
0xba: {  	[tilespmem:s29], [sflag:$0x1] =	stream.indirect.gather [hbm4b:s4+s30], $0x80, s15, s30, $0xb8;
	v63 =	vld [tilespmem:$0x0]  }
0xbb: {  	p1 =	sne.s32 s11, $0x2490;
	s16 =	smov.u32 s11;
	s11 =	sadd.s32 $0xF0, s11;
	v1 =	vld [tilespmem:s9+$0xFFFFFF90]  }
0xbc: {  	s15 =	smov.u32 s10;
	_ =	sdelay $0x3  }
0xbd: {  	[tilespmem:$0x4F00] =	vst v1  }
0xbe: {  	v1 =	vld [tilespmem:s9+$0xFFFFFFA0];
	_ =	sdelay $0x4  }
0xbf: {  	[tilespmem:$0x4F10] =	vst v1  }
0xc0: {  	v1 =	vld [tilespmem:s9+$0xFFFFFFB0];
	_ =	sdelay $0x4  }
0xc1: {  	[tilespmem:$0x4F20] =	vst v1  }
0xc2: {  	v1 =	vld [tilespmem:s9+$0xFFFFFFC0];
	_ =	sdelay $0x4  }
0xc3: {  	[tilespmem:$0x4F30] =	vst v1  }
0xc4: {  	v1 =	vld [tilespmem:s9+$0xFFFFFFD0];
	_ =	sdelay $0x4  }
0xc5: {  	[tilespmem:$0x4F40] =	vst v1  }
0xc6: {  	_ =	swait.ge [sflag:s1], $0x2800  }
0xc7: {  	[sflag:s1] =	ssyncset.done $0x0  }
0xc8: {  	[sflag:s1] =	ssyncadd.s32 $0xFFFFD800  }
0xc9: {  	[spmem:s2] =	stream.indirect.scatter.add.f32 [tilespmem:s31], [sflag:$0x2], $0x80, s6, s30, $0xb8;
	v63 =	vld [tilespmem:$0x0]  }
0xca: {  	_ =	swait.ge [sflag:s7], $0x2800  }
0xcb: {  	[sflag:s7] =	ssyncset.done $0x0  }
0xcc: {  	s17 =	sadd.s32 $0xFFFFFF60, s10;
	[sflag:s7] =	ssyncadd.s32 $0xFFFFD800  }
0xcd: {  	[tilespmem:s31], [sflag:$0x1] =	stream.indirect.gather [hbm4b:s4+s30], $0x80, s17, s30, $0xb8;
	v63 =	vld [tilespmem:$0x0]  }
0xce: {  	v1 =	vld [tilespmem:s9+$0xFFFFFFE0];
	_ =	sdelay $0x4  }
0xcf: {  	[tilespmem:$0x4F00] =	vst v1  }
0xd0: {  	v1 =	vld [tilespmem:s9+$0xFFFFFFF0];
	_ =	sdelay $0x4  }
0xd1: {  	[tilespmem:$0x4F10] =	vst v1  }
0xd2: {  	v1 =	vld [tilespmem:s9+$0x0];
	_ =	sdelay $0x4  }
0xd3: {  	s16 =	sand.u32 $0x3FF0, s16;
	[tilespmem:$0x4F20] =	vst v1  }
0xd4: {  	v1 =	vld [tilespmem:s16+$0x2800];
	_ =	sdelay $0x4  }
0xd5: {  	[tilespmem:$0x4F30] =	vst v1  }
0xd6: {  	v1 =	vld [tilespmem:s9+$0x20];
	_ =	sdelay $0x4  }
0xd7: {  	[tilespmem:$0x4F40] =	vst v1  }
0xd8: {  	_ =	swait.ge [sflag:s1], $0x2800  }
0xd9: {  	[sflag:s1] =	ssyncset.done $0x0  }
0xda: {  	[sflag:s1] =	ssyncadd.s32 $0xFFFFD800  }
0xdb: {  	[spmem:s2] =	stream.indirect.scatter.add.f32 [tilespmem:s0], [sflag:$0x2], $0x80, s6, s30, $0xb8;
	v63 =	vld [tilespmem:$0x0]  }
0xdc: {  	_ =	swait.ge [sflag:s7], $0x2800  }
0xdd: {  	[sflag:s7] =	ssyncset.done $0x0  }
0xde: {  	s16 =	sadd.s32 $0xFFFFFFB0, s10;
	[sflag:s7] =	ssyncadd.s32 $0xFFFFD800  }
0xdf: {  	[tilespmem:s0], [sflag:$0x1] =	stream.indirect.gather [hbm4b:s4+s30], $0x80, s16, s30, $0xb8;
	v63 =	vld [tilespmem:$0x0]  }
0xe0: {  	v1 =	vld [tilespmem:s9+$0x30];
	_ =	sdelay $0x4  }
0xe1: {  	[tilespmem:$0x4F00] =	vst v1  }
0xe2: {  	v1 =	vld [tilespmem:s9+$0x40];
	_ =	sdelay $0x4  }
0xe3: {  	[tilespmem:$0x4F10] =	vst v1  }
0xe4: {  	v1 =	vld [tilespmem:s9+$0x50];
	_ =	sdelay $0x4  }
0xe5: {  	[tilespmem:$0x4F20] =	vst v1  }
0xe6: {  	v1 =	vld [tilespmem:s9+$0x60];
	_ =	sdelay $0x4  }
0xe7: {  	[tilespmem:$0x4F30] =	vst v1  }
0xe8: {  	v1 =	vld [tilespmem:s9+$0x70];
	_ =	sdelay $0x4  }
0xe9: {  	[tilespmem:$0x4F40] =	vst v1  }
0xea: {  	_ =	swait.ge [sflag:s1], $0x2800  }
0xeb: {  	[sflag:s1] =	ssyncset.done $0x0  }
.Ltmp1:
0xec: {  	[sflag:s1] =	ssyncadd.s32 $0xFFFFD800;
	(pc) =	sbr.rel @p1 .LBB2_4-.Ltmp1, $4  }
0xed: {  	[spmem:s2] =	stream.indirect.scatter.add.f32 [tilespmem:s29], [sflag:$0x2], $0x80, s6, s30, $0xb8;
	v63 =	vld [tilespmem:$0x0]  }
0xee: {  	_ =	swait.ge [sflag:s7], $0x2800  }
0xef: {  	[sflag:s7] =	ssyncset.done $0x0  }
0xf0: {  	s10 =	sadd.s32 $0xF0, s10;
	s9 =	sadd.s32 $0xF0, s9;
	[sflag:s7] =	ssyncadd.s32 $0xFFFFD800  }
0xf1: {  	[tilespmem:s29], [sflag:$0x1] =	stream.indirect.gather [hbm4b:s4+s30], $0x80, s15, s30, $0xb8;
	v63 =	vld [tilespmem:$0x0]  }
0xf2: {  	v1 =	vld [tilespmem:s14+$0x80];
	_ =	sdelay $0x4  }
0xf3: {  	[tilespmem:$0x4F00] =	vst v1  }
0xf4: {  	v1 =	vld [tilespmem:s14+$0x90];
	_ =	sdelay $0x4  }
0xf5: {  	[tilespmem:$0x4F10] =	vst v1  }
0xf6: {  	v1 =	vld [tilespmem:s14+$0xA0];
	_ =	sdelay $0x4  }
0xf7: {  	[tilespmem:$0x4F20] =	vst v1  }
0xf8: {  	v1 =	vld [tilespmem:s14+$0xB0];
	_ =	sdelay $0x4  }
0xf9: {  	[tilespmem:$0x4F30] =	vst v1  }
0xfa: {  	v1 =	vld [tilespmem:s14+$0xC0];
	_ =	sdelay $0x4  }
0xfb: {  	[tilespmem:$0x4F40] =	vst v1  }
0xfc: {  	_ =	swait.ge [sflag:s1], $0x2800  }
0xfd: {  	[sflag:s1] =	ssyncset.done $0x0  }
0xfe: {  	[sflag:s1] =	ssyncadd.s32 $0xFFFFD800  }
0xff: {  	[spmem:s2] =	stream.indirect.scatter.add.f32 [tilespmem:s31], [sflag:$0x2], $0x80, s6, s30, $0xb8;
	v63 =	vld [tilespmem:$0x0]  }
0x100: {  	_ =	swait.ge [sflag:s7], $0x2800  }
0x101: {  	[sflag:s7] =	ssyncset.done $0x0  }
0x102: {  	s9 =	sadd.s32 $0x50, s13;
	[sflag:s7] =	ssyncadd.s32 $0xFFFFD800  }
0x103: {  	[tilespmem:s31], [sflag:$0x1] =	stream.indirect.gather [hbm4b:s4+s30], $0x80, s9, s30, $0xb8;
	v63 =	vld [tilespmem:$0x0]  }
0x104: {  	v1 =	vld [tilespmem:s14+$0xD0];
	_ =	sdelay $0x4  }
0x105: {  	[tilespmem:$0x4F00] =	vst v1  }
0x106: {  	v1 =	vld [tilespmem:s14+$0xE0];
	_ =	sdelay $0x4  }
0x107: {  	v2 =	vld [tilespmem:$0x4D80];
	[tilespmem:$0x4F10] =	vst v1  }
0x108: {  	v1 =	vld [tilespmem:s14+$0xF0];
	_ =	sdelay $0x3  }
0x109: {  	[tilespmem:$0x4F30] =	vst v2  }
0x10a: {  	[tilespmem:$0x4F20] =	vst v1  }
0x10b: {  	v1 =	vld [tilespmem:s14+$0x110];
	_ =	sdelay $0x4  }
0x10c: {  	[tilespmem:$0x4F40] =	vst v1  }
0x10d: {  	_ =	swait.ge [sflag:s1], $0x2800  }
0x10e: {  	[sflag:s1] =	ssyncset.done $0x0  }
0x10f: {  	[sflag:s1] =	ssyncadd.s32 $0xFFFFD800  }
0x110: {  	[spmem:s2] =	stream.indirect.scatter.add.f32 [tilespmem:s0], [sflag:$0x2], $0x80, s6, s30, $0xb8;
	v63 =	vld [tilespmem:$0x0]  }
0x111: {  	_ =	swait.ge [sflag:s7], $0x2800  }
0x112: {  	[sflag:s7] =	ssyncset.done $0x0  }
0x113: {  	s17 =	sadd.s32 $0xA0, s13;
	[sflag:s7] =	ssyncadd.s32 $0xFFFFD800  }
0x114: {  	[tilespmem:s0], [sflag:$0x1] =	stream.indirect.gather [hbm4b:s4+s30], $0x80, s17, s30, $0xb8;
	v63 =	vld [tilespmem:$0x0]  }
0x115: {  	v1 =	vld [tilespmem:s14+$0x120];
	_ =	sdelay $0x4  }
0x116: {  	[tilespmem:$0x4F00] =	vst v1  }
0x117: {  	v1 =	vld [tilespmem:s14+$0x130];
	_ =	sdelay $0x4  }
0x118: {  	[tilespmem:$0x4F10] =	vst v1  }
0x119: {  	v1 =	vld [tilespmem:s14+$0x140];
	_ =	sdelay $0x4  }
0x11a: {  	[tilespmem:$0x4F20] =	vst v1  }
0x11b: {  	v1 =	vld [tilespmem:s14+$0x150];
	_ =	sdelay $0x4  }
0x11c: {  	[tilespmem:$0x4F30] =	vst v1  }
0x11d: {  	v1 =	vld [tilespmem:s14+$0x160];
	_ =	sdelay $0x4  }
0x11e: {  	[tilespmem:$0x4F40] =	vst v1  }
0x11f: {  	_ =	swait.ge [sflag:s1], $0x2800  }
0x120: {  	[sflag:s1] =	ssyncset.done $0x0  }
0x121: {  	[sflag:s1] =	ssyncadd.s32 $0xFFFFD800  }
0x122: {  	[spmem:s2] =	stream.indirect.scatter.add.f32 [tilespmem:s29], [sflag:$0x2], $0x80, s6, s30, $0xb8;
	v63 =	vld [tilespmem:$0x0]  }
0x123: {  	_ =	swait.ge [sflag:s7], $0x2800  }
0x124: {  	[sflag:s7] =	ssyncset.done $0x0  }
0x125: {  	[sflag:s7] =	ssyncadd.s32 $0xFFFFD800  }
0x126: {  	[tilespmem:s29], [sflag:$0x1] =	stream.indirect.gather [hbm4b:s4+s30], $0x80, s8, s30, $0xb8;
	v63 =	vld [tilespmem:$0x0]  }
0x127: {  	v1 =	vld [tilespmem:$0x4DF0]  }
0x128: {  	v2 =	vld [tilespmem:$0x4E00]  }
0x129: {  	v3 =	vld [tilespmem:$0x4E10]  }
0x12a: {  	v4 =	vld [tilespmem:$0x4E20]  }
0x12b: {  	v5 =	vld [tilespmem:$0x4E30]  }
0x12c: {  	[tilespmem:$0x4F00] =	vst v1  }
0x12d: {  	[tilespmem:$0x4F10] =	vst v2  }
0x12e: {  	[tilespmem:$0x4F20] =	vst v3  }
0x12f: {  	[tilespmem:$0x4F30] =	vst v4  }
0x130: {  	[tilespmem:$0x4F40] =	vst v5  }
0x131: {  	_ =	swait.ge [sflag:s1], $0x2800  }
0x132: {  	[sflag:s1] =	ssyncset.done $0x0  }
0x133: {  	[sflag:s1] =	ssyncadd.s32 $0xFFFFD800  }
0x134: {  	[spmem:s2] =	stream.indirect.scatter.add.f32 [tilespmem:s31], [sflag:$0x2], $0x80, s6, s30, $0xb8;
	v63 =	vld [tilespmem:$0x0]  }
0x135: {  	_ =	swait.ge [sflag:s7], $0x2800  }
0x136: {  	[sflag:s7] =	ssyncset.done $0x0  }
0x137: {  	[sflag:s7] =	ssyncadd.s32 $0xFFFFD800  }
0x138: {  	[tilespmem:s31], [sflag:$0x1] =	stream.indirect.gather [hbm4b:s4+s30], $0x80, s8, s30, $0xb8;
	v63 =	vld [tilespmem:$0x0]  }
0x139: {  	v1 =	vld [tilespmem:$0x4E40]  }
0x13a: {  	v2 =	vld [tilespmem:$0x4E50]  }
0x13b: {  	v3 =	vld [tilespmem:$0x4E60]  }
0x13c: {  	v61 =	vld [tilespmem:$0x4E70]  }
0x13d: {  	v62 =	vld [tilespmem:$0x4E80]  }
0x13e: {  	[tilespmem:$0x4F00] =	vst v1  }
0x13f: {  	[tilespmem:$0x4F10] =	vst v2  }
0x140: {  	[tilespmem:$0x4F20] =	vst v3  }
0x141: {  	[tilespmem:$0x4F30] =	vst v61  }
0x142: {  	[tilespmem:$0x4F40] =	vst v62  }
0x143: {  	_ =	swait.ge [sflag:s1], $0x2800  }
0x144: {  	[sflag:s1] =	ssyncset.done $0x0  }
0x145: {  	[sflag:s1] =	ssyncadd.s32 $0xFFFFD800  }
0x146: {  	[spmem:s2] =	stream.indirect.scatter.add.f32 [tilespmem:s0], [sflag:$0x2], $0x80, s6, s30, $0xb8;
	v63 =	vld [tilespmem:$0x0]  }
0x147: {  	_ =	swait.ge [sflag:s7], $0x2800  }
0x148: {  	[sflag:s7] =	ssyncset.done $0x0  }
0x149: {  	[sflag:s7] =	ssyncadd.s32 $0xFFFFD800  }
0x14a: {  	[tilespmem:s0], [sflag:$0x1] =	stream.indirect.gather [hbm4b:s4+s30], $0x80, s8, s30, $0xb8;
	v63 =	vld [tilespmem:$0x0]  }
0x14b: {  	_ =	swait.ge [sflag:s1], $0x2800  }
0x14c: {  	[sflag:s1] =	ssyncset.done $0x0  }
0x14d: {  	[sflag:s1] =	ssyncadd.s32 $0xFFFFD800  }
0x14e: {  	_ =	swait.ge [sflag:s1], $0x2800  }
0x14f: {  	[sflag:s1] =	ssyncset.done $0x0  }
0x150: {  	[sflag:s1] =	ssyncadd.s32 $0xFFFFD800  }
0x151: {  	_ =	swait.ge [sflag:s1], $0x2800  }
0x152: {  	[sflag:s1] =	ssyncset.done $0x0  }
0x153: {  	[sflag:s1] =	ssyncadd.s32 $0xFFFFD800  }
0x154: {  	s10 =	simm.s32 @p0 $0x1FC3;
	s9 =	sshrl.u32 @p0 s12, $0x3;
	[bflag:$0x0] =	sbarrier.arrive $0xFFFF  }
0x155: {  	[hbm:s23], [sflag:s10] =	dma.local @p0 [spmem:s9], $0x2080  }
0x156: {  	s9 =	simm.s32 @p0 $0x3  }
0x157: {  	s3 =	sadd.s32 $0x1, s3;
	s10 =	stileid.u32;
	_ =	swait.ge @p0 [sflag:s9], $0x2080  }
0x158: {  	p1 =	sne.s32 s3, s24;
	s10 =	sshll.u32 @!p0 s10, $0x6;
	[sflag:s9] =	ssyncset.done @p0 $0x0  }
0x159: {  	[sflag:s9] =	ssyncadd.s32 @p0 $0xFFFFDF80;
	s9 =	sor.u32 @!p0 $0x1C03, s10;
	s10 =	sshrl.u32 @!p0 s5, $0x3  }
0x15a: {  	[hbm:s22], [sflag:s9] =	dma.local @!p0 [spmem:s10], $0x2780  }
.Ltmp2:
0x15b: {  	_ = 	snop;
	(pc) =	sbr.rel @p1 .LBB2_1-.Ltmp2, $4  }
0x15c: {  	s9 =	simm.s32 @!p0 $0x3  }
0x15d: {  	_ =	swait.ge @!p0 [sflag:s9], $0x2780  }
0x15e: {  	[sflag:s9] =	ssyncset.done @!p0 $0x0  }
0x15f: {  	[sflag:s9] =	ssyncadd.s32 @!p0 $0xFFFFD880  }
0x160: {  	_ =	sfence.sel $0x180000  }
0x161: {  	[bflag:$0x0] =	sbarrier.arrive $0xFFFF  }
0x162: {  	_ =	strace $0x9000004A  }
0x163: {  	s0 =	stileid.u32;
	[bflag:$0x2] =	sbarrier.arrive $0xFFFF  }
0x164: {  	p0 =	sne.s32 s0, $0x0;
	s0 =	rddreg [dreg:$0x2]  }
0x165: {  	s0 =	sadd.s32 @!p0 $0x100000, s0  }
0x166: {  	[sflag:s0] =	ssyncadd.tile.s32 @!p0 $0x1;
	_ =	shalt  }
.Lfunc_end2:
_tile_overlayer_lowered:
.L_overlay_start_2:
0x167: {  	(tag) =	ssettag $0x2  }
0x168: {  	s0 =	rddreg [dreg:$0x0];
	s2 =	stileid.u32  }
0x169: {  	s1 =	rddreg [dreg:$0x1];
	p0 =	sne.s32 s2, $0x0  }
0x16a: {  	s3 =	rddreg [dreg:$0x2];
	[bflag:$0x3] =	sbarrier.arrive $0xFFFF;
	s2 =	simm.s32 @!p0 $0x1C03  }
0x16b: {  	[timem:s3], [sflag:s2] =	dma.local @!p0 [hbm:s0], s1  }
0x16c: {  	s0 =	simm.s32 @!p0 $0x3  }
0x16d: {  	_ =	swait.ge @!p0 [sflag:s0], s1  }
0x16e: {  	s1 =	ssub.s32 @!p0 $0x0, s1;
	[sflag:s0] =	ssyncset.done @!p0 $0x0  }
0x16f: {  	[sflag:s0] =	ssyncadd.s32 @!p0 s1  }
0x170: {  	[bflag:$0x3] =	sbarrier.arrive $0xFFFF  }
0x171: {  	_ =	shalt  }

// kernel: kernel.15.cloned.1.call-start
scs
__scs_entry_jumppad:
0x0: {  	(pc) =	sbr.rel $0x88, $3  }
0x1: {  	(tag) =	ssettag $0x0;
	lr =	simm.s32 $0x1  }
0x2: {  	[smem:$0x3F88] =	sst lr;
	_ =	strace $0xD0000000  }
0x3: {  	_ = 	snop  }
0x4: {  	_ = 	snop  }
0x5: {  	_ = 	snop  }
0x6: {  	_ = 	snop  }
0x7: {  	_ = 	snop  }
__scs_overlays_trampoline_lowered:
0x8: {  	[smem:$0x3F97] =	sst s0  }
0x9: {  	[smem:$0x3F98] =	sst s1  }
0xa: {  	[smem:$0x3F99] =	sst s2  }
0xb: {  	[smem:$0x3F9A] =	sst s3  }
0xc: {  	[smem:$0x3F9B] =	sst s4  }
0xd: {  	[smem:$0x3F9C] =	sst s5  }
0xe: {  	[smem:$0x3F9D] =	sst s6  }
0xf: {  	[smem:$0x3F9E] =	sst s7  }
0x10: {  	[smem:$0x3F9F] =	sst s8  }
0x11: {  	[smem:$0x3FA0] =	sst s9;
	s0 =	simm.s32 @!p0 $0x0  }
0x12: {  	s1 =	sld [smem:$0x3F86];
	s0 =	simm.s32 @p0 $0x1  }
0x13: {  	[smem:$0x3FA1] =	sst s0;
	s0 =	simm.s32 @!p1 $0x0  }
0x14: {  	s2 =	sld [smem:$0x3F85];
	s0 =	simm.s32 @p1 $0x1  }
0x15: {  	[smem:$0x3FA2] =	sst s0;
	s0 =	simm.s32 @!p2 $0x0  }
0x16: {  	s3 =	sld [smem:$0x3FDB];
	s0 =	simm.s32 @p2 $0x1  }
0x17: {  	s4 =	simm.s32 $0x1BF5;
	[smem:$0x3FA4] =	sst s0  }
0x18: {  	s0 =	sld [smem:$0x3F87];
	_ =	swait.ge [sflag:s4], $0x0  }
0x19: {  	s7 =	sld [smem:$0x3F88]  }
0x1a: {  	s8 =	sadd.s32 $0xFFFFE003, lr  }
0x1b: {  	s9 =	sadd.s32 $0xFFFFFEF7, lr;
	s5 =	simm.s32 $0xFFFFFFFF;
	p2 =	slt.u32 s8, $0xFFFFF086  }
0x1c: {  	p1 =	slt.u32 s9, $0xF7A;
	s5 =	simm.s32 @!p2 $0x0  }
0x1d: {  	s5 =	simm.s32 @p1 $0x1;
	p0 =	seq.s32 s7, s2  }
0x1e: {  	s7 =	smul.u32 @!p0 $0xF7A, s2;
	p2 =	seq.s32 @!p0 s5, $0x0  }
0x1f: {  	s9 =	smul.u32 $0xF7A, s1;
	s8 =	simm.s32 @!p0 $0x1BF5;
	p2 =	por !p2, p0  }
0x20: {  	[sflag:s8] =	ssyncset.s32 @!p0 $0xFFFFF086;
	s6 =	sadd.s32 @!p0 s3, s7;
	s7 =	simm.s32 @!p0 $0x108  }
0x21: {  	s3 =	sadd.s32 s3, s9;
	s6 =	sadd.s32 @!p0 $0x88, s6;
	s7 =	simm.s32 @p2 $0x1082  }
0x22: {  	[simem:s7], [sflag:s8] =	dma.local @!p0 [hbm:s6], $0xF7A  }
0x23: {  	s9 =	sor.u32 $0xD0000000, s2;
	s6 =	simm.s32 $0x108;
	_ =	swait.ge @!p0 [sflag:s8], $0x0  }
0x24: {  	s3 =	sadd.s32 $0x88, s3;
	s6 =	simm.s32 @!p1 $0x1082;
	[sflag:s4] =	ssyncset.s32 $0xFFFFF086  }
0x25: {  	[simem:s6], [sflag:s4] =	dma.local [hbm:s3], $0xF7A  }
0x26: {  	[smem:$0x3F88] =	sst s1;
	(tag) =	ssettag s2;
	_ =	strace s9  }
0x27: {  	s1 =	sld [smem:$0x3F98]  }
0x28: {  	s2 =	sld [smem:$0x3F99]  }
0x29: {  	s4 =	sld [smem:$0x3F9B]  }
0x2a: {  	p0 =	seq.s32 s5, $0x0;
	s5 =	sld [smem:$0x3F9C]  }
0x2b: {  	s6 =	sld [smem:$0x3F9D]  }
0x2c: {  	s7 =	sld [smem:$0x3F9E]  }
0x2d: {  	s3 =	simm.s32 $0x108;
	s8 =	sld [smem:$0x3F9F]  }
0x2e: {  	s3 =	simm.s32 @!p0 $0x1082;
	s9 =	sld [smem:$0x3FA0]  }
0x2f: {  	lr =	sadd.s32 s0, s3;
	s0 =	sld [smem:$0x3F97]  }
0x30: {  	s3 =	sld [smem:$0x3F9A]  }
0x31: {  	[smem:$0x3FA3] =	sst s10  }
0x32: {  	s10 =	sld [smem:$0x3FA1];
	_ =	sdelay $0x3  }
0x33: {  	p0 =	seq.s32 s10, $0x1;
	s10 =	sld [smem:$0x3FA3];
	_ =	sdelay $0x3  }
0x34: {  	[smem:$0x3FA3] =	sst s10  }
0x35: {  	s10 =	sld [smem:$0x3FA2];
	_ =	sdelay $0x3  }
0x36: {  	p1 =	seq.s32 s10, $0x1;
	s10 =	sld [smem:$0x3FA3];
	_ =	sdelay $0x3  }
0x37: {  	[smem:$0x3FA3] =	sst s10  }
0x38: {  	s10 =	sld [smem:$0x3FA4]  }
0x39: {  	_ = 	snop;
	(pc) =	sbr.ind lr, $3  }
0x3a: {  	_ = 	snop  }
0x3b: {  	_ = 	snop  }
0x3c: {  	p2 =	seq.s32 s10, $0x1;
	s10 =	sld [smem:$0x3FA3]  }
0x3d: {  	_ =	shalt  }
0x3e: {  	_ =	shalt  }
0x3f: {  	_ =	shalt  }
0x40: {  	_ =	shalt  }
0x41: {  	_ =	shalt  }
0x42: {  	_ =	shalt  }
0x43: {  	_ =	shalt  }
0x44: {  	_ =	shalt  }
0x45: {  	_ =	shalt  }
0x46: {  	_ =	shalt  }
0x47: {  	_ =	shalt  }
0x48: {  	_ =	shalt  }
0x49: {  	_ =	shalt  }
0x4a: {  	_ =	shalt  }
0x4b: {  	_ =	shalt  }
0x4c: {  	_ =	shalt  }
0x4d: {  	_ =	shalt  }
0x4e: {  	_ =	shalt  }
0x4f: {  	_ =	shalt  }
0x50: {  	_ =	shalt  }
0x51: {  	_ =	shalt  }
0x52: {  	_ =	shalt  }
0x53: {  	_ =	shalt  }
0x54: {  	_ =	shalt  }
0x55: {  	_ =	shalt  }
0x56: {  	_ =	shalt  }
0x57: {  	_ =	shalt  }
0x58: {  	_ =	shalt  }
0x59: {  	_ =	shalt  }
0x5a: {  	_ =	shalt  }
0x5b: {  	_ =	shalt  }
0x5c: {  	_ =	shalt  }
0x5d: {  	_ =	shalt  }
0x5e: {  	_ =	shalt  }
0x5f: {  	_ =	shalt  }
0x60: {  	_ =	shalt  }
0x61: {  	_ =	shalt  }
0x62: {  	_ =	shalt  }
0x63: {  	_ =	shalt  }
0x64: {  	_ =	shalt  }
0x65: {  	_ =	shalt  }
0x66: {  	_ =	shalt  }
0x67: {  	_ =	shalt  }
0x68: {  	_ =	shalt  }
0x69: {  	_ =	shalt  }
0x6a: {  	_ =	shalt  }
0x6b: {  	_ =	shalt  }
0x6c: {  	_ =	shalt  }
0x6d: {  	_ =	shalt  }
0x6e: {  	_ =	shalt  }
0x6f: {  	_ =	shalt  }
0x70: {  	_ =	shalt  }
0x71: {  	_ =	shalt  }
0x72: {  	_ =	shalt  }
0x73: {  	_ =	shalt  }
0x74: {  	_ =	shalt  }
0x75: {  	_ =	shalt  }
0x76: {  	_ =	shalt  }
0x77: {  	_ =	shalt  }
0x78: {  	_ =	shalt  }
0x79: {  	_ =	shalt  }
0x7a: {  	_ =	shalt  }
0x7b: {  	_ =	shalt  }
0x7c: {  	_ =	shalt  }
0x7d: {  	_ =	shalt  }
0x7e: {  	_ =	shalt  }
0x7f: {  	_ =	shalt  }
0x80: {  	_ =	shalt  }
0x81: {  	_ =	shalt  }
0x82: {  	_ =	shalt  }
0x83: {  	_ =	shalt  }
0x84: {  	_ =	shalt  }
0x85: {  	_ =	shalt  }
0x86: {  	_ =	shalt  }
0x87: {  	_ =	shalt  }
.Lfunc_end0:
.L_simem_size_0:
called_computation.2_lowered:
.L_overlay_start_0:
0x88: {  	s2 =	sld [smem:$0x3FD9]  }
0x89: {  	s3 =	sld [smem:$0x3FFE];
	_ =	sdelay $0x1  }
0x8a: {  	s1 =	srdreg.scid  }
0x8b: {  	s0 =	sand.u32 $0x1, s1  }
0x8c: {  	s16 =	sshll.u32 s0, $0xA;
	s2 =	sadd.s32 s3, s2  }
0x8d: {  	s2 =	sadd.s32 s2, s16  }
0x8e: {  	[smem:$0x3FAF] =	sst s2  }
0x8f: {  	_ = 	snop  }
0x90: {  	(tm) =	ssettm $0x1  }
0x91: {  	s17 =	sld [smem:$0x3FFB];
	_ =	sdelay $0x3  }
0x92: {  	_ =	strace s17  }
0x93: {  	s2 =	sld [smem:$0x3FFC];
	_ =	sdelay $0x3  }
0x94: {  	_ =	strace s2  }
0x95: {  	s2 =	sld [smem:$0x3FFD];
	_ =	sdelay $0x3  }
0x96: {  	_ =	strace s2  }
0x97: {  	_ =	strace $0x8FFFFFFF  }
0x98: {  	s18 =	sld [smem:$0x3FDB];
	_ =	sdelay $0x1  }
0x99: {  	s19 =	simm.s32 $_scs_section_size  }
0x9a: {  	s4 =	simm.s32 $_size__tile_overlayer_lowered;
	s5 =	simm.s32 $_tile_overlayer_lowered  }
0x9b: {  	s22 =	simm.s32 $0x1BFF;
	s21 =	sshll.u32 s5, $0x1;
	s2 =	sadd.s32 s19, s18  }
0x9c: {  	s6 =	simm.s32 $0x0;
	s20 =	sshll.u32 s4, $0x1;
	s4 =	sadd.s32 s21, s2  }
0x9d: {  	[timem:s6], [sflag:s22] =	dma.local [hbm:s4], s20  }
0x9e: {  	_ =	swait.ge [sflag:s22], s20  }
0x9f: {  	s3 =	ssub.s32 $0x0, s20;
	[sflag:s22] =	ssyncset.done $0x0  }
0xa0: {  	[sflag:s22] =	ssyncadd.s32 s3;
	_ =	sdelay $0x1  }
0xa1: {  	s23 =	simm.s32 $0x1B8B  }
0xa2: {  	_ =	swait.ge [sflag:s23], $0x1  }
0xa3: {  	[sflag:s23] =	ssyncset.done $0x0  }
0xa4: {  	s25 =	simm.s32 $0x1B8E;
	s24 =	sld [smem:$0x3FFE];
	[sflag:s23] =	ssyncadd.s32 $0xFFFFFFFF  }
0xa5: {  	s26 =	simm.s32 $execute0_lowered;
	[smem:$0x3FD2] =	sst s25  }
0xa6: {  	s4 =	sshll.u32 s26, $0x1;
	_ =	strace $0x8000004C;
	[dreg:$0x1] =	wrdreg $0xFFFFFFFF  }
0xa7: {  	s28 =	simm.s32 $_size_execute0_lowered;
	s2 =	sadd.s32 s2, s4;
	[dreg:$0x0] =	wrdreg $0x0  }
0xa8: {  	s4 =	sshll.u32 s28, $0x1;
	[dreg:$0x2] =	wrdreg s2  }
0xa9: {  	[dreg:$0x3] =	wrdreg s4  }
0xaa: {  	[dreg:$0x4] =	wrdreg $0xC0  }
0xab: {  	_ =	task [dreg:s6], $0x5FFFF  }
0xac: {  	[dreg:$0x1] =	wrdreg $0xFFFFFFFF  }
0xad: {  	[dreg:$0x0] =	wrdreg $0x60  }
0xae: {  	[dreg:$0x2] =	wrdreg s24  }
0xaf: {  	[dreg:$0x3] =	wrdreg $0xC7800  }
0xb0: {  	[dreg:$0x4] =	wrdreg $0x9  }
0xb1: {  	_ =	task.clear_ibuf [dreg:s6], $0x5FFFF;
	_ =	strace $0x9000004C  }
0xb2: {  	s29 =	simm.s32 $0x9;
	_ =	strace $0x8000004E  }
0xb3: {  	_ =	swait.ge [sflag:s29], $0x1  }
0xb4: {  	[sflag:s29] =	ssyncadd.s32 $0xFFFFFFFF  }
0xb5: {  	_ =	strace $0x9000004E  }
0xb6: {  	_ =	sfence  }
0xb7: {  	s30 =	sld [smem:$0x0];
	_ =	sdelay $0x2  }
0xb8: {  	s31 =	sshll.u32 s1, $0xD;
	s1 =	sshrl.u32 s1, $0x2  }
0xb9: {  	s3 =	sand.u32 $0x4000, s31;
	s1 =	sadd.s32 s1, s30  }
0xba: {  	s0 =	sor.u32 s3, s0;
	s1 =	sshll.u32 s1, $0x11  }
0xbb: {  	s0 =	sor.u32 s1, s0  }
0xbc: {  	s0 =	sadd.s32 $0x8F2B, s0  }
0xbd: {  	[sflag:s0] =	ssyncadd.remote.s32 $0x1  }
0xbe: {  	_ =	sfence.sel $0xFFFF  }
0xbf: {  	[dreg:$0x0] =	wrdreg $0xFFFFFFFF;
	(pc) =	sbr.abs _section_cstart, $3  }
0xc0: {  	[dreg:$0x1] =	wrdreg $0xFFFFFFFF  }
0xc1: {  	_ =	task.clear_ibuf [dreg:s6], $0x2FFFF;
	_ =	strace $0x9FFFFFFF  }
0xc2: {  	(tm) =	ssettm $0x7FFFFFFF  }
0xc3: {  	_ =	shalt  }
tec
execute0_lowered:
.L_overlay_start_1:
0x0: {  	(tag) =	ssettag $0x1  }
0x1: {  	s0 =	rddreg [dreg:$0x0]  }
0x2: {  	s2 =	rddreg [dreg:$0x1];
	s3 =	simm.s32 $0x0;
	s1 =	srdreg.scid  }
0x3: {  	s10 =	stileid.u32;
	s28 =	simm.s32 $0x3;
	s30 =	simm.s32 $0x50  }
0x4: {  	s31 =	simm.s32 $0x4F80;
	s29 =	simm.s32 $0x9F80;
	s1 =	sand.u32 $0x1, s1  }
0x5: {  	s4 =	sshrl.u32 s10, $0x2;
	s14 =	smul.u32 $0x4F000, s10;
	s12 =	sadd.s32 $0x128400, s2  }
0x6: {  	s5 =	sshll.u32 s10, $0x8;
	s8 =	sadd.s32 $0x12AC00, s2;
	s9 =	sadd.s32 $0x12D400, s2  }
0x7: {  	[smem:$0x7FF] =	sst s3;
	s23 =	sadd.s32 $0x12FC00, s2;
	s24 =	smul.u32 $0x13C00, s10  }
0x8: {  	s25 =	sadd.s32 $0x132400, s2;
	p0 =	seq.s32 s10, $0xF;
	s4 =	smul.u32 $0x13C00, s4  }
0x9: {  	s6 =	sshll.u32 s1, $0x7;
	s5 =	sand.u32 $0x300, s5;
	_ =	strace $0x8000004D  }
0xa: {  	s20 =	ssub.s32 $0x2, s1;
	[dreg:$0x9] =	wrdreg s8;
	s5 =	sor.u32 s6, s5  }
0xb: {  	[dreg:$0xa] =	wrdreg s9;
	s1 =	smul.u32 $0x138800, s1;
	s5 =	sor.u32 s4, s5  }
0xc: {  	[dreg:$0xc] =	wrdreg s23;
	s6 =	sshrl.u32 s14, $0x2;
	s5 =	sshrl.u32 s5, $0x3  }
0xd: {  	[dreg:$0xd] =	wrdreg s25;
	s7 =	sadd.s32 s5, s0;
	s5 =	sadd.s32 s6, s2  }
0xe: {  	s25 =	simm.s32 $0x80;
	s21 =	sshrl.u32 s20, $0x1;
	s6 =	sadd.s32 $0x2800, s5  }
0xf: {  	s4 =	sadd.s32 $0x18400, s0;
	s15 =	sadd.s32 $0x5000, s5;
	[dreg:$0x3] =	wrdreg s6  }
0x10: {  	s26 =	sadd.s32 s24, s1;
	s16 =	sadd.s32 $0x7800, s5;
	[dreg:$0x4] =	wrdreg s15  }
0x11: {  	s1 =	sshrl.u32 s1, $0x3;
	s17 =	sadd.s32 $0xA000, s5;
	[dreg:$0x5] =	wrdreg s16  }
0x12: {  	s8 =	sshrl.u32 s26, $0x3;
	s18 =	sadd.s32 $0xC800, s5;
	[dreg:$0x6] =	wrdreg s17  }
0x13: {  	s26 =	simm.s32 $0x400;
	s19 =	sadd.s32 $0xF000, s5;
	[dreg:$0x7] =	wrdreg s18  }
0x14: {  	s0 =	sadd.s32 $0x3F600, s0;
	s22 =	sadd.s32 $0x11800, s5;
	[dreg:$0x8] =	wrdreg s19  }
0x15: {  	s1 =	sadd.s32 s0, s1;
	[dreg:$0xb] =	wrdreg s22;
	s18 =	sadd.s32 $0x134C00, s2  }
0x16: {  	s6 =	ssub.s32 s20, s21;
	s19 =	sadd.s32 $0x137400, s2;
	s20 =	sadd.s32 $0x4800, s7  }
0x17: {  	s21 =	sadd.s32 $0xE600, s7;
	s22 =	sadd.s32 s0, s8;
	s23 =	sadd.s32 $0x25080, s1  }
0x18: {  	s0 =	simm.s32 $0x7780;
	s1 =	simm.s32 $0x1;
	s7 =	simm.s32 $0x2  }
0x19: {  	v0 =	vimm.f32 $0.0e+00;
	s8 =	simm.s32 $0x26C0;
	s24 =	smax.u32 s6, $0x1;
	s6 =	simm.s32 $0x4F00  }
.LBB2_1:
0x1a: {  	s9 =	simm.s32 $0x70;
	s10 =	simm.s32 $0x3C0  }
.LBB2_2:
0x1b: {  	p1 =	sne.s32 s10, $0x9FC0;
	[tilespmem:s9+$0x4F80] =	vst v0  }
0x1c: {  	[tilespmem:s9+$0x4F10] =	vst v0  }
0x1d: {  	[tilespmem:s9+$0x4F20] =	vst v0  }
.Ltmp0:
0x1e: {  	[tilespmem:s9+$0x4F30] =	vst v0;
	(pc) =	sbr.rel @p1 .LBB2_2-.Ltmp0, $4  }
0x1f: {  	[tilespmem:s9+$0x4F40] =	vst v0  }
0x20: {  	[tilespmem:s9+$0x4F50] =	vst v0  }
0x21: {  	[tilespmem:s9+$0x4F60] =	vst v0  }
0x22: {  	[tilespmem:s9+$0x4F70] =	vst v0;
	s9 =	sshra.s32 s10, $0x2;
	s10 =	sadd.s32 $0x200, s10  }
0x23: {  	[tilespmem:s9+$0x4F80] =	vst v0  }
0x24: {  	[tilespmem:s9+$0x4F10] =	vst v0  }
0x25: {  	[tilespmem:s9+$0x4F20] =	vst v0  }
0x26: {  	[tilespmem:s9+$0x4F30] =	vst v0  }
0x27: {  	[tilespmem:s9+$0x4F40] =	vst v0  }
0x28: {  	[tilespmem:s9+$0x4F50] =	vst v0  }
0x29: {  	[tilespmem:s9+$0x4F60] =	vst v0  }
0x2a: {  	[tilespmem:s9+$0x4F70] =	vst v0;
	s9 =	simm.s32 @p0 $0x4F80  }
0x2b: {  	[spmem:s12] =	stream.linear.scatter @p0 [tilespmem:s9], [sflag:$0x2], $0x2800, $0x38;
	v63 =	vld [tilespmem:$0x0]  }
0x2c: {  	s10 =	rddreg [dreg:$0x9]  }
0x2d: {  	[spmem:s10] =	stream.linear.scatter @p0 [tilespmem:s9], [sflag:$0x2], $0x2800, $0x38;
	v63 =	vld [tilespmem:$0x0]  }
0x2e: {  	s10 =	rddreg [dreg:$0xa]  }
0x2f: {  	[spmem:s10] =	stream.linear.scatter @p0 [tilespmem:s9], [sflag:$0x2], $0x2800, $0x38;
	v63 =	vld [tilespmem:$0x0]  }
0x30: {  	s10 =	rddreg [dreg:$0xc]  }
0x31: {  	[spmem:s10] =	stream.linear.scatter @p0 [tilespmem:s9], [sflag:$0x2], $0x2800, $0x38;
	v63 =	vld [tilespmem:$0x0]  }
0x32: {  	s10 =	rddreg [dreg:$0xd]  }
0x33: {  	[spmem:s10] =	stream.linear.scatter @p0 [tilespmem:s9], [sflag:$0x2], $0x2800, $0x38;
	v63 =	vld [tilespmem:$0x0]  }
0x34: {  	_ = 	snop  }
0x35: {  	[spmem:s18] =	stream.linear.scatter @p0 [tilespmem:s9], [sflag:$0x2], $0x2800, $0x38;
	v63 =	vld [tilespmem:$0x0]  }
0x36: {  	_ = 	snop  }
0x37: {  	[spmem:s19] =	stream.linear.scatter @p0 [tilespmem:s9], [sflag:$0x2], $0x1400, $0x38;
	v63 =	vld [tilespmem:$0x0]  }
0x38: {  	s9 =	simm.s32 @p0 $0x2  }
0x39: {  	_ =	swait.ge @p0 [sflag:s9], $0x2800  }
0x3a: {  	[sflag:s9] =	ssyncset.done @p0 $0x0  }
0x3b: {  	[sflag:s9] =	ssyncadd.s32 @p0 $0xFFFFD800  }
0x3c: {  	_ =	swait.ge @p0 [sflag:s9], $0x2800  }
0x3d: {  	[sflag:s9] =	ssyncset.done @p0 $0x0  }
0x3e: {  	[sflag:s9] =	ssyncadd.s32 @p0 $0xFFFFD800  }
0x3f: {  	_ =	swait.ge @p0 [sflag:s9], $0x2800  }
0x40: {  	[sflag:s9] =	ssyncset.done @p0 $0x0  }
0x41: {  	[sflag:s9] =	ssyncadd.s32 @p0 $0xFFFFD800  }
0x42: {  	_ =	swait.ge @p0 [sflag:s9], $0x2800  }
0x43: {  	[sflag:s9] =	ssyncset.done @p0 $0x0  }
0x44: {  	[sflag:s9] =	ssyncadd.s32 @p0 $0xFFFFD800  }
0x45: {  	_ =	swait.ge @p0 [sflag:s9], $0x2800  }
0x46: {  	[sflag:s9] =	ssyncset.done @p0 $0x0  }
0x47: {  	[sflag:s9] =	ssyncadd.s32 @p0 $0xFFFFD800  }
0x48: {  	_ =	swait.ge @p0 [sflag:s9], $0x2800  }
0x49: {  	[sflag:s9] =	ssyncset.done @p0 $0x0  }
0x4a: {  	[sflag:s9] =	ssyncadd.s32 @p0 $0xFFFFD800  }
0x4b: {  	_ =	swait.ge @p0 [sflag:s9], $0x1400  }
0x4c: {  	[sflag:s9] =	ssyncset.done @p0 $0x0  }
0x4d: {  	[sflag:s9] =	ssyncadd.s32 @p0 $0xFFFFEC00;
	s9 =	simm.s32 @!p0 $0x4F80  }
0x4e: {  	[spmem:s5] =	stream.linear.scatter @!p0 [tilespmem:s9], [sflag:$0x2], $0x2800, $0x38;
	v63 =	vld [tilespmem:$0x0]  }
0x4f: {  	s10 =	rddreg [dreg:$0x3]  }
0x50: {  	[spmem:s10] =	stream.linear.scatter @!p0 [tilespmem:s9], [sflag:$0x2], $0x2800, $0x38;
	v63 =	vld [tilespmem:$0x0]  }
0x51: {  	s10 =	rddreg [dreg:$0x4]  }
0x52: {  	[spmem:s10] =	stream.linear.scatter @!p0 [tilespmem:s9], [sflag:$0x2], $0x2800, $0x38;
	v63 =	vld [tilespmem:$0x0]  }
0x53: {  	s10 =	rddreg [dreg:$0x5]  }
0x54: {  	[spmem:s10] =	stream.linear.scatter @!p0 [tilespmem:s9], [sflag:$0x2], $0x2800, $0x38;
	v63 =	vld [tilespmem:$0x0]  }
0x55: {  	s10 =	rddreg [dreg:$0x6]  }
0x56: {  	[spmem:s10] =	stream.linear.scatter @!p0 [tilespmem:s9], [sflag:$0x2], $0x2800, $0x38;
	v63 =	vld [tilespmem:$0x0]  }
0x57: {  	s10 =	rddreg [dreg:$0x7]  }
0x58: {  	[spmem:s10] =	stream.linear.scatter @!p0 [tilespmem:s9], [sflag:$0x2], $0x2800, $0x38;
	v63 =	vld [tilespmem:$0x0]  }
0x59: {  	s10 =	rddreg [dreg:$0x8]  }
0x5a: {  	[spmem:s10] =	stream.linear.scatter @!p0 [tilespmem:s9], [sflag:$0x2], $0x2800, $0x38;
	v63 =	vld [tilespmem:$0x0]  }
0x5b: {  	s10 =	rddreg [dreg:$0xb]  }
0x5c: {  	[spmem:s10] =	stream.linear.scatter @!p0 [tilespmem:s9], [sflag:$0x2], $0x2400, $0x38;
	v63 =	vld [tilespmem:$0x0]  }
0x5d: {  	s9 =	simm.s32 @!p0 $0x2  }
0x5e: {  	_ =	swait.ge @!p0 [sflag:s9], $0x2800  }
0x5f: {  	[sflag:s9] =	ssyncset.done @!p0 $0x0  }
0x60: {  	[sflag:s9] =	ssyncadd.s32 @!p0 $0xFFFFD800  }
0x61: {  	_ =	swait.ge @!p0 [sflag:s9], $0x2800  }
0x62: {  	[sflag:s9] =	ssyncset.done @!p0 $0x0  }
0x63: {  	[sflag:s9] =	ssyncadd.s32 @!p0 $0xFFFFD800  }
0x64: {  	_ =	swait.ge @!p0 [sflag:s9], $0x2800  }
0x65: {  	[sflag:s9] =	ssyncset.done @!p0 $0x0  }
0x66: {  	[sflag:s9] =	ssyncadd.s32 @!p0 $0xFFFFD800  }
0x67: {  	_ =	swait.ge @!p0 [sflag:s9], $0x2800  }
0x68: {  	[sflag:s9] =	ssyncset.done @!p0 $0x0  }
0x69: {  	[sflag:s9] =	ssyncadd.s32 @!p0 $0xFFFFD800  }
0x6a: {  	_ =	swait.ge @!p0 [sflag:s9], $0x2800  }
0x6b: {  	[sflag:s9] =	ssyncset.done @!p0 $0x0  }
0x6c: {  	[sflag:s9] =	ssyncadd.s32 @!p0 $0xFFFFD800  }
0x6d: {  	_ =	swait.ge @!p0 [sflag:s9], $0x2800  }
0x6e: {  	[sflag:s9] =	ssyncset.done @!p0 $0x0  }
0x6f: {  	[sflag:s9] =	ssyncadd.s32 @!p0 $0xFFFFD800  }
0x70: {  	_ =	swait.ge @!p0 [sflag:s9], $0x2800  }
0x71: {  	[sflag:s9] =	ssyncset.done @!p0 $0x0  }
0x72: {  	[sflag:s9] =	ssyncadd.s32 @!p0 $0xFFFFD800  }
0x73: {  	_ =	swait.ge @!p0 [sflag:s9], $0x2400  }
0x74: {  	[sflag:s9] =	ssyncset.done @!p0 $0x0  }
0x75: {  	s13 =	simm.s32 $0x0;
	[sflag:s9] =	ssyncadd.s32 @!p0 $0xFFFFDC00  }
0x76: {  	[tilespmem:s13], [sflag:$0x3] =	stream.strided.gather [hbm4b:s20+s25], $0x2780, s26, s25, $0x38;
	v63 =	vld [tilespmem:$0x0]  }
0x77: {  	_ =	swait.ge [sflag:s28], $0x2780  }
0x78: {  	[sflag:s28] =	ssyncset.done $0x0  }
0x79: {  	s14 =	simm.s32 $0x2780;
	[sflag:s28] =	ssyncadd.s32 $0xFFFFD880  }
0x7a: {  	[tilespmem:s14], [sflag:$0x3] =	stream.strided.gather [hbm4b:s21+s25], $0x2780, s26, s25, $0x38;
	v63 =	vld [tilespmem:$0x0]  }
0x7b: {  	_ =	swait.ge [sflag:s28], $0x2780  }
0x7c: {  	[sflag:s28] =	ssyncset.done $0x0  }
0x7d: {  	[sflag:s28] =	ssyncadd.s32 $0xFFFFD880  }
0x7e: {  	[bflag:$0x0] =	sbarrier.arrive $0xFFFF  }
0x7f: {  	[tilespmem:s31], [sflag:$0x1] =	stream.indirect.gather [hbm4b:s4+s30], $0x80, s13, s30, $0xb8;
	v63 =	vld [tilespmem:$0x0]  }
0x80: {  	_ = 	snop  }
0x81: {  	[tilespmem:s0], [sflag:$0x1] =	stream.indirect.gather [hbm4b:s4+s30], $0x80, s30, s30, $0xb8;
	v63 =	vld [tilespmem:$0x0]  }
0x82: {  	s15 =	simm.s32 $0xA0;
	s16 =	simm.s32 $0x27F0  }
0x83: {  	[tilespmem:s29], [sflag:$0x1] =	stream.indirect.gather [hbm4b:s4+s30], $0x80, s15, s30, $0xb8;
	v63 =	vld [tilespmem:$0x0]  }
0x84: {  	v1 =	vld [tilespmem:s16+$0xFFFFFF90];
	_ =	sdelay $0x4  }
0x85: {  	[tilespmem:$0x4F00] =	vst v1  }
0x86: {  	v1 =	vld [tilespmem:s16+$0xFFFFFFA0];
	_ =	sdelay $0x4  }
0x87: {  	[tilespmem:$0x4F10] =	vst v1  }
0x88: {  	v1 =	vld [tilespmem:s16+$0xFFFFFFB0];
	_ =	sdelay $0x4  }
0x89: {  	[tilespmem:$0x4F20] =	vst v1  }
0x8a: {  	v1 =	vld [tilespmem:s16+$0xFFFFFFC0];
	_ =	sdelay $0x4  }
0x8b: {  	[tilespmem:$0x4F30] =	vst v1  }
0x8c: {  	v1 =	vld [tilespmem:s16+$0xFFFFFFD0];
	_ =	sdelay $0x4  }
0x8d: {  	[tilespmem:$0x4F40] =	vst v1  }
0x8e: {  	_ =	swait.ge [sflag:s1], $0x2800  }
0x8f: {  	[sflag:s1] =	ssyncset.done $0x0  }
0x90: {  	[sflag:s1] =	ssyncadd.s32 $0xFFFFD800  }
0x91: {  	[spmem:s2] =	stream.indirect.scatter.add.f32 [tilespmem:s31], [sflag:$0x2], $0x80, s6, s30, $0xb8;
	v63 =	vld [tilespmem:$0x0]  }
0x92: {  	_ =	swait.ge [sflag:s7], $0x2800  }
0x93: {  	[sflag:s7] =	ssyncset.done $0x0  }
0x94: {  	s11 =	simm.s32 $0xF0;
	[sflag:s7] =	ssyncadd.s32 $0xFFFFD800  }
0x95: {  	[tilespmem:s31], [sflag:$0x1] =	stream.indirect.gather [hbm4b:s4+s30], $0x80, s11, s30, $0xb8;
	v63 =	vld [tilespmem:$0x0]  }
0x96: {  	v1 =	vld [tilespmem:s16+$0xFFFFFFE0];
	_ =	sdelay $0x4  }
0x97: {  	[tilespmem:$0x4F00] =	vst v1  }
0x98: {  	v1 =	vld [tilespmem:s16+$0xFFFFFFF0];
	_ =	sdelay $0x4  }
0x99: {  	[tilespmem:$0x4F10] =	vst v1  }
0x9a: {  	v1 =	vld [tilespmem:s16+$0x0];
	_ =	sdelay $0x4  }
0x9b: {  	s9 =	sand.u32 $0x3FF0, s13;
	[tilespmem:$0x4F20] =	vst v1  }
0x9c: {  	v1 =	vld [tilespmem:s9+$0x2800];
	_ =	sdelay $0x4  }
0x9d: {  	[tilespmem:$0x4F30] =	vst v1  }
0x9e: {  	v1 =	vld [tilespmem:s16+$0x20];
	_ =	sdelay $0x4  }
0x9f: {  	[tilespmem:$0x4F40] =	vst v1  }
0xa0: {  	_ =	swait.ge [sflag:s1], $0x2800  }
0xa1: {  	[sflag:s1] =	ssyncset.done $0x0  }
0xa2: {  	[sflag:s1] =	ssyncadd.s32 $0xFFFFD800  }
0xa3: {  	[spmem:s2] =	stream.indirect.scatter.add.f32 [tilespmem:s0], [sflag:$0x2], $0x80, s6, s30, $0xb8;
	v63 =	vld [tilespmem:$0x0]  }
0xa4: {  	_ =	swait.ge [sflag:s7], $0x2800  }
0xa5: {  	[sflag:s7] =	ssyncset.done $0x0  }
0xa6: {  	s17 =	simm.s32 $0x140;
	[sflag:s7] =	ssyncadd.s32 $0xFFFFD800  }
0xa7: {  	[tilespmem:s0], [sflag:$0x1] =	stream.indirect.gather [hbm4b:s4+s30], $0x80, s17, s30, $0xb8;
	v63 =	vld [tilespmem:$0x0]  }
0xa8: {  	v1 =	vld [tilespmem:s16+$0x30];
	_ =	sdelay $0x4  }
0xa9: {  	[tilespmem:$0x4F00] =	vst v1  }
0xaa: {  	v1 =	vld [tilespmem:s16+$0x40];
	_ =	sdelay $0x4  }
0xab: {  	[tilespmem:$0x4F10] =	vst v1  }
0xac: {  	v1 =	vld [tilespmem:s16+$0x50];
	_ =	sdelay $0x4  }
0xad: {  	[tilespmem:$0x4F20] =	vst v1  }
0xae: {  	v1 =	vld [tilespmem:s16+$0x60];
	_ =	sdelay $0x4  }
0xaf: {  	[tilespmem:$0x4F30] =	vst v1  }
0xb0: {  	v1 =	vld [tilespmem:s16+$0x70];
	_ =	sdelay $0x4  }
0xb1: {  	[tilespmem:$0x4F40] =	vst v1  }
0xb2: {  	_ =	swait.ge [sflag:s1], $0x2800  }
0xb3: {  	[sflag:s1] =	ssyncset.done $0x0  }
0xb4: {  	[sflag:s1] =	ssyncadd.s32 $0xFFFFD800  }
0xb5: {  	[spmem:s2] =	stream.indirect.scatter.add.f32 [tilespmem:s29], [sflag:$0x2], $0x80, s6, s30, $0xb8;
	v63 =	vld [tilespmem:$0x0]  }
0xb6: {  	_ =	swait.ge [sflag:s7], $0x2800  }
0xb7: {  	s10 =	simm.s32 $0x280;
	s15 =	simm.s32 $0x190;
	[sflag:s7] =	ssyncset.done $0x0  }
0xb8: {  	s11 =	simm.s32 $0xF0;
	s9 =	simm.s32 $0x28E0;
	[sflag:s7] =	ssyncadd.s32 $0xFFFFD800  }
.LBB2_4:
0xb9: {  	s13 =	smov.u32 s10;
	s14 =	smov.u32 s9  }
0xba: {  	[tilespmem:s29], [sflag:$0x1] =	stream.indirect.gather [hbm4b:s4+s30], $0x80, s15, s30, $0xb8;
	v63 =	vld [tilespmem:$0x0]  }
0xbb: {  	p1 =	sne.s32 s11, $0x2490;
	s16 =	smov.u32 s11;
	s11 =	sadd.s32 $0xF0, s11;
	v1 =	vld [tilespmem:s9+$0xFFFFFF90]  }
0xbc: {  	s15 =	smov.u32 s10;
	_ =	sdelay $0x3  }
0xbd: {  	[tilespmem:$0x4F00] =	vst v1  }
0xbe: {  	v1 =	vld [tilespmem:s9+$0xFFFFFFA0];
	_ =	sdelay $0x4  }
0xbf: {  	[tilespmem:$0x4F10] =	vst v1  }
0xc0: {  	v1 =	vld [tilespmem:s9+$0xFFFFFFB0];
	_ =	sdelay $0x4  }
0xc1: {  	[tilespmem:$0x4F20] =	vst v1  }
0xc2: {  	v1 =	vld [tilespmem:s9+$0xFFFFFFC0];
	_ =	sdelay $0x4  }
0xc3: {  	[tilespmem:$0x4F30] =	vst v1  }
0xc4: {  	v1 =	vld [tilespmem:s9+$0xFFFFFFD0];
	_ =	sdelay $0x4  }
0xc5: {  	[tilespmem:$0x4F40] =	vst v1  }
0xc6: {  	_ =	swait.ge [sflag:s1], $0x2800  }
0xc7: {  	[sflag:s1] =	ssyncset.done $0x0  }
0xc8: {  	[sflag:s1] =	ssyncadd.s32 $0xFFFFD800  }
0xc9: {  	[spmem:s2] =	stream.indirect.scatter.add.f32 [tilespmem:s31], [sflag:$0x2], $0x80, s6, s30, $0xb8;
	v63 =	vld [tilespmem:$0x0]  }
0xca: {  	_ =	swait.ge [sflag:s7], $0x2800  }
0xcb: {  	[sflag:s7] =	ssyncset.done $0x0  }
0xcc: {  	s17 =	sadd.s32 $0xFFFFFF60, s10;
	[sflag:s7] =	ssyncadd.s32 $0xFFFFD800  }
0xcd: {  	[tilespmem:s31], [sflag:$0x1] =	stream.indirect.gather [hbm4b:s4+s30], $0x80, s17, s30, $0xb8;
	v63 =	vld [tilespmem:$0x0]  }
0xce: {  	v1 =	vld [tilespmem:s9+$0xFFFFFFE0];
	_ =	sdelay $0x4  }
0xcf: {  	[tilespmem:$0x4F00] =	vst v1  }
0xd0: {  	v1 =	vld [tilespmem:s9+$0xFFFFFFF0];
	_ =	sdelay $0x4  }
0xd1: {  	[tilespmem:$0x4F10] =	vst v1  }
0xd2: {  	v1 =	vld [tilespmem:s9+$0x0];
	_ =	sdelay $0x4  }
0xd3: {  	s16 =	sand.u32 $0x3FF0, s16;
	[tilespmem:$0x4F20] =	vst v1  }
0xd4: {  	v1 =	vld [tilespmem:s16+$0x2800];
	_ =	sdelay $0x4  }
0xd5: {  	[tilespmem:$0x4F30] =	vst v1  }
0xd6: {  	v1 =	vld [tilespmem:s9+$0x20];
	_ =	sdelay $0x4  }
0xd7: {  	[tilespmem:$0x4F40] =	vst v1  }
0xd8: {  	_ =	swait.ge [sflag:s1], $0x2800  }
0xd9: {  	[sflag:s1] =	ssyncset.done $0x0  }
0xda: {  	[sflag:s1] =	ssyncadd.s32 $0xFFFFD800  }
0xdb: {  	[spmem:s2] =	stream.indirect.scatter.add.f32 [tilespmem:s0], [sflag:$0x2], $0x80, s6, s30, $0xb8;
	v63 =	vld [tilespmem:$0x0]  }
0xdc: {  	_ =	swait.ge [sflag:s7], $0x2800  }
0xdd: {  	[sflag:s7] =	ssyncset.done $0x0  }
0xde: {  	s16 =	sadd.s32 $0xFFFFFFB0, s10;
	[sflag:s7] =	ssyncadd.s32 $0xFFFFD800  }
0xdf: {  	[tilespmem:s0], [sflag:$0x1] =	stream.indirect.gather [hbm4b:s4+s30], $0x80, s16, s30, $0xb8;
	v63 =	vld [tilespmem:$0x0]  }
0xe0: {  	v1 =	vld [tilespmem:s9+$0x30];
	_ =	sdelay $0x4  }
0xe1: {  	[tilespmem:$0x4F00] =	vst v1  }
0xe2: {  	v1 =	vld [tilespmem:s9+$0x40];
	_ =	sdelay $0x4  }
0xe3: {  	[tilespmem:$0x4F10] =	vst v1  }
0xe4: {  	v1 =	vld [tilespmem:s9+$0x50];
	_ =	sdelay $0x4  }
0xe5: {  	[tilespmem:$0x4F20] =	vst v1  }
0xe6: {  	v1 =	vld [tilespmem:s9+$0x60];
	_ =	sdelay $0x4  }
0xe7: {  	[tilespmem:$0x4F30] =	vst v1  }
0xe8: {  	v1 =	vld [tilespmem:s9+$0x70];
	_ =	sdelay $0x4  }
0xe9: {  	[tilespmem:$0x4F40] =	vst v1  }
0xea: {  	_ =	swait.ge [sflag:s1], $0x2800  }
0xeb: {  	[sflag:s1] =	ssyncset.done $0x0  }
.Ltmp1:
0xec: {  	[sflag:s1] =	ssyncadd.s32 $0xFFFFD800;
	(pc) =	sbr.rel @p1 .LBB2_4-.Ltmp1, $4  }
0xed: {  	[spmem:s2] =	stream.indirect.scatter.add.f32 [tilespmem:s29], [sflag:$0x2], $0x80, s6, s30, $0xb8;
	v63 =	vld [tilespmem:$0x0]  }
0xee: {  	_ =	swait.ge [sflag:s7], $0x2800  }
0xef: {  	[sflag:s7] =	ssyncset.done $0x0  }
0xf0: {  	s10 =	sadd.s32 $0xF0, s10;
	s9 =	sadd.s32 $0xF0, s9;
	[sflag:s7] =	ssyncadd.s32 $0xFFFFD800  }
0xf1: {  	[tilespmem:s29], [sflag:$0x1] =	stream.indirect.gather [hbm4b:s4+s30], $0x80, s15, s30, $0xb8;
	v63 =	vld [tilespmem:$0x0]  }
0xf2: {  	v1 =	vld [tilespmem:s14+$0x80];
	_ =	sdelay $0x4  }
0xf3: {  	[tilespmem:$0x4F00] =	vst v1  }
0xf4: {  	v1 =	vld [tilespmem:s14+$0x90];
	_ =	sdelay $0x4  }
0xf5: {  	[tilespmem:$0x4F10] =	vst v1  }
0xf6: {  	v1 =	vld [tilespmem:s14+$0xA0];
	_ =	sdelay $0x4  }
0xf7: {  	[tilespmem:$0x4F20] =	vst v1  }
0xf8: {  	v1 =	vld [tilespmem:s14+$0xB0];
	_ =	sdelay $0x4  }
0xf9: {  	[tilespmem:$0x4F30] =	vst v1  }
0xfa: {  	v1 =	vld [tilespmem:s14+$0xC0];
	_ =	sdelay $0x4  }
0xfb: {  	[tilespmem:$0x4F40] =	vst v1  }
0xfc: {  	_ =	swait.ge [sflag:s1], $0x2800  }
0xfd: {  	[sflag:s1] =	ssyncset.done $0x0  }
0xfe: {  	[sflag:s1] =	ssyncadd.s32 $0xFFFFD800  }
0xff: {  	[spmem:s2] =	stream.indirect.scatter.add.f32 [tilespmem:s31], [sflag:$0x2], $0x80, s6, s30, $0xb8;
	v63 =	vld [tilespmem:$0x0]  }
0x100: {  	_ =	swait.ge [sflag:s7], $0x2800  }
0x101: {  	[sflag:s7] =	ssyncset.done $0x0  }
0x102: {  	s9 =	sadd.s32 $0x50, s13;
	[sflag:s7] =	ssyncadd.s32 $0xFFFFD800  }
0x103: {  	[tilespmem:s31], [sflag:$0x1] =	stream.indirect.gather [hbm4b:s4+s30], $0x80, s9, s30, $0xb8;
	v63 =	vld [tilespmem:$0x0]  }
0x104: {  	v1 =	vld [tilespmem:s14+$0xD0];
	_ =	sdelay $0x4  }
0x105: {  	[tilespmem:$0x4F00] =	vst v1  }
0x106: {  	v1 =	vld [tilespmem:s14+$0xE0];
	_ =	sdelay $0x4  }
0x107: {  	v2 =	vld [tilespmem:$0x4D80];
	[tilespmem:$0x4F10] =	vst v1  }
0x108: {  	v1 =	vld [tilespmem:s14+$0xF0];
	_ =	sdelay $0x3  }
0x109: {  	[tilespmem:$0x4F30] =	vst v2  }
0x10a: {  	[tilespmem:$0x4F20] =	vst v1  }
0x10b: {  	v1 =	vld [tilespmem:s14+$0x110];
	_ =	sdelay $0x4  }
0x10c: {  	[tilespmem:$0x4F40] =	vst v1  }
0x10d: {  	_ =	swait.ge [sflag:s1], $0x2800  }
0x10e: {  	[sflag:s1] =	ssyncset.done $0x0  }
0x10f: {  	[sflag:s1] =	ssyncadd.s32 $0xFFFFD800  }
0x110: {  	[spmem:s2] =	stream.indirect.scatter.add.f32 [tilespmem:s0], [sflag:$0x2], $0x80, s6, s30, $0xb8;
	v63 =	vld [tilespmem:$0x0]  }
0x111: {  	_ =	swait.ge [sflag:s7], $0x2800  }
0x112: {  	[sflag:s7] =	ssyncset.done $0x0  }
0x113: {  	s17 =	sadd.s32 $0xA0, s13;
	[sflag:s7] =	ssyncadd.s32 $0xFFFFD800  }
0x114: {  	[tilespmem:s0], [sflag:$0x1] =	stream.indirect.gather [hbm4b:s4+s30], $0x80, s17, s30, $0xb8;
	v63 =	vld [tilespmem:$0x0]  }
0x115: {  	v1 =	vld [tilespmem:s14+$0x120];
	_ =	sdelay $0x4  }
0x116: {  	[tilespmem:$0x4F00] =	vst v1  }
0x117: {  	v1 =	vld [tilespmem:s14+$0x130];
	_ =	sdelay $0x4  }
0x118: {  	[tilespmem:$0x4F10] =	vst v1  }
0x119: {  	v1 =	vld [tilespmem:s14+$0x140];
	_ =	sdelay $0x4  }
0x11a: {  	[tilespmem:$0x4F20] =	vst v1  }
0x11b: {  	v1 =	vld [tilespmem:s14+$0x150];
	_ =	sdelay $0x4  }
0x11c: {  	[tilespmem:$0x4F30] =	vst v1  }
0x11d: {  	v1 =	vld [tilespmem:s14+$0x160];
	_ =	sdelay $0x4  }
0x11e: {  	[tilespmem:$0x4F40] =	vst v1  }
0x11f: {  	_ =	swait.ge [sflag:s1], $0x2800  }
0x120: {  	[sflag:s1] =	ssyncset.done $0x0  }
0x121: {  	[sflag:s1] =	ssyncadd.s32 $0xFFFFD800  }
0x122: {  	[spmem:s2] =	stream.indirect.scatter.add.f32 [tilespmem:s29], [sflag:$0x2], $0x80, s6, s30, $0xb8;
	v63 =	vld [tilespmem:$0x0]  }
0x123: {  	_ =	swait.ge [sflag:s7], $0x2800  }
0x124: {  	[sflag:s7] =	ssyncset.done $0x0  }
0x125: {  	[sflag:s7] =	ssyncadd.s32 $0xFFFFD800  }
0x126: {  	[tilespmem:s29], [sflag:$0x1] =	stream.indirect.gather [hbm4b:s4+s30], $0x80, s8, s30, $0xb8;
	v63 =	vld [tilespmem:$0x0]  }
0x127: {  	v1 =	vld [tilespmem:$0x4DF0]  }
0x128: {  	v2 =	vld [tilespmem:$0x4E00]  }
0x129: {  	v3 =	vld [tilespmem:$0x4E10]  }
0x12a: {  	v4 =	vld [tilespmem:$0x4E20]  }
0x12b: {  	v5 =	vld [tilespmem:$0x4E30]  }
0x12c: {  	[tilespmem:$0x4F00] =	vst v1  }
0x12d: {  	[tilespmem:$0x4F10] =	vst v2  }
0x12e: {  	[tilespmem:$0x4F20] =	vst v3  }
0x12f: {  	[tilespmem:$0x4F30] =	vst v4  }
0x130: {  	[tilespmem:$0x4F40] =	vst v5  }
0x131: {  	_ =	swait.ge [sflag:s1], $0x2800  }
0x132: {  	[sflag:s1] =	ssyncset.done $0x0  }
0x133: {  	[sflag:s1] =	ssyncadd.s32 $0xFFFFD800  }
0x134: {  	[spmem:s2] =	stream.indirect.scatter.add.f32 [tilespmem:s31], [sflag:$0x2], $0x80, s6, s30, $0xb8;
	v63 =	vld [tilespmem:$0x0]  }
0x135: {  	_ =	swait.ge [sflag:s7], $0x2800  }
0x136: {  	[sflag:s7] =	ssyncset.done $0x0  }
0x137: {  	[sflag:s7] =	ssyncadd.s32 $0xFFFFD800  }
0x138: {  	[tilespmem:s31], [sflag:$0x1] =	stream.indirect.gather [hbm4b:s4+s30], $0x80, s8, s30, $0xb8;
	v63 =	vld [tilespmem:$0x0]  }
0x139: {  	v1 =	vld [tilespmem:$0x4E40]  }
0x13a: {  	v2 =	vld [tilespmem:$0x4E50]  }
0x13b: {  	v3 =	vld [tilespmem:$0x4E60]  }
0x13c: {  	v61 =	vld [tilespmem:$0x4E70]  }
0x13d: {  	v62 =	vld [tilespmem:$0x4E80]  }
0x13e: {  	[tilespmem:$0x4F00] =	vst v1  }
0x13f: {  	[tilespmem:$0x4F10] =	vst v2  }
0x140: {  	[tilespmem:$0x4F20] =	vst v3  }
0x141: {  	[tilespmem:$0x4F30] =	vst v61  }
0x142: {  	[tilespmem:$0x4F40] =	vst v62  }
0x143: {  	_ =	swait.ge [sflag:s1], $0x2800  }
0x144: {  	[sflag:s1] =	ssyncset.done $0x0  }
0x145: {  	[sflag:s1] =	ssyncadd.s32 $0xFFFFD800  }
0x146: {  	[spmem:s2] =	stream.indirect.scatter.add.f32 [tilespmem:s0], [sflag:$0x2], $0x80, s6, s30, $0xb8;
	v63 =	vld [tilespmem:$0x0]  }
0x147: {  	_ =	swait.ge [sflag:s7], $0x2800  }
0x148: {  	[sflag:s7] =	ssyncset.done $0x0  }
0x149: {  	[sflag:s7] =	ssyncadd.s32 $0xFFFFD800  }
0x14a: {  	[tilespmem:s0], [sflag:$0x1] =	stream.indirect.gather [hbm4b:s4+s30], $0x80, s8, s30, $0xb8;
	v63 =	vld [tilespmem:$0x0]  }
0x14b: {  	_ =	swait.ge [sflag:s1], $0x2800  }
0x14c: {  	[sflag:s1] =	ssyncset.done $0x0  }
0x14d: {  	[sflag:s1] =	ssyncadd.s32 $0xFFFFD800  }
0x14e: {  	_ =	swait.ge [sflag:s1], $0x2800  }
0x14f: {  	[sflag:s1] =	ssyncset.done $0x0  }
0x150: {  	[sflag:s1] =	ssyncadd.s32 $0xFFFFD800  }
0x151: {  	_ =	swait.ge [sflag:s1], $0x2800  }
0x152: {  	[sflag:s1] =	ssyncset.done $0x0  }
0x153: {  	[sflag:s1] =	ssyncadd.s32 $0xFFFFD800  }
0x154: {  	s10 =	simm.s32 @p0 $0x1FC3;
	s9 =	sshrl.u32 @p0 s12, $0x3;
	[bflag:$0x0] =	sbarrier.arrive $0xFFFF  }
0x155: {  	[hbm:s23], [sflag:s10] =	dma.local @p0 [spmem:s9], $0x2080  }
0x156: {  	s9 =	simm.s32 @p0 $0x3  }
0x157: {  	s3 =	sadd.s32 $0x1, s3;
	s10 =	stileid.u32;
	_ =	swait.ge @p0 [sflag:s9], $0x2080  }
0x158: {  	p1 =	sne.s32 s3, s24;
	s10 =	sshll.u32 @!p0 s10, $0x6;
	[sflag:s9] =	ssyncset.done @p0 $0x0  }
0x159: {  	[sflag:s9] =	ssyncadd.s32 @p0 $0xFFFFDF80;
	s9 =	sor.u32 @!p0 $0x1C03, s10;
	s10 =	sshrl.u32 @!p0 s5, $0x3  }
0x15a: {  	[hbm:s22], [sflag:s9] =	dma.local @!p0 [spmem:s10], $0x2780  }
.Ltmp2:
0x15b: {  	_ = 	snop;
	(pc) =	sbr.rel @p1 .LBB2_1-.Ltmp2, $4  }
0x15c: {  	s9 =	simm.s32 @!p0 $0x3  }
0x15d: {  	_ =	swait.ge @!p0 [sflag:s9], $0x2780  }
0x15e: {  	[sflag:s9] =	ssyncset.done @!p0 $0x0  }
0x15f: {  	[sflag:s9] =	ssyncadd.s32 @!p0 $0xFFFFD880  }
0x160: {  	_ =	sfence.sel $0x180000  }
0x161: {  	[bflag:$0x0] =	sbarrier.arrive $0xFFFF  }
0x162: {  	_ =	strace $0x9000004D  }
0x163: {  	s0 =	stileid.u32;
	[bflag:$0x2] =	sbarrier.arrive $0xFFFF  }
0x164: {  	p0 =	sne.s32 s0, $0x0;
	s0 =	rddreg [dreg:$0x2]  }
0x165: {  	s0 =	sadd.s32 @!p0 $0x100000, s0  }
0x166: {  	[sflag:s0] =	ssyncadd.tile.s32 @!p0 $0x1;
	_ =	shalt  }
.Lfunc_end2:
_tile_overlayer_lowered:
.L_overlay_start_2:
0x167: {  	(tag) =	ssettag $0x2  }
0x168: {  	s0 =	rddreg [dreg:$0x0];
	s2 =	stileid.u32  }
0x169: {  	s1 =	rddreg [dreg:$0x1];
	p0 =	sne.s32 s2, $0x0  }
0x16a: {  	s3 =	rddreg [dreg:$0x2];
	[bflag:$0x3] =	sbarrier.arrive $0xFFFF;
	s2 =	simm.s32 @!p0 $0x1C03  }
0x16b: {  	[timem:s3], [sflag:s2] =	dma.local @!p0 [hbm:s0], s1  }
0x16c: {  	s0 =	simm.s32 @!p0 $0x3  }
0x16d: {  	_ =	swait.ge @!p0 [sflag:s0], s1  }
0x16e: {  	s1 =	ssub.s32 @!p0 $0x0, s1;
	[sflag:s0] =	ssyncset.done @!p0 $0x0  }
0x16f: {  	[sflag:s0] =	ssyncadd.s32 @!p0 s1  }
0x170: {  	[bflag:$0x3] =	sbarrier.arrive $0xFFFF  }
0x171: {  	_ =	shalt  }

// kernel: kernel.9.cloned.1.call-start
scs
__scs_entry_jumppad:
0x0: {  	(pc) =	sbr.rel $0x88, $3  }
0x1: {  	(tag) =	ssettag $0x0;
	lr =	simm.s32 $0x1  }
0x2: {  	[smem:$0x3F88] =	sst lr;
	_ =	strace $0xD0000000  }
0x3: {  	_ = 	snop  }
0x4: {  	_ = 	snop  }
0x5: {  	_ = 	snop  }
0x6: {  	_ = 	snop  }
0x7: {  	_ = 	snop  }
__scs_overlays_trampoline_lowered:
0x8: {  	[smem:$0x3F97] =	sst s0  }
0x9: {  	[smem:$0x3F98] =	sst s1  }
0xa: {  	[smem:$0x3F99] =	sst s2  }
0xb: {  	[smem:$0x3F9A] =	sst s3  }
0xc: {  	[smem:$0x3F9B] =	sst s4  }
0xd: {  	[smem:$0x3F9C] =	sst s5  }
0xe: {  	[smem:$0x3F9D] =	sst s6  }
0xf: {  	[smem:$0x3F9E] =	sst s7  }
0x10: {  	[smem:$0x3F9F] =	sst s8  }
0x11: {  	[smem:$0x3FA0] =	sst s9;
	s0 =	simm.s32 @!p0 $0x0  }
0x12: {  	s1 =	sld [smem:$0x3F86];
	s0 =	simm.s32 @p0 $0x1  }
0x13: {  	[smem:$0x3FA1] =	sst s0;
	s0 =	simm.s32 @!p1 $0x0  }
0x14: {  	s2 =	sld [smem:$0x3F85];
	s0 =	simm.s32 @p1 $0x1  }
0x15: {  	[smem:$0x3FA2] =	sst s0;
	s0 =	simm.s32 @!p2 $0x0  }
0x16: {  	s3 =	sld [smem:$0x3FDB];
	s0 =	simm.s32 @p2 $0x1  }
0x17: {  	s4 =	simm.s32 $0x1BF5;
	[smem:$0x3FA4] =	sst s0  }
0x18: {  	s0 =	sld [smem:$0x3F87];
	_ =	swait.ge [sflag:s4], $0x0  }
0x19: {  	s7 =	sld [smem:$0x3F88]  }
0x1a: {  	s8 =	sadd.s32 $0xFFFFE003, lr  }
0x1b: {  	s9 =	sadd.s32 $0xFFFFFEF7, lr;
	s5 =	simm.s32 $0xFFFFFFFF;
	p2 =	slt.u32 s8, $0xFFFFF086  }
0x1c: {  	p1 =	slt.u32 s9, $0xF7A;
	s5 =	simm.s32 @!p2 $0x0  }
0x1d: {  	s5 =	simm.s32 @p1 $0x1;
	p0 =	seq.s32 s7, s2  }
0x1e: {  	s7 =	smul.u32 @!p0 $0xF7A, s2;
	p2 =	seq.s32 @!p0 s5, $0x0  }
0x1f: {  	s9 =	smul.u32 $0xF7A, s1;
	s8 =	simm.s32 @!p0 $0x1BF5;
	p2 =	por !p2, p0  }
0x20: {  	[sflag:s8] =	ssyncset.s32 @!p0 $0xFFFFF086;
	s6 =	sadd.s32 @!p0 s3, s7;
	s7 =	simm.s32 @!p0 $0x108  }
0x21: {  	s3 =	sadd.s32 s3, s9;
	s6 =	sadd.s32 @!p0 $0x88, s6;
	s7 =	simm.s32 @p2 $0x1082  }
0x22: {  	[simem:s7], [sflag:s8] =	dma.local @!p0 [hbm:s6], $0xF7A  }
0x23: {  	s9 =	sor.u32 $0xD0000000, s2;
	s6 =	simm.s32 $0x108;
	_ =	swait.ge @!p0 [sflag:s8], $0x0  }
0x24: {  	s3 =	sadd.s32 $0x88, s3;
	s6 =	simm.s32 @!p1 $0x1082;
	[sflag:s4] =	ssyncset.s32 $0xFFFFF086  }
0x25: {  	[simem:s6], [sflag:s4] =	dma.local [hbm:s3], $0xF7A  }
0x26: {  	[smem:$0x3F88] =	sst s1;
	(tag) =	ssettag s2;
	_ =	strace s9  }
0x27: {  	s1 =	sld [smem:$0x3F98]  }
0x28: {  	s2 =	sld [smem:$0x3F99]  }
0x29: {  	s4 =	sld [smem:$0x3F9B]  }
0x2a: {  	p0 =	seq.s32 s5, $0x0;
	s5 =	sld [smem:$0x3F9C]  }
0x2b: {  	s6 =	sld [smem:$0x3F9D]  }
0x2c: {  	s7 =	sld [smem:$0x3F9E]  }
0x2d: {  	s3 =	simm.s32 $0x108;
	s8 =	sld [smem:$0x3F9F]  }
0x2e: {  	s3 =	simm.s32 @!p0 $0x1082;
	s9 =	sld [smem:$0x3FA0]  }
0x2f: {  	lr =	sadd.s32 s0, s3;
	s0 =	sld [smem:$0x3F97]  }
0x30: {  	s3 =	sld [smem:$0x3F9A]  }
0x31: {  	[smem:$0x3FA3] =	sst s10  }
0x32: {  	s10 =	sld [smem:$0x3FA1];
	_ =	sdelay $0x3  }
0x33: {  	p0 =	seq.s32 s10, $0x1;
	s10 =	sld [smem:$0x3FA3];
	_ =	sdelay $0x3  }
0x34: {  	[smem:$0x3FA3] =	sst s10  }
0x35: {  	s10 =	sld [smem:$0x3FA2];
	_ =	sdelay $0x3  }
0x36: {  	p1 =	seq.s32 s10, $0x1;
	s10 =	sld [smem:$0x3FA3];
	_ =	sdelay $0x3  }
0x37: {  	[smem:$0x3FA3] =	sst s10  }
0x38: {  	s10 =	sld [smem:$0x3FA4]  }
0x39: {  	_ = 	snop;
	(pc) =	sbr.ind lr, $3  }
0x3a: {  	_ = 	snop  }
0x3b: {  	_ = 	snop  }
0x3c: {  	p2 =	seq.s32 s10, $0x1;
	s10 =	sld [smem:$0x3FA3]  }
0x3d: {  	_ =	shalt  }
0x3e: {  	_ =	shalt  }
0x3f: {  	_ =	shalt  }
0x40: {  	_ =	shalt  }
0x41: {  	_ =	shalt  }
0x42: {  	_ =	shalt  }
0x43: {  	_ =	shalt  }
0x44: {  	_ =	shalt  }
0x45: {  	_ =	shalt  }
0x46: {  	_ =	shalt  }
0x47: {  	_ =	shalt  }
0x48: {  	_ =	shalt  }
0x49: {  	_ =	shalt  }
0x4a: {  	_ =	shalt  }
0x4b: {  	_ =	shalt  }
0x4c: {  	_ =	shalt  }
0x4d: {  	_ =	shalt  }
0x4e: {  	_ =	shalt  }
0x4f: {  	_ =	shalt  }
0x50: {  	_ =	shalt  }
0x51: {  	_ =	shalt  }
0x52: {  	_ =	shalt  }
0x53: {  	_ =	shalt  }
0x54: {  	_ =	shalt  }
0x55: {  	_ =	shalt  }
0x56: {  	_ =	shalt  }
0x57: {  	_ =	shalt  }
0x58: {  	_ =	shalt  }
0x59: {  	_ =	shalt  }
0x5a: {  	_ =	shalt  }
0x5b: {  	_ =	shalt  }
0x5c: {  	_ =	shalt  }
0x5d: {  	_ =	shalt  }
0x5e: {  	_ =	shalt  }
0x5f: {  	_ =	shalt  }
0x60: {  	_ =	shalt  }
0x61: {  	_ =	shalt  }
0x62: {  	_ =	shalt  }
0x63: {  	_ =	shalt  }
0x64: {  	_ =	shalt  }
0x65: {  	_ =	shalt  }
0x66: {  	_ =	shalt  }
0x67: {  	_ =	shalt  }
0x68: {  	_ =	shalt  }
0x69: {  	_ =	shalt  }
0x6a: {  	_ =	shalt  }
0x6b: {  	_ =	shalt  }
0x6c: {  	_ =	shalt  }
0x6d: {  	_ =	shalt  }
0x6e: {  	_ =	shalt  }
0x6f: {  	_ =	shalt  }
0x70: {  	_ =	shalt  }
0x71: {  	_ =	shalt  }
0x72: {  	_ =	shalt  }
0x73: {  	_ =	shalt  }
0x74: {  	_ =	shalt  }
0x75: {  	_ =	shalt  }
0x76: {  	_ =	shalt  }
0x77: {  	_ =	shalt  }
0x78: {  	_ =	shalt  }
0x79: {  	_ =	shalt  }
0x7a: {  	_ =	shalt  }
0x7b: {  	_ =	shalt  }
0x7c: {  	_ =	shalt  }
0x7d: {  	_ =	shalt  }
0x7e: {  	_ =	shalt  }
0x7f: {  	_ =	shalt  }
0x80: {  	_ =	shalt  }
0x81: {  	_ =	shalt  }
0x82: {  	_ =	shalt  }
0x83: {  	_ =	shalt  }
0x84: {  	_ =	shalt  }
0x85: {  	_ =	shalt  }
0x86: {  	_ =	shalt  }
0x87: {  	_ =	shalt  }
.Lfunc_end0:
.L_simem_size_0:
called_computation_lowered:
.L_overlay_start_0:
0x88: {  	s2 =	sld [smem:$0x3FD9]  }
0x89: {  	s3 =	sld [smem:$0x3FFE];
	_ =	sdelay $0x1  }
0x8a: {  	s1 =	srdreg.scid  }
0x8b: {  	s0 =	sand.u32 $0x1, s1  }
0x8c: {  	s17 =	sshll.u32 s0, $0xA;
	s2 =	sadd.s32 s3, s2  }
0x8d: {  	s2 =	sadd.s32 s2, s17  }
0x8e: {  	[smem:$0x3FAF] =	sst s2  }
0x8f: {  	_ = 	snop  }
0x90: {  	s2 =	sld [smem:$0x3FC9];
	(tm) =	ssettm $0x1  }
0x91: {  	s18 =	sld [smem:$0x3FFB];
	_ =	sdelay $0x3  }
0x92: {  	_ =	strace s18  }
0x93: {  	s3 =	sld [smem:$0x3FFC];
	_ =	sdelay $0x3  }
0x94: {  	_ =	strace s3  }
0x95: {  	s3 =	sld [smem:$0x3FFD];
	_ =	sdelay $0x3  }
0x96: {  	_ =	strace s3  }
0x97: {  	_ =	strace $0x8FFFFFFF  }
0x98: {  	s19 =	sld [smem:$0x3FDB];
	_ =	sdelay $0x1  }
0x99: {  	s4 =	simm.s32 $_scs_section_size  }
0x9a: {  	s5 =	simm.s32 $_size__tile_overlayer_lowered;
	s6 =	simm.s32 $_tile_overlayer_lowered  }
0x9b: {  	s22 =	simm.s32 $0x1BFF;
	s21 =	sshll.u32 s6, $0x1;
	s3 =	sadd.s32 s4, s19  }
0x9c: {  	s7 =	simm.s32 $0x0;
	s20 =	sshll.u32 s5, $0x1;
	s5 =	sadd.s32 s21, s3  }
0x9d: {  	[timem:s7], [sflag:s22] =	dma.local [hbm:s5], s20  }
0x9e: {  	_ =	swait.ge [sflag:s22], s20  }
0x9f: {  	s4 =	ssub.s32 $0x0, s20;
	[sflag:s22] =	ssyncset.done $0x0  }
0xa0: {  	[sflag:s22] =	ssyncadd.s32 s4;
	_ =	sdelay $0x1  }
0xa1: {  	s23 =	simm.s32 $0x1B8B  }
0xa2: {  	_ =	swait.ge [sflag:s23], $0x1  }
0xa3: {  	[sflag:s23] =	ssyncset.done $0x0  }
0xa4: {  	s25 =	simm.s32 $0x1B8E;
	s24 =	sld [smem:$0x3FFE];
	[sflag:s23] =	ssyncadd.s32 $0xFFFFFFFF  }
0xa5: {  	s26 =	simm.s32 $execute0_lowered;
	[smem:$0x3FD2] =	sst s25  }
0xa6: {  	s5 =	sshll.u32 s26, $0x1;
	_ =	strace $0x80000046;
	[dreg:$0x1] =	wrdreg $0xFFFFFFFF  }
0xa7: {  	s28 =	simm.s32 $_size_execute0_lowered;
	s3 =	sadd.s32 s3, s5;
	[dreg:$0x0] =	wrdreg $0x0  }
0xa8: {  	s5 =	sshll.u32 s28, $0x1;
	[dreg:$0x2] =	wrdreg s3  }
0xa9: {  	[dreg:$0x3] =	wrdreg s5  }
0xaa: {  	[dreg:$0x4] =	wrdreg $0xC0  }
0xab: {  	_ =	task [dreg:s7], $0x5FFFF  }
0xac: {  	[dreg:$0x1] =	wrdreg $0xFFFFFFFF  }
0xad: {  	[dreg:$0x0] =	wrdreg $0x60  }
0xae: {  	[dreg:$0x2] =	wrdreg s2  }
0xaf: {  	[dreg:$0x3] =	wrdreg s24  }
0xb0: {  	[dreg:$0x4] =	wrdreg $0xC7800  }
0xb1: {  	[dreg:$0x5] =	wrdreg $0x9  }
0xb2: {  	_ =	task.clear_ibuf [dreg:s7], $0x6FFFF;
	_ =	strace $0x90000046  }
0xb3: {  	s29 =	simm.s32 $0x9;
	_ =	strace $0x80000048  }
0xb4: {  	_ =	swait.ge [sflag:s29], $0x1  }
0xb5: {  	[sflag:s29] =	ssyncadd.s32 $0xFFFFFFFF  }
0xb6: {  	_ =	strace $0x90000048  }
0xb7: {  	_ =	sfence  }
0xb8: {  	s30 =	sld [smem:$0x0];
	_ =	sdelay $0x2  }
0xb9: {  	s31 =	sshll.u32 s1, $0xD;
	s1 =	sshrl.u32 s1, $0x2  }
0xba: {  	s3 =	sand.u32 $0x4000, s31;
	s1 =	sadd.s32 s1, s30  }
0xbb: {  	s0 =	sor.u32 s3, s0;
	s1 =	sshll.u32 s1, $0x11  }
0xbc: {  	s0 =	sor.u32 s1, s0  }
0xbd: {  	s0 =	sadd.s32 $0x8F2B, s0  }
0xbe: {  	[sflag:s0] =	ssyncadd.remote.s32 $0x1  }
0xbf: {  	_ =	sfence.sel $0xFFFF  }
0xc0: {  	[dreg:$0x0] =	wrdreg $0xFFFFFFFF;
	(pc) =	sbr.abs _section_cstart, $3  }
0xc1: {  	[dreg:$0x1] =	wrdreg $0xFFFFFFFF  }
0xc2: {  	_ =	task.clear_ibuf [dreg:s7], $0x2FFFF;
	_ =	strace $0x9FFFFFFF  }
0xc3: {  	(tm) =	ssettm $0x7FFFFFFF  }
tec
execute0_lowered:
.L_overlay_start_1:
0x0: {  	(tag) =	ssettag $0x1  }
0x1: {  	s1 =	rddreg [dreg:$0x0]  }
0x2: {  	s0 =	rddreg [dreg:$0x1]  }
0x3: {  	s3 =	rddreg [dreg:$0x2];
	s2 =	srdreg.scid  }
0x4: {  	s10 =	stileid.u32;
	s28 =	simm.s32 $0x3;
	s30 =	simm.s32 $0x50  }
0x5: {  	s31 =	simm.s32 $0x4F80;
	s29 =	simm.s32 $0x9F80;
	s2 =	sand.u32 $0x1, s2  }
0x6: {  	s4 =	sshrl.u32 s10, $0x2;
	s12 =	smul.u32 $0x4F000, s10;
	s8 =	sadd.s32 $0x12AC00, s3  }
0x7: {  	s5 =	sshll.u32 s10, $0x8;
	s9 =	sadd.s32 $0x12D400, s3;
	s23 =	sadd.s32 $0x12FC00, s3  }
0x8: {  	s24 =	smul.u32 $0x13C00, s10;
	s25 =	sadd.s32 $0x132400, s3;
	p0 =	seq.s32 s10, $0xF  }
0x9: {  	s6 =	smul.u32 $0x13C00, s4;
	s7 =	sshll.u32 s2, $0x7;
	s5 =	sand.u32 $0x300, s5  }
0xa: {  	s4 =	simm.s32 $0x0;
	s20 =	ssub.s32 $0x2, s2;
	s2 =	smul.u32 $0x138800, s2  }
0xb: {  	s5 =	sor.u32 s7, s5;
	[smem:$0x7FF] =	sst s4;
	s13 =	sshrl.u32 s12, $0x2  }
0xc: {  	s5 =	sor.u32 s6, s5;
	_ =	strace $0x80000047;
	[dreg:$0xa] =	wrdreg s8  }
0xd: {  	s12 =	sadd.s32 $0x128400, s3;
	[dreg:$0xb] =	wrdreg s9;
	s5 =	sshrl.u32 s5, $0x3  }
0xe: {  	[dreg:$0xd] =	wrdreg s23;
	s14 =	sadd.s32 s5, s0;
	s5 =	sadd.s32 s13, s3  }
0xf: {  	s21 =	sshrl.u32 s20, $0x1;
	[dreg:$0xe] =	wrdreg s25;
	s6 =	sadd.s32 $0x2800, s5  }
0x10: {  	s7 =	simm.s32 $0x2;
	s15 =	sadd.s32 $0x5000, s5;
	[dreg:$0x4] =	wrdreg s6  }
0x11: {  	s26 =	sadd.s32 s24, s2;
	s16 =	sadd.s32 $0x7800, s5;
	[dreg:$0x5] =	wrdreg s15  }
0x12: {  	s2 =	sshrl.u32 s2, $0x3;
	s17 =	sadd.s32 $0xA000, s5;
	[dreg:$0x6] =	wrdreg s16  }
0x13: {  	s25 =	simm.s32 $0x80;
	s18 =	sadd.s32 $0xC800, s5;
	[dreg:$0x7] =	wrdreg s17  }
0x14: {  	s8 =	sshrl.u32 s26, $0x3;
	s19 =	sadd.s32 $0xF000, s5;
	[dreg:$0x8] =	wrdreg s18  }
0x15: {  	s0 =	sadd.s32 $0x18400, s0;
	s22 =	sadd.s32 $0x11800, s5;
	[dreg:$0x9] =	wrdreg s19  }
0x16: {  	s26 =	simm.s32 $0x400;
	s2 =	sadd.s32 s0, s2;
	[dreg:$0xc] =	wrdreg s22  }
0x17: {  	s6 =	ssub.s32 s20, s21;
	s18 =	sadd.s32 $0x134C00, s3;
	s19 =	sadd.s32 $0x137400, s3  }
0x18: {  	s20 =	sadd.s32 $0x4800, s14;
	s21 =	sadd.s32 $0xE600, s14;
	s22 =	sadd.s32 s0, s8  }
0x19: {  	s23 =	sadd.s32 $0x25080, s2;
	s0 =	simm.s32 $0x7780;
	s2 =	simm.s32 $0x1  }
0x1a: {  	v0 =	vimm.f32 $0.0e+00;
	s8 =	simm.s32 $0x26C0;
	s24 =	smax.u32 s6, $0x1;
	s6 =	simm.s32 $0x4F00  }
.LBB2_1:
0x1b: {  	s9 =	simm.s32 $0x70;
	s10 =	simm.s32 $0x3C0  }
.LBB2_2:
0x1c: {  	p1 =	sne.s32 s10, $0x9FC0;
	[tilespmem:s9+$0x4F80] =	vst v0  }
0x1d: {  	[tilespmem:s9+$0x4F10] =	vst v0  }
0x1e: {  	[tilespmem:s9+$0x4F20] =	vst v0  }
.Ltmp0:
0x1f: {  	[tilespmem:s9+$0x4F30] =	vst v0;
	(pc) =	sbr.rel @p1 .LBB2_2-.Ltmp0, $4  }
0x20: {  	[tilespmem:s9+$0x4F40] =	vst v0  }
0x21: {  	[tilespmem:s9+$0x4F50] =	vst v0  }
0x22: {  	[tilespmem:s9+$0x4F60] =	vst v0  }
0x23: {  	[tilespmem:s9+$0x4F70] =	vst v0;
	s9 =	sshra.s32 s10, $0x2;
	s10 =	sadd.s32 $0x200, s10  }
0x24: {  	[tilespmem:s9+$0x4F80] =	vst v0  }
0x25: {  	[tilespmem:s9+$0x4F10] =	vst v0  }
0x26: {  	[tilespmem:s9+$0x4F20] =	vst v0  }
0x27: {  	[tilespmem:s9+$0x4F30] =	vst v0  }
0x28: {  	[tilespmem:s9+$0x4F40] =	vst v0  }
0x29: {  	[tilespmem:s9+$0x4F50] =	vst v0  }
0x2a: {  	[tilespmem:s9+$0x4F60] =	vst v0  }
0x2b: {  	[tilespmem:s9+$0x4F70] =	vst v0;
	s9 =	simm.s32 @p0 $0x4F80  }
0x2c: {  	[spmem:s12] =	stream.linear.scatter @p0 [tilespmem:s9], [sflag:$0x2], $0x2800, $0x38;
	v63 =	vld [tilespmem:$0x0]  }
0x2d: {  	s10 =	rddreg [dreg:$0xa]  }
0x2e: {  	[spmem:s10] =	stream.linear.scatter @p0 [tilespmem:s9], [sflag:$0x2], $0x2800, $0x38;
	v63 =	vld [tilespmem:$0x0]  }
0x2f: {  	s10 =	rddreg [dreg:$0xb]  }
0x30: {  	[spmem:s10] =	stream.linear.scatter @p0 [tilespmem:s9], [sflag:$0x2], $0x2800, $0x38;
	v63 =	vld [tilespmem:$0x0]  }
0x31: {  	s10 =	rddreg [dreg:$0xd]  }
0x32: {  	[spmem:s10] =	stream.linear.scatter @p0 [tilespmem:s9], [sflag:$0x2], $0x2800, $0x38;
	v63 =	vld [tilespmem:$0x0]  }
0x33: {  	s10 =	rddreg [dreg:$0xe]  }
0x34: {  	[spmem:s10] =	stream.linear.scatter @p0 [tilespmem:s9], [sflag:$0x2], $0x2800, $0x38;
	v63 =	vld [tilespmem:$0x0]  }
0x35: {  	_ = 	snop  }
0x36: {  	[spmem:s18] =	stream.linear.scatter @p0 [tilespmem:s9], [sflag:$0x2], $0x2800, $0x38;
	v63 =	vld [tilespmem:$0x0]  }
0x37: {  	_ = 	snop  }
0x38: {  	[spmem:s19] =	stream.linear.scatter @p0 [tilespmem:s9], [sflag:$0x2], $0x1400, $0x38;
	v63 =	vld [tilespmem:$0x0]  }
0x39: {  	s9 =	simm.s32 @p0 $0x2  }
0x3a: {  	_ =	swait.ge @p0 [sflag:s9], $0x2800  }
0x3b: {  	[sflag:s9] =	ssyncset.done @p0 $0x0  }
0x3c: {  	[sflag:s9] =	ssyncadd.s32 @p0 $0xFFFFD800  }
0x3d: {  	_ =	swait.ge @p0 [sflag:s9], $0x2800  }
0x3e: {  	[sflag:s9] =	ssyncset.done @p0 $0x0  }
0x3f: {  	[sflag:s9] =	ssyncadd.s32 @p0 $0xFFFFD800  }
0x40: {  	_ =	swait.ge @p0 [sflag:s9], $0x2800  }
0x41: {  	[sflag:s9] =	ssyncset.done @p0 $0x0  }
0x42: {  	[sflag:s9] =	ssyncadd.s32 @p0 $0xFFFFD800  }
0x43: {  	_ =	swait.ge @p0 [sflag:s9], $0x2800  }
0x44: {  	[sflag:s9] =	ssyncset.done @p0 $0x0  }
0x45: {  	[sflag:s9] =	ssyncadd.s32 @p0 $0xFFFFD800  }
0x46: {  	_ =	swait.ge @p0 [sflag:s9], $0x2800  }
0x47: {  	[sflag:s9] =	ssyncset.done @p0 $0x0  }
0x48: {  	[sflag:s9] =	ssyncadd.s32 @p0 $0xFFFFD800  }
0x49: {  	_ =	swait.ge @p0 [sflag:s9], $0x2800  }
0x4a: {  	[sflag:s9] =	ssyncset.done @p0 $0x0  }
0x4b: {  	[sflag:s9] =	ssyncadd.s32 @p0 $0xFFFFD800  }
0x4c: {  	_ =	swait.ge @p0 [sflag:s9], $0x1400  }
0x4d: {  	[sflag:s9] =	ssyncset.done @p0 $0x0  }
0x4e: {  	[sflag:s9] =	ssyncadd.s32 @p0 $0xFFFFEC00;
	s9 =	simm.s32 @!p0 $0x4F80  }
0x4f: {  	[spmem:s5] =	stream.linear.scatter @!p0 [tilespmem:s9], [sflag:$0x2], $0x2800, $0x38;
	v63 =	vld [tilespmem:$0x0]  }
0x50: {  	s10 =	rddreg [dreg:$0x4]  }
0x51: {  	[spmem:s10] =	stream.linear.scatter @!p0 [tilespmem:s9], [sflag:$0x2], $0x2800, $0x38;
	v63 =	vld [tilespmem:$0x0]  }
0x52: {  	s10 =	rddreg [dreg:$0x5]  }
0x53: {  	[spmem:s10] =	stream.linear.scatter @!p0 [tilespmem:s9], [sflag:$0x2], $0x2800, $0x38;
	v63 =	vld [tilespmem:$0x0]  }
0x54: {  	s10 =	rddreg [dreg:$0x6]  }
0x55: {  	[spmem:s10] =	stream.linear.scatter @!p0 [tilespmem:s9], [sflag:$0x2], $0x2800, $0x38;
	v63 =	vld [tilespmem:$0x0]  }
0x56: {  	s10 =	rddreg [dreg:$0x7]  }
0x57: {  	[spmem:s10] =	stream.linear.scatter @!p0 [tilespmem:s9], [sflag:$0x2], $0x2800, $0x38;
	v63 =	vld [tilespmem:$0x0]  }
0x58: {  	s10 =	rddreg [dreg:$0x8]  }
0x59: {  	[spmem:s10] =	stream.linear.scatter @!p0 [tilespmem:s9], [sflag:$0x2], $0x2800, $0x38;
	v63 =	vld [tilespmem:$0x0]  }
0x5a: {  	s10 =	rddreg [dreg:$0x9]  }
0x5b: {  	[spmem:s10] =	stream.linear.scatter @!p0 [tilespmem:s9], [sflag:$0x2], $0x2800, $0x38;
	v63 =	vld [tilespmem:$0x0]  }
0x5c: {  	s10 =	rddreg [dreg:$0xc]  }
0x5d: {  	[spmem:s10] =	stream.linear.scatter @!p0 [tilespmem:s9], [sflag:$0x2], $0x2400, $0x38;
	v63 =	vld [tilespmem:$0x0]  }
0x5e: {  	s9 =	simm.s32 @!p0 $0x2  }
0x5f: {  	_ =	swait.ge @!p0 [sflag:s9], $0x2800  }
0x60: {  	[sflag:s9] =	ssyncset.done @!p0 $0x0  }
0x61: {  	[sflag:s9] =	ssyncadd.s32 @!p0 $0xFFFFD800  }
0x62: {  	_ =	swait.ge @!p0 [sflag:s9], $0x2800  }
0x63: {  	[sflag:s9] =	ssyncset.done @!p0 $0x0  }
0x64: {  	[sflag:s9] =	ssyncadd.s32 @!p0 $0xFFFFD800  }
0x65: {  	_ =	swait.ge @!p0 [sflag:s9], $0x2800  }
0x66: {  	[sflag:s9] =	ssyncset.done @!p0 $0x0  }
0x67: {  	[sflag:s9] =	ssyncadd.s32 @!p0 $0xFFFFD800  }
0x68: {  	_ =	swait.ge @!p0 [sflag:s9], $0x2800  }
0x69: {  	[sflag:s9] =	ssyncset.done @!p0 $0x0  }
0x6a: {  	[sflag:s9] =	ssyncadd.s32 @!p0 $0xFFFFD800  }
0x6b: {  	_ =	swait.ge @!p0 [sflag:s9], $0x2800  }
0x6c: {  	[sflag:s9] =	ssyncset.done @!p0 $0x0  }
0x6d: {  	[sflag:s9] =	ssyncadd.s32 @!p0 $0xFFFFD800  }
0x6e: {  	_ =	swait.ge @!p0 [sflag:s9], $0x2800  }
0x6f: {  	[sflag:s9] =	ssyncset.done @!p0 $0x0  }
0x70: {  	[sflag:s9] =	ssyncadd.s32 @!p0 $0xFFFFD800  }
0x71: {  	_ =	swait.ge @!p0 [sflag:s9], $0x2800  }
0x72: {  	[sflag:s9] =	ssyncset.done @!p0 $0x0  }
0x73: {  	[sflag:s9] =	ssyncadd.s32 @!p0 $0xFFFFD800  }
0x74: {  	_ =	swait.ge @!p0 [sflag:s9], $0x2400  }
0x75: {  	[sflag:s9] =	ssyncset.done @!p0 $0x0  }
0x76: {  	s13 =	simm.s32 $0x0;
	[sflag:s9] =	ssyncadd.s32 @!p0 $0xFFFFDC00  }
0x77: {  	[tilespmem:s13], [sflag:$0x3] =	stream.strided.gather [hbm4b:s20+s25], $0x2780, s26, s25, $0x38;
	v63 =	vld [tilespmem:$0x0]  }
0x78: {  	_ =	swait.ge [sflag:s28], $0x2780  }
0x79: {  	[sflag:s28] =	ssyncset.done $0x0  }
0x7a: {  	s14 =	simm.s32 $0x2780;
	[sflag:s28] =	ssyncadd.s32 $0xFFFFD880  }
0x7b: {  	[tilespmem:s14], [sflag:$0x3] =	stream.strided.gather [hbm4b:s21+s25], $0x2780, s26, s25, $0x38;
	v63 =	vld [tilespmem:$0x0]  }
0x7c: {  	_ =	swait.ge [sflag:s28], $0x2780  }
0x7d: {  	[sflag:s28] =	ssyncset.done $0x0  }
0x7e: {  	[sflag:s28] =	ssyncadd.s32 $0xFFFFD880  }
0x7f: {  	[bflag:$0x0] =	sbarrier.arrive $0xFFFF  }
0x80: {  	[tilespmem:s31], [sflag:$0x1] =	stream.indirect.gather [hbm4b:s1+s30], $0x80, s13, s30, $0xb8;
	v63 =	vld [tilespmem:$0x0]  }
0x81: {  	_ = 	snop  }
0x82: {  	[tilespmem:s0], [sflag:$0x1] =	stream.indirect.gather [hbm4b:s1+s30], $0x80, s30, s30, $0xb8;
	v63 =	vld [tilespmem:$0x0]  }
0x83: {  	s15 =	simm.s32 $0xA0;
	s16 =	simm.s32 $0x27F0  }
0x84: {  	[tilespmem:s29], [sflag:$0x1] =	stream.indirect.gather [hbm4b:s1+s30], $0x80, s15, s30, $0xb8;
	v63 =	vld [tilespmem:$0x0]  }
0x85: {  	v1 =	vld [tilespmem:s16+$0xFFFFFF90];
	_ =	sdelay $0x4  }
0x86: {  	[tilespmem:$0x4F00] =	vst v1  }
0x87: {  	v1 =	vld [tilespmem:s16+$0xFFFFFFA0];
	_ =	sdelay $0x4  }
0x88: {  	[tilespmem:$0x4F10] =	vst v1  }
0x89: {  	v1 =	vld [tilespmem:s16+$0xFFFFFFB0];
	_ =	sdelay $0x4  }
0x8a: {  	[tilespmem:$0x4F20] =	vst v1  }
0x8b: {  	v1 =	vld [tilespmem:s16+$0xFFFFFFC0];
	_ =	sdelay $0x4  }
0x8c: {  	[tilespmem:$0x4F30] =	vst v1  }
0x8d: {  	v1 =	vld [tilespmem:s16+$0xFFFFFFD0];
	_ =	sdelay $0x4  }
0x8e: {  	[tilespmem:$0x4F40] =	vst v1  }
0x8f: {  	_ =	swait.ge [sflag:s2], $0x2800  }
0x90: {  	[sflag:s2] =	ssyncset.done $0x0  }
0x91: {  	[sflag:s2] =	ssyncadd.s32 $0xFFFFD800  }
0x92: {  	[spmem:s3] =	stream.indirect.scatter.add.f32 [tilespmem:s31], [sflag:$0x2], $0x80, s6, s30, $0xb8;
	v63 =	vld [tilespmem:$0x0]  }
0x93: {  	_ =	swait.ge [sflag:s7], $0x2800  }
0x94: {  	[sflag:s7] =	ssyncset.done $0x0  }
0x95: {  	s11 =	simm.s32 $0xF0;
	[sflag:s7] =	ssyncadd.s32 $0xFFFFD800  }
0x96: {  	[tilespmem:s31], [sflag:$0x1] =	stream.indirect.gather [hbm4b:s1+s30], $0x80, s11, s30, $0xb8;
	v63 =	vld [tilespmem:$0x0]  }
0x97: {  	v1 =	vld [tilespmem:s16+$0xFFFFFFE0];
	_ =	sdelay $0x4  }
0x98: {  	[tilespmem:$0x4F00] =	vst v1  }
0x99: {  	v1 =	vld [tilespmem:s16+$0xFFFFFFF0];
	_ =	sdelay $0x4  }
0x9a: {  	[tilespmem:$0x4F10] =	vst v1  }
0x9b: {  	v1 =	vld [tilespmem:s16+$0x0];
	_ =	sdelay $0x4  }
0x9c: {  	s9 =	sand.u32 $0x3FF0, s13;
	[tilespmem:$0x4F20] =	vst v1  }
0x9d: {  	v1 =	vld [tilespmem:s9+$0x2800];
	_ =	sdelay $0x4  }
0x9e: {  	[tilespmem:$0x4F30] =	vst v1  }
0x9f: {  	v1 =	vld [tilespmem:s16+$0x20];
	_ =	sdelay $0x4  }
0xa0: {  	[tilespmem:$0x4F40] =	vst v1  }
0xa1: {  	_ =	swait.ge [sflag:s2], $0x2800  }
0xa2: {  	[sflag:s2] =	ssyncset.done $0x0  }
0xa3: {  	[sflag:s2] =	ssyncadd.s32 $0xFFFFD800  }
0xa4: {  	[spmem:s3] =	stream.indirect.scatter.add.f32 [tilespmem:s0], [sflag:$0x2], $0x80, s6, s30, $0xb8;
	v63 =	vld [tilespmem:$0x0]  }
0xa5: {  	_ =	swait.ge [sflag:s7], $0x2800  }
0xa6: {  	[sflag:s7] =	ssyncset.done $0x0  }
0xa7: {  	s17 =	simm.s32 $0x140;
	[sflag:s7] =	ssyncadd.s32 $0xFFFFD800  }
0xa8: {  	[tilespmem:s0], [sflag:$0x1] =	stream.indirect.gather [hbm4b:s1+s30], $0x80, s17, s30, $0xb8;
	v63 =	vld [tilespmem:$0x0]  }
0xa9: {  	v1 =	vld [tilespmem:s16+$0x30];
	_ =	sdelay $0x4  }
0xaa: {  	[tilespmem:$0x4F00] =	vst v1  }
0xab: {  	v1 =	vld [tilespmem:s16+$0x40];
	_ =	sdelay $0x4  }
0xac: {  	[tilespmem:$0x4F10] =	vst v1  }
0xad: {  	v1 =	vld [tilespmem:s16+$0x50];
	_ =	sdelay $0x4  }
0xae: {  	[tilespmem:$0x4F20] =	vst v1  }
0xaf: {  	v1 =	vld [tilespmem:s16+$0x60];
	_ =	sdelay $0x4  }
0xb0: {  	[tilespmem:$0x4F30] =	vst v1  }
0xb1: {  	v1 =	vld [tilespmem:s16+$0x70];
	_ =	sdelay $0x4  }
0xb2: {  	[tilespmem:$0x4F40] =	vst v1  }
0xb3: {  	_ =	swait.ge [sflag:s2], $0x2800  }
0xb4: {  	[sflag:s2] =	ssyncset.done $0x0  }
0xb5: {  	[sflag:s2] =	ssyncadd.s32 $0xFFFFD800  }
0xb6: {  	[spmem:s3] =	stream.indirect.scatter.add.f32 [tilespmem:s29], [sflag:$0x2], $0x80, s6, s30, $0xb8;
	v63 =	vld [tilespmem:$0x0]  }
0xb7: {  	_ =	swait.ge [sflag:s7], $0x2800  }
0xb8: {  	s10 =	simm.s32 $0x280;
	s15 =	simm.s32 $0x190;
	[sflag:s7] =	ssyncset.done $0x0  }
0xb9: {  	s11 =	simm.s32 $0xF0;
	s9 =	simm.s32 $0x28E0;
	[sflag:s7] =	ssyncadd.s32 $0xFFFFD800  }
.LBB2_4:
0xba: {  	s13 =	smov.u32 s10;
	s14 =	smov.u32 s9  }
0xbb: {  	[tilespmem:s29], [sflag:$0x1] =	stream.indirect.gather [hbm4b:s1+s30], $0x80, s15, s30, $0xb8;
	v63 =	vld [tilespmem:$0x0]  }
0xbc: {  	p1 =	sne.s32 s11, $0x2490;
	s16 =	smov.u32 s11;
	s11 =	sadd.s32 $0xF0, s11;
	v1 =	vld [tilespmem:s9+$0xFFFFFF90]  }
0xbd: {  	s15 =	smov.u32 s10;
	_ =	sdelay $0x3  }
0xbe: {  	[tilespmem:$0x4F00] =	vst v1  }
0xbf: {  	v1 =	vld [tilespmem:s9+$0xFFFFFFA0];
	_ =	sdelay $0x4  }
0xc0: {  	[tilespmem:$0x4F10] =	vst v1  }
0xc1: {  	v1 =	vld [tilespmem:s9+$0xFFFFFFB0];
	_ =	sdelay $0x4  }
0xc2: {  	[tilespmem:$0x4F20] =	vst v1  }
0xc3: {  	v1 =	vld [tilespmem:s9+$0xFFFFFFC0];
	_ =	sdelay $0x4  }
0xc4: {  	[tilespmem:$0x4F30] =	vst v1  }
0xc5: {  	v1 =	vld [tilespmem:s9+$0xFFFFFFD0];
	_ =	sdelay $0x4  }
0xc6: {  	[tilespmem:$0x4F40] =	vst v1  }
0xc7: {  	_ =	swait.ge [sflag:s2], $0x2800  }
0xc8: {  	[sflag:s2] =	ssyncset.done $0x0  }
0xc9: {  	[sflag:s2] =	ssyncadd.s32 $0xFFFFD800  }
0xca: {  	[spmem:s3] =	stream.indirect.scatter.add.f32 [tilespmem:s31], [sflag:$0x2], $0x80, s6, s30, $0xb8;
	v63 =	vld [tilespmem:$0x0]  }
0xcb: {  	_ =	swait.ge [sflag:s7], $0x2800  }
0xcc: {  	[sflag:s7] =	ssyncset.done $0x0  }
0xcd: {  	s17 =	sadd.s32 $0xFFFFFF60, s10;
	[sflag:s7] =	ssyncadd.s32 $0xFFFFD800  }
0xce: {  	[tilespmem:s31], [sflag:$0x1] =	stream.indirect.gather [hbm4b:s1+s30], $0x80, s17, s30, $0xb8;
	v63 =	vld [tilespmem:$0x0]  }
0xcf: {  	v1 =	vld [tilespmem:s9+$0xFFFFFFE0];
	_ =	sdelay $0x4  }
0xd0: {  	[tilespmem:$0x4F00] =	vst v1  }
0xd1: {  	v1 =	vld [tilespmem:s9+$0xFFFFFFF0];
	_ =	sdelay $0x4  }
0xd2: {  	[tilespmem:$0x4F10] =	vst v1  }
0xd3: {  	v1 =	vld [tilespmem:s9+$0x0];
	_ =	sdelay $0x4  }
0xd4: {  	s16 =	sand.u32 $0x3FF0, s16;
	[tilespmem:$0x4F20] =	vst v1  }
0xd5: {  	v1 =	vld [tilespmem:s16+$0x2800];
	_ =	sdelay $0x4  }
0xd6: {  	[tilespmem:$0x4F30] =	vst v1  }
0xd7: {  	v1 =	vld [tilespmem:s9+$0x20];
	_ =	sdelay $0x4  }
0xd8: {  	[tilespmem:$0x4F40] =	vst v1  }
0xd9: {  	_ =	swait.ge [sflag:s2], $0x2800  }
0xda: {  	[sflag:s2] =	ssyncset.done $0x0  }
0xdb: {  	[sflag:s2] =	ssyncadd.s32 $0xFFFFD800  }
0xdc: {  	[spmem:s3] =	stream.indirect.scatter.add.f32 [tilespmem:s0], [sflag:$0x2], $0x80, s6, s30, $0xb8;
	v63 =	vld [tilespmem:$0x0]  }
0xdd: {  	_ =	swait.ge [sflag:s7], $0x2800  }
0xde: {  	[sflag:s7] =	ssyncset.done $0x0  }
0xdf: {  	s16 =	sadd.s32 $0xFFFFFFB0, s10;
	[sflag:s7] =	ssyncadd.s32 $0xFFFFD800  }
0xe0: {  	[tilespmem:s0], [sflag:$0x1] =	stream.indirect.gather [hbm4b:s1+s30], $0x80, s16, s30, $0xb8;
	v63 =	vld [tilespmem:$0x0]  }
0xe1: {  	v1 =	vld [tilespmem:s9+$0x30];
	_ =	sdelay $0x4  }
0xe2: {  	[tilespmem:$0x4F00] =	vst v1  }
0xe3: {  	v1 =	vld [tilespmem:s9+$0x40];
	_ =	sdelay $0x4  }
0xe4: {  	[tilespmem:$0x4F10] =	vst v1  }
0xe5: {  	v1 =	vld [tilespmem:s9+$0x50];
	_ =	sdelay $0x4  }
0xe6: {  	[tilespmem:$0x4F20] =	vst v1  }
0xe7: {  	v1 =	vld [tilespmem:s9+$0x60];
	_ =	sdelay $0x4  }
0xe8: {  	[tilespmem:$0x4F30] =	vst v1  }
0xe9: {  	v1 =	vld [tilespmem:s9+$0x70];
	_ =	sdelay $0x4  }
0xea: {  	[tilespmem:$0x4F40] =	vst v1  }
0xeb: {  	_ =	swait.ge [sflag:s2], $0x2800  }
0xec: {  	[sflag:s2] =	ssyncset.done $0x0  }
.Ltmp1:
0xed: {  	[sflag:s2] =	ssyncadd.s32 $0xFFFFD800;
	(pc) =	sbr.rel @p1 .LBB2_4-.Ltmp1, $4  }
0xee: {  	[spmem:s3] =	stream.indirect.scatter.add.f32 [tilespmem:s29], [sflag:$0x2], $0x80, s6, s30, $0xb8;
	v63 =	vld [tilespmem:$0x0]  }
0xef: {  	_ =	swait.ge [sflag:s7], $0x2800  }
0xf0: {  	[sflag:s7] =	ssyncset.done $0x0  }
0xf1: {  	s10 =	sadd.s32 $0xF0, s10;
	s9 =	sadd.s32 $0xF0, s9;
	[sflag:s7] =	ssyncadd.s32 $0xFFFFD800  }
0xf2: {  	[tilespmem:s29], [sflag:$0x1] =	stream.indirect.gather [hbm4b:s1+s30], $0x80, s15, s30, $0xb8;
	v63 =	vld [tilespmem:$0x0]  }
0xf3: {  	v1 =	vld [tilespmem:s14+$0x80];
	_ =	sdelay $0x4  }
0xf4: {  	[tilespmem:$0x4F00] =	vst v1  }
0xf5: {  	v1 =	vld [tilespmem:s14+$0x90];
	_ =	sdelay $0x4  }
0xf6: {  	[tilespmem:$0x4F10] =	vst v1  }
0xf7: {  	v1 =	vld [tilespmem:s14+$0xA0];
	_ =	sdelay $0x4  }
0xf8: {  	[tilespmem:$0x4F20] =	vst v1  }
0xf9: {  	v1 =	vld [tilespmem:s14+$0xB0];
	_ =	sdelay $0x4  }
0xfa: {  	[tilespmem:$0x4F30] =	vst v1  }
0xfb: {  	v1 =	vld [tilespmem:s14+$0xC0];
	_ =	sdelay $0x4  }
0xfc: {  	[tilespmem:$0x4F40] =	vst v1  }
0xfd: {  	_ =	swait.ge [sflag:s2], $0x2800  }
0xfe: {  	[sflag:s2] =	ssyncset.done $0x0  }
0xff: {  	[sflag:s2] =	ssyncadd.s32 $0xFFFFD800  }
0x100: {  	[spmem:s3] =	stream.indirect.scatter.add.f32 [tilespmem:s31], [sflag:$0x2], $0x80, s6, s30, $0xb8;
	v63 =	vld [tilespmem:$0x0]  }
0x101: {  	_ =	swait.ge [sflag:s7], $0x2800  }
0x102: {  	[sflag:s7] =	ssyncset.done $0x0  }
0x103: {  	s9 =	sadd.s32 $0x50, s13;
	[sflag:s7] =	ssyncadd.s32 $0xFFFFD800  }
0x104: {  	[tilespmem:s31], [sflag:$0x1] =	stream.indirect.gather [hbm4b:s1+s30], $0x80, s9, s30, $0xb8;
	v63 =	vld [tilespmem:$0x0]  }
0x105: {  	v1 =	vld [tilespmem:s14+$0xD0];
	_ =	sdelay $0x4  }
0x106: {  	[tilespmem:$0x4F00] =	vst v1  }
0x107: {  	v1 =	vld [tilespmem:s14+$0xE0];
	_ =	sdelay $0x4  }
0x108: {  	v2 =	vld [tilespmem:$0x4D80];
	[tilespmem:$0x4F10] =	vst v1  }
0x109: {  	v1 =	vld [tilespmem:s14+$0xF0];
	_ =	sdelay $0x3  }
0x10a: {  	[tilespmem:$0x4F30] =	vst v2  }
0x10b: {  	[tilespmem:$0x4F20] =	vst v1  }
0x10c: {  	v1 =	vld [tilespmem:s14+$0x110];
	_ =	sdelay $0x4  }
0x10d: {  	[tilespmem:$0x4F40] =	vst v1  }
0x10e: {  	_ =	swait.ge [sflag:s2], $0x2800  }
0x10f: {  	[sflag:s2] =	ssyncset.done $0x0  }
0x110: {  	[sflag:s2] =	ssyncadd.s32 $0xFFFFD800  }
0x111: {  	[spmem:s3] =	stream.indirect.scatter.add.f32 [tilespmem:s0], [sflag:$0x2], $0x80, s6, s30, $0xb8;
	v63 =	vld [tilespmem:$0x0]  }
0x112: {  	_ =	swait.ge [sflag:s7], $0x2800  }
0x113: {  	[sflag:s7] =	ssyncset.done $0x0  }
0x114: {  	s17 =	sadd.s32 $0xA0, s13;
	[sflag:s7] =	ssyncadd.s32 $0xFFFFD800  }
0x115: {  	[tilespmem:s0], [sflag:$0x1] =	stream.indirect.gather [hbm4b:s1+s30], $0x80, s17, s30, $0xb8;
	v63 =	vld [tilespmem:$0x0]  }
0x116: {  	v1 =	vld [tilespmem:s14+$0x120];
	_ =	sdelay $0x4  }
0x117: {  	[tilespmem:$0x4F00] =	vst v1  }
0x118: {  	v1 =	vld [tilespmem:s14+$0x130];
	_ =	sdelay $0x4  }
0x119: {  	[tilespmem:$0x4F10] =	vst v1  }
0x11a: {  	v1 =	vld [tilespmem:s14+$0x140];
	_ =	sdelay $0x4  }
0x11b: {  	[tilespmem:$0x4F20] =	vst v1  }
0x11c: {  	v1 =	vld [tilespmem:s14+$0x150];
	_ =	sdelay $0x4  }
0x11d: {  	[tilespmem:$0x4F30] =	vst v1  }
0x11e: {  	v1 =	vld [tilespmem:s14+$0x160];
	_ =	sdelay $0x4  }
0x11f: {  	[tilespmem:$0x4F40] =	vst v1  }
0x120: {  	_ =	swait.ge [sflag:s2], $0x2800  }
0x121: {  	[sflag:s2] =	ssyncset.done $0x0  }
0x122: {  	[sflag:s2] =	ssyncadd.s32 $0xFFFFD800  }
0x123: {  	[spmem:s3] =	stream.indirect.scatter.add.f32 [tilespmem:s29], [sflag:$0x2], $0x80, s6, s30, $0xb8;
	v63 =	vld [tilespmem:$0x0]  }
0x124: {  	_ =	swait.ge [sflag:s7], $0x2800  }
0x125: {  	[sflag:s7] =	ssyncset.done $0x0  }
0x126: {  	[sflag:s7] =	ssyncadd.s32 $0xFFFFD800  }
0x127: {  	[tilespmem:s29], [sflag:$0x1] =	stream.indirect.gather [hbm4b:s1+s30], $0x80, s8, s30, $0xb8;
	v63 =	vld [tilespmem:$0x0]  }
0x128: {  	v1 =	vld [tilespmem:$0x4DF0]  }
0x129: {  	v2 =	vld [tilespmem:$0x4E00]  }
0x12a: {  	v3 =	vld [tilespmem:$0x4E10]  }
0x12b: {  	v4 =	vld [tilespmem:$0x4E20]  }
0x12c: {  	v5 =	vld [tilespmem:$0x4E30]  }
0x12d: {  	[tilespmem:$0x4F00] =	vst v1  }
0x12e: {  	[tilespmem:$0x4F10] =	vst v2  }
0x12f: {  	[tilespmem:$0x4F20] =	vst v3  }
0x130: {  	[tilespmem:$0x4F30] =	vst v4  }
0x131: {  	[tilespmem:$0x4F40] =	vst v5  }
0x132: {  	_ =	swait.ge [sflag:s2], $0x2800  }
0x133: {  	[sflag:s2] =	ssyncset.done $0x0  }
0x134: {  	[sflag:s2] =	ssyncadd.s32 $0xFFFFD800  }
0x135: {  	[spmem:s3] =	stream.indirect.scatter.add.f32 [tilespmem:s31], [sflag:$0x2], $0x80, s6, s30, $0xb8;
	v63 =	vld [tilespmem:$0x0]  }
0x136: {  	_ =	swait.ge [sflag:s7], $0x2800  }
0x137: {  	[sflag:s7] =	ssyncset.done $0x0  }
0x138: {  	[sflag:s7] =	ssyncadd.s32 $0xFFFFD800  }
0x139: {  	[tilespmem:s31], [sflag:$0x1] =	stream.indirect.gather [hbm4b:s1+s30], $0x80, s8, s30, $0xb8;
	v63 =	vld [tilespmem:$0x0]  }
0x13a: {  	v1 =	vld [tilespmem:$0x4E40]  }
0x13b: {  	v2 =	vld [tilespmem:$0x4E50]  }
0x13c: {  	v3 =	vld [tilespmem:$0x4E60]  }
0x13d: {  	v61 =	vld [tilespmem:$0x4E70]  }
0x13e: {  	v62 =	vld [tilespmem:$0x4E80]  }
0x13f: {  	[tilespmem:$0x4F00] =	vst v1  }
0x140: {  	[tilespmem:$0x4F10] =	vst v2  }
0x141: {  	[tilespmem:$0x4F20] =	vst v3  }
0x142: {  	[tilespmem:$0x4F30] =	vst v61  }
0x143: {  	[tilespmem:$0x4F40] =	vst v62  }
0x144: {  	_ =	swait.ge [sflag:s2], $0x2800  }
0x145: {  	[sflag:s2] =	ssyncset.done $0x0  }
0x146: {  	[sflag:s2] =	ssyncadd.s32 $0xFFFFD800  }
0x147: {  	[spmem:s3] =	stream.indirect.scatter.add.f32 [tilespmem:s0], [sflag:$0x2], $0x80, s6, s30, $0xb8;
	v63 =	vld [tilespmem:$0x0]  }
0x148: {  	_ =	swait.ge [sflag:s7], $0x2800  }
0x149: {  	[sflag:s7] =	ssyncset.done $0x0  }
0x14a: {  	[sflag:s7] =	ssyncadd.s32 $0xFFFFD800  }
0x14b: {  	[tilespmem:s0], [sflag:$0x1] =	stream.indirect.gather [hbm4b:s1+s30], $0x80, s8, s30, $0xb8;
	v63 =	vld [tilespmem:$0x0]  }
0x14c: {  	_ =	swait.ge [sflag:s2], $0x2800  }
0x14d: {  	[sflag:s2] =	ssyncset.done $0x0  }
0x14e: {  	[sflag:s2] =	ssyncadd.s32 $0xFFFFD800  }
0x14f: {  	_ =	swait.ge [sflag:s2], $0x2800  }
0x150: {  	[sflag:s2] =	ssyncset.done $0x0  }
0x151: {  	[sflag:s2] =	ssyncadd.s32 $0xFFFFD800  }
0x152: {  	_ =	swait.ge [sflag:s2], $0x2800  }
0x153: {  	[sflag:s2] =	ssyncset.done $0x0  }
0x154: {  	[sflag:s2] =	ssyncadd.s32 $0xFFFFD800  }
0x155: {  	s10 =	simm.s32 @p0 $0x1FC3;
	s9 =	sshrl.u32 @p0 s12, $0x3;
	[bflag:$0x0] =	sbarrier.arrive $0xFFFF  }
0x156: {  	[hbm:s23], [sflag:s10] =	dma.local @p0 [spmem:s9], $0x2080  }
0x157: {  	s9 =	simm.s32 @p0 $0x3  }
0x158: {  	s4 =	sadd.s32 $0x1, s4;
	s10 =	stileid.u32;
	_ =	swait.ge @p0 [sflag:s9], $0x2080  }
0x159: {  	p1 =	sne.s32 s4, s24;
	s10 =	sshll.u32 @!p0 s10, $0x6;
	[sflag:s9] =	ssyncset.done @p0 $0x0  }
0x15a: {  	[sflag:s9] =	ssyncadd.s32 @p0 $0xFFFFDF80;
	s9 =	sor.u32 @!p0 $0x1C03, s10;
	s10 =	sshrl.u32 @!p0 s5, $0x3  }
0x15b: {  	[hbm:s22], [sflag:s9] =	dma.local @!p0 [spmem:s10], $0x2780  }
.Ltmp2:
0x15c: {  	_ = 	snop;
	(pc) =	sbr.rel @p1 .LBB2_1-.Ltmp2, $4  }
0x15d: {  	s9 =	simm.s32 @!p0 $0x3  }
0x15e: {  	_ =	swait.ge @!p0 [sflag:s9], $0x2780  }
0x15f: {  	[sflag:s9] =	ssyncset.done @!p0 $0x0  }
0x160: {  	[sflag:s9] =	ssyncadd.s32 @!p0 $0xFFFFD880  }
0x161: {  	_ =	sfence.sel $0x180000  }
0x162: {  	[bflag:$0x0] =	sbarrier.arrive $0xFFFF  }
0x163: {  	_ =	strace $0x90000047  }
0x164: {  	s0 =	stileid.u32;
	[bflag:$0x2] =	sbarrier.arrive $0xFFFF  }
0x165: {  	p0 =	sne.s32 s0, $0x0;
	s0 =	rddreg [dreg:$0x3]  }
0x166: {  	s0 =	sadd.s32 @!p0 $0x100000, s0  }
0x167: {  	[sflag:s0] =	ssyncadd.tile.s32 @!p0 $0x1;
	_ =	shalt  }
.Lfunc_end2:
_tile_overlayer_lowered:
.L_overlay_start_2:
0x168: {  	(tag) =	ssettag $0x2  }
0x169: {  	s0 =	rddreg [dreg:$0x0];
	s2 =	stileid.u32  }
0x16a: {  	s1 =	rddreg [dreg:$0x1];
	p0 =	sne.s32 s2, $0x0  }
0x16b: {  	s3 =	rddreg [dreg:$0x2];
	[bflag:$0x3] =	sbarrier.arrive $0xFFFF;
	s2 =	simm.s32 @!p0 $0x1C03  }
0x16c: {  	[timem:s3], [sflag:s2] =	dma.local @!p0 [hbm:s0], s1  }
0x16d: {  	s0 =	simm.s32 @!p0 $0x3  }
0x16e: {  	_ =	swait.ge @!p0 [sflag:s0], s1  }
0x16f: {  	s1 =	ssub.s32 @!p0 $0x0, s1;
	[sflag:s0] =	ssyncset.done @!p0 $0x0  }
0x170: {  	[sflag:s0] =	ssyncadd.s32 @!p0 s1  }
0x171: {  	[bflag:$0x3] =	sbarrier.arrive $0xFFFF  }
0x172: {  	_ =	shalt  }

</sc_bundles>
